<compile_context>
chip_gen: v7x
topology: tpu7x:2x2x1
jax: 0.10.2.dev20260603
libtpu: 0.0.44.dev20260713+nightly
codegen_flags: <defaults>
</compile_context>

<pallas_src>
import functools

import jax
import jax.numpy as jnp
from jax import lax
from jax.experimental import pallas as pl
from jax.experimental.pallas import tpu as pltpu
from jax.experimental.pallas import tpu_sc as plsc

_N = 10000
_NE = 10000
_K = 160000
_F = 128
_HID = 32
_D = 4

_NP = 10240
_RPT = _NP // 16
_KP = 163840
_C = 512
_NW = 32

_mesh = plsc.VectorSubcoreMesh(core_axis_name="c", subcore_axis_name="s")



_BR = 400
_GRID = _N // _BR


def _prep_body(x_ref, hea_ref, wlin_ref, blin_ref, w1bd_ref, bw1t_ref,
               wst_ref, wsb_ref, bsh_ref, h1s_ref, anp_ref, bep_ref):
    h0 = x_ref[...] @ wlin_ref[...] + blin_ref[...]
    he0 = hea_ref[...] @ wlin_ref[...] + blin_ref[...]
    xn = (h0[:, :32] + h0[:, 32:64] + h0[:, 64:96] + h0[:, 96:]) * 0.25
    en = (he0[:, :32] + he0[:, 32:64] + he0[:, 64:96] + he0[:, 96:]) * 0.25
    h1 = h0 @ w1bd_ref[...] + bw1t_ref[...]
    h1s_ref[0] = h1[:, :64]
    h1s_ref[1] = h1[:, 64:]
    anp_ref[...] = xn @ wst_ref[...]
    bep_ref[...] = en @ wsb_ref[...] + bsh_ref[...]


def _prep_call(x, hea, wlin, blin, w1bd, bw1t, wst, wsb, bsh):
    return pl.pallas_call(
        _prep_body,
        grid=(_GRID,),
        in_specs=[
            pl.BlockSpec((_BR, _F), lambda i: (i, 0)),
            pl.BlockSpec((_BR, _F), lambda i: (i, 0)),
            pl.BlockSpec((_F, _F), lambda i: (0, 0)),
            pl.BlockSpec((1, _F), lambda i: (0, 0)),
            pl.BlockSpec((_F, _F), lambda i: (0, 0)),
            pl.BlockSpec((1, _F), lambda i: (0, 0)),
            pl.BlockSpec((_HID, 16), lambda i: (0, 0)),
            pl.BlockSpec((_HID, 16), lambda i: (0, 0)),
            pl.BlockSpec((1, 16), lambda i: (0, 0)),
        ],
        out_specs=[
            pl.BlockSpec((2, _BR, 64), lambda i: (0, i, 0)),
            pl.BlockSpec((_BR, 16), lambda i: (i, 0)),
            pl.BlockSpec((_BR, 16), lambda i: (i, 0)),
        ],
        out_shape=[
            jax.ShapeDtypeStruct((2, _NP, 64), jnp.float32),
            jax.ShapeDtypeStruct((_NP, 16), jnp.float32),
            jax.ShapeDtypeStruct((_NP, 16), jnp.float32),
        ],
    )(x, hea, wlin, blin, w1bd, bw1t, wst, wsb, bsh)


def _mid_body(cs_ref, b1t_ref, w2bd_ref, bw2t_ref, out_ref):
    raw = jnp.concatenate([cs_ref[0], cs_ref[1]], axis=-1) + b1t_ref[...]
    hm = jnp.where(raw > 0, raw, jnp.exp(raw) - 1.0)
    h2 = hm @ w2bd_ref[...] + bw2t_ref[...]
    out_ref[0] = h2[:, :64]
    out_ref[1] = h2[:, 64:]


def _mid_call(cs, b1t, w2bd, bw2t):
    return pl.pallas_call(
        _mid_body,
        grid=(_GRID,),
        in_specs=[
            pl.BlockSpec((2, _BR, 64), lambda i: (0, i, 0)),
            pl.BlockSpec((1, _F), lambda i: (0, 0)),
            pl.BlockSpec((_F, _F), lambda i: (0, 0)),
            pl.BlockSpec((1, _F), lambda i: (0, 0)),
        ],
        out_specs=pl.BlockSpec((2, _BR, 64), lambda i: (0, i, 0)),
        out_shape=jax.ShapeDtypeStruct((2, _NP, 64), jnp.float32),
    )(cs, b1t, w2bd, bw2t)


def _final_body(cs_ref, b2t_ref, out_ref):
    raw = jnp.concatenate([cs_ref[0], cs_ref[1]], axis=-1) + b2t_ref[...]
    out_ref[...] = jnp.where(raw > 0, raw, jnp.exp(raw) - 1.0)


def _final_call(cs, b2t):
    return pl.pallas_call(
        _final_body,
        grid=(_GRID,),
        in_specs=[
            pl.BlockSpec((2, _BR, 64), lambda i: (0, i, 0)),
            pl.BlockSpec((1, _F), lambda i: (0, 0)),
        ],
        out_specs=pl.BlockSpec((_BR, _F), lambda i: (i, 0)),
        out_shape=jax.ShapeDtypeStruct((_N, _F), jnp.float32),
    )(cs, b2t)



@functools.partial(
    pl.kernel,
    out_type=[
        jax.ShapeDtypeStruct((_KP, 16), jnp.float32),
        jax.ShapeDtypeStruct((2, _NP, 16), jnp.float32),
        jax.ShapeDtypeStruct((2, _NP, 16), jnp.float32),
    ],
    mesh=_mesh,
    compiler_params=pltpu.CompilerParams(use_tc_tiling_on_sc=False, needs_layout_passes=False),
    scratch_types=[
        pltpu.VMEM((_C,), jnp.int32),
        pltpu.VMEM((_C,), jnp.int32),
        pltpu.VMEM((_C, 16), jnp.float32),
        pltpu.VMEM((_C, 16), jnp.float32),
        pltpu.VMEM((_C, 16), jnp.float32),
        pltpu.VMEM((_RPT, 16), jnp.float32),
        pltpu.VMEM_SHARED((_NP, 16), jnp.float32),
        pltpu.VMEM_SHARED((_NP, 16), jnp.float32),
        pltpu.SemaphoreType.DMA,
    ],
)
def _sheaf_sc(rowp, colp, anp, bep, alpha_out, dsum_out, bsum_out,
              row_v, col_v, anr_v, ber_v, alpha_v, stage_v,
              dsum_sh, bsum_sh, sem):
    cid = lax.axis_index("c")
    sid = lax.axis_index("s")
    wid = sid * 2 + cid
    kbase = wid * (_KP // _NW)
    rbase = sid * _RPT
    zv = jnp.zeros((16,), jnp.float32)

    def zrow(i, _):
        stage_v[i, :] = zv
        return 0

    lax.fori_loop(0, _RPT, zrow, 0)
    pltpu.sync_copy(stage_v, dsum_sh.at[pl.ds(rbase, _RPT)])
    pltpu.sync_copy(stage_v, bsum_sh.at[pl.ds(rbase, _RPT)])
    plsc.subcore_barrier()

    def chunk(ci, _):
        base = kbase + ci * _C
        pltpu.sync_copy(rowp.at[pl.ds(base, _C)], row_v)
        pltpu.sync_copy(colp.at[pl.ds(base, _C)], col_v)
        pltpu.async_copy(anp.at[row_v], anr_v, sem).wait()
        pltpu.async_copy(bep.at[col_v], ber_v, sem).wait()

        def srow(i, _):
            z = anr_v[i, :] + ber_v[i, :]
            alpha_v[i, :] = 1.0 / (1.0 + jnp.exp(-z))
            return 0

        lax.fori_loop(0, _C, srow, 0)
        pltpu.sync_copy(alpha_v, alpha_out.at[pl.ds(base, _C)])
        pltpu.sync_copy(alpha_v, dsum_sh.at[row_v], add=True)
        pltpu.sync_copy(alpha_v, bsum_sh.at[col_v], add=True)
        return 0

    lax.fori_loop(0, _KP // _NW // _C, chunk, 0)
    plsc.subcore_barrier()

    pltpu.sync_copy(dsum_sh.at[pl.ds(rbase, _RPT)], stage_v)
    pltpu.sync_copy(stage_v, dsum_out.at[cid, pl.ds(rbase, _RPT)])
    pltpu.sync_copy(bsum_sh.at[pl.ds(rbase, _RPT)], stage_v)
    pltpu.sync_copy(stage_v, bsum_out.at[cid, pl.ds(rbase, _RPT)])



_CC = 256
_DR = 128


@functools.partial(
    pl.kernel,
    out_type=jax.ShapeDtypeStruct((2, _NP, 64), jnp.float32),
    mesh=_mesh,
    compiler_params=pltpu.CompilerParams(use_tc_tiling_on_sc=False, needs_layout_passes=False),
    scratch_types=[
        pltpu.VMEM((_CC,), jnp.int32),
        pltpu.VMEM((_CC,), jnp.int32),
        pltpu.VMEM((_CC, 16), jnp.float32),
        pltpu.VMEM((_CC, 64), jnp.float32),
        pltpu.VMEM((_CC, 64), jnp.float32),
        pltpu.VMEM((_DR, 16), jnp.float32),
        pltpu.VMEM((_DR, 16), jnp.float32),
        pltpu.VMEM_SHARED((_NP, 64), jnp.float32),
        pltpu.VMEM_SHARED((_NP, 64), jnp.float32),
        pltpu.SemaphoreType.DMA,
    ],
)
def _conv_sc(rowp, colp, alpha, table, dsum_p, bsum_p, out,
             row_v, col_v, alp_v, g_v, g2_v, inv0_v, inv1_v,
             m_sh, o_sh, sem):
    cid = lax.axis_index("c")
    sid = lax.axis_index("s")
    rbase = sid * _RPT
    kbase = sid * (_KP // 16)
    c0 = cid * 2
    lane = lax.iota(jnp.int32, 16)
    zv = jnp.zeros((16,), jnp.float32)

    def zrow(i, _):
        g_v[i, pl.ds(0, 16)] = zv
        g_v[i, pl.ds(16, 16)] = zv
        g_v[i, pl.ds(32, 16)] = zv
        g_v[i, pl.ds(48, 16)] = zv
        return 0

    lax.fori_loop(0, _DR, zrow, 0)

    def zinit(q, _):
        roff = rbase + q * _DR
        pltpu.sync_copy(g_v.at[pl.ds(0, _DR)], m_sh.at[pl.ds(roff, _DR)])
        pltpu.sync_copy(g_v.at[pl.ds(0, _DR)], o_sh.at[pl.ds(roff, _DR)])
        return 0

    lax.fori_loop(0, _RPT // _DR, zinit, 0)
    plsc.subcore_barrier()

    def scale_rows():
        @plsc.parallel_loop(0, _CC, unroll=4)
        def srow(i):
            av = alp_v[i, :]
            cb0 = jnp.where(cid == 0, av[0], av[2])
            cb1 = jnp.where(cid == 0, av[1], av[3])
            g2_v[i, pl.ds(0, 16)] = g_v[i, pl.ds(0, 16)] * cb0
            g2_v[i, pl.ds(16, 16)] = g_v[i, pl.ds(16, 16)] * cb0
            g2_v[i, pl.ds(32, 16)] = g_v[i, pl.ds(32, 16)] * cb1
            g2_v[i, pl.ds(48, 16)] = g_v[i, pl.ds(48, 16)] * cb1

    def scale_dense(acc_sh, deg_p, dst=None):
        def dchunk(q, _):
            roff = rbase + q * _DR
            pltpu.sync_copy(acc_sh.at[pl.ds(roff, _DR)], g_v.at[pl.ds(0, _DR)])
            pltpu.sync_copy(deg_p.at[0, pl.ds(roff, _DR)], inv0_v)
            pltpu.sync_copy(deg_p.at[1, pl.ds(roff, _DR)], inv1_v)

            def inv(i, _):
                v = inv0_v[i, :] + inv1_v[i, :]
                inv0_v[i, :] = jnp.where(v > 0, 1.0 / v, 0.0)
                return 0

            lax.fori_loop(0, _DR, inv, 0)

            @plsc.parallel_loop(0, _DR, unroll=4)
            def drow(i):
                bv = inv0_v[i, :]
                b0 = jnp.where(cid == 0, bv[0], bv[2])
                b1 = jnp.where(cid == 0, bv[1], bv[3])
                g2_v[i, pl.ds(0, 16)] = g_v[i, pl.ds(0, 16)] * b0
                g2_v[i, pl.ds(16, 16)] = g_v[i, pl.ds(16, 16)] * b0
                g2_v[i, pl.ds(32, 16)] = g_v[i, pl.ds(32, 16)] * b1
                g2_v[i, pl.ds(48, 16)] = g_v[i, pl.ds(48, 16)] * b1

            if dst is None:
                pltpu.sync_copy(g2_v.at[pl.ds(0, _DR)], acc_sh.at[pl.ds(roff, _DR)])
            else:
                pltpu.sync_copy(g2_v.at[pl.ds(0, _DR)], dst.at[cid, pl.ds(roff, _DR)])
            return 0

        lax.fori_loop(0, _RPT // _DR, dchunk, 0)

    def mchunk(ci, _):
        base = kbase + ci * _CC
        pltpu.sync_copy(rowp.at[pl.ds(base, _CC)], row_v)
        pltpu.sync_copy(colp.at[pl.ds(base, _CC)], col_v)
        pltpu.sync_copy(alpha.at[pl.ds(base, _CC)], alp_v)
        pltpu.async_copy(table.at[cid].at[row_v], g_v, sem).wait()
        scale_rows()
        pltpu.sync_copy(g2_v, m_sh.at[col_v], add=True)
        return 0

    lax.fori_loop(0, _KP // 16 // _CC, mchunk, 0)
    plsc.subcore_barrier()

    scale_dense(m_sh, bsum_p)
    plsc.subcore_barrier()

    def ochunk(ci, _):
        base = kbase + ci * _CC
        pltpu.sync_copy(rowp.at[pl.ds(base, _CC)], row_v)
        pltpu.sync_copy(colp.at[pl.ds(base, _CC)], col_v)
        pltpu.sync_copy(alpha.at[pl.ds(base, _CC)], alp_v)
        pltpu.async_copy(m_sh.at[col_v], g_v, sem).wait()
        scale_rows()
        pltpu.sync_copy(g2_v, o_sh.at[row_v], add=True)
        return 0

    lax.fori_loop(0, _KP // 16 // _CC, ochunk, 0)
    plsc.subcore_barrier()

    scale_dense(o_sh, dsum_p, dst=out)



def kernel(x, edge_index, node_types, hyperedge_types, hyperedge_attr,
           W_lin, b_lin, W_sheaf, b_sheaf, W1, bW1, bias1, W2, bW2, bias2):
    del node_types, hyperedge_types
    row = edge_index[0].astype(jnp.int32)
    col = edge_index[1].astype(jnp.int32)
    rowp = jnp.concatenate([row, jnp.full((_KP - _K,), _N, jnp.int32)])
    colp = jnp.concatenate([col, jnp.full((_KP - _K,), _NE, jnp.int32)])

    eye4 = jnp.eye(_D, dtype=jnp.float32)
    w1bd = jnp.kron(eye4, W1)
    w2bd = jnp.kron(eye4, W2)
    bw1t = jnp.tile(bW1, _D)[None, :]
    bw2t = jnp.tile(bW2, _D)[None, :]
    b1t = jnp.tile(bias1, _D)[None, :]
    b2t = jnp.tile(bias2, _D)[None, :]
    wst = jnp.pad(W_sheaf[:_HID], ((0, 0), (0, 12)))
    wsb = jnp.pad(W_sheaf[_HID:], ((0, 0), (0, 12)))
    bsh = jnp.pad(b_sheaf, (0, 12))[None, :]
    blin = b_lin[None, :]

    h1s, anp, bep = _prep_call(x, hyperedge_attr, W_lin, blin, w1bd, bw1t,
                               wst, wsb, bsh)
    alpha, dsum_p, bsum_p = _sheaf_sc(rowp, colp, anp, bep)
    c1 = _conv_sc(rowp, colp, alpha, h1s, dsum_p, bsum_p)
    h2s = _mid_call(c1, b1t, w2bd, bw2t)
    c2 = _conv_sc(rowp, colp, alpha, h2s, dsum_p, bsum_p)
    return _final_call(c2, b2t)

# --- scband reference (transcript-rebuilt; emitter-appended) ---
"""Pipeline reference for scband-sheaf-hyper-gnn-31842887533297 (READ-ONLY COPY).

The authoritative reference and input builder live on the scoring server;
editing this copy changes nothing except your own understanding.
"""

import jax, jax.numpy as jnp
import numpy as np

N = 10000
K = 160000
NE = 10000
F = 128
HID = 32
D = 4

def setup_inputs(seed: int = 0):
    key = jax.random.key(seed)
    ks = jax.random.split(key, 16)
    x = jax.random.normal(ks[0], (N, F), dtype=jnp.float32)
    row = jax.random.randint(ks[1], (K,), 0, N)
    col = jax.random.randint(ks[2], (K,), 0, NE)
    col = col.at[-1].set(NE - 1)
    edge_index = jnp.stack([row, col])
    node_types = jax.random.randint(ks[3], (N,), 0, 3)
    hyperedge_types = jax.random.randint(ks[4], (NE,), 0, 6)
    hyperedge_attr = jax.random.normal(ks[5], (NE, F), dtype=jnp.float32)
    W_lin = jax.random.normal(ks[6], (F, HID * D), dtype=jnp.float32) / np.sqrt(F)
    b_lin = jnp.zeros((HID * D,), dtype=jnp.float32)
    W_sheaf = jax.random.normal(ks[7], (2 * HID, D), dtype=jnp.float32) / np.sqrt(2 * HID)
    b_sheaf = jnp.zeros((D,), dtype=jnp.float32)
    W1 = jax.random.normal(ks[8], (HID, HID), dtype=jnp.float32) / np.sqrt(HID)
    bW1 = jnp.zeros((HID,), dtype=jnp.float32)
    bias1 = jnp.zeros((HID,), dtype=jnp.float32)
    W2 = jax.random.normal(ks[9], (HID, HID), dtype=jnp.float32) / np.sqrt(HID)
    bW2 = jnp.zeros((HID,), dtype=jnp.float32)
    bias2 = jnp.zeros((HID,), dtype=jnp.float32)
    return {"x": x, "edge_index": edge_index, "node_types": node_types,
            "hyperedge_types": hyperedge_types, "hyperedge_attr": hyperedge_attr,
            "W_lin": W_lin, "b_lin": b_lin, "W_sheaf": W_sheaf, "b_sheaf": b_sheaf,
            "W1": W1, "bW1": bW1, "bias1": bias1,
            "W2": W2, "bW2": bW2, "bias2": bias2}

def _diag_sheaf_conv(h, row_e, col_e, alpha, W, bW, bias, Nd, Ed):
    # HyperDiffusionDiagSheafConv with degree_norm: D^-1 H^T alpha B^-1 H alpha x
    h = h @ W + bW
    Dsum = jax.ops.segment_sum(alpha, row_e, num_segments=Nd)
    Dinv = jnp.where(Dsum > 0, 1.0 / Dsum, 0.0)
    Bsum = jax.ops.segment_sum(alpha, col_e, num_segments=Ed)
    Binv = jnp.where(Bsum > 0, 1.0 / Bsum, 0.0)
    m = jax.ops.segment_sum((alpha * Binv[col_e])[:, None] * h[row_e], col_e, num_segments=Ed)
    out = jax.ops.segment_sum((alpha * Dinv[row_e])[:, None] * m[col_e], row_e, num_segments=Nd)
    return out + bias

def reference(x, edge_index, node_types, hyperedge_types, hyperedge_attr,
              W_lin, b_lin, W_sheaf, b_sheaf, W1, bW1, bias1, W2, bW2, bias2):
    num_nodes = x.shape[0]
    num_edges = hyperedge_attr.shape[0]
    row, col = edge_index[0], edge_index[1]
    # lin: MLP(num_layers=1) -> single linear to hidden*d, reshape to stalk view
    h = (x @ W_lin + b_lin).reshape(num_nodes * D, HID)
    he = (hyperedge_attr @ W_lin + b_lin).reshape(num_edges * D, HID)
    # SheafBuilderDiag (local_concat, var1): reduce stalks, concat node/hedge feats, predict d diagonal values
    xn = h.reshape(num_nodes, D, HID).mean(axis=1)
    en = he.reshape(num_edges, D, HID).mean(axis=1)
    cat = jnp.concatenate([xn[row], en[col]], axis=-1)
    h_sheaf = jax.nn.sigmoid(cat @ W_sheaf + b_sheaf)  # [K, D]
    dr = jnp.arange(D)
    row_e = (row[:, None] * D + dr[None, :]).reshape(-1)
    col_e = (col[:, None] * D + dr[None, :]).reshape(-1)
    alpha = h_sheaf.reshape(-1)
    Nd = num_nodes * D
    Ed = num_edges * D
    # conv 1 + elu (dropout is identity in eval)
    h = jax.nn.elu(_diag_sheaf_conv(h, row_e, col_e, alpha, W1, bW1, bias1, Nd, Ed))
    # final conv (sheaf reused: dynamic_sheaf=False)
    h = _diag_sheaf_conv(h, row_e, col_e, alpha, W2, bW2, bias2, Nd, Ed)
    out = jax.nn.elu(h.reshape(num_nodes, HID * D))
    return out

if __name__ == "__main__":
    import jax
    _d = setup_inputs()
    print(jax.jit(kernel)(*tuple(_d.values())))

</pallas_src>

<mosaic_0001>
#map = affine_map<(d0, d1) -> (0)>
#map1 = affine_map<(d0, d1) -> (0, 0)>
#map2 = affine_map<(d0, d1) -> (0, 0, 0)>
module attributes {stable_mosaic.version = 14 : i64} {
  func.func @_sheaf_sc(%arg0: i32, %arg1: i32, %arg2: memref<163840xi32, #tpu.memory_space<hbm>>, %arg3: memref<163840xi32, #tpu.memory_space<hbm>>, %arg4: memref<10240x16xf32, #tpu.memory_space<hbm>>, %arg5: memref<10240x16xf32, #tpu.memory_space<hbm>>, %arg6: memref<163840x16xf32, #tpu.memory_space<hbm>>, %arg7: memref<2x10240x16xf32, #tpu.memory_space<hbm>>, %arg8: memref<2x10240x16xf32, #tpu.memory_space<hbm>>, %arg9: memref<512xi32, #tpu.memory_space<vmem>>, %arg10: memref<512xi32, #tpu.memory_space<vmem>>, %arg11: memref<512x16xf32, #tpu.memory_space<vmem>>, %arg12: memref<512x16xf32, #tpu.memory_space<vmem>>, %arg13: memref<512x16xf32, #tpu.memory_space<vmem>>, %arg14: memref<640x16xf32, #tpu.memory_space<vmem>>, %arg15: memref<10240x16xf32, #tpu.memory_space<vmem_shared>>, %arg16: memref<10240x16xf32, #tpu.memory_space<vmem_shared>>, %arg17: memref<!tpu.dma_semaphore, #tpu.memory_space<semaphore_mem>>) attributes {dimension_semantics = [#tpu.dimension_semantics<core_parallel>, #tpu.dimension_semantics<subcore_parallel>], iteration_bounds = array<i64: 2, 16>, scalar_prefetch = 0 : i64, scratch_operands = 9 : i64, tpu.core_type = #tpu.core_type<sc_vector_subcore>, window_params = [{transform_indices = #map}, {transform_indices = #map}, {transform_indices = #map1}, {transform_indices = #map1}, {transform_indices = #map1}, {transform_indices = #map2}, {transform_indices = #map2}]} {
    %mul3A = arith.constant 2 : i32
    %mul3A_0 = arith.muli %arg1, %mul3A : i32
    %add3A = arith.addi %mul3A_0, %arg0 : i32
    %mul3A_1 = arith.constant 5120 : i32
    %mul3A_2 = arith.muli %add3A, %mul3A_1 : i32
    %mul3A_3 = arith.constant 640 : i32
    %mul3A_4 = arith.muli %arg1, %mul3A_3 : i32
    %broadcast_in_dim3A = arith.constant 0.000000e+00 : f32
    %broadcast_in_dim3A_5 = vector.broadcast %broadcast_in_dim3A : f32 to vector<16xf32>
    %scan3A = arith.constant 0 : i32
    %scan3A_6 = arith.constant 0 : i32
    %scan3A_7 = arith.constant 640 : i32
    %scan3A_8 = arith.addi %scan3A_6, %scan3A_7 : i32
    %scan3A_9 = arith.constant 1 : i32
    %scan3A_10 = scf.for %scan3A_20 = %scan3A_6 to %scan3A_8 step %scan3A_9 iter_args(%scan3A_21 = %scan3A) -> (i32)  : i32 {
      %swap3A = arith.index_cast %scan3A_20 : i32 to index
      %swap3A_22 = arith.constant 0 : index
      %swap3A_23 = tpu.vector_load %arg14[%swap3A, %swap3A_22] {strides = array<i32>} : memref<640x16xf32, #tpu.memory_space<vmem>>, vector<16xf32>,
      tpu.vector_store %arg14[%swap3A, %swap3A_22], %broadcast_in_dim3A_5 {strides = array<i32>} : memref<640x16xf32, #tpu.memory_space<vmem>>, vector<16xf32>,
      %scan3A_24 = arith.constant 0 : i32
      scf.yield %scan3A_24 : i32
    }
    %scan3A_11 = arith.constant 640 : i32
    "tpu.region"() ({
      %run_scoped3A = tpu.sem_alloc : memref<!tpu.dma_semaphore, #tpu.memory_space<semaphore_mem>>
      %dma_start3A = arith.constant 0 : i32
      %dma_start3A_20 = tpu.memref_slice %arg15[%mul3A_4, %dma_start3A] : memref<10240x16xf32, #tpu.memory_space<vmem_shared>> -> memref<640x16xf32, #tpu.memory_space<vmem_shared>>
      %dma_start3A_21 = arith.constant 0 : i32
      %dma_start3A_22 = tpu.memref_slice %arg15[%mul3A_4, %dma_start3A_21] : memref<10240x16xf32, #tpu.memory_space<vmem_shared>> -> memref<640x16xf32, #tpu.memory_space<vmem_shared>>
      tpu.enqueue_dma source(%arg14 : memref<640x16xf32, #tpu.memory_space<vmem>>) target(%dma_start3A_22 : memref<640x16xf32, #tpu.memory_space<vmem_shared>>) target_semaphore(%run_scoped3A : memref<!tpu.dma_semaphore, #tpu.memory_space<semaphore_mem>>)
      %dma_wait3A = arith.constant 0 : i32
      %dma_wait3A_23 = tpu.memref_slice %arg15[%mul3A_4, %dma_wait3A] : memref<10240x16xf32, #tpu.memory_space<vmem_shared>> -> memref<640x16xf32, #tpu.memory_space<vmem_shared>>
      %dma_wait3A_24 = arith.constant 0 : i32
      %dma_wait3A_25 = tpu.memref_slice %arg15[%mul3A_4, %dma_wait3A_24] : memref<10240x16xf32, #tpu.memory_space<vmem_shared>> -> memref<640x16xf32, #tpu.memory_space<vmem_shared>>
      tpu.wait_dma2 semaphore(%run_scoped3A : memref<!tpu.dma_semaphore, #tpu.memory_space<semaphore_mem>>) src(%arg14 : memref<640x16xf32, #tpu.memory_space<vmem>>) dst(%dma_wait3A_25 : memref<640x16xf32, #tpu.memory_space<vmem_shared>>)
      tpu.yield
    }) : () -> ()
    "tpu.region"() ({
      %run_scoped3A = tpu.sem_alloc : memref<!tpu.dma_semaphore, #tpu.memory_space<semaphore_mem>>
      %dma_start3A = arith.constant 0 : i32
      %dma_start3A_20 = tpu.memref_slice %arg16[%mul3A_4, %dma_start3A] : memref<10240x16xf32, #tpu.memory_space<vmem_shared>> -> memref<640x16xf32, #tpu.memory_space<vmem_shared>>
      %dma_start3A_21 = arith.constant 0 : i32
      %dma_start3A_22 = tpu.memref_slice %arg16[%mul3A_4, %dma_start3A_21] : memref<10240x16xf32, #tpu.memory_space<vmem_shared>> -> memref<640x16xf32, #tpu.memory_space<vmem_shared>>
      tpu.enqueue_dma source(%arg14 : memref<640x16xf32, #tpu.memory_space<vmem>>) target(%dma_start3A_22 : memref<640x16xf32, #tpu.memory_space<vmem_shared>>) target_semaphore(%run_scoped3A : memref<!tpu.dma_semaphore, #tpu.memory_space<semaphore_mem>>)
      %dma_wait3A = arith.constant 0 : i32
      %dma_wait3A_23 = tpu.memref_slice %arg16[%mul3A_4, %dma_wait3A] : memref<10240x16xf32, #tpu.memory_space<vmem_shared>> -> memref<640x16xf32, #tpu.memory_space<vmem_shared>>
      %dma_wait3A_24 = arith.constant 0 : i32
      %dma_wait3A_25 = tpu.memref_slice %arg16[%mul3A_4, %dma_wait3A_24] : memref<10240x16xf32, #tpu.memory_space<vmem_shared>> -> memref<640x16xf32, #tpu.memory_space<vmem_shared>>
      tpu.wait_dma2 semaphore(%run_scoped3A : memref<!tpu.dma_semaphore, #tpu.memory_space<semaphore_mem>>) src(%arg14 : memref<640x16xf32, #tpu.memory_space<vmem>>) dst(%dma_wait3A_25 : memref<640x16xf32, #tpu.memory_space<vmem_shared>>)
      tpu.yield
    }) : () -> ()
    %barrier3A = arith.constant 0 : index
    tpu.barrier barrier_id(%barrier3A)
    %scan3A_12 = arith.constant 0 : i32
    %scan3A_13 = arith.constant 0 : i32
    %scan3A_14 = arith.constant 10 : i32
    %scan3A_15 = arith.addi %scan3A_13, %scan3A_14 : i32
    %scan3A_16 = arith.constant 1 : i32
    %scan3A_17 = scf.for %scan3A_20 = %scan3A_13 to %scan3A_15 step %scan3A_16 iter_args(%scan3A_21 = %scan3A_12) -> (i32)  : i32 {
      %mul3A_22 = arith.constant 512 : i32
      %mul3A_23 = arith.muli %scan3A_20, %mul3A_22 : i32
      %add3A_24 = arith.addi %mul3A_2, %mul3A_23 : i32
      "tpu.region"() ({
        %run_scoped3A = tpu.sem_alloc : memref<!tpu.dma_semaphore, #tpu.memory_space<semaphore_mem>>
        %dma_start3A_43 = tpu.memref_slice %arg2[%add3A_24] : memref<163840xi32, #tpu.memory_space<hbm>> -> memref<512xi32, #tpu.memory_space<hbm>>
        %dma_start3A_44 = tpu.memref_slice %arg2[%add3A_24] : memref<163840xi32, #tpu.memory_space<hbm>> -> memref<512xi32, #tpu.memory_space<hbm>>
        tpu.enqueue_dma source(%dma_start3A_44 : memref<512xi32, #tpu.memory_space<hbm>>) target(%arg9 : memref<512xi32, #tpu.memory_space<vmem>>) target_semaphore(%run_scoped3A : memref<!tpu.dma_semaphore, #tpu.memory_space<semaphore_mem>>)
        %dma_wait3A_45 = tpu.memref_slice %arg2[%add3A_24] : memref<163840xi32, #tpu.memory_space<hbm>> -> memref<512xi32, #tpu.memory_space<hbm>>
        %dma_wait3A_46 = tpu.memref_slice %arg2[%add3A_24] : memref<163840xi32, #tpu.memory_space<hbm>> -> memref<512xi32, #tpu.memory_space<hbm>>
        tpu.wait_dma2 semaphore(%run_scoped3A : memref<!tpu.dma_semaphore, #tpu.memory_space<semaphore_mem>>) src(%dma_wait3A_46 : memref<512xi32, #tpu.memory_space<hbm>>) dst(%arg9 : memref<512xi32, #tpu.memory_space<vmem>>)
        tpu.yield
      }) : () -> ()
      "tpu.region"() ({
        %run_scoped3A = tpu.sem_alloc : memref<!tpu.dma_semaphore, #tpu.memory_space<semaphore_mem>>
        %dma_start3A_43 = tpu.memref_slice %arg3[%add3A_24] : memref<163840xi32, #tpu.memory_space<hbm>> -> memref<512xi32, #tpu.memory_space<hbm>>
        %dma_start3A_44 = tpu.memref_slice %arg3[%add3A_24] : memref<163840xi32, #tpu.memory_space<hbm>> -> memref<512xi32, #tpu.memory_space<hbm>>
        tpu.enqueue_dma source(%dma_start3A_44 : memref<512xi32, #tpu.memory_space<hbm>>) target(%arg10 : memref<512xi32, #tpu.memory_space<vmem>>) target_semaphore(%run_scoped3A : memref<!tpu.dma_semaphore, #tpu.memory_space<semaphore_mem>>)
        %dma_wait3A_45 = tpu.memref_slice %arg3[%add3A_24] : memref<163840xi32, #tpu.memory_space<hbm>> -> memref<512xi32, #tpu.memory_space<hbm>>
        %dma_wait3A_46 = tpu.memref_slice %arg3[%add3A_24] : memref<163840xi32, #tpu.memory_space<hbm>> -> memref<512xi32, #tpu.memory_space<hbm>>
        tpu.wait_dma2 semaphore(%run_scoped3A : memref<!tpu.dma_semaphore, #tpu.memory_space<semaphore_mem>>) src(%dma_wait3A_46 : memref<512xi32, #tpu.memory_space<hbm>>) dst(%arg10 : memref<512xi32, #tpu.memory_space<vmem>>)
        tpu.yield
      }) : () -> ()
      %dma_start3A = arith.constant 0 : i32
      %dma_start3A_25 = arith.constant 0 : i32
      %dma_start3A_26 = tpu.memref_slice %arg4[%dma_start3A, %dma_start3A_25] : memref<10240x16xf32, #tpu.memory_space<hbm>> -> memref<10240x16xf32, #tpu.memory_space<hbm>>
      tpu.enqueue_indirect_dma source(%dma_start3A_26 : memref<10240x16xf32, #tpu.memory_space<hbm>>) target(%arg11 : memref<512x16xf32, #tpu.memory_space<vmem>>) offsets(%arg9 : memref<512xi32, #tpu.memory_space<vmem>>) semaphore(%arg17 : memref<!tpu.dma_semaphore, #tpu.memory_space<semaphore_mem>>)
      %dma_wait3A = arith.constant 0 : i32
      %dma_wait3A_27 = arith.constant 0 : i32
      %dma_wait3A_28 = tpu.memref_slice %arg4[%dma_wait3A, %dma_wait3A_27] : memref<10240x16xf32, #tpu.memory_space<hbm>> -> memref<10240x16xf32, #tpu.memory_space<hbm>>
      tpu.wait_indirect_dma semaphore(%arg17 : memref<!tpu.dma_semaphore, #tpu.memory_space<semaphore_mem>>) src(%dma_wait3A_28 : memref<10240x16xf32, #tpu.memory_space<hbm>>) dst(%arg11 : memref<512x16xf32, #tpu.memory_space<vmem>>)
      %dma_start3A_29 = arith.constant 0 : i32
      %dma_start3A_30 = arith.constant 0 : i32
      %dma_start3A_31 = tpu.memref_slice %arg5[%dma_start3A_29, %dma_start3A_30] : memref<10240x16xf32, #tpu.memory_space<hbm>> -> memref<10240x16xf32, #tpu.memory_space<hbm>>
      tpu.enqueue_indirect_dma source(%dma_start3A_31 : memref<10240x16xf32, #tpu.memory_space<hbm>>) target(%arg12 : memref<512x16xf32, #tpu.memory_space<vmem>>) offsets(%arg10 : memref<512xi32, #tpu.memory_space<vmem>>) semaphore(%arg17 : memref<!tpu.dma_semaphore, #tpu.memory_space<semaphore_mem>>)
      %dma_wait3A_32 = arith.constant 0 : i32
      %dma_wait3A_33 = arith.constant 0 : i32
      %dma_wait3A_34 = tpu.memref_slice %arg5[%dma_wait3A_32, %dma_wait3A_33] : memref<10240x16xf32, #tpu.memory_space<hbm>> -> memref<10240x16xf32, #tpu.memory_space<hbm>>
      tpu.wait_indirect_dma semaphore(%arg17 : memref<!tpu.dma_semaphore, #tpu.memory_space<semaphore_mem>>) src(%dma_wait3A_34 : memref<10240x16xf32, #tpu.memory_space<hbm>>) dst(%arg12 : memref<512x16xf32, #tpu.memory_space<vmem>>)
      %scan3A_35 = arith.constant 0 : i32
      %scan3A_36 = arith.constant 0 : i32
      %scan3A_37 = arith.constant 512 : i32
      %scan3A_38 = arith.addi %scan3A_36, %scan3A_37 : i32
      %scan3A_39 = arith.constant 1 : i32
      %scan3A_40 = scf.for %scan3A_43 = %scan3A_36 to %scan3A_38 step %scan3A_39 iter_args(%scan3A_44 = %scan3A_35) -> (i32)  : i32 {
        %get3A = arith.index_cast %scan3A_43 : i32 to index
        %get3A_45 = arith.constant 0 : index
        %get3A_46 = tpu.vector_load %arg11[%get3A, %get3A_45] {strides = array<i32>} : memref<512x16xf32, #tpu.memory_space<vmem>>, vector<16xf32>,
        %get3A_47 = arith.index_cast %scan3A_43 : i32 to index
        %get3A_48 = arith.constant 0 : index
        %get3A_49 = tpu.vector_load %arg12[%get3A_47, %get3A_48] {strides = array<i32>} : memref<512x16xf32, #tpu.memory_space<vmem>>, vector<16xf32>,
        %add3A_50 = arith.addf %get3A_46, %get3A_49 : vector<16xf32>
        %neg3A = arith.constant 0.000000e+00 : f32
        %neg3A_51 = vector.broadcast %neg3A : f32 to vector<16xf32>
        %neg3A_52 = arith.subf %neg3A_51, %add3A_50 : vector<16xf32>
        %exp3A = math.exp %neg3A_52 : vector<16xf32>
        %add3A_53 = arith.constant 1.000000e+00 : f32
        %add3A_54 = vector.broadcast %add3A_53 : f32 to vector<16xf32>
        %add3A_55 = arith.addf %add3A_54, %exp3A : vector<16xf32>
        %div3A = arith.constant 1.000000e+00 : f32
        %div3A_56 = vector.broadcast %div3A : f32 to vector<16xf32>
        %div3A_57 = arith.divf %div3A_56, %add3A_55 : vector<16xf32>
        %swap3A = arith.index_cast %scan3A_43 : i32 to index
        %swap3A_58 = arith.constant 0 : index
        %swap3A_59 = tpu.vector_load %arg13[%swap3A, %swap3A_58] {strides = array<i32>} : memref<512x16xf32, #tpu.memory_space<vmem>>, vector<16xf32>,
        tpu.vector_store %arg13[%swap3A, %swap3A_58], %div3A_57 {strides = array<i32>} : memref<512x16xf32, #tpu.memory_space<vmem>>, vector<16xf32>,
        %scan3A_60 = arith.constant 0 : i32
        scf.yield %scan3A_60 : i32
      }
      %scan3A_41 = arith.constant 512 : i32
      "tpu.region"() ({
        %run_scoped3A = tpu.sem_alloc : memref<!tpu.dma_semaphore, #tpu.memory_space<semaphore_mem>>
        %dma_start3A_43 = arith.constant 0 : i32
        %dma_start3A_44 = tpu.memref_slice %arg6[%add3A_24, %dma_start3A_43] : memref<163840x16xf32, #tpu.memory_space<hbm>> -> memref<512x16xf32, #tpu.memory_space<hbm>>
        %dma_start3A_45 = arith.constant 0 : i32
        %dma_start3A_46 = tpu.memref_slice %arg6[%add3A_24, %dma_start3A_45] : memref<163840x16xf32, #tpu.memory_space<hbm>> -> memref<512x16xf32, #tpu.memory_space<hbm>>
        tpu.enqueue_dma source(%arg13 : memref<512x16xf32, #tpu.memory_space<vmem>>) target(%dma_start3A_46 : memref<512x16xf32, #tpu.memory_space<hbm>>) target_semaphore(%run_scoped3A : memref<!tpu.dma_semaphore, #tpu.memory_space<semaphore_mem>>)
        %dma_wait3A_47 = arith.constant 0 : i32
        %dma_wait3A_48 = tpu.memref_slice %arg6[%add3A_24, %dma_wait3A_47] : memref<163840x16xf32, #tpu.memory_space<hbm>> -> memref<512x16xf32, #tpu.memory_space<hbm>>
        %dma_wait3A_49 = arith.constant 0 : i32
        %dma_wait3A_50 = tpu.memref_slice %arg6[%add3A_24, %dma_wait3A_49] : memref<163840x16xf32, #tpu.memory_space<hbm>> -> memref<512x16xf32, #tpu.memory_space<hbm>>
        tpu.wait_dma2 semaphore(%run_scoped3A : memref<!tpu.dma_semaphore, #tpu.memory_space<semaphore_mem>>) src(%arg13 : memref<512x16xf32, #tpu.memory_space<vmem>>) dst(%dma_wait3A_50 : memref<512x16xf32, #tpu.memory_space<hbm>>)
        tpu.yield
      }) : () -> ()
      "tpu.region"() ({
        %run_scoped3A = tpu.sem_alloc : memref<!tpu.dma_semaphore, #tpu.memory_space<semaphore_mem>>
        %dma_start3A_43 = arith.constant 0 : i32
        %dma_start3A_44 = arith.constant 0 : i32
        %dma_start3A_45 = tpu.memref_slice %arg15[%dma_start3A_43, %dma_start3A_44] : memref<10240x16xf32, #tpu.memory_space<vmem_shared>> -> memref<10240x16xf32, #tpu.memory_space<vmem_shared>>
        tpu.enqueue_indirect_dma source(%arg13 : memref<512x16xf32, #tpu.memory_space<vmem>>) target(%dma_start3A_45 : memref<10240x16xf32, #tpu.memory_space<vmem_shared>>) offsets(%arg9 : memref<512xi32, #tpu.memory_space<vmem>>) semaphore(%run_scoped3A : memref<!tpu.dma_semaphore, #tpu.memory_space<semaphore_mem>>) {add = true}
        %dma_wait3A_46 = arith.constant 0 : i32
        %dma_wait3A_47 = arith.constant 0 : i32
        %dma_wait3A_48 = tpu.memref_slice %arg15[%dma_wait3A_46, %dma_wait3A_47] : memref<10240x16xf32, #tpu.memory_space<vmem_shared>> -> memref<10240x16xf32, #tpu.memory_space<vmem_shared>>
        tpu.wait_indirect_dma semaphore(%run_scoped3A : memref<!tpu.dma_semaphore, #tpu.memory_space<semaphore_mem>>) src(%arg13 : memref<512x16xf32, #tpu.memory_space<vmem>>) dst(%dma_wait3A_48 : memref<10240x16xf32, #tpu.memory_space<vmem_shared>>)
        tpu.yield
      }) : () -> ()
      "tpu.region"() ({
        %run_scoped3A = tpu.sem_alloc : memref<!tpu.dma_semaphore, #tpu.memory_space<semaphore_mem>>
        %dma_start3A_43 = arith.constant 0 : i32
        %dma_start3A_44 = arith.constant 0 : i32
        %dma_start3A_45 = tpu.memref_slice %arg16[%dma_start3A_43, %dma_start3A_44] : memref<10240x16xf32, #tpu.memory_space<vmem_shared>> -> memref<10240x16xf32, #tpu.memory_space<vmem_shared>>
        tpu.enqueue_indirect_dma source(%arg13 : memref<512x16xf32, #tpu.memory_space<vmem>>) target(%dma_start3A_45 : memref<10240x16xf32, #tpu.memory_space<vmem_shared>>) offsets(%arg10 : memref<512xi32, #tpu.memory_space<vmem>>) semaphore(%run_scoped3A : memref<!tpu.dma_semaphore, #tpu.memory_space<semaphore_mem>>) {add = true}
        %dma_wait3A_46 = arith.constant 0 : i32
        %dma_wait3A_47 = arith.constant 0 : i32
        %dma_wait3A_48 = tpu.memref_slice %arg16[%dma_wait3A_46, %dma_wait3A_47] : memref<10240x16xf32, #tpu.memory_space<vmem_shared>> -> memref<10240x16xf32, #tpu.memory_space<vmem_shared>>
        tpu.wait_indirect_dma semaphore(%run_scoped3A : memref<!tpu.dma_semaphore, #tpu.memory_space<semaphore_mem>>) src(%arg13 : memref<512x16xf32, #tpu.memory_space<vmem>>) dst(%dma_wait3A_48 : memref<10240x16xf32, #tpu.memory_space<vmem_shared>>)
        tpu.yield
      }) : () -> ()
      %scan3A_42 = arith.constant 0 : i32
      scf.yield %scan3A_42 : i32
    }
    %scan3A_18 = arith.constant 10 : i32
    %barrier3A_19 = arith.constant 0 : index
    tpu.barrier barrier_id(%barrier3A_19)
    "tpu.region"() ({
      %run_scoped3A = tpu.sem_alloc : memref<!tpu.dma_semaphore, #tpu.memory_space<semaphore_mem>>
      %dma_start3A = arith.constant 0 : i32
      %dma_start3A_20 = tpu.memref_slice %arg15[%mul3A_4, %dma_start3A] : memref<10240x16xf32, #tpu.memory_space<vmem_shared>> -> memref<640x16xf32, #tpu.memory_space<vmem_shared>>
      %dma_start3A_21 = arith.constant 0 : i32
      %dma_start3A_22 = tpu.memref_slice %arg15[%mul3A_4, %dma_start3A_21] : memref<10240x16xf32, #tpu.memory_space<vmem_shared>> -> memref<640x16xf32, #tpu.memory_space<vmem_shared>>
      tpu.enqueue_dma source(%dma_start3A_22 : memref<640x16xf32, #tpu.memory_space<vmem_shared>>) target(%arg14 : memref<640x16xf32, #tpu.memory_space<vmem>>) target_semaphore(%run_scoped3A : memref<!tpu.dma_semaphore, #tpu.memory_space<semaphore_mem>>)
      %dma_wait3A = arith.constant 0 : i32
      %dma_wait3A_23 = tpu.memref_slice %arg15[%mul3A_4, %dma_wait3A] : memref<10240x16xf32, #tpu.memory_space<vmem_shared>> -> memref<640x16xf32, #tpu.memory_space<vmem_shared>>
      %dma_wait3A_24 = arith.constant 0 : i32
      %dma_wait3A_25 = tpu.memref_slice %arg15[%mul3A_4, %dma_wait3A_24] : memref<10240x16xf32, #tpu.memory_space<vmem_shared>> -> memref<640x16xf32, #tpu.memory_space<vmem_shared>>
      tpu.wait_dma2 semaphore(%run_scoped3A : memref<!tpu.dma_semaphore, #tpu.memory_space<semaphore_mem>>) src(%dma_wait3A_25 : memref<640x16xf32, #tpu.memory_space<vmem_shared>>) dst(%arg14 : memref<640x16xf32, #tpu.memory_space<vmem>>)
      tpu.yield
    }) : () -> ()
    "tpu.region"() ({
      %run_scoped3A = tpu.sem_alloc : memref<!tpu.dma_semaphore, #tpu.memory_space<semaphore_mem>>
      %dma_start3A = arith.constant 0 : i32
      %dma_start3A_20 = tpu.memref_slice %arg7[%arg0, %mul3A_4, %dma_start3A] : memref<2x10240x16xf32, #tpu.memory_space<hbm>> -> memref<1x640x16xf32, #tpu.memory_space<hbm>>
      %dma_start3A_21 = tpu.memref_squeeze %dma_start3A_20 : memref<1x640x16xf32, #tpu.memory_space<hbm>> -> memref<640x16xf32, #tpu.memory_space<hbm>>
      %dma_start3A_22 = arith.constant 0 : i32
      %dma_start3A_23 = tpu.memref_slice %arg7[%arg0, %mul3A_4, %dma_start3A_22] : memref<2x10240x16xf32, #tpu.memory_space<hbm>> -> memref<1x640x16xf32, #tpu.memory_space<hbm>>
      %dma_start3A_24 = tpu.memref_squeeze %dma_start3A_23 : memref<1x640x16xf32, #tpu.memory_space<hbm>> -> memref<640x16xf32, #tpu.memory_space<hbm>>
      tpu.enqueue_dma source(%arg14 : memref<640x16xf32, #tpu.memory_space<vmem>>) target(%dma_start3A_24 : memref<640x16xf32, #tpu.memory_space<hbm>>) target_semaphore(%run_scoped3A : memref<!tpu.dma_semaphore, #tpu.memory_space<semaphore_mem>>)
      %dma_wait3A = arith.constant 0 : i32
      %dma_wait3A_25 = tpu.memref_slice %arg7[%arg0, %mul3A_4, %dma_wait3A] : memref<2x10240x16xf32, #tpu.memory_space<hbm>> -> memref<1x640x16xf32, #tpu.memory_space<hbm>>
      %dma_wait3A_26 = tpu.memref_squeeze %dma_wait3A_25 : memref<1x640x16xf32, #tpu.memory_space<hbm>> -> memref<640x16xf32, #tpu.memory_space<hbm>>
      %dma_wait3A_27 = arith.constant 0 : i32
      %dma_wait3A_28 = tpu.memref_slice %arg7[%arg0, %mul3A_4, %dma_wait3A_27] : memref<2x10240x16xf32, #tpu.memory_space<hbm>> -> memref<1x640x16xf32, #tpu.memory_space<hbm>>
      %dma_wait3A_29 = tpu.memref_squeeze %dma_wait3A_28 : memref<1x640x16xf32, #tpu.memory_space<hbm>> -> memref<640x16xf32, #tpu.memory_space<hbm>>
      tpu.wait_dma2 semaphore(%run_scoped3A : memref<!tpu.dma_semaphore, #tpu.memory_space<semaphore_mem>>) src(%arg14 : memref<640x16xf32, #tpu.memory_space<vmem>>) dst(%dma_wait3A_29 : memref<640x16xf32, #tpu.memory_space<hbm>>)
      tpu.yield
    }) : () -> ()
    "tpu.region"() ({
      %run_scoped3A = tpu.sem_alloc : memref<!tpu.dma_semaphore, #tpu.memory_space<semaphore_mem>>
      %dma_start3A = arith.constant 0 : i32
      %dma_start3A_20 = tpu.memref_slice %arg16[%mul3A_4, %dma_start3A] : memref<10240x16xf32, #tpu.memory_space<vmem_shared>> -> memref<640x16xf32, #tpu.memory_space<vmem_shared>>
      %dma_start3A_21 = arith.constant 0 : i32
      %dma_start3A_22 = tpu.memref_slice %arg16[%mul3A_4, %dma_start3A_21] : memref<10240x16xf32, #tpu.memory_space<vmem_shared>> -> memref<640x16xf32, #tpu.memory_space<vmem_shared>>
      tpu.enqueue_dma source(%dma_start3A_22 : memref<640x16xf32, #tpu.memory_space<vmem_shared>>) target(%arg14 : memref<640x16xf32, #tpu.memory_space<vmem>>) target_semaphore(%run_scoped3A : memref<!tpu.dma_semaphore, #tpu.memory_space<semaphore_mem>>)
      %dma_wait3A = arith.constant 0 : i32
      %dma_wait3A_23 = tpu.memref_slice %arg16[%mul3A_4, %dma_wait3A] : memref<10240x16xf32, #tpu.memory_space<vmem_shared>> -> memref<640x16xf32, #tpu.memory_space<vmem_shared>>
      %dma_wait3A_24 = arith.constant 0 : i32
      %dma_wait3A_25 = tpu.memref_slice %arg16[%mul3A_4, %dma_wait3A_24] : memref<10240x16xf32, #tpu.memory_space<vmem_shared>> -> memref<640x16xf32, #tpu.memory_space<vmem_shared>>
      tpu.wait_dma2 semaphore(%run_scoped3A : memref<!tpu.dma_semaphore, #tpu.memory_space<semaphore_mem>>) src(%dma_wait3A_25 : memref<640x16xf32, #tpu.memory_space<vmem_shared>>) dst(%arg14 : memref<640x16xf32, #tpu.memory_space<vmem>>)
      tpu.yield
    }) : () -> ()
    "tpu.region"() ({
      %run_scoped3A = tpu.sem_alloc : memref<!tpu.dma_semaphore, #tpu.memory_space<semaphore_mem>>
      %dma_start3A = arith.constant 0 : i32
      %dma_start3A_20 = tpu.memref_slice %arg8[%arg0, %mul3A_4, %dma_start3A] : memref<2x10240x16xf32, #tpu.memory_space<hbm>> -> memref<1x640x16xf32, #tpu.memory_space<hbm>>
      %dma_start3A_21 = tpu.memref_squeeze %dma_start3A_20 : memref<1x640x16xf32, #tpu.memory_space<hbm>> -> memref<640x16xf32, #tpu.memory_space<hbm>>
      %dma_start3A_22 = arith.constant 0 : i32
      %dma_start3A_23 = tpu.memref_slice %arg8[%arg0, %mul3A_4, %dma_start3A_22] : memref<2x10240x16xf32, #tpu.memory_space<hbm>> -> memref<1x640x16xf32, #tpu.memory_space<hbm>>
      %dma_start3A_24 = tpu.memref_squeeze %dma_start3A_23 : memref<1x640x16xf32, #tpu.memory_space<hbm>> -> memref<640x16xf32, #tpu.memory_space<hbm>>
      tpu.enqueue_dma source(%arg14 : memref<640x16xf32, #tpu.memory_space<vmem>>) target(%dma_start3A_24 : memref<640x16xf32, #tpu.memory_space<hbm>>) target_semaphore(%run_scoped3A : memref<!tpu.dma_semaphore, #tpu.memory_space<semaphore_mem>>)
      %dma_wait3A = arith.constant 0 : i32
      %dma_wait3A_25 = tpu.memref_slice %arg8[%arg0, %mul3A_4, %dma_wait3A] : memref<2x10240x16xf32, #tpu.memory_space<hbm>> -> memref<1x640x16xf32, #tpu.memory_space<hbm>>
      %dma_wait3A_26 = tpu.memref_squeeze %dma_wait3A_25 : memref<1x640x16xf32, #tpu.memory_space<hbm>> -> memref<640x16xf32, #tpu.memory_space<hbm>>
      %dma_wait3A_27 = arith.constant 0 : i32
      %dma_wait3A_28 = tpu.memref_slice %arg8[%arg0, %mul3A_4, %dma_wait3A_27] : memref<2x10240x16xf32, #tpu.memory_space<hbm>> -> memref<1x640x16xf32, #tpu.memory_space<hbm>>
      %dma_wait3A_29 = tpu.memref_squeeze %dma_wait3A_28 : memref<1x640x16xf32, #tpu.memory_space<hbm>> -> memref<640x16xf32, #tpu.memory_space<hbm>>
      tpu.wait_dma2 semaphore(%run_scoped3A : memref<!tpu.dma_semaphore, #tpu.memory_space<semaphore_mem>>) src(%arg14 : memref<640x16xf32, #tpu.memory_space<vmem>>) dst(%dma_wait3A_29 : memref<640x16xf32, #tpu.memory_space<hbm>>)
      tpu.yield
    }) : () -> ()
    return
  }
}

#map = affine_map<(d0, d1) -> (0)>
#map1 = affine_map<(d0, d1) -> (0, 0)>
#map2 = affine_map<(d0, d1) -> (0, 0, 0)>
module attributes {stable_mosaic.version = 14 : i64} {
  func.func @_conv_sc(%arg0: i32, %arg1: i32, %arg2: memref<163840xi32, #tpu.memory_space<hbm>>, %arg3: memref<163840xi32, #tpu.memory_space<hbm>>, %arg4: memref<163840x16xf32, #tpu.memory_space<hbm>>, %arg5: memref<2x10240x64xf32, #tpu.memory_space<hbm>>, %arg6: memref<2x10240x16xf32, #tpu.memory_space<hbm>>, %arg7: memref<2x10240x16xf32, #tpu.memory_space<hbm>>, %arg8: memref<2x10240x64xf32, #tpu.memory_space<hbm>>, %arg9: memref<256xi32, #tpu.memory_space<vmem>>, %arg10: memref<256xi32, #tpu.memory_space<vmem>>, %arg11: memref<256x16xf32, #tpu.memory_space<vmem>>, %arg12: memref<256x64xf32, #tpu.memory_space<vmem>>, %arg13: memref<256x64xf32, #tpu.memory_space<vmem>>, %arg14: memref<128x16xf32, #tpu.memory_space<vmem>>, %arg15: memref<128x16xf32, #tpu.memory_space<vmem>>, %arg16: memref<10240x64xf32, #tpu.memory_space<vmem_shared>>, %arg17: memref<10240x64xf32, #tpu.memory_space<vmem_shared>>, %arg18: memref<!tpu.dma_semaphore, #tpu.memory_space<semaphore_mem>>) attributes {dimension_semantics = [#tpu.dimension_semantics<core_parallel>, #tpu.dimension_semantics<subcore_parallel>], iteration_bounds = array<i64: 2, 16>, scalar_prefetch = 0 : i64, scratch_operands = 10 : i64, tpu.core_type = #tpu.core_type<sc_vector_subcore>, window_params = [{transform_indices = #map}, {transform_indices = #map}, {transform_indices = #map1}, {transform_indices = #map2}, {transform_indices = #map2}, {transform_indices = #map2}, {transform_indices = #map2}]} {
    %mul3A = arith.constant 640 : i32
    %mul3A_0 = arith.muli %arg1, %mul3A : i32
    %mul3A_1 = arith.constant 10240 : i32
    %mul3A_2 = arith.muli %arg1, %mul3A_1 : i32
    %mul3A_3 = arith.constant 2 : i32
    %mul3A_4 = arith.muli %arg0, %mul3A_3 : i32
    %iota3A = tpu.iota {dimensions = array<i32: 0>} : vector<16xi32>
    %broadcast_in_dim3A = arith.constant 0.000000e+00 : f32
    %broadcast_in_dim3A_5 = vector.broadcast %broadcast_in_dim3A : f32 to vector<16xf32>
    %scan3A = arith.constant 0 : i32
    %scan3A_6 = arith.constant 0 : i32
    %scan3A_7 = arith.constant 128 : i32
    %scan3A_8 = arith.addi %scan3A_6, %scan3A_7 : i32
    %scan3A_9 = arith.constant 1 : i32
    %scan3A_10 = scf.for %scan3A_50 = %scan3A_6 to %scan3A_8 step %scan3A_9 iter_args(%scan3A_51 = %scan3A) -> (i32)  : i32 {
      %swap3A = arith.index_cast %scan3A_50 : i32 to index
      %swap3A_52 = arith.constant 0 : index
      %swap3A_53 = tpu.vector_load %arg12[%swap3A, %swap3A_52] {strides = array<i32>} : memref<256x64xf32, #tpu.memory_space<vmem>>, vector<16xf32>,
      tpu.vector_store %arg12[%swap3A, %swap3A_52], %broadcast_in_dim3A_5 {strides = array<i32>} : memref<256x64xf32, #tpu.memory_space<vmem>>, vector<16xf32>,
      %swap3A_54 = arith.index_cast %scan3A_50 : i32 to index
      %swap3A_55 = arith.constant 16 : index
      %swap3A_56 = tpu.vector_load %arg12[%swap3A_54, %swap3A_55] {strides = array<i32>} : memref<256x64xf32, #tpu.memory_space<vmem>>, vector<16xf32>,
      tpu.vector_store %arg12[%swap3A_54, %swap3A_55], %broadcast_in_dim3A_5 {strides = array<i32>} : memref<256x64xf32, #tpu.memory_space<vmem>>, vector<16xf32>,
      %swap3A_57 = arith.index_cast %scan3A_50 : i32 to index
      %swap3A_58 = arith.constant 32 : index
      %swap3A_59 = tpu.vector_load %arg12[%swap3A_57, %swap3A_58] {strides = array<i32>} : memref<256x64xf32, #tpu.memory_space<vmem>>, vector<16xf32>,
      tpu.vector_store %arg12[%swap3A_57, %swap3A_58], %broadcast_in_dim3A_5 {strides = array<i32>} : memref<256x64xf32, #tpu.memory_space<vmem>>, vector<16xf32>,
      %swap3A_60 = arith.index_cast %scan3A_50 : i32 to index
      %swap3A_61 = arith.constant 48 : index
      %swap3A_62 = tpu.vector_load %arg12[%swap3A_60, %swap3A_61] {strides = array<i32>} : memref<256x64xf32, #tpu.memory_space<vmem>>, vector<16xf32>,
      tpu.vector_store %arg12[%swap3A_60, %swap3A_61], %broadcast_in_dim3A_5 {strides = array<i32>} : memref<256x64xf32, #tpu.memory_space<vmem>>, vector<16xf32>,
      %scan3A_63 = arith.constant 0 : i32
      scf.yield %scan3A_63 : i32
    }
    %scan3A_11 = arith.constant 128 : i32
    %scan3A_12 = arith.constant 0 : i32
    %scan3A_13 = arith.constant 0 : i32
    %scan3A_14 = arith.constant 5 : i32
    %scan3A_15 = arith.addi %scan3A_13, %scan3A_14 : i32
    %scan3A_16 = arith.constant 1 : i32
    %scan3A_17 = scf.for %scan3A_50 = %scan3A_13 to %scan3A_15 step %scan3A_16 iter_args(%scan3A_51 = %scan3A_12) -> (i32)  : i32 {
      %mul3A_52 = arith.constant 128 : i32
      %mul3A_53 = arith.muli %scan3A_50, %mul3A_52 : i32
      %add3A = arith.addi %mul3A_0, %mul3A_53 : i32
      "tpu.region"() ({
        %run_scoped3A = tpu.sem_alloc : memref<!tpu.dma_semaphore, #tpu.memory_space<semaphore_mem>>
        %dma_start3A = arith.constant 0 : i32
        %dma_start3A_55 = arith.constant 0 : i32
        %dma_start3A_56 = tpu.memref_slice %arg12[%dma_start3A, %dma_start3A_55] : memref<256x64xf32, #tpu.memory_space<vmem>> -> memref<128x64xf32, #tpu.memory_space<vmem>>
        %dma_start3A_57 = arith.constant 0 : i32
        %dma_start3A_58 = tpu.memref_slice %arg16[%add3A, %dma_start3A_57] : memref<10240x64xf32, #tpu.memory_space<vmem_shared>> -> memref<128x64xf32, #tpu.memory_space<vmem_shared>>
        %dma_start3A_59 = arith.constant 0 : i32
        %dma_start3A_60 = tpu.memref_slice %arg16[%add3A, %dma_start3A_59] : memref<10240x64xf32, #tpu.memory_space<vmem_shared>> -> memref<128x64xf32, #tpu.memory_space<vmem_shared>>
        %dma_start3A_61 = arith.constant 0 : i32
        %dma_start3A_62 = arith.constant 0 : i32
        %dma_start3A_63 = tpu.memref_slice %arg12[%dma_start3A_61, %dma_start3A_62] : memref<256x64xf32, #tpu.memory_space<vmem>> -> memref<128x64xf32, #tpu.memory_space<vmem>>
        tpu.enqueue_dma source(%dma_start3A_63 : memref<128x64xf32, #tpu.memory_space<vmem>>) target(%dma_start3A_60 : memref<128x64xf32, #tpu.memory_space<vmem_shared>>) target_semaphore(%run_scoped3A : memref<!tpu.dma_semaphore, #tpu.memory_space<semaphore_mem>>)
        %dma_wait3A = arith.constant 0 : i32
        %dma_wait3A_64 = arith.constant 0 : i32
        %dma_wait3A_65 = tpu.memref_slice %arg12[%dma_wait3A, %dma_wait3A_64] : memref<256x64xf32, #tpu.memory_space<vmem>> -> memref<128x64xf32, #tpu.memory_space<vmem>>
        %dma_wait3A_66 = arith.constant 0 : i32
        %dma_wait3A_67 = tpu.memref_slice %arg16[%add3A, %dma_wait3A_66] : memref<10240x64xf32, #tpu.memory_space<vmem_shared>> -> memref<128x64xf32, #tpu.memory_space<vmem_shared>>
        %dma_wait3A_68 = arith.constant 0 : i32
        %dma_wait3A_69 = tpu.memref_slice %arg16[%add3A, %dma_wait3A_68] : memref<10240x64xf32, #tpu.memory_space<vmem_shared>> -> memref<128x64xf32, #tpu.memory_space<vmem_shared>>
        %dma_wait3A_70 = arith.constant 0 : i32
        %dma_wait3A_71 = arith.constant 0 : i32
        %dma_wait3A_72 = tpu.memref_slice %arg12[%dma_wait3A_70, %dma_wait3A_71] : memref<256x64xf32, #tpu.memory_space<vmem>> -> memref<128x64xf32, #tpu.memory_space<vmem>>
        tpu.wait_dma2 semaphore(%run_scoped3A : memref<!tpu.dma_semaphore, #tpu.memory_space<semaphore_mem>>) src(%dma_wait3A_72 : memref<128x64xf32, #tpu.memory_space<vmem>>) dst(%dma_wait3A_69 : memref<128x64xf32, #tpu.memory_space<vmem_shared>>)
        tpu.yield
      }) : () -> ()
      "tpu.region"() ({
        %run_scoped3A = tpu.sem_alloc : memref<!tpu.dma_semaphore, #tpu.memory_space<semaphore_mem>>
        %dma_start3A = arith.constant 0 : i32
        %dma_start3A_55 = arith.constant 0 : i32
        %dma_start3A_56 = tpu.memref_slice %arg12[%dma_start3A, %dma_start3A_55] : memref<256x64xf32, #tpu.memory_space<vmem>> -> memref<128x64xf32, #tpu.memory_space<vmem>>
        %dma_start3A_57 = arith.constant 0 : i32
        %dma_start3A_58 = tpu.memref_slice %arg17[%add3A, %dma_start3A_57] : memref<10240x64xf32, #tpu.memory_space<vmem_shared>> -> memref<128x64xf32, #tpu.memory_space<vmem_shared>>
        %dma_start3A_59 = arith.constant 0 : i32
        %dma_start3A_60 = tpu.memref_slice %arg17[%add3A, %dma_start3A_59] : memref<10240x64xf32, #tpu.memory_space<vmem_shared>> -> memref<128x64xf32, #tpu.memory_space<vmem_shared>>
        %dma_start3A_61 = arith.constant 0 : i32
        %dma_start3A_62 = arith.constant 0 : i32
        %dma_start3A_63 = tpu.memref_slice %arg12[%dma_start3A_61, %dma_start3A_62] : memref<256x64xf32, #tpu.memory_space<vmem>> -> memref<128x64xf32, #tpu.memory_space<vmem>>
        tpu.enqueue_dma source(%dma_start3A_63 : memref<128x64xf32, #tpu.memory_space<vmem>>) target(%dma_start3A_60 : memref<128x64xf32, #tpu.memory_space<vmem_shared>>) target_semaphore(%run_scoped3A : memref<!tpu.dma_semaphore, #tpu.memory_space<semaphore_mem>>)
        %dma_wait3A = arith.constant 0 : i32
        %dma_wait3A_64 = arith.constant 0 : i32
        %dma_wait3A_65 = tpu.memref_slice %arg12[%dma_wait3A, %dma_wait3A_64] : memref<256x64xf32, #tpu.memory_space<vmem>> -> memref<128x64xf32, #tpu.memory_space<vmem>>
        %dma_wait3A_66 = arith.constant 0 : i32
        %dma_wait3A_67 = tpu.memref_slice %arg17[%add3A, %dma_wait3A_66] : memref<10240x64xf32, #tpu.memory_space<vmem_shared>> -> memref<128x64xf32, #tpu.memory_space<vmem_shared>>
        %dma_wait3A_68 = arith.constant 0 : i32
        %dma_wait3A_69 = tpu.memref_slice %arg17[%add3A, %dma_wait3A_68] : memref<10240x64xf32, #tpu.memory_space<vmem_shared>> -> memref<128x64xf32, #tpu.memory_space<vmem_shared>>
        %dma_wait3A_70 = arith.constant 0 : i32
        %dma_wait3A_71 = arith.constant 0 : i32
        %dma_wait3A_72 = tpu.memref_slice %arg12[%dma_wait3A_70, %dma_wait3A_71] : memref<256x64xf32, #tpu.memory_space<vmem>> -> memref<128x64xf32, #tpu.memory_space<vmem>>
        tpu.wait_dma2 semaphore(%run_scoped3A : memref<!tpu.dma_semaphore, #tpu.memory_space<semaphore_mem>>) src(%dma_wait3A_72 : memref<128x64xf32, #tpu.memory_space<vmem>>) dst(%dma_wait3A_69 : memref<128x64xf32, #tpu.memory_space<vmem_shared>>)
        tpu.yield
      }) : () -> ()
      %scan3A_54 = arith.constant 0 : i32
      scf.yield %scan3A_54 : i32
    }
    %scan3A_18 = arith.constant 5 : i32
    %barrier3A = arith.constant 0 : index
    tpu.barrier barrier_id(%barrier3A)
    %scan3A_19 = arith.constant 0 : i32
    %scan3A_20 = arith.constant 0 : i32
    %scan3A_21 = arith.constant 40 : i32
    %scan3A_22 = arith.addi %scan3A_20, %scan3A_21 : i32
    %scan3A_23 = arith.constant 1 : i32
    %scan3A_24 = scf.for %scan3A_50 = %scan3A_20 to %scan3A_22 step %scan3A_23 iter_args(%scan3A_51 = %scan3A_19) -> (i32)  : i32 {
      %mul3A_52 = arith.constant 256 : i32
      %mul3A_53 = arith.muli %scan3A_50, %mul3A_52 : i32
      %add3A = arith.addi %mul3A_2, %mul3A_53 : i32
      "tpu.region"() ({
        %run_scoped3A = tpu.sem_alloc : memref<!tpu.dma_semaphore, #tpu.memory_space<semaphore_mem>>
        %dma_start3A_69 = tpu.memref_slice %arg2[%add3A] : memref<163840xi32, #tpu.memory_space<hbm>> -> memref<256xi32, #tpu.memory_space<hbm>>
        %dma_start3A_70 = tpu.memref_slice %arg2[%add3A] : memref<163840xi32, #tpu.memory_space<hbm>> -> memref<256xi32, #tpu.memory_space<hbm>>
        tpu.enqueue_dma source(%dma_start3A_70 : memref<256xi32, #tpu.memory_space<hbm>>) target(%arg9 : memref<256xi32, #tpu.memory_space<vmem>>) target_semaphore(%run_scoped3A : memref<!tpu.dma_semaphore, #tpu.memory_space<semaphore_mem>>)
        %dma_wait3A_71 = tpu.memref_slice %arg2[%add3A] : memref<163840xi32, #tpu.memory_space<hbm>> -> memref<256xi32, #tpu.memory_space<hbm>>
        %dma_wait3A_72 = tpu.memref_slice %arg2[%add3A] : memref<163840xi32, #tpu.memory_space<hbm>> -> memref<256xi32, #tpu.memory_space<hbm>>
        tpu.wait_dma2 semaphore(%run_scoped3A : memref<!tpu.dma_semaphore, #tpu.memory_space<semaphore_mem>>) src(%dma_wait3A_72 : memref<256xi32, #tpu.memory_space<hbm>>) dst(%arg9 : memref<256xi32, #tpu.memory_space<vmem>>)
        tpu.yield
      }) : () -> ()
      "tpu.region"() ({
        %run_scoped3A = tpu.sem_alloc : memref<!tpu.dma_semaphore, #tpu.memory_space<semaphore_mem>>
        %dma_start3A_69 = tpu.memref_slice %arg3[%add3A] : memref<163840xi32, #tpu.memory_space<hbm>> -> memref<256xi32, #tpu.memory_space<hbm>>
        %dma_start3A_70 = tpu.memref_slice %arg3[%add3A] : memref<163840xi32, #tpu.memory_space<hbm>> -> memref<256xi32, #tpu.memory_space<hbm>>
        tpu.enqueue_dma source(%dma_start3A_70 : memref<256xi32, #tpu.memory_space<hbm>>) target(%arg10 : memref<256xi32, #tpu.memory_space<vmem>>) target_semaphore(%run_scoped3A : memref<!tpu.dma_semaphore, #tpu.memory_space<semaphore_mem>>)
        %dma_wait3A_71 = tpu.memref_slice %arg3[%add3A] : memref<163840xi32, #tpu.memory_space<hbm>> -> memref<256xi32, #tpu.memory_space<hbm>>
        %dma_wait3A_72 = tpu.memref_slice %arg3[%add3A] : memref<163840xi32, #tpu.memory_space<hbm>> -> memref<256xi32, #tpu.memory_space<hbm>>
        tpu.wait_dma2 semaphore(%run_scoped3A : memref<!tpu.dma_semaphore, #tpu.memory_space<semaphore_mem>>) src(%dma_wait3A_72 : memref<256xi32, #tpu.memory_space<hbm>>) dst(%arg10 : memref<256xi32, #tpu.memory_space<vmem>>)
        tpu.yield
      }) : () -> ()
      "tpu.region"() ({
        %run_scoped3A = tpu.sem_alloc : memref<!tpu.dma_semaphore, #tpu.memory_space<semaphore_mem>>
        %dma_start3A_69 = arith.constant 0 : i32
        %dma_start3A_70 = tpu.memref_slice %arg4[%add3A, %dma_start3A_69] : memref<163840x16xf32, #tpu.memory_space<hbm>> -> memref<256x16xf32, #tpu.memory_space<hbm>>
        %dma_start3A_71 = arith.constant 0 : i32
        %dma_start3A_72 = tpu.memref_slice %arg4[%add3A, %dma_start3A_71] : memref<163840x16xf32, #tpu.memory_space<hbm>> -> memref<256x16xf32, #tpu.memory_space<hbm>>
        tpu.enqueue_dma source(%dma_start3A_72 : memref<256x16xf32, #tpu.memory_space<hbm>>) target(%arg11 : memref<256x16xf32, #tpu.memory_space<vmem>>) target_semaphore(%run_scoped3A : memref<!tpu.dma_semaphore, #tpu.memory_space<semaphore_mem>>)
        %dma_wait3A_73 = arith.constant 0 : i32
        %dma_wait3A_74 = tpu.memref_slice %arg4[%add3A, %dma_wait3A_73] : memref<163840x16xf32, #tpu.memory_space<hbm>> -> memref<256x16xf32, #tpu.memory_space<hbm>>
        %dma_wait3A_75 = arith.constant 0 : i32
        %dma_wait3A_76 = tpu.memref_slice %arg4[%add3A, %dma_wait3A_75] : memref<163840x16xf32, #tpu.memory_space<hbm>> -> memref<256x16xf32, #tpu.memory_space<hbm>>
        tpu.wait_dma2 semaphore(%run_scoped3A : memref<!tpu.dma_semaphore, #tpu.memory_space<semaphore_mem>>) src(%dma_wait3A_76 : memref<256x16xf32, #tpu.memory_space<hbm>>) dst(%arg11 : memref<256x16xf32, #tpu.memory_space<vmem>>)
        tpu.yield
      }) : () -> ()
      %dma_start3A = arith.constant 0 : i32
      %dma_start3A_54 = arith.constant 0 : i32
      %dma_start3A_55 = tpu.memref_slice %arg5[%arg0, %dma_start3A, %dma_start3A_54] : memref<2x10240x64xf32, #tpu.memory_space<hbm>> -> memref<1x10240x64xf32, #tpu.memory_space<hbm>>
      %dma_start3A_56 = tpu.memref_squeeze %dma_start3A_55 : memref<1x10240x64xf32, #tpu.memory_space<hbm>> -> memref<10240x64xf32, #tpu.memory_space<hbm>>
      %dma_start3A_57 = arith.constant 0 : i32
      %dma_start3A_58 = arith.constant 0 : i32
      %dma_start3A_59 = tpu.memref_slice %dma_start3A_56[%dma_start3A_57, %dma_start3A_58] : memref<10240x64xf32, #tpu.memory_space<hbm>> -> memref<10240x64xf32, #tpu.memory_space<hbm>>
      tpu.enqueue_indirect_dma source(%dma_start3A_59 : memref<10240x64xf32, #tpu.memory_space<hbm>>) target(%arg12 : memref<256x64xf32, #tpu.memory_space<vmem>>) offsets(%arg9 : memref<256xi32, #tpu.memory_space<vmem>>) semaphore(%arg18 : memref<!tpu.dma_semaphore, #tpu.memory_space<semaphore_mem>>)
      %dma_wait3A = arith.constant 0 : i32
      %dma_wait3A_60 = arith.constant 0 : i32
      %dma_wait3A_61 = tpu.memref_slice %arg5[%arg0, %dma_wait3A, %dma_wait3A_60] : memref<2x10240x64xf32, #tpu.memory_space<hbm>> -> memref<1x10240x64xf32, #tpu.memory_space<hbm>>
      %dma_wait3A_62 = tpu.memref_squeeze %dma_wait3A_61 : memref<1x10240x64xf32, #tpu.memory_space<hbm>> -> memref<10240x64xf32, #tpu.memory_space<hbm>>
      %dma_wait3A_63 = arith.constant 0 : i32
      %dma_wait3A_64 = arith.constant 0 : i32
      %dma_wait3A_65 = tpu.memref_slice %dma_wait3A_62[%dma_wait3A_63, %dma_wait3A_64] : memref<10240x64xf32, #tpu.memory_space<hbm>> -> memref<10240x64xf32, #tpu.memory_space<hbm>>
      tpu.wait_indirect_dma semaphore(%arg18 : memref<!tpu.dma_semaphore, #tpu.memory_space<semaphore_mem>>) src(%dma_wait3A_65 : memref<10240x64xf32, #tpu.memory_space<hbm>>) dst(%arg12 : memref<256x64xf32, #tpu.memory_space<vmem>>)
      %parallel_loop3A = arith.constant 0 : i32
      %parallel_loop3A_66 = arith.constant 256 : i32
      %parallel_loop3A_67 = arith.constant 1 : i32
      scf.for %parallel_loop3A_69 = %parallel_loop3A to %parallel_loop3A_66 step %parallel_loop3A_67  : i32 {
        %parallel_loop3A_70 = arith.index_cast %parallel_loop3A_69 : i32 to index
        %parallel_loop3A_71 = arith.constant 0 : index
        %parallel_loop3A_72 = tpu.vector_load %arg11[%parallel_loop3A_70, %parallel_loop3A_71] {strides = array<i32>} : memref<256x16xf32, #tpu.memory_space<vmem>>, vector<16xf32>,
        %parallel_loop3A_73 = arith.constant 0 : i32
        %parallel_loop3A_74 = arith.cmpi eq, %arg0, %parallel_loop3A_73 : i32
        %parallel_loop3A_75 = vector.extract_strided_slice %parallel_loop3A_72 {offsets = [0], sizes = [1], strides = [1]} : vector<16xf32> to vector<1xf32>
        %parallel_loop3A_76 = vector.extract %parallel_loop3A_75[0] : f32 from vector<1xf32>
        %parallel_loop3A_77 = vector.extract_strided_slice %parallel_loop3A_72 {offsets = [2], sizes = [1], strides = [1]} : vector<16xf32> to vector<1xf32>
        %parallel_loop3A_78 = vector.extract %parallel_loop3A_77[0] : f32 from vector<1xf32>
        %parallel_loop3A_79 = arith.select %parallel_loop3A_74, %parallel_loop3A_76, %parallel_loop3A_78 : f32
        %parallel_loop3A_80 = arith.constant 0 : i32
        %parallel_loop3A_81 = arith.cmpi eq, %arg0, %parallel_loop3A_80 : i32
        %parallel_loop3A_82 = vector.extract_strided_slice %parallel_loop3A_72 {offsets = [1], sizes = [1], strides = [1]} : vector<16xf32> to vector<1xf32>
        %parallel_loop3A_83 = vector.extract %parallel_loop3A_82[0] : f32 from vector<1xf32>
        %parallel_loop3A_84 = vector.extract_strided_slice %parallel_loop3A_72 {offsets = [3], sizes = [1], strides = [1]} : vector<16xf32> to vector<1xf32>
        %parallel_loop3A_85 = vector.extract %parallel_loop3A_84[0] : f32 from vector<1xf32>
        %parallel_loop3A_86 = arith.select %parallel_loop3A_81, %parallel_loop3A_83, %parallel_loop3A_85 : f32
        %parallel_loop3A_87 = arith.index_cast %parallel_loop3A_69 : i32 to index
        %parallel_loop3A_88 = arith.constant 0 : index
        %parallel_loop3A_89 = tpu.vector_load %arg12[%parallel_loop3A_87, %parallel_loop3A_88] {strides = array<i32>} : memref<256x64xf32, #tpu.memory_space<vmem>>, vector<16xf32>,
        %parallel_loop3A_90 = vector.broadcast %parallel_loop3A_79 : f32 to vector<16xf32>
        %parallel_loop3A_91 = arith.mulf %parallel_loop3A_89, %parallel_loop3A_90 : vector<16xf32>
        %parallel_loop3A_92 = arith.index_cast %parallel_loop3A_69 : i32 to index
        %parallel_loop3A_93 = arith.constant 0 : index
        %parallel_loop3A_94 = tpu.vector_load %arg13[%parallel_loop3A_92, %parallel_loop3A_93] {strides = array<i32>} : memref<256x64xf32, #tpu.memory_space<vmem>>, vector<16xf32>,
        tpu.vector_store %arg13[%parallel_loop3A_92, %parallel_loop3A_93], %parallel_loop3A_91 {strides = array<i32>} : memref<256x64xf32, #tpu.memory_space<vmem>>, vector<16xf32>,
        %parallel_loop3A_95 = arith.index_cast %parallel_loop3A_69 : i32 to index
        %parallel_loop3A_96 = arith.constant 16 : index
        %parallel_loop3A_97 = tpu.vector_load %arg12[%parallel_loop3A_95, %parallel_loop3A_96] {strides = array<i32>} : memref<256x64xf32, #tpu.memory_space<vmem>>, vector<16xf32>,
        %parallel_loop3A_98 = vector.broadcast %parallel_loop3A_79 : f32 to vector<16xf32>
        %parallel_loop3A_99 = arith.mulf %parallel_loop3A_97, %parallel_loop3A_98 : vector<16xf32>
        %parallel_loop3A_100 = arith.index_cast %parallel_loop3A_69 : i32 to index
        %parallel_loop3A_101 = arith.constant 16 : index
        %parallel_loop3A_102 = tpu.vector_load %arg13[%parallel_loop3A_100, %parallel_loop3A_101] {strides = array<i32>} : memref<256x64xf32, #tpu.memory_space<vmem>>, vector<16xf32>,
        tpu.vector_store %arg13[%parallel_loop3A_100, %parallel_loop3A_101], %parallel_loop3A_99 {strides = array<i32>} : memref<256x64xf32, #tpu.memory_space<vmem>>, vector<16xf32>,
        %parallel_loop3A_103 = arith.index_cast %parallel_loop3A_69 : i32 to index
        %parallel_loop3A_104 = arith.constant 32 : index
        %parallel_loop3A_105 = tpu.vector_load %arg12[%parallel_loop3A_103, %parallel_loop3A_104] {strides = array<i32>} : memref<256x64xf32, #tpu.memory_space<vmem>>, vector<16xf32>,
        %parallel_loop3A_106 = vector.broadcast %parallel_loop3A_86 : f32 to vector<16xf32>
        %parallel_loop3A_107 = arith.mulf %parallel_loop3A_105, %parallel_loop3A_106 : vector<16xf32>
        %parallel_loop3A_108 = arith.index_cast %parallel_loop3A_69 : i32 to index
        %parallel_loop3A_109 = arith.constant 32 : index
        %parallel_loop3A_110 = tpu.vector_load %arg13[%parallel_loop3A_108, %parallel_loop3A_109] {strides = array<i32>} : memref<256x64xf32, #tpu.memory_space<vmem>>, vector<16xf32>,
        tpu.vector_store %arg13[%parallel_loop3A_108, %parallel_loop3A_109], %parallel_loop3A_107 {strides = array<i32>} : memref<256x64xf32, #tpu.memory_space<vmem>>, vector<16xf32>,
        %parallel_loop3A_111 = arith.index_cast %parallel_loop3A_69 : i32 to index
        %parallel_loop3A_112 = arith.constant 48 : index
        %parallel_loop3A_113 = tpu.vector_load %arg12[%parallel_loop3A_111, %parallel_loop3A_112] {strides = array<i32>} : memref<256x64xf32, #tpu.memory_space<vmem>>, vector<16xf32>,
        %parallel_loop3A_114 = vector.broadcast %parallel_loop3A_86 : f32 to vector<16xf32>
        %parallel_loop3A_115 = arith.mulf %parallel_loop3A_113, %parallel_loop3A_114 : vector<16xf32>
        %parallel_loop3A_116 = arith.index_cast %parallel_loop3A_69 : i32 to index
        %parallel_loop3A_117 = arith.constant 48 : index
        %parallel_loop3A_118 = tpu.vector_load %arg13[%parallel_loop3A_116, %parallel_loop3A_117] {strides = array<i32>} : memref<256x64xf32, #tpu.memory_space<vmem>>, vector<16xf32>,
        tpu.vector_store %arg13[%parallel_loop3A_116, %parallel_loop3A_117], %parallel_loop3A_115 {strides = array<i32>} : memref<256x64xf32, #tpu.memory_space<vmem>>, vector<16xf32>,
      } {sc.loop_unroll_factor = 4 : i64, sc.parallel_access}
      "tpu.region"() ({
        %run_scoped3A = tpu.sem_alloc : memref<!tpu.dma_semaphore, #tpu.memory_space<semaphore_mem>>
        %dma_start3A_69 = arith.constant 0 : i32
        %dma_start3A_70 = arith.constant 0 : i32
        %dma_start3A_71 = tpu.memref_slice %arg16[%dma_start3A_69, %dma_start3A_70] : memref<10240x64xf32, #tpu.memory_space<vmem_shared>> -> memref<10240x64xf32, #tpu.memory_space<vmem_shared>>
        tpu.enqueue_indirect_dma source(%arg13 : memref<256x64xf32, #tpu.memory_space<vmem>>) target(%dma_start3A_71 : memref<10240x64xf32, #tpu.memory_space<vmem_shared>>) offsets(%arg10 : memref<256xi32, #tpu.memory_space<vmem>>) semaphore(%run_scoped3A : memref<!tpu.dma_semaphore, #tpu.memory_space<semaphore_mem>>) {add = true}
        %dma_wait3A_72 = arith.constant 0 : i32
        %dma_wait3A_73 = arith.constant 0 : i32
        %dma_wait3A_74 = tpu.memref_slice %arg16[%dma_wait3A_72, %dma_wait3A_73] : memref<10240x64xf32, #tpu.memory_space<vmem_shared>> -> memref<10240x64xf32, #tpu.memory_space<vmem_shared>>
        tpu.wait_indirect_dma semaphore(%run_scoped3A : memref<!tpu.dma_semaphore, #tpu.memory_space<semaphore_mem>>) src(%arg13 : memref<256x64xf32, #tpu.memory_space<vmem>>) dst(%dma_wait3A_74 : memref<10240x64xf32, #tpu.memory_space<vmem_shared>>)
        tpu.yield
      }) : () -> ()
      %scan3A_68 = arith.constant 0 : i32
      scf.yield %scan3A_68 : i32
    }
    %scan3A_25 = arith.constant 40 : i32
    %barrier3A_26 = arith.constant 0 : index
    tpu.barrier barrier_id(%barrier3A_26)
    %scan3A_27 = arith.constant 0 : i32
    %scan3A_28 = arith.constant 0 : i32
    %scan3A_29 = arith.constant 5 : i32
    %scan3A_30 = arith.addi %scan3A_28, %scan3A_29 : i32
    %scan3A_31 = arith.constant 1 : i32
    %scan3A_32 = scf.for %scan3A_50 = %scan3A_28 to %scan3A_30 step %scan3A_31 iter_args(%scan3A_51 = %scan3A_27) -> (i32)  : i32 {
      %mul3A_52 = arith.constant 128 : i32
      %mul3A_53 = arith.muli %scan3A_50, %mul3A_52 : i32
      %add3A = arith.addi %mul3A_0, %mul3A_53 : i32
      "tpu.region"() ({
        %run_scoped3A_65 = tpu.sem_alloc : memref<!tpu.dma_semaphore, #tpu.memory_space<semaphore_mem>>
        %dma_start3A = arith.constant 0 : i32
        %dma_start3A_66 = arith.constant 0 : i32
        %dma_start3A_67 = tpu.memref_slice %arg12[%dma_start3A, %dma_start3A_66] : memref<256x64xf32, #tpu.memory_space<vmem>> -> memref<128x64xf32, #tpu.memory_space<vmem>>
        %dma_start3A_68 = arith.constant 0 : i32
        %dma_start3A_69 = tpu.memref_slice %arg16[%add3A, %dma_start3A_68] : memref<10240x64xf32, #tpu.memory_space<vmem_shared>> -> memref<128x64xf32, #tpu.memory_space<vmem_shared>>
        %dma_start3A_70 = arith.constant 0 : i32
        %dma_start3A_71 = arith.constant 0 : i32
        %dma_start3A_72 = tpu.memref_slice %arg12[%dma_start3A_70, %dma_start3A_71] : memref<256x64xf32, #tpu.memory_space<vmem>> -> memref<128x64xf32, #tpu.memory_space<vmem>>
        %dma_start3A_73 = arith.constant 0 : i32
        %dma_start3A_74 = tpu.memref_slice %arg16[%add3A, %dma_start3A_73] : memref<10240x64xf32, #tpu.memory_space<vmem_shared>> -> memref<128x64xf32, #tpu.memory_space<vmem_shared>>
        tpu.enqueue_dma source(%dma_start3A_74 : memref<128x64xf32, #tpu.memory_space<vmem_shared>>) target(%dma_start3A_72 : memref<128x64xf32, #tpu.memory_space<vmem>>) target_semaphore(%run_scoped3A_65 : memref<!tpu.dma_semaphore, #tpu.memory_space<semaphore_mem>>)
        %dma_wait3A = arith.constant 0 : i32
        %dma_wait3A_75 = arith.constant 0 : i32
        %dma_wait3A_76 = tpu.memref_slice %arg12[%dma_wait3A, %dma_wait3A_75] : memref<256x64xf32, #tpu.memory_space<vmem>> -> memref<128x64xf32, #tpu.memory_space<vmem>>
        %dma_wait3A_77 = arith.constant 0 : i32
        %dma_wait3A_78 = tpu.memref_slice %arg16[%add3A, %dma_wait3A_77] : memref<10240x64xf32, #tpu.memory_space<vmem_shared>> -> memref<128x64xf32, #tpu.memory_space<vmem_shared>>
        %dma_wait3A_79 = arith.constant 0 : i32
        %dma_wait3A_80 = arith.constant 0 : i32
        %dma_wait3A_81 = tpu.memref_slice %arg12[%dma_wait3A_79, %dma_wait3A_80] : memref<256x64xf32, #tpu.memory_space<vmem>> -> memref<128x64xf32, #tpu.memory_space<vmem>>
        %dma_wait3A_82 = arith.constant 0 : i32
        %dma_wait3A_83 = tpu.memref_slice %arg16[%add3A, %dma_wait3A_82] : memref<10240x64xf32, #tpu.memory_space<vmem_shared>> -> memref<128x64xf32, #tpu.memory_space<vmem_shared>>
        tpu.wait_dma2 semaphore(%run_scoped3A_65 : memref<!tpu.dma_semaphore, #tpu.memory_space<semaphore_mem>>) src(%dma_wait3A_83 : memref<128x64xf32, #tpu.memory_space<vmem_shared>>) dst(%dma_wait3A_81 : memref<128x64xf32, #tpu.memory_space<vmem>>)
        tpu.yield
      }) : () -> ()
      %run_scoped3A = arith.constant 0 : i32
      "tpu.region"() ({
        %run_scoped3A_65 = tpu.sem_alloc : memref<!tpu.dma_semaphore, #tpu.memory_space<semaphore_mem>>
        %dma_start3A = arith.constant 0 : i32
        %dma_start3A_66 = tpu.memref_slice %arg7[%run_scoped3A, %add3A, %dma_start3A] : memref<2x10240x16xf32, #tpu.memory_space<hbm>> -> memref<1x128x16xf32, #tpu.memory_space<hbm>>
        %dma_start3A_67 = tpu.memref_squeeze %dma_start3A_66 : memref<1x128x16xf32, #tpu.memory_space<hbm>> -> memref<128x16xf32, #tpu.memory_space<hbm>>
        %dma_start3A_68 = arith.constant 0 : i32
        %dma_start3A_69 = tpu.memref_slice %arg7[%run_scoped3A, %add3A, %dma_start3A_68] : memref<2x10240x16xf32, #tpu.memory_space<hbm>> -> memref<1x128x16xf32, #tpu.memory_space<hbm>>
        %dma_start3A_70 = tpu.memref_squeeze %dma_start3A_69 : memref<1x128x16xf32, #tpu.memory_space<hbm>> -> memref<128x16xf32, #tpu.memory_space<hbm>>
        tpu.enqueue_dma source(%dma_start3A_70 : memref<128x16xf32, #tpu.memory_space<hbm>>) target(%arg14 : memref<128x16xf32, #tpu.memory_space<vmem>>) target_semaphore(%run_scoped3A_65 : memref<!tpu.dma_semaphore, #tpu.memory_space<semaphore_mem>>)
        %dma_wait3A = arith.constant 0 : i32
        %dma_wait3A_71 = tpu.memref_slice %arg7[%run_scoped3A, %add3A, %dma_wait3A] : memref<2x10240x16xf32, #tpu.memory_space<hbm>> -> memref<1x128x16xf32, #tpu.memory_space<hbm>>
        %dma_wait3A_72 = tpu.memref_squeeze %dma_wait3A_71 : memref<1x128x16xf32, #tpu.memory_space<hbm>> -> memref<128x16xf32, #tpu.memory_space<hbm>>
        %dma_wait3A_73 = arith.constant 0 : i32
        %dma_wait3A_74 = tpu.memref_slice %arg7[%run_scoped3A, %add3A, %dma_wait3A_73] : memref<2x10240x16xf32, #tpu.memory_space<hbm>> -> memref<1x128x16xf32, #tpu.memory_space<hbm>>
        %dma_wait3A_75 = tpu.memref_squeeze %dma_wait3A_74 : memref<1x128x16xf32, #tpu.memory_space<hbm>> -> memref<128x16xf32, #tpu.memory_space<hbm>>
        tpu.wait_dma2 semaphore(%run_scoped3A_65 : memref<!tpu.dma_semaphore, #tpu.memory_space<semaphore_mem>>) src(%dma_wait3A_75 : memref<128x16xf32, #tpu.memory_space<hbm>>) dst(%arg14 : memref<128x16xf32, #tpu.memory_space<vmem>>)
        tpu.yield
      }) : () -> ()
      %run_scoped3A_54 = arith.constant 1 : i32
      "tpu.region"() ({
        %run_scoped3A_65 = tpu.sem_alloc : memref<!tpu.dma_semaphore, #tpu.memory_space<semaphore_mem>>
        %dma_start3A = arith.constant 0 : i32
        %dma_start3A_66 = tpu.memref_slice %arg7[%run_scoped3A_54, %add3A, %dma_start3A] : memref<2x10240x16xf32, #tpu.memory_space<hbm>> -> memref<1x128x16xf32, #tpu.memory_space<hbm>>
        %dma_start3A_67 = tpu.memref_squeeze %dma_start3A_66 : memref<1x128x16xf32, #tpu.memory_space<hbm>> -> memref<128x16xf32, #tpu.memory_space<hbm>>
        %dma_start3A_68 = arith.constant 0 : i32
        %dma_start3A_69 = tpu.memref_slice %arg7[%run_scoped3A_54, %add3A, %dma_start3A_68] : memref<2x10240x16xf32, #tpu.memory_space<hbm>> -> memref<1x128x16xf32, #tpu.memory_space<hbm>>
        %dma_start3A_70 = tpu.memref_squeeze %dma_start3A_69 : memref<1x128x16xf32, #tpu.memory_space<hbm>> -> memref<128x16xf32, #tpu.memory_space<hbm>>
        tpu.enqueue_dma source(%dma_start3A_70 : memref<128x16xf32, #tpu.memory_space<hbm>>) target(%arg15 : memref<128x16xf32, #tpu.memory_space<vmem>>) target_semaphore(%run_scoped3A_65 : memref<!tpu.dma_semaphore, #tpu.memory_space<semaphore_mem>>)
        %dma_wait3A = arith.constant 0 : i32
        %dma_wait3A_71 = tpu.memref_slice %arg7[%run_scoped3A_54, %add3A, %dma_wait3A] : memref<2x10240x16xf32, #tpu.memory_space<hbm>> -> memref<1x128x16xf32, #tpu.memory_space<hbm>>
        %dma_wait3A_72 = tpu.memref_squeeze %dma_wait3A_71 : memref<1x128x16xf32, #tpu.memory_space<hbm>> -> memref<128x16xf32, #tpu.memory_space<hbm>>
        %dma_wait3A_73 = arith.constant 0 : i32
        %dma_wait3A_74 = tpu.memref_slice %arg7[%run_scoped3A_54, %add3A, %dma_wait3A_73] : memref<2x10240x16xf32, #tpu.memory_space<hbm>> -> memref<1x128x16xf32, #tpu.memory_space<hbm>>
        %dma_wait3A_75 = tpu.memref_squeeze %dma_wait3A_74 : memref<1x128x16xf32, #tpu.memory_space<hbm>> -> memref<128x16xf32, #tpu.memory_space<hbm>>
        tpu.wait_dma2 semaphore(%run_scoped3A_65 : memref<!tpu.dma_semaphore, #tpu.memory_space<semaphore_mem>>) src(%dma_wait3A_75 : memref<128x16xf32, #tpu.memory_space<hbm>>) dst(%arg15 : memref<128x16xf32, #tpu.memory_space<vmem>>)
        tpu.yield
      }) : () -> ()
      %scan3A_55 = arith.constant 0 : i32
      %scan3A_56 = arith.constant 0 : i32
      %scan3A_57 = arith.constant 128 : i32
      %scan3A_58 = arith.addi %scan3A_56, %scan3A_57 : i32
      %scan3A_59 = arith.constant 1 : i32
      %scan3A_60 = scf.for %scan3A_65 = %scan3A_56 to %scan3A_58 step %scan3A_59 iter_args(%scan3A_66 = %scan3A_55) -> (i32)  : i32 {
        %get3A = arith.index_cast %scan3A_65 : i32 to index
        %get3A_67 = arith.constant 0 : index
        %get3A_68 = tpu.vector_load %arg14[%get3A, %get3A_67] {strides = array<i32>} : memref<128x16xf32, #tpu.memory_space<vmem>>, vector<16xf32>,
        %get3A_69 = arith.index_cast %scan3A_65 : i32 to index
        %get3A_70 = arith.constant 0 : index
        %get3A_71 = tpu.vector_load %arg15[%get3A_69, %get3A_70] {strides = array<i32>} : memref<128x16xf32, #tpu.memory_space<vmem>>, vector<16xf32>,
        %add3A_72 = arith.addf %get3A_68, %get3A_71 : vector<16xf32>
        %gt3A = arith.constant 0.000000e+00 : f32
        %gt3A_73 = vector.broadcast %gt3A : f32 to vector<16xf32>
        %gt3A_74 = arith.cmpf ogt, %add3A_72, %gt3A_73 : vector<16xf32>
        %div3A = arith.constant 1.000000e+00 : f32
        %div3A_75 = vector.broadcast %div3A : f32 to vector<16xf32>
        %div3A_76 = arith.divf %div3A_75, %add3A_72 : vector<16xf32>
        %jit3A = arith.constant 0.000000e+00 : f32
        %broadcast_in_dim3A_77 = vector.broadcast %jit3A : f32 to vector<16xf32>
        %select_n3A = arith.select %gt3A_74, %div3A_76, %broadcast_in_dim3A_77 : vector<16xi1>, vector<16xf32>
        %swap3A = arith.index_cast %scan3A_65 : i32 to index
        %swap3A_78 = arith.constant 0 : index
        %swap3A_79 = tpu.vector_load %arg14[%swap3A, %swap3A_78] {strides = array<i32>} : memref<128x16xf32, #tpu.memory_space<vmem>>, vector<16xf32>,
        tpu.vector_store %arg14[%swap3A, %swap3A_78], %select_n3A {strides = array<i32>} : memref<128x16xf32, #tpu.memory_space<vmem>>, vector<16xf32>,
        %scan3A_80 = arith.constant 0 : i32
        scf.yield %scan3A_80 : i32
      }
      %scan3A_61 = arith.constant 128 : i32
      %parallel_loop3A = arith.constant 0 : i32
      %parallel_loop3A_62 = arith.constant 128 : i32
      %parallel_loop3A_63 = arith.constant 1 : i32
      scf.for %parallel_loop3A_65 = %parallel_loop3A to %parallel_loop3A_62 step %parallel_loop3A_63  : i32 {
        %parallel_loop3A_66 = arith.index_cast %parallel_loop3A_65 : i32 to index
        %parallel_loop3A_67 = arith.constant 0 : index
        %parallel_loop3A_68 = tpu.vector_load %arg14[%parallel_loop3A_66, %parallel_loop3A_67] {strides = array<i32>} : memref<128x16xf32, #tpu.memory_space<vmem>>, vector<16xf32>,
        %parallel_loop3A_69 = arith.constant 0 : i32
        %parallel_loop3A_70 = arith.cmpi eq, %arg0, %parallel_loop3A_69 : i32
        %parallel_loop3A_71 = vector.extract_strided_slice %parallel_loop3A_68 {offsets = [0], sizes = [1], strides = [1]} : vector<16xf32> to vector<1xf32>
        %parallel_loop3A_72 = vector.extract %parallel_loop3A_71[0] : f32 from vector<1xf32>
        %parallel_loop3A_73 = vector.extract_strided_slice %parallel_loop3A_68 {offsets = [2], sizes = [1], strides = [1]} : vector<16xf32> to vector<1xf32>
        %parallel_loop3A_74 = vector.extract %parallel_loop3A_73[0] : f32 from vector<1xf32>
        %parallel_loop3A_75 = arith.select %parallel_loop3A_70, %parallel_loop3A_72, %parallel_loop3A_74 : f32
        %parallel_loop3A_76 = arith.constant 0 : i32
        %parallel_loop3A_77 = arith.cmpi eq, %arg0, %parallel_loop3A_76 : i32
        %parallel_loop3A_78 = vector.extract_strided_slice %parallel_loop3A_68 {offsets = [1], sizes = [1], strides = [1]} : vector<16xf32> to vector<1xf32>
        %parallel_loop3A_79 = vector.extract %parallel_loop3A_78[0] : f32 from vector<1xf32>
        %parallel_loop3A_80 = vector.extract_strided_slice %parallel_loop3A_68 {offsets = [3], sizes = [1], strides = [1]} : vector<16xf32> to vector<1xf32>
        %parallel_loop3A_81 = vector.extract %parallel_loop3A_80[0] : f32 from vector<1xf32>
        %parallel_loop3A_82 = arith.select %parallel_loop3A_77, %parallel_loop3A_79, %parallel_loop3A_81 : f32
        %parallel_loop3A_83 = arith.index_cast %parallel_loop3A_65 : i32 to index
        %parallel_loop3A_84 = arith.constant 0 : index
        %parallel_loop3A_85 = tpu.vector_load %arg12[%parallel_loop3A_83, %parallel_loop3A_84] {strides = array<i32>} : memref<256x64xf32, #tpu.memory_space<vmem>>, vector<16xf32>,
        %parallel_loop3A_86 = vector.broadcast %parallel_loop3A_75 : f32 to vector<16xf32>
        %parallel_loop3A_87 = arith.mulf %parallel_loop3A_85, %parallel_loop3A_86 : vector<16xf32>
        %parallel_loop3A_88 = arith.index_cast %parallel_loop3A_65 : i32 to index
        %parallel_loop3A_89 = arith.constant 0 : index
        %parallel_loop3A_90 = tpu.vector_load %arg13[%parallel_loop3A_88, %parallel_loop3A_89] {strides = array<i32>} : memref<256x64xf32, #tpu.memory_space<vmem>>, vector<16xf32>,
        tpu.vector_store %arg13[%parallel_loop3A_88, %parallel_loop3A_89], %parallel_loop3A_87 {strides = array<i32>} : memref<256x64xf32, #tpu.memory_space<vmem>>, vector<16xf32>,
        %parallel_loop3A_91 = arith.index_cast %parallel_loop3A_65 : i32 to index
        %parallel_loop3A_92 = arith.constant 16 : index
        %parallel_loop3A_93 = tpu.vector_load %arg12[%parallel_loop3A_91, %parallel_loop3A_92] {strides = array<i32>} : memref<256x64xf32, #tpu.memory_space<vmem>>, vector<16xf32>,
        %parallel_loop3A_94 = vector.broadcast %parallel_loop3A_75 : f32 to vector<16xf32>
        %parallel_loop3A_95 = arith.mulf %parallel_loop3A_93, %parallel_loop3A_94 : vector<16xf32>
        %parallel_loop3A_96 = arith.index_cast %parallel_loop3A_65 : i32 to index
        %parallel_loop3A_97 = arith.constant 16 : index
        %parallel_loop3A_98 = tpu.vector_load %arg13[%parallel_loop3A_96, %parallel_loop3A_97] {strides = array<i32>} : memref<256x64xf32, #tpu.memory_space<vmem>>, vector<16xf32>,
        tpu.vector_store %arg13[%parallel_loop3A_96, %parallel_loop3A_97], %parallel_loop3A_95 {strides = array<i32>} : memref<256x64xf32, #tpu.memory_space<vmem>>, vector<16xf32>,
        %parallel_loop3A_99 = arith.index_cast %parallel_loop3A_65 : i32 to index
        %parallel_loop3A_100 = arith.constant 32 : index
        %parallel_loop3A_101 = tpu.vector_load %arg12[%parallel_loop3A_99, %parallel_loop3A_100] {strides = array<i32>} : memref<256x64xf32, #tpu.memory_space<vmem>>, vector<16xf32>,
        %parallel_loop3A_102 = vector.broadcast %parallel_loop3A_82 : f32 to vector<16xf32>
        %parallel_loop3A_103 = arith.mulf %parallel_loop3A_101, %parallel_loop3A_102 : vector<16xf32>
        %parallel_loop3A_104 = arith.index_cast %parallel_loop3A_65 : i32 to index
        %parallel_loop3A_105 = arith.constant 32 : index
        %parallel_loop3A_106 = tpu.vector_load %arg13[%parallel_loop3A_104, %parallel_loop3A_105] {strides = array<i32>} : memref<256x64xf32, #tpu.memory_space<vmem>>, vector<16xf32>,
        tpu.vector_store %arg13[%parallel_loop3A_104, %parallel_loop3A_105], %parallel_loop3A_103 {strides = array<i32>} : memref<256x64xf32, #tpu.memory_space<vmem>>, vector<16xf32>,
        %parallel_loop3A_107 = arith.index_cast %parallel_loop3A_65 : i32 to index
        %parallel_loop3A_108 = arith.constant 48 : index
        %parallel_loop3A_109 = tpu.vector_load %arg12[%parallel_loop3A_107, %parallel_loop3A_108] {strides = array<i32>} : memref<256x64xf32, #tpu.memory_space<vmem>>, vector<16xf32>,
        %parallel_loop3A_110 = vector.broadcast %parallel_loop3A_82 : f32 to vector<16xf32>
        %parallel_loop3A_111 = arith.mulf %parallel_loop3A_109, %parallel_loop3A_110 : vector<16xf32>
        %parallel_loop3A_112 = arith.index_cast %parallel_loop3A_65 : i32 to index
        %parallel_loop3A_113 = arith.constant 48 : index
        %parallel_loop3A_114 = tpu.vector_load %arg13[%parallel_loop3A_112, %parallel_loop3A_113] {strides = array<i32>} : memref<256x64xf32, #tpu.memory_space<vmem>>, vector<16xf32>,
        tpu.vector_store %arg13[%parallel_loop3A_112, %parallel_loop3A_113], %parallel_loop3A_111 {strides = array<i32>} : memref<256x64xf32, #tpu.memory_space<vmem>>, vector<16xf32>,
      } {sc.loop_unroll_factor = 4 : i64, sc.parallel_access}
      "tpu.region"() ({
        %run_scoped3A_65 = tpu.sem_alloc : memref<!tpu.dma_semaphore, #tpu.memory_space<semaphore_mem>>
        %dma_start3A = arith.constant 0 : i32
        %dma_start3A_66 = arith.constant 0 : i32
        %dma_start3A_67 = tpu.memref_slice %arg13[%dma_start3A, %dma_start3A_66] : memref<256x64xf32, #tpu.memory_space<vmem>> -> memref<128x64xf32, #tpu.memory_space<vmem>>
        %dma_start3A_68 = arith.constant 0 : i32
        %dma_start3A_69 = tpu.memref_slice %arg16[%add3A, %dma_start3A_68] : memref<10240x64xf32, #tpu.memory_space<vmem_shared>> -> memref<128x64xf32, #tpu.memory_space<vmem_shared>>
        %dma_start3A_70 = arith.constant 0 : i32
        %dma_start3A_71 = tpu.memref_slice %arg16[%add3A, %dma_start3A_70] : memref<10240x64xf32, #tpu.memory_space<vmem_shared>> -> memref<128x64xf32, #tpu.memory_space<vmem_shared>>
        %dma_start3A_72 = arith.constant 0 : i32
        %dma_start3A_73 = arith.constant 0 : i32
        %dma_start3A_74 = tpu.memref_slice %arg13[%dma_start3A_72, %dma_start3A_73] : memref<256x64xf32, #tpu.memory_space<vmem>> -> memref<128x64xf32, #tpu.memory_space<vmem>>
        tpu.enqueue_dma source(%dma_start3A_74 : memref<128x64xf32, #tpu.memory_space<vmem>>) target(%dma_start3A_71 : memref<128x64xf32, #tpu.memory_space<vmem_shared>>) target_semaphore(%run_scoped3A_65 : memref<!tpu.dma_semaphore, #tpu.memory_space<semaphore_mem>>)
        %dma_wait3A = arith.constant 0 : i32
        %dma_wait3A_75 = arith.constant 0 : i32
        %dma_wait3A_76 = tpu.memref_slice %arg13[%dma_wait3A, %dma_wait3A_75] : memref<256x64xf32, #tpu.memory_space<vmem>> -> memref<128x64xf32, #tpu.memory_space<vmem>>
        %dma_wait3A_77 = arith.constant 0 : i32
        %dma_wait3A_78 = tpu.memref_slice %arg16[%add3A, %dma_wait3A_77] : memref<10240x64xf32, #tpu.memory_space<vmem_shared>> -> memref<128x64xf32, #tpu.memory_space<vmem_shared>>
        %dma_wait3A_79 = arith.constant 0 : i32
        %dma_wait3A_80 = tpu.memref_slice %arg16[%add3A, %dma_wait3A_79] : memref<10240x64xf32, #tpu.memory_space<vmem_shared>> -> memref<128x64xf32, #tpu.memory_space<vmem_shared>>
        %dma_wait3A_81 = arith.constant 0 : i32
        %dma_wait3A_82 = arith.constant 0 : i32
        %dma_wait3A_83 = tpu.memref_slice %arg13[%dma_wait3A_81, %dma_wait3A_82] : memref<256x64xf32, #tpu.memory_space<vmem>> -> memref<128x64xf32, #tpu.memory_space<vmem>>
        tpu.wait_dma2 semaphore(%run_scoped3A_65 : memref<!tpu.dma_semaphore, #tpu.memory_space<semaphore_mem>>) src(%dma_wait3A_83 : memref<128x64xf32, #tpu.memory_space<vmem>>) dst(%dma_wait3A_80 : memref<128x64xf32, #tpu.memory_space<vmem_shared>>)
        tpu.yield
      }) : () -> ()
      %scan3A_64 = arith.constant 0 : i32
      scf.yield %scan3A_64 : i32
    }
    %scan3A_33 = arith.constant 5 : i32
    %barrier3A_34 = arith.constant 0 : index
    tpu.barrier barrier_id(%barrier3A_34)
    %scan3A_35 = arith.constant 0 : i32
    %scan3A_36 = arith.constant 0 : i32
    %scan3A_37 = arith.constant 40 : i32
    %scan3A_38 = arith.addi %scan3A_36, %scan3A_37 : i32
    %scan3A_39 = arith.constant 1 : i32
    %scan3A_40 = scf.for %scan3A_50 = %scan3A_36 to %scan3A_38 step %scan3A_39 iter_args(%scan3A_51 = %scan3A_35) -> (i32)  : i32 {
      %mul3A_52 = arith.constant 256 : i32
      %mul3A_53 = arith.muli %scan3A_50, %mul3A_52 : i32
      %add3A = arith.addi %mul3A_2, %mul3A_53 : i32
      "tpu.region"() ({
        %run_scoped3A = tpu.sem_alloc : memref<!tpu.dma_semaphore, #tpu.memory_space<semaphore_mem>>
        %dma_start3A_61 = tpu.memref_slice %arg2[%add3A] : memref<163840xi32, #tpu.memory_space<hbm>> -> memref<256xi32, #tpu.memory_space<hbm>>
        %dma_start3A_62 = tpu.memref_slice %arg2[%add3A] : memref<163840xi32, #tpu.memory_space<hbm>> -> memref<256xi32, #tpu.memory_space<hbm>>
        tpu.enqueue_dma source(%dma_start3A_62 : memref<256xi32, #tpu.memory_space<hbm>>) target(%arg9 : memref<256xi32, #tpu.memory_space<vmem>>) target_semaphore(%run_scoped3A : memref<!tpu.dma_semaphore, #tpu.memory_space<semaphore_mem>>)
        %dma_wait3A_63 = tpu.memref_slice %arg2[%add3A] : memref<163840xi32, #tpu.memory_space<hbm>> -> memref<256xi32, #tpu.memory_space<hbm>>
        %dma_wait3A_64 = tpu.memref_slice %arg2[%add3A] : memref<163840xi32, #tpu.memory_space<hbm>> -> memref<256xi32, #tpu.memory_space<hbm>>
        tpu.wait_dma2 semaphore(%run_scoped3A : memref<!tpu.dma_semaphore, #tpu.memory_space<semaphore_mem>>) src(%dma_wait3A_64 : memref<256xi32, #tpu.memory_space<hbm>>) dst(%arg9 : memref<256xi32, #tpu.memory_space<vmem>>)
        tpu.yield
      }) : () -> ()
      "tpu.region"() ({
        %run_scoped3A = tpu.sem_alloc : memref<!tpu.dma_semaphore, #tpu.memory_space<semaphore_mem>>
        %dma_start3A_61 = tpu.memref_slice %arg3[%add3A] : memref<163840xi32, #tpu.memory_space<hbm>> -> memref<256xi32, #tpu.memory_space<hbm>>
        %dma_start3A_62 = tpu.memref_slice %arg3[%add3A] : memref<163840xi32, #tpu.memory_space<hbm>> -> memref<256xi32, #tpu.memory_space<hbm>>
        tpu.enqueue_dma source(%dma_start3A_62 : memref<256xi32, #tpu.memory_space<hbm>>) target(%arg10 : memref<256xi32, #tpu.memory_space<vmem>>) target_semaphore(%run_scoped3A : memref<!tpu.dma_semaphore, #tpu.memory_space<semaphore_mem>>)
        %dma_wait3A_63 = tpu.memref_slice %arg3[%add3A] : memref<163840xi32, #tpu.memory_space<hbm>> -> memref<256xi32, #tpu.memory_space<hbm>>
        %dma_wait3A_64 = tpu.memref_slice %arg3[%add3A] : memref<163840xi32, #tpu.memory_space<hbm>> -> memref<256xi32, #tpu.memory_space<hbm>>
        tpu.wait_dma2 semaphore(%run_scoped3A : memref<!tpu.dma_semaphore, #tpu.memory_space<semaphore_mem>>) src(%dma_wait3A_64 : memref<256xi32, #tpu.memory_space<hbm>>) dst(%arg10 : memref<256xi32, #tpu.memory_space<vmem>>)
        tpu.yield
      }) : () -> ()
      "tpu.region"() ({
        %run_scoped3A = tpu.sem_alloc : memref<!tpu.dma_semaphore, #tpu.memory_space<semaphore_mem>>
        %dma_start3A_61 = arith.constant 0 : i32
        %dma_start3A_62 = tpu.memref_slice %arg4[%add3A, %dma_start3A_61] : memref<163840x16xf32, #tpu.memory_space<hbm>> -> memref<256x16xf32, #tpu.memory_space<hbm>>
        %dma_start3A_63 = arith.constant 0 : i32
        %dma_start3A_64 = tpu.memref_slice %arg4[%add3A, %dma_start3A_63] : memref<163840x16xf32, #tpu.memory_space<hbm>> -> memref<256x16xf32, #tpu.memory_space<hbm>>
        tpu.enqueue_dma source(%dma_start3A_64 : memref<256x16xf32, #tpu.memory_space<hbm>>) target(%arg11 : memref<256x16xf32, #tpu.memory_space<vmem>>) target_semaphore(%run_scoped3A : memref<!tpu.dma_semaphore, #tpu.memory_space<semaphore_mem>>)
        %dma_wait3A_65 = arith.constant 0 : i32
        %dma_wait3A_66 = tpu.memref_slice %arg4[%add3A, %dma_wait3A_65] : memref<163840x16xf32, #tpu.memory_space<hbm>> -> memref<256x16xf32, #tpu.memory_space<hbm>>
        %dma_wait3A_67 = arith.constant 0 : i32
        %dma_wait3A_68 = tpu.memref_slice %arg4[%add3A, %dma_wait3A_67] : memref<163840x16xf32, #tpu.memory_space<hbm>> -> memref<256x16xf32, #tpu.memory_space<hbm>>
        tpu.wait_dma2 semaphore(%run_scoped3A : memref<!tpu.dma_semaphore, #tpu.memory_space<semaphore_mem>>) src(%dma_wait3A_68 : memref<256x16xf32, #tpu.memory_space<hbm>>) dst(%arg11 : memref<256x16xf32, #tpu.memory_space<vmem>>)
        tpu.yield
      }) : () -> ()
      %dma_start3A = arith.constant 0 : i32
      %dma_start3A_54 = arith.constant 0 : i32
      %dma_start3A_55 = tpu.memref_slice %arg16[%dma_start3A, %dma_start3A_54] : memref<10240x64xf32, #tpu.memory_space<vmem_shared>> -> memref<10240x64xf32, #tpu.memory_space<vmem_shared>>
      tpu.enqueue_indirect_dma source(%dma_start3A_55 : memref<10240x64xf32, #tpu.memory_space<vmem_shared>>) target(%arg12 : memref<256x64xf32, #tpu.memory_space<vmem>>) offsets(%arg10 : memref<256xi32, #tpu.memory_space<vmem>>) semaphore(%arg18 : memref<!tpu.dma_semaphore, #tpu.memory_space<semaphore_mem>>)
      %dma_wait3A = arith.constant 0 : i32
      %dma_wait3A_56 = arith.constant 0 : i32
      %dma_wait3A_57 = tpu.memref_slice %arg16[%dma_wait3A, %dma_wait3A_56] : memref<10240x64xf32, #tpu.memory_space<vmem_shared>> -> memref<10240x64xf32, #tpu.memory_space<vmem_shared>>
      tpu.wait_indirect_dma semaphore(%arg18 : memref<!tpu.dma_semaphore, #tpu.memory_space<semaphore_mem>>) src(%dma_wait3A_57 : memref<10240x64xf32, #tpu.memory_space<vmem_shared>>) dst(%arg12 : memref<256x64xf32, #tpu.memory_space<vmem>>)
      %parallel_loop3A = arith.constant 0 : i32
      %parallel_loop3A_58 = arith.constant 256 : i32
      %parallel_loop3A_59 = arith.constant 1 : i32
      scf.for %parallel_loop3A_61 = %parallel_loop3A to %parallel_loop3A_58 step %parallel_loop3A_59  : i32 {
        %parallel_loop3A_62 = arith.index_cast %parallel_loop3A_61 : i32 to index
        %parallel_loop3A_63 = arith.constant 0 : index
        %parallel_loop3A_64 = tpu.vector_load %arg11[%parallel_loop3A_62, %parallel_loop3A_63] {strides = array<i32>} : memref<256x16xf32, #tpu.memory_space<vmem>>, vector<16xf32>,
        %parallel_loop3A_65 = arith.constant 0 : i32
        %parallel_loop3A_66 = arith.cmpi eq, %arg0, %parallel_loop3A_65 : i32
        %parallel_loop3A_67 = vector.extract_strided_slice %parallel_loop3A_64 {offsets = [0], sizes = [1], strides = [1]} : vector<16xf32> to vector<1xf32>
        %parallel_loop3A_68 = vector.extract %parallel_loop3A_67[0] : f32 from vector<1xf32>
        %parallel_loop3A_69 = vector.extract_strided_slice %parallel_loop3A_64 {offsets = [2], sizes = [1], strides = [1]} : vector<16xf32> to vector<1xf32>
        %parallel_loop3A_70 = vector.extract %parallel_loop3A_69[0] : f32 from vector<1xf32>
        %parallel_loop3A_71 = arith.select %parallel_loop3A_66, %parallel_loop3A_68, %parallel_loop3A_70 : f32
        %parallel_loop3A_72 = arith.constant 0 : i32
        %parallel_loop3A_73 = arith.cmpi eq, %arg0, %parallel_loop3A_72 : i32
        %parallel_loop3A_74 = vector.extract_strided_slice %parallel_loop3A_64 {offsets = [1], sizes = [1], strides = [1]} : vector<16xf32> to vector<1xf32>
        %parallel_loop3A_75 = vector.extract %parallel_loop3A_74[0] : f32 from vector<1xf32>
        %parallel_loop3A_76 = vector.extract_strided_slice %parallel_loop3A_64 {offsets = [3], sizes = [1], strides = [1]} : vector<16xf32> to vector<1xf32>
        %parallel_loop3A_77 = vector.extract %parallel_loop3A_76[0] : f32 from vector<1xf32>
        %parallel_loop3A_78 = arith.select %parallel_loop3A_73, %parallel_loop3A_75, %parallel_loop3A_77 : f32
        %parallel_loop3A_79 = arith.index_cast %parallel_loop3A_61 : i32 to index
        %parallel_loop3A_80 = arith.constant 0 : index
        %parallel_loop3A_81 = tpu.vector_load %arg12[%parallel_loop3A_79, %parallel_loop3A_80] {strides = array<i32>} : memref<256x64xf32, #tpu.memory_space<vmem>>, vector<16xf32>,
        %parallel_loop3A_82 = vector.broadcast %parallel_loop3A_71 : f32 to vector<16xf32>
        %parallel_loop3A_83 = arith.mulf %parallel_loop3A_81, %parallel_loop3A_82 : vector<16xf32>
        %parallel_loop3A_84 = arith.index_cast %parallel_loop3A_61 : i32 to index
        %parallel_loop3A_85 = arith.constant 0 : index
        %parallel_loop3A_86 = tpu.vector_load %arg13[%parallel_loop3A_84, %parallel_loop3A_85] {strides = array<i32>} : memref<256x64xf32, #tpu.memory_space<vmem>>, vector<16xf32>,
        tpu.vector_store %arg13[%parallel_loop3A_84, %parallel_loop3A_85], %parallel_loop3A_83 {strides = array<i32>} : memref<256x64xf32, #tpu.memory_space<vmem>>, vector<16xf32>,
        %parallel_loop3A_87 = arith.index_cast %parallel_loop3A_61 : i32 to index
        %parallel_loop3A_88 = arith.constant 16 : index
        %parallel_loop3A_89 = tpu.vector_load %arg12[%parallel_loop3A_87, %parallel_loop3A_88] {strides = array<i32>} : memref<256x64xf32, #tpu.memory_space<vmem>>, vector<16xf32>,
        %parallel_loop3A_90 = vector.broadcast %parallel_loop3A_71 : f32 to vector<16xf32>
        %parallel_loop3A_91 = arith.mulf %parallel_loop3A_89, %parallel_loop3A_90 : vector<16xf32>
        %parallel_loop3A_92 = arith.index_cast %parallel_loop3A_61 : i32 to index
        %parallel_loop3A_93 = arith.constant 16 : index
        %parallel_loop3A_94 = tpu.vector_load %arg13[%parallel_loop3A_92, %parallel_loop3A_93] {strides = array<i32>} : memref<256x64xf32, #tpu.memory_space<vmem>>, vector<16xf32>,
        tpu.vector_store %arg13[%parallel_loop3A_92, %parallel_loop3A_93], %parallel_loop3A_91 {strides = array<i32>} : memref<256x64xf32, #tpu.memory_space<vmem>>, vector<16xf32>,
        %parallel_loop3A_95 = arith.index_cast %parallel_loop3A_61 : i32 to index
        %parallel_loop3A_96 = arith.constant 32 : index
        %parallel_loop3A_97 = tpu.vector_load %arg12[%parallel_loop3A_95, %parallel_loop3A_96] {strides = array<i32>} : memref<256x64xf32, #tpu.memory_space<vmem>>, vector<16xf32>,
        %parallel_loop3A_98 = vector.broadcast %parallel_loop3A_78 : f32 to vector<16xf32>
        %parallel_loop3A_99 = arith.mulf %parallel_loop3A_97, %parallel_loop3A_98 : vector<16xf32>
        %parallel_loop3A_100 = arith.index_cast %parallel_loop3A_61 : i32 to index
        %parallel_loop3A_101 = arith.constant 32 : index
        %parallel_loop3A_102 = tpu.vector_load %arg13[%parallel_loop3A_100, %parallel_loop3A_101] {strides = array<i32>} : memref<256x64xf32, #tpu.memory_space<vmem>>, vector<16xf32>,
        tpu.vector_store %arg13[%parallel_loop3A_100, %parallel_loop3A_101], %parallel_loop3A_99 {strides = array<i32>} : memref<256x64xf32, #tpu.memory_space<vmem>>, vector<16xf32>,
        %parallel_loop3A_103 = arith.index_cast %parallel_loop3A_61 : i32 to index
        %parallel_loop3A_104 = arith.constant 48 : index
        %parallel_loop3A_105 = tpu.vector_load %arg12[%parallel_loop3A_103, %parallel_loop3A_104] {strides = array<i32>} : memref<256x64xf32, #tpu.memory_space<vmem>>, vector<16xf32>,
        %parallel_loop3A_106 = vector.broadcast %parallel_loop3A_78 : f32 to vector<16xf32>
        %parallel_loop3A_107 = arith.mulf %parallel_loop3A_105, %parallel_loop3A_106 : vector<16xf32>
        %parallel_loop3A_108 = arith.index_cast %parallel_loop3A_61 : i32 to index
        %parallel_loop3A_109 = arith.constant 48 : index
        %parallel_loop3A_110 = tpu.vector_load %arg13[%parallel_loop3A_108, %parallel_loop3A_109] {strides = array<i32>} : memref<256x64xf32, #tpu.memory_space<vmem>>, vector<16xf32>,
        tpu.vector_store %arg13[%parallel_loop3A_108, %parallel_loop3A_109], %parallel_loop3A_107 {strides = array<i32>} : memref<256x64xf32, #tpu.memory_space<vmem>>, vector<16xf32>,
      } {sc.loop_unroll_factor = 4 : i64, sc.parallel_access}
      "tpu.region"() ({
        %run_scoped3A = tpu.sem_alloc : memref<!tpu.dma_semaphore, #tpu.memory_space<semaphore_mem>>
        %dma_start3A_61 = arith.constant 0 : i32
        %dma_start3A_62 = arith.constant 0 : i32
        %dma_start3A_63 = tpu.memref_slice %arg17[%dma_start3A_61, %dma_start3A_62] : memref<10240x64xf32, #tpu.memory_space<vmem_shared>> -> memref<10240x64xf32, #tpu.memory_space<vmem_shared>>
        tpu.enqueue_indirect_dma source(%arg13 : memref<256x64xf32, #tpu.memory_space<vmem>>) target(%dma_start3A_63 : memref<10240x64xf32, #tpu.memory_space<vmem_shared>>) offsets(%arg9 : memref<256xi32, #tpu.memory_space<vmem>>) semaphore(%run_scoped3A : memref<!tpu.dma_semaphore, #tpu.memory_space<semaphore_mem>>) {add = true}
        %dma_wait3A_64 = arith.constant 0 : i32
        %dma_wait3A_65 = arith.constant 0 : i32
        %dma_wait3A_66 = tpu.memref_slice %arg17[%dma_wait3A_64, %dma_wait3A_65] : memref<10240x64xf32, #tpu.memory_space<vmem_shared>> -> memref<10240x64xf32, #tpu.memory_space<vmem_shared>>
        tpu.wait_indirect_dma semaphore(%run_scoped3A : memref<!tpu.dma_semaphore, #tpu.memory_space<semaphore_mem>>) src(%arg13 : memref<256x64xf32, #tpu.memory_space<vmem>>) dst(%dma_wait3A_66 : memref<10240x64xf32, #tpu.memory_space<vmem_shared>>)
        tpu.yield
      }) : () -> ()
      %scan3A_60 = arith.constant 0 : i32
      scf.yield %scan3A_60 : i32
    }
    %scan3A_41 = arith.constant 40 : i32
    %barrier3A_42 = arith.constant 0 : index
    tpu.barrier barrier_id(%barrier3A_42)
    %scan3A_43 = arith.constant 0 : i32
    %scan3A_44 = arith.constant 0 : i32
    %scan3A_45 = arith.constant 5 : i32
    %scan3A_46 = arith.addi %scan3A_44, %scan3A_45 : i32
    %scan3A_47 = arith.constant 1 : i32
    %scan3A_48 = scf.for %scan3A_50 = %scan3A_44 to %scan3A_46 step %scan3A_47 iter_args(%scan3A_51 = %scan3A_43) -> (i32)  : i32 {
      %mul3A_52 = arith.constant 128 : i32
      %mul3A_53 = arith.muli %scan3A_50, %mul3A_52 : i32
      %add3A = arith.addi %mul3A_0, %mul3A_53 : i32
      "tpu.region"() ({
        %run_scoped3A_65 = tpu.sem_alloc : memref<!tpu.dma_semaphore, #tpu.memory_space<semaphore_mem>>
        %dma_start3A = arith.constant 0 : i32
        %dma_start3A_66 = arith.constant 0 : i32
        %dma_start3A_67 = tpu.memref_slice %arg12[%dma_start3A, %dma_start3A_66] : memref<256x64xf32, #tpu.memory_space<vmem>> -> memref<128x64xf32, #tpu.memory_space<vmem>>
        %dma_start3A_68 = arith.constant 0 : i32
        %dma_start3A_69 = tpu.memref_slice %arg17[%add3A, %dma_start3A_68] : memref<10240x64xf32, #tpu.memory_space<vmem_shared>> -> memref<128x64xf32, #tpu.memory_space<vmem_shared>>
        %dma_start3A_70 = arith.constant 0 : i32
        %dma_start3A_71 = arith.constant 0 : i32
        %dma_start3A_72 = tpu.memref_slice %arg12[%dma_start3A_70, %dma_start3A_71] : memref<256x64xf32, #tpu.memory_space<vmem>> -> memref<128x64xf32, #tpu.memory_space<vmem>>
        %dma_start3A_73 = arith.constant 0 : i32
        %dma_start3A_74 = tpu.memref_slice %arg17[%add3A, %dma_start3A_73] : memref<10240x64xf32, #tpu.memory_space<vmem_shared>> -> memref<128x64xf32, #tpu.memory_space<vmem_shared>>
        tpu.enqueue_dma source(%dma_start3A_74 : memref<128x64xf32, #tpu.memory_space<vmem_shared>>) target(%dma_start3A_72 : memref<128x64xf32, #tpu.memory_space<vmem>>) target_semaphore(%run_scoped3A_65 : memref<!tpu.dma_semaphore, #tpu.memory_space<semaphore_mem>>)
        %dma_wait3A = arith.constant 0 : i32
        %dma_wait3A_75 = arith.constant 0 : i32
        %dma_wait3A_76 = tpu.memref_slice %arg12[%dma_wait3A, %dma_wait3A_75] : memref<256x64xf32, #tpu.memory_space<vmem>> -> memref<128x64xf32, #tpu.memory_space<vmem>>
        %dma_wait3A_77 = arith.constant 0 : i32
        %dma_wait3A_78 = tpu.memref_slice %arg17[%add3A, %dma_wait3A_77] : memref<10240x64xf32, #tpu.memory_space<vmem_shared>> -> memref<128x64xf32, #tpu.memory_space<vmem_shared>>
        %dma_wait3A_79 = arith.constant 0 : i32
        %dma_wait3A_80 = arith.constant 0 : i32
        %dma_wait3A_81 = tpu.memref_slice %arg12[%dma_wait3A_79, %dma_wait3A_80] : memref<256x64xf32, #tpu.memory_space<vmem>> -> memref<128x64xf32, #tpu.memory_space<vmem>>
        %dma_wait3A_82 = arith.constant 0 : i32
        %dma_wait3A_83 = tpu.memref_slice %arg17[%add3A, %dma_wait3A_82] : memref<10240x64xf32, #tpu.memory_space<vmem_shared>> -> memref<128x64xf32, #tpu.memory_space<vmem_shared>>
        tpu.wait_dma2 semaphore(%run_scoped3A_65 : memref<!tpu.dma_semaphore, #tpu.memory_space<semaphore_mem>>) src(%dma_wait3A_83 : memref<128x64xf32, #tpu.memory_space<vmem_shared>>) dst(%dma_wait3A_81 : memref<128x64xf32, #tpu.memory_space<vmem>>)
        tpu.yield
      }) : () -> ()
      %run_scoped3A = arith.constant 0 : i32
      "tpu.region"() ({
        %run_scoped3A_65 = tpu.sem_alloc : memref<!tpu.dma_semaphore, #tpu.memory_space<semaphore_mem>>
        %dma_start3A = arith.constant 0 : i32
        %dma_start3A_66 = tpu.memref_slice %arg6[%run_scoped3A, %add3A, %dma_start3A] : memref<2x10240x16xf32, #tpu.memory_space<hbm>> -> memref<1x128x16xf32, #tpu.memory_space<hbm>>
        %dma_start3A_67 = tpu.memref_squeeze %dma_start3A_66 : memref<1x128x16xf32, #tpu.memory_space<hbm>> -> memref<128x16xf32, #tpu.memory_space<hbm>>
        %dma_start3A_68 = arith.constant 0 : i32
        %dma_start3A_69 = tpu.memref_slice %arg6[%run_scoped3A, %add3A, %dma_start3A_68] : memref<2x10240x16xf32, #tpu.memory_space<hbm>> -> memref<1x128x16xf32, #tpu.memory_space<hbm>>
        %dma_start3A_70 = tpu.memref_squeeze %dma_start3A_69 : memref<1x128x16xf32, #tpu.memory_space<hbm>> -> memref<128x16xf32, #tpu.memory_space<hbm>>
        tpu.enqueue_dma source(%dma_start3A_70 : memref<128x16xf32, #tpu.memory_space<hbm>>) target(%arg14 : memref<128x16xf32, #tpu.memory_space<vmem>>) target_semaphore(%run_scoped3A_65 : memref<!tpu.dma_semaphore, #tpu.memory_space<semaphore_mem>>)
        %dma_wait3A = arith.constant 0 : i32
        %dma_wait3A_71 = tpu.memref_slice %arg6[%run_scoped3A, %add3A, %dma_wait3A] : memref<2x10240x16xf32, #tpu.memory_space<hbm>> -> memref<1x128x16xf32, #tpu.memory_space<hbm>>
        %dma_wait3A_72 = tpu.memref_squeeze %dma_wait3A_71 : memref<1x128x16xf32, #tpu.memory_space<hbm>> -> memref<128x16xf32, #tpu.memory_space<hbm>>
        %dma_wait3A_73 = arith.constant 0 : i32
        %dma_wait3A_74 = tpu.memref_slice %arg6[%run_scoped3A, %add3A, %dma_wait3A_73] : memref<2x10240x16xf32, #tpu.memory_space<hbm>> -> memref<1x128x16xf32, #tpu.memory_space<hbm>>
        %dma_wait3A_75 = tpu.memref_squeeze %dma_wait3A_74 : memref<1x128x16xf32, #tpu.memory_space<hbm>> -> memref<128x16xf32, #tpu.memory_space<hbm>>
        tpu.wait_dma2 semaphore(%run_scoped3A_65 : memref<!tpu.dma_semaphore, #tpu.memory_space<semaphore_mem>>) src(%dma_wait3A_75 : memref<128x16xf32, #tpu.memory_space<hbm>>) dst(%arg14 : memref<128x16xf32, #tpu.memory_space<vmem>>)
        tpu.yield
      }) : () -> ()
      %run_scoped3A_54 = arith.constant 1 : i32
      "tpu.region"() ({
        %run_scoped3A_65 = tpu.sem_alloc : memref<!tpu.dma_semaphore, #tpu.memory_space<semaphore_mem>>
        %dma_start3A = arith.constant 0 : i32
        %dma_start3A_66 = tpu.memref_slice %arg6[%run_scoped3A_54, %add3A, %dma_start3A] : memref<2x10240x16xf32, #tpu.memory_space<hbm>> -> memref<1x128x16xf32, #tpu.memory_space<hbm>>
        %dma_start3A_67 = tpu.memref_squeeze %dma_start3A_66 : memref<1x128x16xf32, #tpu.memory_space<hbm>> -> memref<128x16xf32, #tpu.memory_space<hbm>>
        %dma_start3A_68 = arith.constant 0 : i32
        %dma_start3A_69 = tpu.memref_slice %arg6[%run_scoped3A_54, %add3A, %dma_start3A_68] : memref<2x10240x16xf32, #tpu.memory_space<hbm>> -> memref<1x128x16xf32, #tpu.memory_space<hbm>>
        %dma_start3A_70 = tpu.memref_squeeze %dma_start3A_69 : memref<1x128x16xf32, #tpu.memory_space<hbm>> -> memref<128x16xf32, #tpu.memory_space<hbm>>
        tpu.enqueue_dma source(%dma_start3A_70 : memref<128x16xf32, #tpu.memory_space<hbm>>) target(%arg15 : memref<128x16xf32, #tpu.memory_space<vmem>>) target_semaphore(%run_scoped3A_65 : memref<!tpu.dma_semaphore, #tpu.memory_space<semaphore_mem>>)
        %dma_wait3A = arith.constant 0 : i32
        %dma_wait3A_71 = tpu.memref_slice %arg6[%run_scoped3A_54, %add3A, %dma_wait3A] : memref<2x10240x16xf32, #tpu.memory_space<hbm>> -> memref<1x128x16xf32, #tpu.memory_space<hbm>>
        %dma_wait3A_72 = tpu.memref_squeeze %dma_wait3A_71 : memref<1x128x16xf32, #tpu.memory_space<hbm>> -> memref<128x16xf32, #tpu.memory_space<hbm>>
        %dma_wait3A_73 = arith.constant 0 : i32
        %dma_wait3A_74 = tpu.memref_slice %arg6[%run_scoped3A_54, %add3A, %dma_wait3A_73] : memref<2x10240x16xf32, #tpu.memory_space<hbm>> -> memref<1x128x16xf32, #tpu.memory_space<hbm>>
        %dma_wait3A_75 = tpu.memref_squeeze %dma_wait3A_74 : memref<1x128x16xf32, #tpu.memory_space<hbm>> -> memref<128x16xf32, #tpu.memory_space<hbm>>
        tpu.wait_dma2 semaphore(%run_scoped3A_65 : memref<!tpu.dma_semaphore, #tpu.memory_space<semaphore_mem>>) src(%dma_wait3A_75 : memref<128x16xf32, #tpu.memory_space<hbm>>) dst(%arg15 : memref<128x16xf32, #tpu.memory_space<vmem>>)
        tpu.yield
      }) : () -> ()
      %scan3A_55 = arith.constant 0 : i32
      %scan3A_56 = arith.constant 0 : i32
      %scan3A_57 = arith.constant 128 : i32
      %scan3A_58 = arith.addi %scan3A_56, %scan3A_57 : i32
      %scan3A_59 = arith.constant 1 : i32
      %scan3A_60 = scf.for %scan3A_65 = %scan3A_56 to %scan3A_58 step %scan3A_59 iter_args(%scan3A_66 = %scan3A_55) -> (i32)  : i32 {
        %get3A = arith.index_cast %scan3A_65 : i32 to index
        %get3A_67 = arith.constant 0 : index
        %get3A_68 = tpu.vector_load %arg14[%get3A, %get3A_67] {strides = array<i32>} : memref<128x16xf32, #tpu.memory_space<vmem>>, vector<16xf32>,
        %get3A_69 = arith.index_cast %scan3A_65 : i32 to index
        %get3A_70 = arith.constant 0 : index
        %get3A_71 = tpu.vector_load %arg15[%get3A_69, %get3A_70] {strides = array<i32>} : memref<128x16xf32, #tpu.memory_space<vmem>>, vector<16xf32>,
        %add3A_72 = arith.addf %get3A_68, %get3A_71 : vector<16xf32>
        %gt3A = arith.constant 0.000000e+00 : f32
        %gt3A_73 = vector.broadcast %gt3A : f32 to vector<16xf32>
        %gt3A_74 = arith.cmpf ogt, %add3A_72, %gt3A_73 : vector<16xf32>
        %div3A = arith.constant 1.000000e+00 : f32
        %div3A_75 = vector.broadcast %div3A : f32 to vector<16xf32>
        %div3A_76 = arith.divf %div3A_75, %add3A_72 : vector<16xf32>
        %jit3A = arith.constant 0.000000e+00 : f32
        %broadcast_in_dim3A_77 = vector.broadcast %jit3A : f32 to vector<16xf32>
        %select_n3A = arith.select %gt3A_74, %div3A_76, %broadcast_in_dim3A_77 : vector<16xi1>, vector<16xf32>
        %swap3A = arith.index_cast %scan3A_65 : i32 to index
        %swap3A_78 = arith.constant 0 : index
        %swap3A_79 = tpu.vector_load %arg14[%swap3A, %swap3A_78] {strides = array<i32>} : memref<128x16xf32, #tpu.memory_space<vmem>>, vector<16xf32>,
        tpu.vector_store %arg14[%swap3A, %swap3A_78], %select_n3A {strides = array<i32>} : memref<128x16xf32, #tpu.memory_space<vmem>>, vector<16xf32>,
        %scan3A_80 = arith.constant 0 : i32
        scf.yield %scan3A_80 : i32
      }
      %scan3A_61 = arith.constant 128 : i32
      %parallel_loop3A = arith.constant 0 : i32
      %parallel_loop3A_62 = arith.constant 128 : i32
      %parallel_loop3A_63 = arith.constant 1 : i32
      scf.for %parallel_loop3A_65 = %parallel_loop3A to %parallel_loop3A_62 step %parallel_loop3A_63  : i32 {
        %parallel_loop3A_66 = arith.index_cast %parallel_loop3A_65 : i32 to index
        %parallel_loop3A_67 = arith.constant 0 : index
        %parallel_loop3A_68 = tpu.vector_load %arg14[%parallel_loop3A_66, %parallel_loop3A_67] {strides = array<i32>} : memref<128x16xf32, #tpu.memory_space<vmem>>, vector<16xf32>,
        %parallel_loop3A_69 = arith.constant 0 : i32
        %parallel_loop3A_70 = arith.cmpi eq, %arg0, %parallel_loop3A_69 : i32
        %parallel_loop3A_71 = vector.extract_strided_slice %parallel_loop3A_68 {offsets = [0], sizes = [1], strides = [1]} : vector<16xf32> to vector<1xf32>
        %parallel_loop3A_72 = vector.extract %parallel_loop3A_71[0] : f32 from vector<1xf32>
        %parallel_loop3A_73 = vector.extract_strided_slice %parallel_loop3A_68 {offsets = [2], sizes = [1], strides = [1]} : vector<16xf32> to vector<1xf32>
        %parallel_loop3A_74 = vector.extract %parallel_loop3A_73[0] : f32 from vector<1xf32>
        %parallel_loop3A_75 = arith.select %parallel_loop3A_70, %parallel_loop3A_72, %parallel_loop3A_74 : f32
        %parallel_loop3A_76 = arith.constant 0 : i32
        %parallel_loop3A_77 = arith.cmpi eq, %arg0, %parallel_loop3A_76 : i32
        %parallel_loop3A_78 = vector.extract_strided_slice %parallel_loop3A_68 {offsets = [1], sizes = [1], strides = [1]} : vector<16xf32> to vector<1xf32>
        %parallel_loop3A_79 = vector.extract %parallel_loop3A_78[0] : f32 from vector<1xf32>
        %parallel_loop3A_80 = vector.extract_strided_slice %parallel_loop3A_68 {offsets = [3], sizes = [1], strides = [1]} : vector<16xf32> to vector<1xf32>
        %parallel_loop3A_81 = vector.extract %parallel_loop3A_80[0] : f32 from vector<1xf32>
        %parallel_loop3A_82 = arith.select %parallel_loop3A_77, %parallel_loop3A_79, %parallel_loop3A_81 : f32
        %parallel_loop3A_83 = arith.index_cast %parallel_loop3A_65 : i32 to index
        %parallel_loop3A_84 = arith.constant 0 : index
        %parallel_loop3A_85 = tpu.vector_load %arg12[%parallel_loop3A_83, %parallel_loop3A_84] {strides = array<i32>} : memref<256x64xf32, #tpu.memory_space<vmem>>, vector<16xf32>,
        %parallel_loop3A_86 = vector.broadcast %parallel_loop3A_75 : f32 to vector<16xf32>
        %parallel_loop3A_87 = arith.mulf %parallel_loop3A_85, %parallel_loop3A_86 : vector<16xf32>
        %parallel_loop3A_88 = arith.index_cast %parallel_loop3A_65 : i32 to index
        %parallel_loop3A_89 = arith.constant 0 : index
        %parallel_loop3A_90 = tpu.vector_load %arg13[%parallel_loop3A_88, %parallel_loop3A_89] {strides = array<i32>} : memref<256x64xf32, #tpu.memory_space<vmem>>, vector<16xf32>,
        tpu.vector_store %arg13[%parallel_loop3A_88, %parallel_loop3A_89], %parallel_loop3A_87 {strides = array<i32>} : memref<256x64xf32, #tpu.memory_space<vmem>>, vector<16xf32>,
        %parallel_loop3A_91 = arith.index_cast %parallel_loop3A_65 : i32 to index
        %parallel_loop3A_92 = arith.constant 16 : index
        %parallel_loop3A_93 = tpu.vector_load %arg12[%parallel_loop3A_91, %parallel_loop3A_92] {strides = array<i32>} : memref<256x64xf32, #tpu.memory_space<vmem>>, vector<16xf32>,
        %parallel_loop3A_94 = vector.broadcast %parallel_loop3A_75 : f32 to vector<16xf32>
        %parallel_loop3A_95 = arith.mulf %parallel_loop3A_93, %parallel_loop3A_94 : vector<16xf32>
        %parallel_loop3A_96 = arith.index_cast %parallel_loop3A_65 : i32 to index
        %parallel_loop3A_97 = arith.constant 16 : index
        %parallel_loop3A_98 = tpu.vector_load %arg13[%parallel_loop3A_96, %parallel_loop3A_97] {strides = array<i32>} : memref<256x64xf32, #tpu.memory_space<vmem>>, vector<16xf32>,
        tpu.vector_store %arg13[%parallel_loop3A_96, %parallel_loop3A_97], %parallel_loop3A_95 {strides = array<i32>} : memref<256x64xf32, #tpu.memory_space<vmem>>, vector<16xf32>,
        %parallel_loop3A_99 = arith.index_cast %parallel_loop3A_65 : i32 to index
        %parallel_loop3A_100 = arith.constant 32 : index
        %parallel_loop3A_101 = tpu.vector_load %arg12[%parallel_loop3A_99, %parallel_loop3A_100] {strides = array<i32>} : memref<256x64xf32, #tpu.memory_space<vmem>>, vector<16xf32>,
        %parallel_loop3A_102 = vector.broadcast %parallel_loop3A_82 : f32 to vector<16xf32>
        %parallel_loop3A_103 = arith.mulf %parallel_loop3A_101, %parallel_loop3A_102 : vector<16xf32>
        %parallel_loop3A_104 = arith.index_cast %parallel_loop3A_65 : i32 to index
        %parallel_loop3A_105 = arith.constant 32 : index
        %parallel_loop3A_106 = tpu.vector_load %arg13[%parallel_loop3A_104, %parallel_loop3A_105] {strides = array<i32>} : memref<256x64xf32, #tpu.memory_space<vmem>>, vector<16xf32>,
        tpu.vector_store %arg13[%parallel_loop3A_104, %parallel_loop3A_105], %parallel_loop3A_103 {strides = array<i32>} : memref<256x64xf32, #tpu.memory_space<vmem>>, vector<16xf32>,
        %parallel_loop3A_107 = arith.index_cast %parallel_loop3A_65 : i32 to index
        %parallel_loop3A_108 = arith.constant 48 : index
        %parallel_loop3A_109 = tpu.vector_load %arg12[%parallel_loop3A_107, %parallel_loop3A_108] {strides = array<i32>} : memref<256x64xf32, #tpu.memory_space<vmem>>, vector<16xf32>,
        %parallel_loop3A_110 = vector.broadcast %parallel_loop3A_82 : f32 to vector<16xf32>
        %parallel_loop3A_111 = arith.mulf %parallel_loop3A_109, %parallel_loop3A_110 : vector<16xf32>
        %parallel_loop3A_112 = arith.index_cast %parallel_loop3A_65 : i32 to index
        %parallel_loop3A_113 = arith.constant 48 : index
        %parallel_loop3A_114 = tpu.vector_load %arg13[%parallel_loop3A_112, %parallel_loop3A_113] {strides = array<i32>} : memref<256x64xf32, #tpu.memory_space<vmem>>, vector<16xf32>,
        tpu.vector_store %arg13[%parallel_loop3A_112, %parallel_loop3A_113], %parallel_loop3A_111 {strides = array<i32>} : memref<256x64xf32, #tpu.memory_space<vmem>>, vector<16xf32>,
      } {sc.loop_unroll_factor = 4 : i64, sc.parallel_access}
      "tpu.region"() ({
        %run_scoped3A_65 = tpu.sem_alloc : memref<!tpu.dma_semaphore, #tpu.memory_space<semaphore_mem>>
        %dma_start3A = arith.constant 0 : i32
        %dma_start3A_66 = arith.constant 0 : i32
        %dma_start3A_67 = tpu.memref_slice %arg13[%dma_start3A, %dma_start3A_66] : memref<256x64xf32, #tpu.memory_space<vmem>> -> memref<128x64xf32, #tpu.memory_space<vmem>>
        %dma_start3A_68 = arith.constant 0 : i32
        %dma_start3A_69 = tpu.memref_slice %arg8[%arg0, %add3A, %dma_start3A_68] : memref<2x10240x64xf32, #tpu.memory_space<hbm>> -> memref<1x128x64xf32, #tpu.memory_space<hbm>>
        %dma_start3A_70 = tpu.memref_squeeze %dma_start3A_69 : memref<1x128x64xf32, #tpu.memory_space<hbm>> -> memref<128x64xf32, #tpu.memory_space<hbm>>
        %dma_start3A_71 = arith.constant 0 : i32
        %dma_start3A_72 = tpu.memref_slice %arg8[%arg0, %add3A, %dma_start3A_71] : memref<2x10240x64xf32, #tpu.memory_space<hbm>> -> memref<1x128x64xf32, #tpu.memory_space<hbm>>
        %dma_start3A_73 = tpu.memref_squeeze %dma_start3A_72 : memref<1x128x64xf32, #tpu.memory_space<hbm>> -> memref<128x64xf32, #tpu.memory_space<hbm>>
        %dma_start3A_74 = arith.constant 0 : i32
        %dma_start3A_75 = arith.constant 0 : i32
        %dma_start3A_76 = tpu.memref_slice %arg13[%dma_start3A_74, %dma_start3A_75] : memref<256x64xf32, #tpu.memory_space<vmem>> -> memref<128x64xf32, #tpu.memory_space<vmem>>
        tpu.enqueue_dma source(%dma_start3A_76 : memref<128x64xf32, #tpu.memory_space<vmem>>) target(%dma_start3A_73 : memref<128x64xf32, #tpu.memory_space<hbm>>) target_semaphore(%run_scoped3A_65 : memref<!tpu.dma_semaphore, #tpu.memory_space<semaphore_mem>>)
        %dma_wait3A = arith.constant 0 : i32
        %dma_wait3A_77 = arith.constant 0 : i32
        %dma_wait3A_78 = tpu.memref_slice %arg13[%dma_wait3A, %dma_wait3A_77] : memref<256x64xf32, #tpu.memory_space<vmem>> -> memref<128x64xf32, #tpu.memory_space<vmem>>
        %dma_wait3A_79 = arith.constant 0 : i32
        %dma_wait3A_80 = tpu.memref_slice %arg8[%arg0, %add3A, %dma_wait3A_79] : memref<2x10240x64xf32, #tpu.memory_space<hbm>> -> memref<1x128x64xf32, #tpu.memory_space<hbm>>
        %dma_wait3A_81 = tpu.memref_squeeze %dma_wait3A_80 : memref<1x128x64xf32, #tpu.memory_space<hbm>> -> memref<128x64xf32, #tpu.memory_space<hbm>>
        %dma_wait3A_82 = arith.constant 0 : i32
        %dma_wait3A_83 = tpu.memref_slice %arg8[%arg0, %add3A, %dma_wait3A_82] : memref<2x10240x64xf32, #tpu.memory_space<hbm>> -> memref<1x128x64xf32, #tpu.memory_space<hbm>>
        %dma_wait3A_84 = tpu.memref_squeeze %dma_wait3A_83 : memref<1x128x64xf32, #tpu.memory_space<hbm>> -> memref<128x64xf32, #tpu.memory_space<hbm>>
        %dma_wait3A_85 = arith.constant 0 : i32
        %dma_wait3A_86 = arith.constant 0 : i32
        %dma_wait3A_87 = tpu.memref_slice %arg13[%dma_wait3A_85, %dma_wait3A_86] : memref<256x64xf32, #tpu.memory_space<vmem>> -> memref<128x64xf32, #tpu.memory_space<vmem>>
        tpu.wait_dma2 semaphore(%run_scoped3A_65 : memref<!tpu.dma_semaphore, #tpu.memory_space<semaphore_mem>>) src(%dma_wait3A_87 : memref<128x64xf32, #tpu.memory_space<vmem>>) dst(%dma_wait3A_84 : memref<128x64xf32, #tpu.memory_space<hbm>>)
        tpu.yield
      }) : () -> ()
      %scan3A_64 = arith.constant 0 : i32
      scf.yield %scan3A_64 : i32
    }
    %scan3A_49 = arith.constant 5 : i32
    return
  }
}

#map = affine_map<(d0, d1) -> (0)>
#map1 = affine_map<(d0, d1) -> (0, 0)>
#map2 = affine_map<(d0, d1) -> (0, 0, 0)>
module attributes {stable_mosaic.version = 14 : i64} {
  func.func @_conv_sc(%arg0: i32, %arg1: i32, %arg2: memref<163840xi32, #tpu.memory_space<hbm>>, %arg3: memref<163840xi32, #tpu.memory_space<hbm>>, %arg4: memref<163840x16xf32, #tpu.memory_space<hbm>>, %arg5: memref<2x10240x64xf32, #tpu.memory_space<hbm>>, %arg6: memref<2x10240x16xf32, #tpu.memory_space<hbm>>, %arg7: memref<2x10240x16xf32, #tpu.memory_space<hbm>>, %arg8: memref<2x10240x64xf32, #tpu.memory_space<hbm>>, %arg9: memref<256xi32, #tpu.memory_space<vmem>>, %arg10: memref<256xi32, #tpu.memory_space<vmem>>, %arg11: memref<256x16xf32, #tpu.memory_space<vmem>>, %arg12: memref<256x64xf32, #tpu.memory_space<vmem>>, %arg13: memref<256x64xf32, #tpu.memory_space<vmem>>, %arg14: memref<128x16xf32, #tpu.memory_space<vmem>>, %arg15: memref<128x16xf32, #tpu.memory_space<vmem>>, %arg16: memref<10240x64xf32, #tpu.memory_space<vmem_shared>>, %arg17: memref<10240x64xf32, #tpu.memory_space<vmem_shared>>, %arg18: memref<!tpu.dma_semaphore, #tpu.memory_space<semaphore_mem>>) attributes {dimension_semantics = [#tpu.dimension_semantics<core_parallel>, #tpu.dimension_semantics<subcore_parallel>], iteration_bounds = array<i64: 2, 16>, scalar_prefetch = 0 : i64, scratch_operands = 10 : i64, tpu.core_type = #tpu.core_type<sc_vector_subcore>, window_params = [{transform_indices = #map}, {transform_indices = #map}, {transform_indices = #map1}, {transform_indices = #map2}, {transform_indices = #map2}, {transform_indices = #map2}, {transform_indices = #map2}]} {
    %mul3A = arith.constant 640 : i32
    %mul3A_0 = arith.muli %arg1, %mul3A : i32
    %mul3A_1 = arith.constant 10240 : i32
    %mul3A_2 = arith.muli %arg1, %mul3A_1 : i32
    %mul3A_3 = arith.constant 2 : i32
    %mul3A_4 = arith.muli %arg0, %mul3A_3 : i32
    %iota3A = tpu.iota {dimensions = array<i32: 0>} : vector<16xi32>
    %broadcast_in_dim3A = arith.constant 0.000000e+00 : f32
    %broadcast_in_dim3A_5 = vector.broadcast %broadcast_in_dim3A : f32 to vector<16xf32>
    %scan3A = arith.constant 0 : i32
    %scan3A_6 = arith.constant 0 : i32
    %scan3A_7 = arith.constant 128 : i32
    %scan3A_8 = arith.addi %scan3A_6, %scan3A_7 : i32
    %scan3A_9 = arith.constant 1 : i32
    %scan3A_10 = scf.for %scan3A_50 = %scan3A_6 to %scan3A_8 step %scan3A_9 iter_args(%scan3A_51 = %scan3A) -> (i32)  : i32 {
      %swap3A = arith.index_cast %scan3A_50 : i32 to index
      %swap3A_52 = arith.constant 0 : index
      %swap3A_53 = tpu.vector_load %arg12[%swap3A, %swap3A_52] {strides = array<i32>} : memref<256x64xf32, #tpu.memory_space<vmem>>, vector<16xf32>,
      tpu.vector_store %arg12[%swap3A, %swap3A_52], %broadcast_in_dim3A_5 {strides = array<i32>} : memref<256x64xf32, #tpu.memory_space<vmem>>, vector<16xf32>,
      %swap3A_54 = arith.index_cast %scan3A_50 : i32 to index
      %swap3A_55 = arith.constant 16 : index
      %swap3A_56 = tpu.vector_load %arg12[%swap3A_54, %swap3A_55] {strides = array<i32>} : memref<256x64xf32, #tpu.memory_space<vmem>>, vector<16xf32>,
      tpu.vector_store %arg12[%swap3A_54, %swap3A_55], %broadcast_in_dim3A_5 {strides = array<i32>} : memref<256x64xf32, #tpu.memory_space<vmem>>, vector<16xf32>,
      %swap3A_57 = arith.index_cast %scan3A_50 : i32 to index
      %swap3A_58 = arith.constant 32 : index
      %swap3A_59 = tpu.vector_load %arg12[%swap3A_57, %swap3A_58] {strides = array<i32>} : memref<256x64xf32, #tpu.memory_space<vmem>>, vector<16xf32>,
      tpu.vector_store %arg12[%swap3A_57, %swap3A_58], %broadcast_in_dim3A_5 {strides = array<i32>} : memref<256x64xf32, #tpu.memory_space<vmem>>, vector<16xf32>,
      %swap3A_60 = arith.index_cast %scan3A_50 : i32 to index
      %swap3A_61 = arith.constant 48 : index
      %swap3A_62 = tpu.vector_load %arg12[%swap3A_60, %swap3A_61] {strides = array<i32>} : memref<256x64xf32, #tpu.memory_space<vmem>>, vector<16xf32>,
      tpu.vector_store %arg12[%swap3A_60, %swap3A_61], %broadcast_in_dim3A_5 {strides = array<i32>} : memref<256x64xf32, #tpu.memory_space<vmem>>, vector<16xf32>,
      %scan3A_63 = arith.constant 0 : i32
      scf.yield %scan3A_63 : i32
    }
    %scan3A_11 = arith.constant 128 : i32
    %scan3A_12 = arith.constant 0 : i32
    %scan3A_13 = arith.constant 0 : i32
    %scan3A_14 = arith.constant 5 : i32
    %scan3A_15 = arith.addi %scan3A_13, %scan3A_14 : i32
    %scan3A_16 = arith.constant 1 : i32
    %scan3A_17 = scf.for %scan3A_50 = %scan3A_13 to %scan3A_15 step %scan3A_16 iter_args(%scan3A_51 = %scan3A_12) -> (i32)  : i32 {
      %mul3A_52 = arith.constant 128 : i32
      %mul3A_53 = arith.muli %scan3A_50, %mul3A_52 : i32
      %add3A = arith.addi %mul3A_0, %mul3A_53 : i32
      "tpu.region"() ({
        %run_scoped3A = tpu.sem_alloc : memref<!tpu.dma_semaphore, #tpu.memory_space<semaphore_mem>>
        %dma_start3A = arith.constant 0 : i32
        %dma_start3A_55 = arith.constant 0 : i32
        %dma_start3A_56 = tpu.memref_slice %arg12[%dma_start3A, %dma_start3A_55] : memref<256x64xf32, #tpu.memory_space<vmem>> -> memref<128x64xf32, #tpu.memory_space<vmem>>
        %dma_start3A_57 = arith.constant 0 : i32
        %dma_start3A_58 = tpu.memref_slice %arg16[%add3A, %dma_start3A_57] : memref<10240x64xf32, #tpu.memory_space<vmem_shared>> -> memref<128x64xf32, #tpu.memory_space<vmem_shared>>
        %dma_start3A_59 = arith.constant 0 : i32
        %dma_start3A_60 = tpu.memref_slice %arg16[%add3A, %dma_start3A_59] : memref<10240x64xf32, #tpu.memory_space<vmem_shared>> -> memref<128x64xf32, #tpu.memory_space<vmem_shared>>
        %dma_start3A_61 = arith.constant 0 : i32
        %dma_start3A_62 = arith.constant 0 : i32
        %dma_start3A_63 = tpu.memref_slice %arg12[%dma_start3A_61, %dma_start3A_62] : memref<256x64xf32, #tpu.memory_space<vmem>> -> memref<128x64xf32, #tpu.memory_space<vmem>>
        tpu.enqueue_dma source(%dma_start3A_63 : memref<128x64xf32, #tpu.memory_space<vmem>>) target(%dma_start3A_60 : memref<128x64xf32, #tpu.memory_space<vmem_shared>>) target_semaphore(%run_scoped3A : memref<!tpu.dma_semaphore, #tpu.memory_space<semaphore_mem>>)
        %dma_wait3A = arith.constant 0 : i32
        %dma_wait3A_64 = arith.constant 0 : i32
        %dma_wait3A_65 = tpu.memref_slice %arg12[%dma_wait3A, %dma_wait3A_64] : memref<256x64xf32, #tpu.memory_space<vmem>> -> memref<128x64xf32, #tpu.memory_space<vmem>>
        %dma_wait3A_66 = arith.constant 0 : i32
        %dma_wait3A_67 = tpu.memref_slice %arg16[%add3A, %dma_wait3A_66] : memref<10240x64xf32, #tpu.memory_space<vmem_shared>> -> memref<128x64xf32, #tpu.memory_space<vmem_shared>>
        %dma_wait3A_68 = arith.constant 0 : i32
        %dma_wait3A_69 = tpu.memref_slice %arg16[%add3A, %dma_wait3A_68] : memref<10240x64xf32, #tpu.memory_space<vmem_shared>> -> memref<128x64xf32, #tpu.memory_space<vmem_shared>>
        %dma_wait3A_70 = arith.constant 0 : i32
        %dma_wait3A_71 = arith.constant 0 : i32
        %dma_wait3A_72 = tpu.memref_slice %arg12[%dma_wait3A_70, %dma_wait3A_71] : memref<256x64xf32, #tpu.memory_space<vmem>> -> memref<128x64xf32, #tpu.memory_space<vmem>>
        tpu.wait_dma2 semaphore(%run_scoped3A : memref<!tpu.dma_semaphore, #tpu.memory_space<semaphore_mem>>) src(%dma_wait3A_72 : memref<128x64xf32, #tpu.memory_space<vmem>>) dst(%dma_wait3A_69 : memref<128x64xf32, #tpu.memory_space<vmem_shared>>)
        tpu.yield
      }) : () -> ()
      "tpu.region"() ({
        %run_scoped3A = tpu.sem_alloc : memref<!tpu.dma_semaphore, #tpu.memory_space<semaphore_mem>>
        %dma_start3A = arith.constant 0 : i32
        %dma_start3A_55 = arith.constant 0 : i32
        %dma_start3A_56 = tpu.memref_slice %arg12[%dma_start3A, %dma_start3A_55] : memref<256x64xf32, #tpu.memory_space<vmem>> -> memref<128x64xf32, #tpu.memory_space<vmem>>
        %dma_start3A_57 = arith.constant 0 : i32
        %dma_start3A_58 = tpu.memref_slice %arg17[%add3A, %dma_start3A_57] : memref<10240x64xf32, #tpu.memory_space<vmem_shared>> -> memref<128x64xf32, #tpu.memory_space<vmem_shared>>
        %dma_start3A_59 = arith.constant 0 : i32
        %dma_start3A_60 = tpu.memref_slice %arg17[%add3A, %dma_start3A_59] : memref<10240x64xf32, #tpu.memory_space<vmem_shared>> -> memref<128x64xf32, #tpu.memory_space<vmem_shared>>
        %dma_start3A_61 = arith.constant 0 : i32
        %dma_start3A_62 = arith.constant 0 : i32
        %dma_start3A_63 = tpu.memref_slice %arg12[%dma_start3A_61, %dma_start3A_62] : memref<256x64xf32, #tpu.memory_space<vmem>> -> memref<128x64xf32, #tpu.memory_space<vmem>>
        tpu.enqueue_dma source(%dma_start3A_63 : memref<128x64xf32, #tpu.memory_space<vmem>>) target(%dma_start3A_60 : memref<128x64xf32, #tpu.memory_space<vmem_shared>>) target_semaphore(%run_scoped3A : memref<!tpu.dma_semaphore, #tpu.memory_space<semaphore_mem>>)
        %dma_wait3A = arith.constant 0 : i32
        %dma_wait3A_64 = arith.constant 0 : i32
        %dma_wait3A_65 = tpu.memref_slice %arg12[%dma_wait3A, %dma_wait3A_64] : memref<256x64xf32, #tpu.memory_space<vmem>> -> memref<128x64xf32, #tpu.memory_space<vmem>>
        %dma_wait3A_66 = arith.constant 0 : i32
        %dma_wait3A_67 = tpu.memref_slice %arg17[%add3A, %dma_wait3A_66] : memref<10240x64xf32, #tpu.memory_space<vmem_shared>> -> memref<128x64xf32, #tpu.memory_space<vmem_shared>>
        %dma_wait3A_68 = arith.constant 0 : i32
        %dma_wait3A_69 = tpu.memref_slice %arg17[%add3A, %dma_wait3A_68] : memref<10240x64xf32, #tpu.memory_space<vmem_shared>> -> memref<128x64xf32, #tpu.memory_space<vmem_shared>>
        %dma_wait3A_70 = arith.constant 0 : i32
        %dma_wait3A_71 = arith.constant 0 : i32
        %dma_wait3A_72 = tpu.memref_slice %arg12[%dma_wait3A_70, %dma_wait3A_71] : memref<256x64xf32, #tpu.memory_space<vmem>> -> memref<128x64xf32, #tpu.memory_space<vmem>>
        tpu.wait_dma2 semaphore(%run_scoped3A : memref<!tpu.dma_semaphore, #tpu.memory_space<semaphore_mem>>) src(%dma_wait3A_72 : memref<128x64xf32, #tpu.memory_space<vmem>>) dst(%dma_wait3A_69 : memref<128x64xf32, #tpu.memory_space<vmem_shared>>)
        tpu.yield
      }) : () -> ()
      %scan3A_54 = arith.constant 0 : i32
      scf.yield %scan3A_54 : i32
    }
    %scan3A_18 = arith.constant 5 : i32
    %barrier3A = arith.constant 0 : index
    tpu.barrier barrier_id(%barrier3A)
    %scan3A_19 = arith.constant 0 : i32
    %scan3A_20 = arith.constant 0 : i32
    %scan3A_21 = arith.constant 40 : i32
    %scan3A_22 = arith.addi %scan3A_20, %scan3A_21 : i32
    %scan3A_23 = arith.constant 1 : i32
    %scan3A_24 = scf.for %scan3A_50 = %scan3A_20 to %scan3A_22 step %scan3A_23 iter_args(%scan3A_51 = %scan3A_19) -> (i32)  : i32 {
      %mul3A_52 = arith.constant 256 : i32
      %mul3A_53 = arith.muli %scan3A_50, %mul3A_52 : i32
      %add3A = arith.addi %mul3A_2, %mul3A_53 : i32
      "tpu.region"() ({
        %run_scoped3A = tpu.sem_alloc : memref<!tpu.dma_semaphore, #tpu.memory_space<semaphore_mem>>
        %dma_start3A_69 = tpu.memref_slice %arg2[%add3A] : memref<163840xi32, #tpu.memory_space<hbm>> -> memref<256xi32, #tpu.memory_space<hbm>>
        %dma_start3A_70 = tpu.memref_slice %arg2[%add3A] : memref<163840xi32, #tpu.memory_space<hbm>> -> memref<256xi32, #tpu.memory_space<hbm>>
        tpu.enqueue_dma source(%dma_start3A_70 : memref<256xi32, #tpu.memory_space<hbm>>) target(%arg9 : memref<256xi32, #tpu.memory_space<vmem>>) target_semaphore(%run_scoped3A : memref<!tpu.dma_semaphore, #tpu.memory_space<semaphore_mem>>)
        %dma_wait3A_71 = tpu.memref_slice %arg2[%add3A] : memref<163840xi32, #tpu.memory_space<hbm>> -> memref<256xi32, #tpu.memory_space<hbm>>
        %dma_wait3A_72 = tpu.memref_slice %arg2[%add3A] : memref<163840xi32, #tpu.memory_space<hbm>> -> memref<256xi32, #tpu.memory_space<hbm>>
        tpu.wait_dma2 semaphore(%run_scoped3A : memref<!tpu.dma_semaphore, #tpu.memory_space<semaphore_mem>>) src(%dma_wait3A_72 : memref<256xi32, #tpu.memory_space<hbm>>) dst(%arg9 : memref<256xi32, #tpu.memory_space<vmem>>)
        tpu.yield
      }) : () -> ()
      "tpu.region"() ({
        %run_scoped3A = tpu.sem_alloc : memref<!tpu.dma_semaphore, #tpu.memory_space<semaphore_mem>>
        %dma_start3A_69 = tpu.memref_slice %arg3[%add3A] : memref<163840xi32, #tpu.memory_space<hbm>> -> memref<256xi32, #tpu.memory_space<hbm>>
        %dma_start3A_70 = tpu.memref_slice %arg3[%add3A] : memref<163840xi32, #tpu.memory_space<hbm>> -> memref<256xi32, #tpu.memory_space<hbm>>
        tpu.enqueue_dma source(%dma_start3A_70 : memref<256xi32, #tpu.memory_space<hbm>>) target(%arg10 : memref<256xi32, #tpu.memory_space<vmem>>) target_semaphore(%run_scoped3A : memref<!tpu.dma_semaphore, #tpu.memory_space<semaphore_mem>>)
        %dma_wait3A_71 = tpu.memref_slice %arg3[%add3A] : memref<163840xi32, #tpu.memory_space<hbm>> -> memref<256xi32, #tpu.memory_space<hbm>>
        %dma_wait3A_72 = tpu.memref_slice %arg3[%add3A] : memref<163840xi32, #tpu.memory_space<hbm>> -> memref<256xi32, #tpu.memory_space<hbm>>
        tpu.wait_dma2 semaphore(%run_scoped3A : memref<!tpu.dma_semaphore, #tpu.memory_space<semaphore_mem>>) src(%dma_wait3A_72 : memref<256xi32, #tpu.memory_space<hbm>>) dst(%arg10 : memref<256xi32, #tpu.memory_space<vmem>>)
        tpu.yield
      }) : () -> ()
      "tpu.region"() ({
        %run_scoped3A = tpu.sem_alloc : memref<!tpu.dma_semaphore, #tpu.memory_space<semaphore_mem>>
        %dma_start3A_69 = arith.constant 0 : i32
        %dma_start3A_70 = tpu.memref_slice %arg4[%add3A, %dma_start3A_69] : memref<163840x16xf32, #tpu.memory_space<hbm>> -> memref<256x16xf32, #tpu.memory_space<hbm>>
        %dma_start3A_71 = arith.constant 0 : i32
        %dma_start3A_72 = tpu.memref_slice %arg4[%add3A, %dma_start3A_71] : memref<163840x16xf32, #tpu.memory_space<hbm>> -> memref<256x16xf32, #tpu.memory_space<hbm>>
        tpu.enqueue_dma source(%dma_start3A_72 : memref<256x16xf32, #tpu.memory_space<hbm>>) target(%arg11 : memref<256x16xf32, #tpu.memory_space<vmem>>) target_semaphore(%run_scoped3A : memref<!tpu.dma_semaphore, #tpu.memory_space<semaphore_mem>>)
        %dma_wait3A_73 = arith.constant 0 : i32
        %dma_wait3A_74 = tpu.memref_slice %arg4[%add3A, %dma_wait3A_73] : memref<163840x16xf32, #tpu.memory_space<hbm>> -> memref<256x16xf32, #tpu.memory_space<hbm>>
        %dma_wait3A_75 = arith.constant 0 : i32
        %dma_wait3A_76 = tpu.memref_slice %arg4[%add3A, %dma_wait3A_75] : memref<163840x16xf32, #tpu.memory_space<hbm>> -> memref<256x16xf32, #tpu.memory_space<hbm>>
        tpu.wait_dma2 semaphore(%run_scoped3A : memref<!tpu.dma_semaphore, #tpu.memory_space<semaphore_mem>>) src(%dma_wait3A_76 : memref<256x16xf32, #tpu.memory_space<hbm>>) dst(%arg11 : memref<256x16xf32, #tpu.memory_space<vmem>>)
        tpu.yield
      }) : () -> ()
      %dma_start3A = arith.constant 0 : i32
      %dma_start3A_54 = arith.constant 0 : i32
      %dma_start3A_55 = tpu.memref_slice %arg5[%arg0, %dma_start3A, %dma_start3A_54] : memref<2x10240x64xf32, #tpu.memory_space<hbm>> -> memref<1x10240x64xf32, #tpu.memory_space<hbm>>
      %dma_start3A_56 = tpu.memref_squeeze %dma_start3A_55 : memref<1x10240x64xf32, #tpu.memory_space<hbm>> -> memref<10240x64xf32, #tpu.memory_space<hbm>>
      %dma_start3A_57 = arith.constant 0 : i32
      %dma_start3A_58 = arith.constant 0 : i32
      %dma_start3A_59 = tpu.memref_slice %dma_start3A_56[%dma_start3A_57, %dma_start3A_58] : memref<10240x64xf32, #tpu.memory_space<hbm>> -> memref<10240x64xf32, #tpu.memory_space<hbm>>
      tpu.enqueue_indirect_dma source(%dma_start3A_59 : memref<10240x64xf32, #tpu.memory_space<hbm>>) target(%arg12 : memref<256x64xf32, #tpu.memory_space<vmem>>) offsets(%arg9 : memref<256xi32, #tpu.memory_space<vmem>>) semaphore(%arg18 : memref<!tpu.dma_semaphore, #tpu.memory_space<semaphore_mem>>)
      %dma_wait3A = arith.constant 0 : i32
      %dma_wait3A_60 = arith.constant 0 : i32
      %dma_wait3A_61 = tpu.memref_slice %arg5[%arg0, %dma_wait3A, %dma_wait3A_60] : memref<2x10240x64xf32, #tpu.memory_space<hbm>> -> memref<1x10240x64xf32, #tpu.memory_space<hbm>>
      %dma_wait3A_62 = tpu.memref_squeeze %dma_wait3A_61 : memref<1x10240x64xf32, #tpu.memory_space<hbm>> -> memref<10240x64xf32, #tpu.memory_space<hbm>>
      %dma_wait3A_63 = arith.constant 0 : i32
      %dma_wait3A_64 = arith.constant 0 : i32
      %dma_wait3A_65 = tpu.memref_slice %dma_wait3A_62[%dma_wait3A_63, %dma_wait3A_64] : memref<10240x64xf32, #tpu.memory_space<hbm>> -> memref<10240x64xf32, #tpu.memory_space<hbm>>
      tpu.wait_indirect_dma semaphore(%arg18 : memref<!tpu.dma_semaphore, #tpu.memory_space<semaphore_mem>>) src(%dma_wait3A_65 : memref<10240x64xf32, #tpu.memory_space<hbm>>) dst(%arg12 : memref<256x64xf32, #tpu.memory_space<vmem>>)
      %parallel_loop3A = arith.constant 0 : i32
      %parallel_loop3A_66 = arith.constant 256 : i32
      %parallel_loop3A_67 = arith.constant 1 : i32
      scf.for %parallel_loop3A_69 = %parallel_loop3A to %parallel_loop3A_66 step %parallel_loop3A_67  : i32 {
        %parallel_loop3A_70 = arith.index_cast %parallel_loop3A_69 : i32 to index
        %parallel_loop3A_71 = arith.constant 0 : index
        %parallel_loop3A_72 = tpu.vector_load %arg11[%parallel_loop3A_70, %parallel_loop3A_71] {strides = array<i32>} : memref<256x16xf32, #tpu.memory_space<vmem>>, vector<16xf32>,
        %parallel_loop3A_73 = arith.constant 0 : i32
        %parallel_loop3A_74 = arith.cmpi eq, %arg0, %parallel_loop3A_73 : i32
        %parallel_loop3A_75 = vector.extract_strided_slice %parallel_loop3A_72 {offsets = [0], sizes = [1], strides = [1]} : vector<16xf32> to vector<1xf32>
        %parallel_loop3A_76 = vector.extract %parallel_loop3A_75[0] : f32 from vector<1xf32>
        %parallel_loop3A_77 = vector.extract_strided_slice %parallel_loop3A_72 {offsets = [2], sizes = [1], strides = [1]} : vector<16xf32> to vector<1xf32>
        %parallel_loop3A_78 = vector.extract %parallel_loop3A_77[0] : f32 from vector<1xf32>
        %parallel_loop3A_79 = arith.select %parallel_loop3A_74, %parallel_loop3A_76, %parallel_loop3A_78 : f32
        %parallel_loop3A_80 = arith.constant 0 : i32
        %parallel_loop3A_81 = arith.cmpi eq, %arg0, %parallel_loop3A_80 : i32
        %parallel_loop3A_82 = vector.extract_strided_slice %parallel_loop3A_72 {offsets = [1], sizes = [1], strides = [1]} : vector<16xf32> to vector<1xf32>
        %parallel_loop3A_83 = vector.extract %parallel_loop3A_82[0] : f32 from vector<1xf32>
        %parallel_loop3A_84 = vector.extract_strided_slice %parallel_loop3A_72 {offsets = [3], sizes = [1], strides = [1]} : vector<16xf32> to vector<1xf32>
        %parallel_loop3A_85 = vector.extract %parallel_loop3A_84[0] : f32 from vector<1xf32>
        %parallel_loop3A_86 = arith.select %parallel_loop3A_81, %parallel_loop3A_83, %parallel_loop3A_85 : f32
        %parallel_loop3A_87 = arith.index_cast %parallel_loop3A_69 : i32 to index
        %parallel_loop3A_88 = arith.constant 0 : index
        %parallel_loop3A_89 = tpu.vector_load %arg12[%parallel_loop3A_87, %parallel_loop3A_88] {strides = array<i32>} : memref<256x64xf32, #tpu.memory_space<vmem>>, vector<16xf32>,
        %parallel_loop3A_90 = vector.broadcast %parallel_loop3A_79 : f32 to vector<16xf32>
        %parallel_loop3A_91 = arith.mulf %parallel_loop3A_89, %parallel_loop3A_90 : vector<16xf32>
        %parallel_loop3A_92 = arith.index_cast %parallel_loop3A_69 : i32 to index
        %parallel_loop3A_93 = arith.constant 0 : index
        %parallel_loop3A_94 = tpu.vector_load %arg13[%parallel_loop3A_92, %parallel_loop3A_93] {strides = array<i32>} : memref<256x64xf32, #tpu.memory_space<vmem>>, vector<16xf32>,
        tpu.vector_store %arg13[%parallel_loop3A_92, %parallel_loop3A_93], %parallel_loop3A_91 {strides = array<i32>} : memref<256x64xf32, #tpu.memory_space<vmem>>, vector<16xf32>,
        %parallel_loop3A_95 = arith.index_cast %parallel_loop3A_69 : i32 to index
        %parallel_loop3A_96 = arith.constant 16 : index
        %parallel_loop3A_97 = tpu.vector_load %arg12[%parallel_loop3A_95, %parallel_loop3A_96] {strides = array<i32>} : memref<256x64xf32, #tpu.memory_space<vmem>>, vector<16xf32>,
        %parallel_loop3A_98 = vector.broadcast %parallel_loop3A_79 : f32 to vector<16xf32>
        %parallel_loop3A_99 = arith.mulf %parallel_loop3A_97, %parallel_loop3A_98 : vector<16xf32>
        %parallel_loop3A_100 = arith.index_cast %parallel_loop3A_69 : i32 to index
        %parallel_loop3A_101 = arith.constant 16 : index
        %parallel_loop3A_102 = tpu.vector_load %arg13[%parallel_loop3A_100, %parallel_loop3A_101] {strides = array<i32>} : memref<256x64xf32, #tpu.memory_space<vmem>>, vector<16xf32>,
        tpu.vector_store %arg13[%parallel_loop3A_100, %parallel_loop3A_101], %parallel_loop3A_99 {strides = array<i32>} : memref<256x64xf32, #tpu.memory_space<vmem>>, vector<16xf32>,
        %parallel_loop3A_103 = arith.index_cast %parallel_loop3A_69 : i32 to index
        %parallel_loop3A_104 = arith.constant 32 : index
        %parallel_loop3A_105 = tpu.vector_load %arg12[%parallel_loop3A_103, %parallel_loop3A_104] {strides = array<i32>} : memref<256x64xf32, #tpu.memory_space<vmem>>, vector<16xf32>,
        %parallel_loop3A_106 = vector.broadcast %parallel_loop3A_86 : f32 to vector<16xf32>
        %parallel_loop3A_107 = arith.mulf %parallel_loop3A_105, %parallel_loop3A_106 : vector<16xf32>
        %parallel_loop3A_108 = arith.index_cast %parallel_loop3A_69 : i32 to index
        %parallel_loop3A_109 = arith.constant 32 : index
        %parallel_loop3A_110 = tpu.vector_load %arg13[%parallel_loop3A_108, %parallel_loop3A_109] {strides = array<i32>} : memref<256x64xf32, #tpu.memory_space<vmem>>, vector<16xf32>,
        tpu.vector_store %arg13[%parallel_loop3A_108, %parallel_loop3A_109], %parallel_loop3A_107 {strides = array<i32>} : memref<256x64xf32, #tpu.memory_space<vmem>>, vector<16xf32>,
        %parallel_loop3A_111 = arith.index_cast %parallel_loop3A_69 : i32 to index
        %parallel_loop3A_112 = arith.constant 48 : index
        %parallel_loop3A_113 = tpu.vector_load %arg12[%parallel_loop3A_111, %parallel_loop3A_112] {strides = array<i32>} : memref<256x64xf32, #tpu.memory_space<vmem>>, vector<16xf32>,
        %parallel_loop3A_114 = vector.broadcast %parallel_loop3A_86 : f32 to vector<16xf32>
        %parallel_loop3A_115 = arith.mulf %parallel_loop3A_113, %parallel_loop3A_114 : vector<16xf32>
        %parallel_loop3A_116 = arith.index_cast %parallel_loop3A_69 : i32 to index
        %parallel_loop3A_117 = arith.constant 48 : index
        %parallel_loop3A_118 = tpu.vector_load %arg13[%parallel_loop3A_116, %parallel_loop3A_117] {strides = array<i32>} : memref<256x64xf32, #tpu.memory_space<vmem>>, vector<16xf32>,
        tpu.vector_store %arg13[%parallel_loop3A_116, %parallel_loop3A_117], %parallel_loop3A_115 {strides = array<i32>} : memref<256x64xf32, #tpu.memory_space<vmem>>, vector<16xf32>,
      } {sc.loop_unroll_factor = 4 : i64, sc.parallel_access}
      "tpu.region"() ({
        %run_scoped3A = tpu.sem_alloc : memref<!tpu.dma_semaphore, #tpu.memory_space<semaphore_mem>>
        %dma_start3A_69 = arith.constant 0 : i32
        %dma_start3A_70 = arith.constant 0 : i32
        %dma_start3A_71 = tpu.memref_slice %arg16[%dma_start3A_69, %dma_start3A_70] : memref<10240x64xf32, #tpu.memory_space<vmem_shared>> -> memref<10240x64xf32, #tpu.memory_space<vmem_shared>>
        tpu.enqueue_indirect_dma source(%arg13 : memref<256x64xf32, #tpu.memory_space<vmem>>) target(%dma_start3A_71 : memref<10240x64xf32, #tpu.memory_space<vmem_shared>>) offsets(%arg10 : memref<256xi32, #tpu.memory_space<vmem>>) semaphore(%run_scoped3A : memref<!tpu.dma_semaphore, #tpu.memory_space<semaphore_mem>>) {add = true}
        %dma_wait3A_72 = arith.constant 0 : i32
        %dma_wait3A_73 = arith.constant 0 : i32
        %dma_wait3A_74 = tpu.memref_slice %arg16[%dma_wait3A_72, %dma_wait3A_73] : memref<10240x64xf32, #tpu.memory_space<vmem_shared>> -> memref<10240x64xf32, #tpu.memory_space<vmem_shared>>
        tpu.wait_indirect_dma semaphore(%run_scoped3A : memref<!tpu.dma_semaphore, #tpu.memory_space<semaphore_mem>>) src(%arg13 : memref<256x64xf32, #tpu.memory_space<vmem>>) dst(%dma_wait3A_74 : memref<10240x64xf32, #tpu.memory_space<vmem_shared>>)
        tpu.yield
      }) : () -> ()
      %scan3A_68 = arith.constant 0 : i32
      scf.yield %scan3A_68 : i32
    }
    %scan3A_25 = arith.constant 40 : i32
    %barrier3A_26 = arith.constant 0 : index
    tpu.barrier barrier_id(%barrier3A_26)
    %scan3A_27 = arith.constant 0 : i32
    %scan3A_28 = arith.constant 0 : i32
    %scan3A_29 = arith.constant 5 : i32
    %scan3A_30 = arith.addi %scan3A_28, %scan3A_29 : i32
    %scan3A_31 = arith.constant 1 : i32
    %scan3A_32 = scf.for %scan3A_50 = %scan3A_28 to %scan3A_30 step %scan3A_31 iter_args(%scan3A_51 = %scan3A_27) -> (i32)  : i32 {
      %mul3A_52 = arith.constant 128 : i32
      %mul3A_53 = arith.muli %scan3A_50, %mul3A_52 : i32
      %add3A = arith.addi %mul3A_0, %mul3A_53 : i32
      "tpu.region"() ({
        %run_scoped3A_65 = tpu.sem_alloc : memref<!tpu.dma_semaphore, #tpu.memory_space<semaphore_mem>>
        %dma_start3A = arith.constant 0 : i32
        %dma_start3A_66 = arith.constant 0 : i32
        %dma_start3A_67 = tpu.memref_slice %arg12[%dma_start3A, %dma_start3A_66] : memref<256x64xf32, #tpu.memory_space<vmem>> -> memref<128x64xf32, #tpu.memory_space<vmem>>
        %dma_start3A_68 = arith.constant 0 : i32
        %dma_start3A_69 = tpu.memref_slice %arg16[%add3A, %dma_start3A_68] : memref<10240x64xf32, #tpu.memory_space<vmem_shared>> -> memref<128x64xf32, #tpu.memory_space<vmem_shared>>
        %dma_start3A_70 = arith.constant 0 : i32
        %dma_start3A_71 = arith.constant 0 : i32
        %dma_start3A_72 = tpu.memref_slice %arg12[%dma_start3A_70, %dma_start3A_71] : memref<256x64xf32, #tpu.memory_space<vmem>> -> memref<128x64xf32, #tpu.memory_space<vmem>>
        %dma_start3A_73 = arith.constant 0 : i32
        %dma_start3A_74 = tpu.memref_slice %arg16[%add3A, %dma_start3A_73] : memref<10240x64xf32, #tpu.memory_space<vmem_shared>> -> memref<128x64xf32, #tpu.memory_space<vmem_shared>>
        tpu.enqueue_dma source(%dma_start3A_74 : memref<128x64xf32, #tpu.memory_space<vmem_shared>>) target(%dma_start3A_72 : memref<128x64xf32, #tpu.memory_space<vmem>>) target_semaphore(%run_scoped3A_65 : memref<!tpu.dma_semaphore, #tpu.memory_space<semaphore_mem>>)
        %dma_wait3A = arith.constant 0 : i32
        %dma_wait3A_75 = arith.constant 0 : i32
        %dma_wait3A_76 = tpu.memref_slice %arg12[%dma_wait3A, %dma_wait3A_75] : memref<256x64xf32, #tpu.memory_space<vmem>> -> memref<128x64xf32, #tpu.memory_space<vmem>>
        %dma_wait3A_77 = arith.constant 0 : i32
        %dma_wait3A_78 = tpu.memref_slice %arg16[%add3A, %dma_wait3A_77] : memref<10240x64xf32, #tpu.memory_space<vmem_shared>> -> memref<128x64xf32, #tpu.memory_space<vmem_shared>>
        %dma_wait3A_79 = arith.constant 0 : i32
        %dma_wait3A_80 = arith.constant 0 : i32
        %dma_wait3A_81 = tpu.memref_slice %arg12[%dma_wait3A_79, %dma_wait3A_80] : memref<256x64xf32, #tpu.memory_space<vmem>> -> memref<128x64xf32, #tpu.memory_space<vmem>>
        %dma_wait3A_82 = arith.constant 0 : i32
        %dma_wait3A_83 = tpu.memref_slice %arg16[%add3A, %dma_wait3A_82] : memref<10240x64xf32, #tpu.memory_space<vmem_shared>> -> memref<128x64xf32, #tpu.memory_space<vmem_shared>>
        tpu.wait_dma2 semaphore(%run_scoped3A_65 : memref<!tpu.dma_semaphore, #tpu.memory_space<semaphore_mem>>) src(%dma_wait3A_83 : memref<128x64xf32, #tpu.memory_space<vmem_shared>>) dst(%dma_wait3A_81 : memref<128x64xf32, #tpu.memory_space<vmem>>)
        tpu.yield
      }) : () -> ()
      %run_scoped3A = arith.constant 0 : i32
      "tpu.region"() ({
        %run_scoped3A_65 = tpu.sem_alloc : memref<!tpu.dma_semaphore, #tpu.memory_space<semaphore_mem>>
        %dma_start3A = arith.constant 0 : i32
        %dma_start3A_66 = tpu.memref_slice %arg7[%run_scoped3A, %add3A, %dma_start3A] : memref<2x10240x16xf32, #tpu.memory_space<hbm>> -> memref<1x128x16xf32, #tpu.memory_space<hbm>>
        %dma_start3A_67 = tpu.memref_squeeze %dma_start3A_66 : memref<1x128x16xf32, #tpu.memory_space<hbm>> -> memref<128x16xf32, #tpu.memory_space<hbm>>
        %dma_start3A_68 = arith.constant 0 : i32
        %dma_start3A_69 = tpu.memref_slice %arg7[%run_scoped3A, %add3A, %dma_start3A_68] : memref<2x10240x16xf32, #tpu.memory_space<hbm>> -> memref<1x128x16xf32, #tpu.memory_space<hbm>>
        %dma_start3A_70 = tpu.memref_squeeze %dma_start3A_69 : memref<1x128x16xf32, #tpu.memory_space<hbm>> -> memref<128x16xf32, #tpu.memory_space<hbm>>
        tpu.enqueue_dma source(%dma_start3A_70 : memref<128x16xf32, #tpu.memory_space<hbm>>) target(%arg14 : memref<128x16xf32, #tpu.memory_space<vmem>>) target_semaphore(%run_scoped3A_65 : memref<!tpu.dma_semaphore, #tpu.memory_space<semaphore_mem>>)
        %dma_wait3A = arith.constant 0 : i32
        %dma_wait3A_71 = tpu.memref_slice %arg7[%run_scoped3A, %add3A, %dma_wait3A] : memref<2x10240x16xf32, #tpu.memory_space<hbm>> -> memref<1x128x16xf32, #tpu.memory_space<hbm>>
        %dma_wait3A_72 = tpu.memref_squeeze %dma_wait3A_71 : memref<1x128x16xf32, #tpu.memory_space<hbm>> -> memref<128x16xf32, #tpu.memory_space<hbm>>
        %dma_wait3A_73 = arith.constant 0 : i32
        %dma_wait3A_74 = tpu.memref_slice %arg7[%run_scoped3A, %add3A, %dma_wait3A_73] : memref<2x10240x16xf32, #tpu.memory_space<hbm>> -> memref<1x128x16xf32, #tpu.memory_space<hbm>>
        %dma_wait3A_75 = tpu.memref_squeeze %dma_wait3A_74 : memref<1x128x16xf32, #tpu.memory_space<hbm>> -> memref<128x16xf32, #tpu.memory_space<hbm>>
        tpu.wait_dma2 semaphore(%run_scoped3A_65 : memref<!tpu.dma_semaphore, #tpu.memory_space<semaphore_mem>>) src(%dma_wait3A_75 : memref<128x16xf32, #tpu.memory_space<hbm>>) dst(%arg14 : memref<128x16xf32, #tpu.memory_space<vmem>>)
        tpu.yield
      }) : () -> ()
      %run_scoped3A_54 = arith.constant 1 : i32
      "tpu.region"() ({
        %run_scoped3A_65 = tpu.sem_alloc : memref<!tpu.dma_semaphore, #tpu.memory_space<semaphore_mem>>
        %dma_start3A = arith.constant 0 : i32
        %dma_start3A_66 = tpu.memref_slice %arg7[%run_scoped3A_54, %add3A, %dma_start3A] : memref<2x10240x16xf32, #tpu.memory_space<hbm>> -> memref<1x128x16xf32, #tpu.memory_space<hbm>>
        %dma_start3A_67 = tpu.memref_squeeze %dma_start3A_66 : memref<1x128x16xf32, #tpu.memory_space<hbm>> -> memref<128x16xf32, #tpu.memory_space<hbm>>
        %dma_start3A_68 = arith.constant 0 : i32
        %dma_start3A_69 = tpu.memref_slice %arg7[%run_scoped3A_54, %add3A, %dma_start3A_68] : memref<2x10240x16xf32, #tpu.memory_space<hbm>> -> memref<1x128x16xf32, #tpu.memory_space<hbm>>
        %dma_start3A_70 = tpu.memref_squeeze %dma_start3A_69 : memref<1x128x16xf32, #tpu.memory_space<hbm>> -> memref<128x16xf32, #tpu.memory_space<hbm>>
        tpu.enqueue_dma source(%dma_start3A_70 : memref<128x16xf32, #tpu.memory_space<hbm>>) target(%arg15 : memref<128x16xf32, #tpu.memory_space<vmem>>) target_semaphore(%run_scoped3A_65 : memref<!tpu.dma_semaphore, #tpu.memory_space<semaphore_mem>>)
        %dma_wait3A = arith.constant 0 : i32
        %dma_wait3A_71 = tpu.memref_slice %arg7[%run_scoped3A_54, %add3A, %dma_wait3A] : memref<2x10240x16xf32, #tpu.memory_space<hbm>> -> memref<1x128x16xf32, #tpu.memory_space<hbm>>
        %dma_wait3A_72 = tpu.memref_squeeze %dma_wait3A_71 : memref<1x128x16xf32, #tpu.memory_space<hbm>> -> memref<128x16xf32, #tpu.memory_space<hbm>>
        %dma_wait3A_73 = arith.constant 0 : i32
        %dma_wait3A_74 = tpu.memref_slice %arg7[%run_scoped3A_54, %add3A, %dma_wait3A_73] : memref<2x10240x16xf32, #tpu.memory_space<hbm>> -> memref<1x128x16xf32, #tpu.memory_space<hbm>>
        %dma_wait3A_75 = tpu.memref_squeeze %dma_wait3A_74 : memref<1x128x16xf32, #tpu.memory_space<hbm>> -> memref<128x16xf32, #tpu.memory_space<hbm>>
        tpu.wait_dma2 semaphore(%run_scoped3A_65 : memref<!tpu.dma_semaphore, #tpu.memory_space<semaphore_mem>>) src(%dma_wait3A_75 : memref<128x16xf32, #tpu.memory_space<hbm>>) dst(%arg15 : memref<128x16xf32, #tpu.memory_space<vmem>>)
        tpu.yield
      }) : () -> ()
      %scan3A_55 = arith.constant 0 : i32
      %scan3A_56 = arith.constant 0 : i32
      %scan3A_57 = arith.constant 128 : i32
      %scan3A_58 = arith.addi %scan3A_56, %scan3A_57 : i32
      %scan3A_59 = arith.constant 1 : i32
      %scan3A_60 = scf.for %scan3A_65 = %scan3A_56 to %scan3A_58 step %scan3A_59 iter_args(%scan3A_66 = %scan3A_55) -> (i32)  : i32 {
        %get3A = arith.index_cast %scan3A_65 : i32 to index
        %get3A_67 = arith.constant 0 : index
        %get3A_68 = tpu.vector_load %arg14[%get3A, %get3A_67] {strides = array<i32>} : memref<128x16xf32, #tpu.memory_space<vmem>>, vector<16xf32>,
        %get3A_69 = arith.index_cast %scan3A_65 : i32 to index
        %get3A_70 = arith.constant 0 : index
        %get3A_71 = tpu.vector_load %arg15[%get3A_69, %get3A_70] {strides = array<i32>} : memref<128x16xf32, #tpu.memory_space<vmem>>, vector<16xf32>,
        %add3A_72 = arith.addf %get3A_68, %get3A_71 : vector<16xf32>
        %gt3A = arith.constant 0.000000e+00 : f32
        %gt3A_73 = vector.broadcast %gt3A : f32 to vector<16xf32>
        %gt3A_74 = arith.cmpf ogt, %add3A_72, %gt3A_73 : vector<16xf32>
        %div3A = arith.constant 1.000000e+00 : f32
        %div3A_75 = vector.broadcast %div3A : f32 to vector<16xf32>
        %div3A_76 = arith.divf %div3A_75, %add3A_72 : vector<16xf32>
        %jit3A = arith.constant 0.000000e+00 : f32
        %broadcast_in_dim3A_77 = vector.broadcast %jit3A : f32 to vector<16xf32>
        %select_n3A = arith.select %gt3A_74, %div3A_76, %broadcast_in_dim3A_77 : vector<16xi1>, vector<16xf32>
        %swap3A = arith.index_cast %scan3A_65 : i32 to index
        %swap3A_78 = arith.constant 0 : index
        %swap3A_79 = tpu.vector_load %arg14[%swap3A, %swap3A_78] {strides = array<i32>} : memref<128x16xf32, #tpu.memory_space<vmem>>, vector<16xf32>,
        tpu.vector_store %arg14[%swap3A, %swap3A_78], %select_n3A {strides = array<i32>} : memref<128x16xf32, #tpu.memory_space<vmem>>, vector<16xf32>,
        %scan3A_80 = arith.constant 0 : i32
        scf.yield %scan3A_80 : i32
      }
      %scan3A_61 = arith.constant 128 : i32
      %parallel_loop3A = arith.constant 0 : i32
      %parallel_loop3A_62 = arith.constant 128 : i32
      %parallel_loop3A_63 = arith.constant 1 : i32
      scf.for %parallel_loop3A_65 = %parallel_loop3A to %parallel_loop3A_62 step %parallel_loop3A_63  : i32 {
        %parallel_loop3A_66 = arith.index_cast %parallel_loop3A_65 : i32 to index
        %parallel_loop3A_67 = arith.constant 0 : index
        %parallel_loop3A_68 = tpu.vector_load %arg14[%parallel_loop3A_66, %parallel_loop3A_67] {strides = array<i32>} : memref<128x16xf32, #tpu.memory_space<vmem>>, vector<16xf32>,
        %parallel_loop3A_69 = arith.constant 0 : i32
        %parallel_loop3A_70 = arith.cmpi eq, %arg0, %parallel_loop3A_69 : i32
        %parallel_loop3A_71 = vector.extract_strided_slice %parallel_loop3A_68 {offsets = [0], sizes = [1], strides = [1]} : vector<16xf32> to vector<1xf32>
        %parallel_loop3A_72 = vector.extract %parallel_loop3A_71[0] : f32 from vector<1xf32>
        %parallel_loop3A_73 = vector.extract_strided_slice %parallel_loop3A_68 {offsets = [2], sizes = [1], strides = [1]} : vector<16xf32> to vector<1xf32>
        %parallel_loop3A_74 = vector.extract %parallel_loop3A_73[0] : f32 from vector<1xf32>
        %parallel_loop3A_75 = arith.select %parallel_loop3A_70, %parallel_loop3A_72, %parallel_loop3A_74 : f32
        %parallel_loop3A_76 = arith.constant 0 : i32
        %parallel_loop3A_77 = arith.cmpi eq, %arg0, %parallel_loop3A_76 : i32
        %parallel_loop3A_78 = vector.extract_strided_slice %parallel_loop3A_68 {offsets = [1], sizes = [1], strides = [1]} : vector<16xf32> to vector<1xf32>
        %parallel_loop3A_79 = vector.extract %parallel_loop3A_78[0] : f32 from vector<1xf32>
        %parallel_loop3A_80 = vector.extract_strided_slice %parallel_loop3A_68 {offsets = [3], sizes = [1], strides = [1]} : vector<16xf32> to vector<1xf32>
        %parallel_loop3A_81 = vector.extract %parallel_loop3A_80[0] : f32 from vector<1xf32>
        %parallel_loop3A_82 = arith.select %parallel_loop3A_77, %parallel_loop3A_79, %parallel_loop3A_81 : f32
        %parallel_loop3A_83 = arith.index_cast %parallel_loop3A_65 : i32 to index
        %parallel_loop3A_84 = arith.constant 0 : index
        %parallel_loop3A_85 = tpu.vector_load %arg12[%parallel_loop3A_83, %parallel_loop3A_84] {strides = array<i32>} : memref<256x64xf32, #tpu.memory_space<vmem>>, vector<16xf32>,
        %parallel_loop3A_86 = vector.broadcast %parallel_loop3A_75 : f32 to vector<16xf32>
        %parallel_loop3A_87 = arith.mulf %parallel_loop3A_85, %parallel_loop3A_86 : vector<16xf32>
        %parallel_loop3A_88 = arith.index_cast %parallel_loop3A_65 : i32 to index
        %parallel_loop3A_89 = arith.constant 0 : index
        %parallel_loop3A_90 = tpu.vector_load %arg13[%parallel_loop3A_88, %parallel_loop3A_89] {strides = array<i32>} : memref<256x64xf32, #tpu.memory_space<vmem>>, vector<16xf32>,
        tpu.vector_store %arg13[%parallel_loop3A_88, %parallel_loop3A_89], %parallel_loop3A_87 {strides = array<i32>} : memref<256x64xf32, #tpu.memory_space<vmem>>, vector<16xf32>,
        %parallel_loop3A_91 = arith.index_cast %parallel_loop3A_65 : i32 to index
        %parallel_loop3A_92 = arith.constant 16 : index
        %parallel_loop3A_93 = tpu.vector_load %arg12[%parallel_loop3A_91, %parallel_loop3A_92] {strides = array<i32>} : memref<256x64xf32, #tpu.memory_space<vmem>>, vector<16xf32>,
        %parallel_loop3A_94 = vector.broadcast %parallel_loop3A_75 : f32 to vector<16xf32>
        %parallel_loop3A_95 = arith.mulf %parallel_loop3A_93, %parallel_loop3A_94 : vector<16xf32>
        %parallel_loop3A_96 = arith.index_cast %parallel_loop3A_65 : i32 to index
        %parallel_loop3A_97 = arith.constant 16 : index
        %parallel_loop3A_98 = tpu.vector_load %arg13[%parallel_loop3A_96, %parallel_loop3A_97] {strides = array<i32>} : memref<256x64xf32, #tpu.memory_space<vmem>>, vector<16xf32>,
        tpu.vector_store %arg13[%parallel_loop3A_96, %parallel_loop3A_97], %parallel_loop3A_95 {strides = array<i32>} : memref<256x64xf32, #tpu.memory_space<vmem>>, vector<16xf32>,
        %parallel_loop3A_99 = arith.index_cast %parallel_loop3A_65 : i32 to index
        %parallel_loop3A_100 = arith.constant 32 : index
        %parallel_loop3A_101 = tpu.vector_load %arg12[%parallel_loop3A_99, %parallel_loop3A_100] {strides = array<i32>} : memref<256x64xf32, #tpu.memory_space<vmem>>, vector<16xf32>,
        %parallel_loop3A_102 = vector.broadcast %parallel_loop3A_82 : f32 to vector<16xf32>
        %parallel_loop3A_103 = arith.mulf %parallel_loop3A_101, %parallel_loop3A_102 : vector<16xf32>
        %parallel_loop3A_104 = arith.index_cast %parallel_loop3A_65 : i32 to index
        %parallel_loop3A_105 = arith.constant 32 : index
        %parallel_loop3A_106 = tpu.vector_load %arg13[%parallel_loop3A_104, %parallel_loop3A_105] {strides = array<i32>} : memref<256x64xf32, #tpu.memory_space<vmem>>, vector<16xf32>,
        tpu.vector_store %arg13[%parallel_loop3A_104, %parallel_loop3A_105], %parallel_loop3A_103 {strides = array<i32>} : memref<256x64xf32, #tpu.memory_space<vmem>>, vector<16xf32>,
        %parallel_loop3A_107 = arith.index_cast %parallel_loop3A_65 : i32 to index
        %parallel_loop3A_108 = arith.constant 48 : index
        %parallel_loop3A_109 = tpu.vector_load %arg12[%parallel_loop3A_107, %parallel_loop3A_108] {strides = array<i32>} : memref<256x64xf32, #tpu.memory_space<vmem>>, vector<16xf32>,
        %parallel_loop3A_110 = vector.broadcast %parallel_loop3A_82 : f32 to vector<16xf32>
        %parallel_loop3A_111 = arith.mulf %parallel_loop3A_109, %parallel_loop3A_110 : vector<16xf32>
        %parallel_loop3A_112 = arith.index_cast %parallel_loop3A_65 : i32 to index
        %parallel_loop3A_113 = arith.constant 48 : index
        %parallel_loop3A_114 = tpu.vector_load %arg13[%parallel_loop3A_112, %parallel_loop3A_113] {strides = array<i32>} : memref<256x64xf32, #tpu.memory_space<vmem>>, vector<16xf32>,
        tpu.vector_store %arg13[%parallel_loop3A_112, %parallel_loop3A_113], %parallel_loop3A_111 {strides = array<i32>} : memref<256x64xf32, #tpu.memory_space<vmem>>, vector<16xf32>,
      } {sc.loop_unroll_factor = 4 : i64, sc.parallel_access}
      "tpu.region"() ({
        %run_scoped3A_65 = tpu.sem_alloc : memref<!tpu.dma_semaphore, #tpu.memory_space<semaphore_mem>>
        %dma_start3A = arith.constant 0 : i32
        %dma_start3A_66 = arith.constant 0 : i32
        %dma_start3A_67 = tpu.memref_slice %arg13[%dma_start3A, %dma_start3A_66] : memref<256x64xf32, #tpu.memory_space<vmem>> -> memref<128x64xf32, #tpu.memory_space<vmem>>
        %dma_start3A_68 = arith.constant 0 : i32
        %dma_start3A_69 = tpu.memref_slice %arg16[%add3A, %dma_start3A_68] : memref<10240x64xf32, #tpu.memory_space<vmem_shared>> -> memref<128x64xf32, #tpu.memory_space<vmem_shared>>
        %dma_start3A_70 = arith.constant 0 : i32
        %dma_start3A_71 = tpu.memref_slice %arg16[%add3A, %dma_start3A_70] : memref<10240x64xf32, #tpu.memory_space<vmem_shared>> -> memref<128x64xf32, #tpu.memory_space<vmem_shared>>
        %dma_start3A_72 = arith.constant 0 : i32
        %dma_start3A_73 = arith.constant 0 : i32
        %dma_start3A_74 = tpu.memref_slice %arg13[%dma_start3A_72, %dma_start3A_73] : memref<256x64xf32, #tpu.memory_space<vmem>> -> memref<128x64xf32, #tpu.memory_space<vmem>>
        tpu.enqueue_dma source(%dma_start3A_74 : memref<128x64xf32, #tpu.memory_space<vmem>>) target(%dma_start3A_71 : memref<128x64xf32, #tpu.memory_space<vmem_shared>>) target_semaphore(%run_scoped3A_65 : memref<!tpu.dma_semaphore, #tpu.memory_space<semaphore_mem>>)
        %dma_wait3A = arith.constant 0 : i32
        %dma_wait3A_75 = arith.constant 0 : i32
        %dma_wait3A_76 = tpu.memref_slice %arg13[%dma_wait3A, %dma_wait3A_75] : memref<256x64xf32, #tpu.memory_space<vmem>> -> memref<128x64xf32, #tpu.memory_space<vmem>>
        %dma_wait3A_77 = arith.constant 0 : i32
        %dma_wait3A_78 = tpu.memref_slice %arg16[%add3A, %dma_wait3A_77] : memref<10240x64xf32, #tpu.memory_space<vmem_shared>> -> memref<128x64xf32, #tpu.memory_space<vmem_shared>>
        %dma_wait3A_79 = arith.constant 0 : i32
        %dma_wait3A_80 = tpu.memref_slice %arg16[%add3A, %dma_wait3A_79] : memref<10240x64xf32, #tpu.memory_space<vmem_shared>> -> memref<128x64xf32, #tpu.memory_space<vmem_shared>>
        %dma_wait3A_81 = arith.constant 0 : i32
        %dma_wait3A_82 = arith.constant 0 : i32
        %dma_wait3A_83 = tpu.memref_slice %arg13[%dma_wait3A_81, %dma_wait3A_82] : memref<256x64xf32, #tpu.memory_space<vmem>> -> memref<128x64xf32, #tpu.memory_space<vmem>>
        tpu.wait_dma2 semaphore(%run_scoped3A_65 : memref<!tpu.dma_semaphore, #tpu.memory_space<semaphore_mem>>) src(%dma_wait3A_83 : memref<128x64xf32, #tpu.memory_space<vmem>>) dst(%dma_wait3A_80 : memref<128x64xf32, #tpu.memory_space<vmem_shared>>)
        tpu.yield
      }) : () -> ()
      %scan3A_64 = arith.constant 0 : i32
      scf.yield %scan3A_64 : i32
    }
    %scan3A_33 = arith.constant 5 : i32
    %barrier3A_34 = arith.constant 0 : index
    tpu.barrier barrier_id(%barrier3A_34)
    %scan3A_35 = arith.constant 0 : i32
    %scan3A_36 = arith.constant 0 : i32
    %scan3A_37 = arith.constant 40 : i32
    %scan3A_38 = arith.addi %scan3A_36, %scan3A_37 : i32
    %scan3A_39 = arith.constant 1 : i32
    %scan3A_40 = scf.for %scan3A_50 = %scan3A_36 to %scan3A_38 step %scan3A_39 iter_args(%scan3A_51 = %scan3A_35) -> (i32)  : i32 {
      %mul3A_52 = arith.constant 256 : i32
      %mul3A_53 = arith.muli %scan3A_50, %mul3A_52 : i32
      %add3A = arith.addi %mul3A_2, %mul3A_53 : i32
      "tpu.region"() ({
        %run_scoped3A = tpu.sem_alloc : memref<!tpu.dma_semaphore, #tpu.memory_space<semaphore_mem>>
        %dma_start3A_61 = tpu.memref_slice %arg2[%add3A] : memref<163840xi32, #tpu.memory_space<hbm>> -> memref<256xi32, #tpu.memory_space<hbm>>
        %dma_start3A_62 = tpu.memref_slice %arg2[%add3A] : memref<163840xi32, #tpu.memory_space<hbm>> -> memref<256xi32, #tpu.memory_space<hbm>>
        tpu.enqueue_dma source(%dma_start3A_62 : memref<256xi32, #tpu.memory_space<hbm>>) target(%arg9 : memref<256xi32, #tpu.memory_space<vmem>>) target_semaphore(%run_scoped3A : memref<!tpu.dma_semaphore, #tpu.memory_space<semaphore_mem>>)
        %dma_wait3A_63 = tpu.memref_slice %arg2[%add3A] : memref<163840xi32, #tpu.memory_space<hbm>> -> memref<256xi32, #tpu.memory_space<hbm>>
        %dma_wait3A_64 = tpu.memref_slice %arg2[%add3A] : memref<163840xi32, #tpu.memory_space<hbm>> -> memref<256xi32, #tpu.memory_space<hbm>>
        tpu.wait_dma2 semaphore(%run_scoped3A : memref<!tpu.dma_semaphore, #tpu.memory_space<semaphore_mem>>) src(%dma_wait3A_64 : memref<256xi32, #tpu.memory_space<hbm>>) dst(%arg9 : memref<256xi32, #tpu.memory_space<vmem>>)
        tpu.yield
      }) : () -> ()
      "tpu.region"() ({
        %run_scoped3A = tpu.sem_alloc : memref<!tpu.dma_semaphore, #tpu.memory_space<semaphore_mem>>
        %dma_start3A_61 = tpu.memref_slice %arg3[%add3A] : memref<163840xi32, #tpu.memory_space<hbm>> -> memref<256xi32, #tpu.memory_space<hbm>>
        %dma_start3A_62 = tpu.memref_slice %arg3[%add3A] : memref<163840xi32, #tpu.memory_space<hbm>> -> memref<256xi32, #tpu.memory_space<hbm>>
        tpu.enqueue_dma source(%dma_start3A_62 : memref<256xi32, #tpu.memory_space<hbm>>) target(%arg10 : memref<256xi32, #tpu.memory_space<vmem>>) target_semaphore(%run_scoped3A : memref<!tpu.dma_semaphore, #tpu.memory_space<semaphore_mem>>)
        %dma_wait3A_63 = tpu.memref_slice %arg3[%add3A] : memref<163840xi32, #tpu.memory_space<hbm>> -> memref<256xi32, #tpu.memory_space<hbm>>
        %dma_wait3A_64 = tpu.memref_slice %arg3[%add3A] : memref<163840xi32, #tpu.memory_space<hbm>> -> memref<256xi32, #tpu.memory_space<hbm>>
        tpu.wait_dma2 semaphore(%run_scoped3A : memref<!tpu.dma_semaphore, #tpu.memory_space<semaphore_mem>>) src(%dma_wait3A_64 : memref<256xi32, #tpu.memory_space<hbm>>) dst(%arg10 : memref<256xi32, #tpu.memory_space<vmem>>)
        tpu.yield
      }) : () -> ()
      "tpu.region"() ({
        %run_scoped3A = tpu.sem_alloc : memref<!tpu.dma_semaphore, #tpu.memory_space<semaphore_mem>>
        %dma_start3A_61 = arith.constant 0 : i32
        %dma_start3A_62 = tpu.memref_slice %arg4[%add3A, %dma_start3A_61] : memref<163840x16xf32, #tpu.memory_space<hbm>> -> memref<256x16xf32, #tpu.memory_space<hbm>>
        %dma_start3A_63 = arith.constant 0 : i32
        %dma_start3A_64 = tpu.memref_slice %arg4[%add3A, %dma_start3A_63] : memref<163840x16xf32, #tpu.memory_space<hbm>> -> memref<256x16xf32, #tpu.memory_space<hbm>>
        tpu.enqueue_dma source(%dma_start3A_64 : memref<256x16xf32, #tpu.memory_space<hbm>>) target(%arg11 : memref<256x16xf32, #tpu.memory_space<vmem>>) target_semaphore(%run_scoped3A : memref<!tpu.dma_semaphore, #tpu.memory_space<semaphore_mem>>)
        %dma_wait3A_65 = arith.constant 0 : i32
        %dma_wait3A_66 = tpu.memref_slice %arg4[%add3A, %dma_wait3A_65] : memref<163840x16xf32, #tpu.memory_space<hbm>> -> memref<256x16xf32, #tpu.memory_space<hbm>>
        %dma_wait3A_67 = arith.constant 0 : i32
        %dma_wait3A_68 = tpu.memref_slice %arg4[%add3A, %dma_wait3A_67] : memref<163840x16xf32, #tpu.memory_space<hbm>> -> memref<256x16xf32, #tpu.memory_space<hbm>>
        tpu.wait_dma2 semaphore(%run_scoped3A : memref<!tpu.dma_semaphore, #tpu.memory_space<semaphore_mem>>) src(%dma_wait3A_68 : memref<256x16xf32, #tpu.memory_space<hbm>>) dst(%arg11 : memref<256x16xf32, #tpu.memory_space<vmem>>)
        tpu.yield
      }) : () -> ()
      %dma_start3A = arith.constant 0 : i32
      %dma_start3A_54 = arith.constant 0 : i32
      %dma_start3A_55 = tpu.memref_slice %arg16[%dma_start3A, %dma_start3A_54] : memref<10240x64xf32, #tpu.memory_space<vmem_shared>> -> memref<10240x64xf32, #tpu.memory_space<vmem_shared>>
      tpu.enqueue_indirect_dma source(%dma_start3A_55 : memref<10240x64xf32, #tpu.memory_space<vmem_shared>>) target(%arg12 : memref<256x64xf32, #tpu.memory_space<vmem>>) offsets(%arg10 : memref<256xi32, #tpu.memory_space<vmem>>) semaphore(%arg18 : memref<!tpu.dma_semaphore, #tpu.memory_space<semaphore_mem>>)
      %dma_wait3A = arith.constant 0 : i32
      %dma_wait3A_56 = arith.constant 0 : i32
      %dma_wait3A_57 = tpu.memref_slice %arg16[%dma_wait3A, %dma_wait3A_56] : memref<10240x64xf32, #tpu.memory_space<vmem_shared>> -> memref<10240x64xf32, #tpu.memory_space<vmem_shared>>
      tpu.wait_indirect_dma semaphore(%arg18 : memref<!tpu.dma_semaphore, #tpu.memory_space<semaphore_mem>>) src(%dma_wait3A_57 : memref<10240x64xf32, #tpu.memory_space<vmem_shared>>) dst(%arg12 : memref<256x64xf32, #tpu.memory_space<vmem>>)
      %parallel_loop3A = arith.constant 0 : i32
      %parallel_loop3A_58 = arith.constant 256 : i32
      %parallel_loop3A_59 = arith.constant 1 : i32
      scf.for %parallel_loop3A_61 = %parallel_loop3A to %parallel_loop3A_58 step %parallel_loop3A_59  : i32 {
        %parallel_loop3A_62 = arith.index_cast %parallel_loop3A_61 : i32 to index
        %parallel_loop3A_63 = arith.constant 0 : index
        %parallel_loop3A_64 = tpu.vector_load %arg11[%parallel_loop3A_62, %parallel_loop3A_63] {strides = array<i32>} : memref<256x16xf32, #tpu.memory_space<vmem>>, vector<16xf32>,
        %parallel_loop3A_65 = arith.constant 0 : i32
        %parallel_loop3A_66 = arith.cmpi eq, %arg0, %parallel_loop3A_65 : i32
        %parallel_loop3A_67 = vector.extract_strided_slice %parallel_loop3A_64 {offsets = [0], sizes = [1], strides = [1]} : vector<16xf32> to vector<1xf32>
        %parallel_loop3A_68 = vector.extract %parallel_loop3A_67[0] : f32 from vector<1xf32>
        %parallel_loop3A_69 = vector.extract_strided_slice %parallel_loop3A_64 {offsets = [2], sizes = [1], strides = [1]} : vector<16xf32> to vector<1xf32>
        %parallel_loop3A_70 = vector.extract %parallel_loop3A_69[0] : f32 from vector<1xf32>
        %parallel_loop3A_71 = arith.select %parallel_loop3A_66, %parallel_loop3A_68, %parallel_loop3A_70 : f32
        %parallel_loop3A_72 = arith.constant 0 : i32
        %parallel_loop3A_73 = arith.cmpi eq, %arg0, %parallel_loop3A_72 : i32
        %parallel_loop3A_74 = vector.extract_strided_slice %parallel_loop3A_64 {offsets = [1], sizes = [1], strides = [1]} : vector<16xf32> to vector<1xf32>
        %parallel_loop3A_75 = vector.extract %parallel_loop3A_74[0] : f32 from vector<1xf32>
        %parallel_loop3A_76 = vector.extract_strided_slice %parallel_loop3A_64 {offsets = [3], sizes = [1], strides = [1]} : vector<16xf32> to vector<1xf32>
        %parallel_loop3A_77 = vector.extract %parallel_loop3A_76[0] : f32 from vector<1xf32>
        %parallel_loop3A_78 = arith.select %parallel_loop3A_73, %parallel_loop3A_75, %parallel_loop3A_77 : f32
        %parallel_loop3A_79 = arith.index_cast %parallel_loop3A_61 : i32 to index
        %parallel_loop3A_80 = arith.constant 0 : index
        %parallel_loop3A_81 = tpu.vector_load %arg12[%parallel_loop3A_79, %parallel_loop3A_80] {strides = array<i32>} : memref<256x64xf32, #tpu.memory_space<vmem>>, vector<16xf32>,
        %parallel_loop3A_82 = vector.broadcast %parallel_loop3A_71 : f32 to vector<16xf32>
        %parallel_loop3A_83 = arith.mulf %parallel_loop3A_81, %parallel_loop3A_82 : vector<16xf32>
        %parallel_loop3A_84 = arith.index_cast %parallel_loop3A_61 : i32 to index
        %parallel_loop3A_85 = arith.constant 0 : index
        %parallel_loop3A_86 = tpu.vector_load %arg13[%parallel_loop3A_84, %parallel_loop3A_85] {strides = array<i32>} : memref<256x64xf32, #tpu.memory_space<vmem>>, vector<16xf32>,
        tpu.vector_store %arg13[%parallel_loop3A_84, %parallel_loop3A_85], %parallel_loop3A_83 {strides = array<i32>} : memref<256x64xf32, #tpu.memory_space<vmem>>, vector<16xf32>,
        %parallel_loop3A_87 = arith.index_cast %parallel_loop3A_61 : i32 to index
        %parallel_loop3A_88 = arith.constant 16 : index
        %parallel_loop3A_89 = tpu.vector_load %arg12[%parallel_loop3A_87, %parallel_loop3A_88] {strides = array<i32>} : memref<256x64xf32, #tpu.memory_space<vmem>>, vector<16xf32>,
        %parallel_loop3A_90 = vector.broadcast %parallel_loop3A_71 : f32 to vector<16xf32>
        %parallel_loop3A_91 = arith.mulf %parallel_loop3A_89, %parallel_loop3A_90 : vector<16xf32>
        %parallel_loop3A_92 = arith.index_cast %parallel_loop3A_61 : i32 to index
        %parallel_loop3A_93 = arith.constant 16 : index
        %parallel_loop3A_94 = tpu.vector_load %arg13[%parallel_loop3A_92, %parallel_loop3A_93] {strides = array<i32>} : memref<256x64xf32, #tpu.memory_space<vmem>>, vector<16xf32>,
        tpu.vector_store %arg13[%parallel_loop3A_92, %parallel_loop3A_93], %parallel_loop3A_91 {strides = array<i32>} : memref<256x64xf32, #tpu.memory_space<vmem>>, vector<16xf32>,
        %parallel_loop3A_95 = arith.index_cast %parallel_loop3A_61 : i32 to index
        %parallel_loop3A_96 = arith.constant 32 : index
        %parallel_loop3A_97 = tpu.vector_load %arg12[%parallel_loop3A_95, %parallel_loop3A_96] {strides = array<i32>} : memref<256x64xf32, #tpu.memory_space<vmem>>, vector<16xf32>,
        %parallel_loop3A_98 = vector.broadcast %parallel_loop3A_78 : f32 to vector<16xf32>
        %parallel_loop3A_99 = arith.mulf %parallel_loop3A_97, %parallel_loop3A_98 : vector<16xf32>
        %parallel_loop3A_100 = arith.index_cast %parallel_loop3A_61 : i32 to index
        %parallel_loop3A_101 = arith.constant 32 : index
        %parallel_loop3A_102 = tpu.vector_load %arg13[%parallel_loop3A_100, %parallel_loop3A_101] {strides = array<i32>} : memref<256x64xf32, #tpu.memory_space<vmem>>, vector<16xf32>,
        tpu.vector_store %arg13[%parallel_loop3A_100, %parallel_loop3A_101], %parallel_loop3A_99 {strides = array<i32>} : memref<256x64xf32, #tpu.memory_space<vmem>>, vector<16xf32>,
        %parallel_loop3A_103 = arith.index_cast %parallel_loop3A_61 : i32 to index
        %parallel_loop3A_104 = arith.constant 48 : index
        %parallel_loop3A_105 = tpu.vector_load %arg12[%parallel_loop3A_103, %parallel_loop3A_104] {strides = array<i32>} : memref<256x64xf32, #tpu.memory_space<vmem>>, vector<16xf32>,
        %parallel_loop3A_106 = vector.broadcast %parallel_loop3A_78 : f32 to vector<16xf32>
        %parallel_loop3A_107 = arith.mulf %parallel_loop3A_105, %parallel_loop3A_106 : vector<16xf32>
        %parallel_loop3A_108 = arith.index_cast %parallel_loop3A_61 : i32 to index
        %parallel_loop3A_109 = arith.constant 48 : index
        %parallel_loop3A_110 = tpu.vector_load %arg13[%parallel_loop3A_108, %parallel_loop3A_109] {strides = array<i32>} : memref<256x64xf32, #tpu.memory_space<vmem>>, vector<16xf32>,
        tpu.vector_store %arg13[%parallel_loop3A_108, %parallel_loop3A_109], %parallel_loop3A_107 {strides = array<i32>} : memref<256x64xf32, #tpu.memory_space<vmem>>, vector<16xf32>,
      } {sc.loop_unroll_factor = 4 : i64, sc.parallel_access}
      "tpu.region"() ({
        %run_scoped3A = tpu.sem_alloc : memref<!tpu.dma_semaphore, #tpu.memory_space<semaphore_mem>>
        %dma_start3A_61 = arith.constant 0 : i32
        %dma_start3A_62 = arith.constant 0 : i32
        %dma_start3A_63 = tpu.memref_slice %arg17[%dma_start3A_61, %dma_start3A_62] : memref<10240x64xf32, #tpu.memory_space<vmem_shared>> -> memref<10240x64xf32, #tpu.memory_space<vmem_shared>>
        tpu.enqueue_indirect_dma source(%arg13 : memref<256x64xf32, #tpu.memory_space<vmem>>) target(%dma_start3A_63 : memref<10240x64xf32, #tpu.memory_space<vmem_shared>>) offsets(%arg9 : memref<256xi32, #tpu.memory_space<vmem>>) semaphore(%run_scoped3A : memref<!tpu.dma_semaphore, #tpu.memory_space<semaphore_mem>>) {add = true}
        %dma_wait3A_64 = arith.constant 0 : i32
        %dma_wait3A_65 = arith.constant 0 : i32
        %dma_wait3A_66 = tpu.memref_slice %arg17[%dma_wait3A_64, %dma_wait3A_65] : memref<10240x64xf32, #tpu.memory_space<vmem_shared>> -> memref<10240x64xf32, #tpu.memory_space<vmem_shared>>
        tpu.wait_indirect_dma semaphore(%run_scoped3A : memref<!tpu.dma_semaphore, #tpu.memory_space<semaphore_mem>>) src(%arg13 : memref<256x64xf32, #tpu.memory_space<vmem>>) dst(%dma_wait3A_66 : memref<10240x64xf32, #tpu.memory_space<vmem_shared>>)
        tpu.yield
      }) : () -> ()
      %scan3A_60 = arith.constant 0 : i32
      scf.yield %scan3A_60 : i32
    }
    %scan3A_41 = arith.constant 40 : i32
    %barrier3A_42 = arith.constant 0 : index
    tpu.barrier barrier_id(%barrier3A_42)
    %scan3A_43 = arith.constant 0 : i32
    %scan3A_44 = arith.constant 0 : i32
    %scan3A_45 = arith.constant 5 : i32
    %scan3A_46 = arith.addi %scan3A_44, %scan3A_45 : i32
    %scan3A_47 = arith.constant 1 : i32
    %scan3A_48 = scf.for %scan3A_50 = %scan3A_44 to %scan3A_46 step %scan3A_47 iter_args(%scan3A_51 = %scan3A_43) -> (i32)  : i32 {
      %mul3A_52 = arith.constant 128 : i32
      %mul3A_53 = arith.muli %scan3A_50, %mul3A_52 : i32
      %add3A = arith.addi %mul3A_0, %mul3A_53 : i32
      "tpu.region"() ({
        %run_scoped3A_65 = tpu.sem_alloc : memref<!tpu.dma_semaphore, #tpu.memory_space<semaphore_mem>>
        %dma_start3A = arith.constant 0 : i32
        %dma_start3A_66 = arith.constant 0 : i32
        %dma_start3A_67 = tpu.memref_slice %arg12[%dma_start3A, %dma_start3A_66] : memref<256x64xf32, #tpu.memory_space<vmem>> -> memref<128x64xf32, #tpu.memory_space<vmem>>
        %dma_start3A_68 = arith.constant 0 : i32
        %dma_start3A_69 = tpu.memref_slice %arg17[%add3A, %dma_start3A_68] : memref<10240x64xf32, #tpu.memory_space<vmem_shared>> -> memref<128x64xf32, #tpu.memory_space<vmem_shared>>
        %dma_start3A_70 = arith.constant 0 : i32
        %dma_start3A_71 = arith.constant 0 : i32
        %dma_start3A_72 = tpu.memref_slice %arg12[%dma_start3A_70, %dma_start3A_71] : memref<256x64xf32, #tpu.memory_space<vmem>> -> memref<128x64xf32, #tpu.memory_space<vmem>>
        %dma_start3A_73 = arith.constant 0 : i32
        %dma_start3A_74 = tpu.memref_slice %arg17[%add3A, %dma_start3A_73] : memref<10240x64xf32, #tpu.memory_space<vmem_shared>> -> memref<128x64xf32, #tpu.memory_space<vmem_shared>>
        tpu.enqueue_dma source(%dma_start3A_74 : memref<128x64xf32, #tpu.memory_space<vmem_shared>>) target(%dma_start3A_72 : memref<128x64xf32, #tpu.memory_space<vmem>>) target_semaphore(%run_scoped3A_65 : memref<!tpu.dma_semaphore, #tpu.memory_space<semaphore_mem>>)
        %dma_wait3A = arith.constant 0 : i32
        %dma_wait3A_75 = arith.constant 0 : i32
        %dma_wait3A_76 = tpu.memref_slice %arg12[%dma_wait3A, %dma_wait3A_75] : memref<256x64xf32, #tpu.memory_space<vmem>> -> memref<128x64xf32, #tpu.memory_space<vmem>>
        %dma_wait3A_77 = arith.constant 0 : i32
        %dma_wait3A_78 = tpu.memref_slice %arg17[%add3A, %dma_wait3A_77] : memref<10240x64xf32, #tpu.memory_space<vmem_shared>> -> memref<128x64xf32, #tpu.memory_space<vmem_shared>>
        %dma_wait3A_79 = arith.constant 0 : i32
        %dma_wait3A_80 = arith.constant 0 : i32
        %dma_wait3A_81 = tpu.memref_slice %arg12[%dma_wait3A_79, %dma_wait3A_80] : memref<256x64xf32, #tpu.memory_space<vmem>> -> memref<128x64xf32, #tpu.memory_space<vmem>>
        %dma_wait3A_82 = arith.constant 0 : i32
        %dma_wait3A_83 = tpu.memref_slice %arg17[%add3A, %dma_wait3A_82] : memref<10240x64xf32, #tpu.memory_space<vmem_shared>> -> memref<128x64xf32, #tpu.memory_space<vmem_shared>>
        tpu.wait_dma2 semaphore(%run_scoped3A_65 : memref<!tpu.dma_semaphore, #tpu.memory_space<semaphore_mem>>) src(%dma_wait3A_83 : memref<128x64xf32, #tpu.memory_space<vmem_shared>>) dst(%dma_wait3A_81 : memref<128x64xf32, #tpu.memory_space<vmem>>)
        tpu.yield
      }) : () -> ()
      %run_scoped3A = arith.constant 0 : i32
      "tpu.region"() ({
        %run_scoped3A_65 = tpu.sem_alloc : memref<!tpu.dma_semaphore, #tpu.memory_space<semaphore_mem>>
        %dma_start3A = arith.constant 0 : i32
        %dma_start3A_66 = tpu.memref_slice %arg6[%run_scoped3A, %add3A, %dma_start3A] : memref<2x10240x16xf32, #tpu.memory_space<hbm>> -> memref<1x128x16xf32, #tpu.memory_space<hbm>>
        %dma_start3A_67 = tpu.memref_squeeze %dma_start3A_66 : memref<1x128x16xf32, #tpu.memory_space<hbm>> -> memref<128x16xf32, #tpu.memory_space<hbm>>
        %dma_start3A_68 = arith.constant 0 : i32
        %dma_start3A_69 = tpu.memref_slice %arg6[%run_scoped3A, %add3A, %dma_start3A_68] : memref<2x10240x16xf32, #tpu.memory_space<hbm>> -> memref<1x128x16xf32, #tpu.memory_space<hbm>>
        %dma_start3A_70 = tpu.memref_squeeze %dma_start3A_69 : memref<1x128x16xf32, #tpu.memory_space<hbm>> -> memref<128x16xf32, #tpu.memory_space<hbm>>
        tpu.enqueue_dma source(%dma_start3A_70 : memref<128x16xf32, #tpu.memory_space<hbm>>) target(%arg14 : memref<128x16xf32, #tpu.memory_space<vmem>>) target_semaphore(%run_scoped3A_65 : memref<!tpu.dma_semaphore, #tpu.memory_space<semaphore_mem>>)
        %dma_wait3A = arith.constant 0 : i32
        %dma_wait3A_71 = tpu.memref_slice %arg6[%run_scoped3A, %add3A, %dma_wait3A] : memref<2x10240x16xf32, #tpu.memory_space<hbm>> -> memref<1x128x16xf32, #tpu.memory_space<hbm>>
        %dma_wait3A_72 = tpu.memref_squeeze %dma_wait3A_71 : memref<1x128x16xf32, #tpu.memory_space<hbm>> -> memref<128x16xf32, #tpu.memory_space<hbm>>
        %dma_wait3A_73 = arith.constant 0 : i32
        %dma_wait3A_74 = tpu.memref_slice %arg6[%run_scoped3A, %add3A, %dma_wait3A_73] : memref<2x10240x16xf32, #tpu.memory_space<hbm>> -> memref<1x128x16xf32, #tpu.memory_space<hbm>>
        %dma_wait3A_75 = tpu.memref_squeeze %dma_wait3A_74 : memref<1x128x16xf32, #tpu.memory_space<hbm>> -> memref<128x16xf32, #tpu.memory_space<hbm>>
        tpu.wait_dma2 semaphore(%run_scoped3A_65 : memref<!tpu.dma_semaphore, #tpu.memory_space<semaphore_mem>>) src(%dma_wait3A_75 : memref<128x16xf32, #tpu.memory_space<hbm>>) dst(%arg14 : memref<128x16xf32, #tpu.memory_space<vmem>>)
        tpu.yield
      }) : () -> ()
      %run_scoped3A_54 = arith.constant 1 : i32
      "tpu.region"() ({
        %run_scoped3A_65 = tpu.sem_alloc : memref<!tpu.dma_semaphore, #tpu.memory_space<semaphore_mem>>
        %dma_start3A = arith.constant 0 : i32
        %dma_start3A_66 = tpu.memref_slice %arg6[%run_scoped3A_54, %add3A, %dma_start3A] : memref<2x10240x16xf32, #tpu.memory_space<hbm>> -> memref<1x128x16xf32, #tpu.memory_space<hbm>>
        %dma_start3A_67 = tpu.memref_squeeze %dma_start3A_66 : memref<1x128x16xf32, #tpu.memory_space<hbm>> -> memref<128x16xf32, #tpu.memory_space<hbm>>
        %dma_start3A_68 = arith.constant 0 : i32
        %dma_start3A_69 = tpu.memref_slice %arg6[%run_scoped3A_54, %add3A, %dma_start3A_68] : memref<2x10240x16xf32, #tpu.memory_space<hbm>> -> memref<1x128x16xf32, #tpu.memory_space<hbm>>
        %dma_start3A_70 = tpu.memref_squeeze %dma_start3A_69 : memref<1x128x16xf32, #tpu.memory_space<hbm>> -> memref<128x16xf32, #tpu.memory_space<hbm>>
        tpu.enqueue_dma source(%dma_start3A_70 : memref<128x16xf32, #tpu.memory_space<hbm>>) target(%arg15 : memref<128x16xf32, #tpu.memory_space<vmem>>) target_semaphore(%run_scoped3A_65 : memref<!tpu.dma_semaphore, #tpu.memory_space<semaphore_mem>>)
        %dma_wait3A = arith.constant 0 : i32
        %dma_wait3A_71 = tpu.memref_slice %arg6[%run_scoped3A_54, %add3A, %dma_wait3A] : memref<2x10240x16xf32, #tpu.memory_space<hbm>> -> memref<1x128x16xf32, #tpu.memory_space<hbm>>
        %dma_wait3A_72 = tpu.memref_squeeze %dma_wait3A_71 : memref<1x128x16xf32, #tpu.memory_space<hbm>> -> memref<128x16xf32, #tpu.memory_space<hbm>>
        %dma_wait3A_73 = arith.constant 0 : i32
        %dma_wait3A_74 = tpu.memref_slice %arg6[%run_scoped3A_54, %add3A, %dma_wait3A_73] : memref<2x10240x16xf32, #tpu.memory_space<hbm>> -> memref<1x128x16xf32, #tpu.memory_space<hbm>>
        %dma_wait3A_75 = tpu.memref_squeeze %dma_wait3A_74 : memref<1x128x16xf32, #tpu.memory_space<hbm>> -> memref<128x16xf32, #tpu.memory_space<hbm>>
        tpu.wait_dma2 semaphore(%run_scoped3A_65 : memref<!tpu.dma_semaphore, #tpu.memory_space<semaphore_mem>>) src(%dma_wait3A_75 : memref<128x16xf32, #tpu.memory_space<hbm>>) dst(%arg15 : memref<128x16xf32, #tpu.memory_space<vmem>>)
        tpu.yield
      }) : () -> ()
      %scan3A_55 = arith.constant 0 : i32
      %scan3A_56 = arith.constant 0 : i32
      %scan3A_57 = arith.constant 128 : i32
      %scan3A_58 = arith.addi %scan3A_56, %scan3A_57 : i32
      %scan3A_59 = arith.constant 1 : i32
      %scan3A_60 = scf.for %scan3A_65 = %scan3A_56 to %scan3A_58 step %scan3A_59 iter_args(%scan3A_66 = %scan3A_55) -> (i32)  : i32 {
        %get3A = arith.index_cast %scan3A_65 : i32 to index
        %get3A_67 = arith.constant 0 : index
        %get3A_68 = tpu.vector_load %arg14[%get3A, %get3A_67] {strides = array<i32>} : memref<128x16xf32, #tpu.memory_space<vmem>>, vector<16xf32>,
        %get3A_69 = arith.index_cast %scan3A_65 : i32 to index
        %get3A_70 = arith.constant 0 : index
        %get3A_71 = tpu.vector_load %arg15[%get3A_69, %get3A_70] {strides = array<i32>} : memref<128x16xf32, #tpu.memory_space<vmem>>, vector<16xf32>,
        %add3A_72 = arith.addf %get3A_68, %get3A_71 : vector<16xf32>
        %gt3A = arith.constant 0.000000e+00 : f32
        %gt3A_73 = vector.broadcast %gt3A : f32 to vector<16xf32>
        %gt3A_74 = arith.cmpf ogt, %add3A_72, %gt3A_73 : vector<16xf32>
        %div3A = arith.constant 1.000000e+00 : f32
        %div3A_75 = vector.broadcast %div3A : f32 to vector<16xf32>
        %div3A_76 = arith.divf %div3A_75, %add3A_72 : vector<16xf32>
        %jit3A = arith.constant 0.000000e+00 : f32
        %broadcast_in_dim3A_77 = vector.broadcast %jit3A : f32 to vector<16xf32>
        %select_n3A = arith.select %gt3A_74, %div3A_76, %broadcast_in_dim3A_77 : vector<16xi1>, vector<16xf32>
        %swap3A = arith.index_cast %scan3A_65 : i32 to index
        %swap3A_78 = arith.constant 0 : index
        %swap3A_79 = tpu.vector_load %arg14[%swap3A, %swap3A_78] {strides = array<i32>} : memref<128x16xf32, #tpu.memory_space<vmem>>, vector<16xf32>,
        tpu.vector_store %arg14[%swap3A, %swap3A_78], %select_n3A {strides = array<i32>} : memref<128x16xf32, #tpu.memory_space<vmem>>, vector<16xf32>,
        %scan3A_80 = arith.constant 0 : i32
        scf.yield %scan3A_80 : i32
      }
      %scan3A_61 = arith.constant 128 : i32
      %parallel_loop3A = arith.constant 0 : i32
      %parallel_loop3A_62 = arith.constant 128 : i32
      %parallel_loop3A_63 = arith.constant 1 : i32
      scf.for %parallel_loop3A_65 = %parallel_loop3A to %parallel_loop3A_62 step %parallel_loop3A_63  : i32 {
        %parallel_loop3A_66 = arith.index_cast %parallel_loop3A_65 : i32 to index
        %parallel_loop3A_67 = arith.constant 0 : index
        %parallel_loop3A_68 = tpu.vector_load %arg14[%parallel_loop3A_66, %parallel_loop3A_67] {strides = array<i32>} : memref<128x16xf32, #tpu.memory_space<vmem>>, vector<16xf32>,
        %parallel_loop3A_69 = arith.constant 0 : i32
        %parallel_loop3A_70 = arith.cmpi eq, %arg0, %parallel_loop3A_69 : i32
        %parallel_loop3A_71 = vector.extract_strided_slice %parallel_loop3A_68 {offsets = [0], sizes = [1], strides = [1]} : vector<16xf32> to vector<1xf32>
        %parallel_loop3A_72 = vector.extract %parallel_loop3A_71[0] : f32 from vector<1xf32>
        %parallel_loop3A_73 = vector.extract_strided_slice %parallel_loop3A_68 {offsets = [2], sizes = [1], strides = [1]} : vector<16xf32> to vector<1xf32>
        %parallel_loop3A_74 = vector.extract %parallel_loop3A_73[0] : f32 from vector<1xf32>
        %parallel_loop3A_75 = arith.select %parallel_loop3A_70, %parallel_loop3A_72, %parallel_loop3A_74 : f32
        %parallel_loop3A_76 = arith.constant 0 : i32
        %parallel_loop3A_77 = arith.cmpi eq, %arg0, %parallel_loop3A_76 : i32
        %parallel_loop3A_78 = vector.extract_strided_slice %parallel_loop3A_68 {offsets = [1], sizes = [1], strides = [1]} : vector<16xf32> to vector<1xf32>
        %parallel_loop3A_79 = vector.extract %parallel_loop3A_78[0] : f32 from vector<1xf32>
        %parallel_loop3A_80 = vector.extract_strided_slice %parallel_loop3A_68 {offsets = [3], sizes = [1], strides = [1]} : vector<16xf32> to vector<1xf32>
        %parallel_loop3A_81 = vector.extract %parallel_loop3A_80[0] : f32 from vector<1xf32>
        %parallel_loop3A_82 = arith.select %parallel_loop3A_77, %parallel_loop3A_79, %parallel_loop3A_81 : f32
        %parallel_loop3A_83 = arith.index_cast %parallel_loop3A_65 : i32 to index
        %parallel_loop3A_84 = arith.constant 0 : index
        %parallel_loop3A_85 = tpu.vector_load %arg12[%parallel_loop3A_83, %parallel_loop3A_84] {strides = array<i32>} : memref<256x64xf32, #tpu.memory_space<vmem>>, vector<16xf32>,
        %parallel_loop3A_86 = vector.broadcast %parallel_loop3A_75 : f32 to vector<16xf32>
        %parallel_loop3A_87 = arith.mulf %parallel_loop3A_85, %parallel_loop3A_86 : vector<16xf32>
        %parallel_loop3A_88 = arith.index_cast %parallel_loop3A_65 : i32 to index
        %parallel_loop3A_89 = arith.constant 0 : index
        %parallel_loop3A_90 = tpu.vector_load %arg13[%parallel_loop3A_88, %parallel_loop3A_89] {strides = array<i32>} : memref<256x64xf32, #tpu.memory_space<vmem>>, vector<16xf32>,
        tpu.vector_store %arg13[%parallel_loop3A_88, %parallel_loop3A_89], %parallel_loop3A_87 {strides = array<i32>} : memref<256x64xf32, #tpu.memory_space<vmem>>, vector<16xf32>,
        %parallel_loop3A_91 = arith.index_cast %parallel_loop3A_65 : i32 to index
        %parallel_loop3A_92 = arith.constant 16 : index
        %parallel_loop3A_93 = tpu.vector_load %arg12[%parallel_loop3A_91, %parallel_loop3A_92] {strides = array<i32>} : memref<256x64xf32, #tpu.memory_space<vmem>>, vector<16xf32>,
        %parallel_loop3A_94 = vector.broadcast %parallel_loop3A_75 : f32 to vector<16xf32>
        %parallel_loop3A_95 = arith.mulf %parallel_loop3A_93, %parallel_loop3A_94 : vector<16xf32>
        %parallel_loop3A_96 = arith.index_cast %parallel_loop3A_65 : i32 to index
        %parallel_loop3A_97 = arith.constant 16 : index
        %parallel_loop3A_98 = tpu.vector_load %arg13[%parallel_loop3A_96, %parallel_loop3A_97] {strides = array<i32>} : memref<256x64xf32, #tpu.memory_space<vmem>>, vector<16xf32>,
        tpu.vector_store %arg13[%parallel_loop3A_96, %parallel_loop3A_97], %parallel_loop3A_95 {strides = array<i32>} : memref<256x64xf32, #tpu.memory_space<vmem>>, vector<16xf32>,
        %parallel_loop3A_99 = arith.index_cast %parallel_loop3A_65 : i32 to index
        %parallel_loop3A_100 = arith.constant 32 : index
        %parallel_loop3A_101 = tpu.vector_load %arg12[%parallel_loop3A_99, %parallel_loop3A_100] {strides = array<i32>} : memref<256x64xf32, #tpu.memory_space<vmem>>, vector<16xf32>,
        %parallel_loop3A_102 = vector.broadcast %parallel_loop3A_82 : f32 to vector<16xf32>
        %parallel_loop3A_103 = arith.mulf %parallel_loop3A_101, %parallel_loop3A_102 : vector<16xf32>
        %parallel_loop3A_104 = arith.index_cast %parallel_loop3A_65 : i32 to index
        %parallel_loop3A_105 = arith.constant 32 : index
        %parallel_loop3A_106 = tpu.vector_load %arg13[%parallel_loop3A_104, %parallel_loop3A_105] {strides = array<i32>} : memref<256x64xf32, #tpu.memory_space<vmem>>, vector<16xf32>,
        tpu.vector_store %arg13[%parallel_loop3A_104, %parallel_loop3A_105], %parallel_loop3A_103 {strides = array<i32>} : memref<256x64xf32, #tpu.memory_space<vmem>>, vector<16xf32>,
        %parallel_loop3A_107 = arith.index_cast %parallel_loop3A_65 : i32 to index
        %parallel_loop3A_108 = arith.constant 48 : index
        %parallel_loop3A_109 = tpu.vector_load %arg12[%parallel_loop3A_107, %parallel_loop3A_108] {strides = array<i32>} : memref<256x64xf32, #tpu.memory_space<vmem>>, vector<16xf32>,
        %parallel_loop3A_110 = vector.broadcast %parallel_loop3A_82 : f32 to vector<16xf32>
        %parallel_loop3A_111 = arith.mulf %parallel_loop3A_109, %parallel_loop3A_110 : vector<16xf32>
        %parallel_loop3A_112 = arith.index_cast %parallel_loop3A_65 : i32 to index
        %parallel_loop3A_113 = arith.constant 48 : index
        %parallel_loop3A_114 = tpu.vector_load %arg13[%parallel_loop3A_112, %parallel_loop3A_113] {strides = array<i32>} : memref<256x64xf32, #tpu.memory_space<vmem>>, vector<16xf32>,
        tpu.vector_store %arg13[%parallel_loop3A_112, %parallel_loop3A_113], %parallel_loop3A_111 {strides = array<i32>} : memref<256x64xf32, #tpu.memory_space<vmem>>, vector<16xf32>,
      } {sc.loop_unroll_factor = 4 : i64, sc.parallel_access}
      "tpu.region"() ({
        %run_scoped3A_65 = tpu.sem_alloc : memref<!tpu.dma_semaphore, #tpu.memory_space<semaphore_mem>>
        %dma_start3A = arith.constant 0 : i32
        %dma_start3A_66 = arith.constant 0 : i32
        %dma_start3A_67 = tpu.memref_slice %arg13[%dma_start3A, %dma_start3A_66] : memref<256x64xf32, #tpu.memory_space<vmem>> -> memref<128x64xf32, #tpu.memory_space<vmem>>
        %dma_start3A_68 = arith.constant 0 : i32
        %dma_start3A_69 = tpu.memref_slice %arg8[%arg0, %add3A, %dma_start3A_68] : memref<2x10240x64xf32, #tpu.memory_space<hbm>> -> memref<1x128x64xf32, #tpu.memory_space<hbm>>
        %dma_start3A_70 = tpu.memref_squeeze %dma_start3A_69 : memref<1x128x64xf32, #tpu.memory_space<hbm>> -> memref<128x64xf32, #tpu.memory_space<hbm>>
        %dma_start3A_71 = arith.constant 0 : i32
        %dma_start3A_72 = tpu.memref_slice %arg8[%arg0, %add3A, %dma_start3A_71] : memref<2x10240x64xf32, #tpu.memory_space<hbm>> -> memref<1x128x64xf32, #tpu.memory_space<hbm>>
        %dma_start3A_73 = tpu.memref_squeeze %dma_start3A_72 : memref<1x128x64xf32, #tpu.memory_space<hbm>> -> memref<128x64xf32, #tpu.memory_space<hbm>>
        %dma_start3A_74 = arith.constant 0 : i32
        %dma_start3A_75 = arith.constant 0 : i32
        %dma_start3A_76 = tpu.memref_slice %arg13[%dma_start3A_74, %dma_start3A_75] : memref<256x64xf32, #tpu.memory_space<vmem>> -> memref<128x64xf32, #tpu.memory_space<vmem>>
        tpu.enqueue_dma source(%dma_start3A_76 : memref<128x64xf32, #tpu.memory_space<vmem>>) target(%dma_start3A_73 : memref<128x64xf32, #tpu.memory_space<hbm>>) target_semaphore(%run_scoped3A_65 : memref<!tpu.dma_semaphore, #tpu.memory_space<semaphore_mem>>)
        %dma_wait3A = arith.constant 0 : i32
        %dma_wait3A_77 = arith.constant 0 : i32
        %dma_wait3A_78 = tpu.memref_slice %arg13[%dma_wait3A, %dma_wait3A_77] : memref<256x64xf32, #tpu.memory_space<vmem>> -> memref<128x64xf32, #tpu.memory_space<vmem>>
        %dma_wait3A_79 = arith.constant 0 : i32
        %dma_wait3A_80 = tpu.memref_slice %arg8[%arg0, %add3A, %dma_wait3A_79] : memref<2x10240x64xf32, #tpu.memory_space<hbm>> -> memref<1x128x64xf32, #tpu.memory_space<hbm>>
        %dma_wait3A_81 = tpu.memref_squeeze %dma_wait3A_80 : memref<1x128x64xf32, #tpu.memory_space<hbm>> -> memref<128x64xf32, #tpu.memory_space<hbm>>
        %dma_wait3A_82 = arith.constant 0 : i32
        %dma_wait3A_83 = tpu.memref_slice %arg8[%arg0, %add3A, %dma_wait3A_82] : memref<2x10240x64xf32, #tpu.memory_space<hbm>> -> memref<1x128x64xf32, #tpu.memory_space<hbm>>
        %dma_wait3A_84 = tpu.memref_squeeze %dma_wait3A_83 : memref<1x128x64xf32, #tpu.memory_space<hbm>> -> memref<128x64xf32, #tpu.memory_space<hbm>>
        %dma_wait3A_85 = arith.constant 0 : i32
        %dma_wait3A_86 = arith.constant 0 : i32
        %dma_wait3A_87 = tpu.memref_slice %arg13[%dma_wait3A_85, %dma_wait3A_86] : memref<256x64xf32, #tpu.memory_space<vmem>> -> memref<128x64xf32, #tpu.memory_space<vmem>>
        tpu.wait_dma2 semaphore(%run_scoped3A_65 : memref<!tpu.dma_semaphore, #tpu.memory_space<semaphore_mem>>) src(%dma_wait3A_87 : memref<128x64xf32, #tpu.memory_space<vmem>>) dst(%dma_wait3A_84 : memref<128x64xf32, #tpu.memory_space<hbm>>)
        tpu.yield
      }) : () -> ()
      %scan3A_64 = arith.constant 0 : i32
      scf.yield %scan3A_64 : i32
    }
    %scan3A_49 = arith.constant 5 : i32
    return
  }
}

module attributes {stable_mosaic.version = 14 : i64} {
  func.func @_prep_body(%arg0: i32, %arg1: memref<400x128xf32, #tpu.memory_space<vmem>>, %arg2: memref<400x128xf32, #tpu.memory_space<vmem>>, %arg3: memref<128x128xf32, #tpu.memory_space<vmem>>, %arg4: memref<1x128xf32, #tpu.memory_space<vmem>>, %arg5: memref<128x128xf32, #tpu.memory_space<vmem>>, %arg6: memref<1x128xf32, #tpu.memory_space<vmem>>, %arg7: memref<32x16xf32, #tpu.memory_space<vmem>>, %arg8: memref<32x16xf32, #tpu.memory_space<vmem>>, %arg9: memref<1x16xf32, #tpu.memory_space<vmem>>, %arg10: memref<2x400x64xf32, #tpu.memory_space<vmem>>, %arg11: memref<400x16xf32, #tpu.memory_space<vmem>>, %arg12: memref<400x16xf32, #tpu.memory_space<vmem>>) attributes {dimension_semantics = [#tpu.dimension_semantics<arbitrary>], iteration_bounds = array<i64: 25>, scalar_prefetch = 0 : i64, scratch_operands = 0 : i64, tpu.core_type = #tpu.core_type<tc>, window_params = [{transform_indices = @transform_0, window_bounds = array<i64: 400, 128>}, {transform_indices = @transform_1, window_bounds = array<i64: 400, 128>}, {pipeline_mode = #tpu.pipeline_mode<synchronous>, transform_indices = @transform_2, window_bounds = array<i64: 128, 128>}, {pipeline_mode = #tpu.pipeline_mode<synchronous>, transform_indices = @transform_3, window_bounds = array<i64: 1, 128>}, {pipeline_mode = #tpu.pipeline_mode<synchronous>, transform_indices = @transform_4, window_bounds = array<i64: 128, 128>}, {pipeline_mode = #tpu.pipeline_mode<synchronous>, transform_indices = @transform_5, window_bounds = array<i64: 1, 128>}, {pipeline_mode = #tpu.pipeline_mode<synchronous>, transform_indices = @transform_6, window_bounds = array<i64: 32, 16>}, {pipeline_mode = #tpu.pipeline_mode<synchronous>, transform_indices = @transform_7, window_bounds = array<i64: 32, 16>}, {pipeline_mode = #tpu.pipeline_mode<synchronous>, transform_indices = @transform_8, window_bounds = array<i64: 1, 16>}, {transform_indices = @transform_9, window_bounds = array<i64: 2, 400, 64>}, {transform_indices = @transform_10, window_bounds = array<i64: 400, 16>}, {transform_indices = @transform_11, window_bounds = array<i64: 400, 16>}]} {
    %get3A = arith.constant 0 : index
    %get3A_0 = arith.constant 0 : index
    %get3A_1 = vector.load %arg1[%get3A, %get3A_0] : memref<400x128xf32, #tpu.memory_space<vmem>>, vector<400x128xf32>
    %get3A_2 = arith.constant 0 : index
    %get3A_3 = arith.constant 0 : index
    %get3A_4 = vector.load %arg3[%get3A_2, %get3A_3] : memref<128x128xf32, #tpu.memory_space<vmem>>, vector<128x128xf32>
    %dot_general3A = arith.constant dense<0.000000e+00> : vector<400x128xf32>
    %dot_general3A_5 = tpu.matmul %get3A_1, %get3A_4, %dot_general3A {dimension_numbers = #tpu.dot_dimension_numbers<[1], [0], [0], [1], [0, 0, 1, 1], [], []>, transpose_lhs_hint = false} : vector<400x128xf32>, vector<128x128xf32>, vector<400x128xf32> -> vector<400x128xf32>
    %get3A_6 = arith.constant 0 : index
    %get3A_7 = arith.constant 0 : index
    %get3A_8 = vector.load %arg4[%get3A_6, %get3A_7] : memref<1x128xf32, #tpu.memory_space<vmem>>, vector<1x128xf32>
    %add3A = vector.broadcast %get3A_8 : vector<1x128xf32> to vector<400x128xf32>
    %add3A_9 = arith.addf %dot_general3A_5, %add3A : vector<400x128xf32>
    %get3A_10 = arith.constant 0 : index
    %get3A_11 = arith.constant 0 : index
    %get3A_12 = vector.load %arg2[%get3A_10, %get3A_11] : memref<400x128xf32, #tpu.memory_space<vmem>>, vector<400x128xf32>
    %get3A_13 = arith.constant 0 : index
    %get3A_14 = arith.constant 0 : index
    %get3A_15 = vector.load %arg3[%get3A_13, %get3A_14] : memref<128x128xf32, #tpu.memory_space<vmem>>, vector<128x128xf32>
    %dot_general3A_16 = arith.constant dense<0.000000e+00> : vector<400x128xf32>
    %dot_general3A_17 = tpu.matmul %get3A_12, %get3A_15, %dot_general3A_16 {dimension_numbers = #tpu.dot_dimension_numbers<[1], [0], [0], [1], [0, 0, 1, 1], [], []>, transpose_lhs_hint = false} : vector<400x128xf32>, vector<128x128xf32>, vector<400x128xf32> -> vector<400x128xf32>
    %get3A_18 = arith.constant 0 : index
    %get3A_19 = arith.constant 0 : index
    %get3A_20 = vector.load %arg4[%get3A_18, %get3A_19] : memref<1x128xf32, #tpu.memory_space<vmem>>, vector<1x128xf32>
    %add3A_21 = vector.broadcast %get3A_20 : vector<1x128xf32> to vector<400x128xf32>
    %add3A_22 = arith.addf %dot_general3A_17, %add3A_21 : vector<400x128xf32>
    %slice3A = vector.extract_strided_slice %add3A_9 {offsets = [0, 0], sizes = [400, 32], strides = [1, 1]} : vector<400x128xf32> to vector<400x32xf32>
    %slice3A_23 = vector.extract_strided_slice %add3A_9 {offsets = [0, 32], sizes = [400, 32], strides = [1, 1]} : vector<400x128xf32> to vector<400x32xf32>
    %add3A_24 = arith.addf %slice3A, %slice3A_23 : vector<400x32xf32>
    %slice3A_25 = vector.extract_strided_slice %add3A_9 {offsets = [0, 64], sizes = [400, 32], strides = [1, 1]} : vector<400x128xf32> to vector<400x32xf32>
    %add3A_26 = arith.addf %add3A_24, %slice3A_25 : vector<400x32xf32>
    %slice3A_27 = vector.extract_strided_slice %add3A_9 {offsets = [0, 96], sizes = [400, 32], strides = [1, 1]} : vector<400x128xf32> to vector<400x32xf32>
    %add3A_28 = arith.addf %add3A_26, %slice3A_27 : vector<400x32xf32>
    %mul3A = arith.constant 2.500000e-01 : f32
    %mul3A_29 = vector.broadcast %mul3A : f32 to vector<400x32xf32>
    %mul3A_30 = arith.mulf %add3A_28, %mul3A_29 : vector<400x32xf32>
    %slice3A_31 = vector.extract_strided_slice %add3A_22 {offsets = [0, 0], sizes = [400, 32], strides = [1, 1]} : vector<400x128xf32> to vector<400x32xf32>
    %slice3A_32 = vector.extract_strided_slice %add3A_22 {offsets = [0, 32], sizes = [400, 32], strides = [1, 1]} : vector<400x128xf32> to vector<400x32xf32>
    %add3A_33 = arith.addf %slice3A_31, %slice3A_32 : vector<400x32xf32>
    %slice3A_34 = vector.extract_strided_slice %add3A_22 {offsets = [0, 64], sizes = [400, 32], strides = [1, 1]} : vector<400x128xf32> to vector<400x32xf32>
    %add3A_35 = arith.addf %add3A_33, %slice3A_34 : vector<400x32xf32>
    %slice3A_36 = vector.extract_strided_slice %add3A_22 {offsets = [0, 96], sizes = [400, 32], strides = [1, 1]} : vector<400x128xf32> to vector<400x32xf32>
    %add3A_37 = arith.addf %add3A_35, %slice3A_36 : vector<400x32xf32>
    %mul3A_38 = arith.constant 2.500000e-01 : f32
    %mul3A_39 = vector.broadcast %mul3A_38 : f32 to vector<400x32xf32>
    %mul3A_40 = arith.mulf %add3A_37, %mul3A_39 : vector<400x32xf32>
    %get3A_41 = arith.constant 0 : index
    %get3A_42 = arith.constant 0 : index
    %get3A_43 = vector.load %arg5[%get3A_41, %get3A_42] : memref<128x128xf32, #tpu.memory_space<vmem>>, vector<128x128xf32>
    %dot_general3A_44 = arith.constant dense<0.000000e+00> : vector<400x128xf32>
    %dot_general3A_45 = tpu.matmul %add3A_9, %get3A_43, %dot_general3A_44 {dimension_numbers = #tpu.dot_dimension_numbers<[1], [0], [0], [1], [0, 0, 1, 1], [], []>, transpose_lhs_hint = false} : vector<400x128xf32>, vector<128x128xf32>, vector<400x128xf32> -> vector<400x128xf32>
    %get3A_46 = arith.constant 0 : index
    %get3A_47 = arith.constant 0 : index
    %get3A_48 = vector.load %arg6[%get3A_46, %get3A_47] : memref<1x128xf32, #tpu.memory_space<vmem>>, vector<1x128xf32>
    %add3A_49 = vector.broadcast %get3A_48 : vector<1x128xf32> to vector<400x128xf32>
    %add3A_50 = arith.addf %dot_general3A_45, %add3A_49 : vector<400x128xf32>
    %slice3A_51 = vector.extract_strided_slice %add3A_50 {offsets = [0, 0], sizes = [400, 64], strides = [1, 1]} : vector<400x128xf32> to vector<400x64xf32>
    %swap3A = arith.constant 0 : index
    %swap3A_52 = arith.constant 0 : index
    %swap3A_53 = arith.constant 0 : index
    %swap3A_54 = vector.load %arg10[%swap3A, %swap3A_52, %swap3A_53] : memref<2x400x64xf32, #tpu.memory_space<vmem>>, vector<1x400x64xf32>
    %swap3A_55 = vector.shape_cast %swap3A_54 : vector<1x400x64xf32> to vector<400x64xf32>
    %swap3A_56 = vector.shape_cast %slice3A_51 : vector<400x64xf32> to vector<1x400x64xf32>
    tpu.vector_store %arg10[%swap3A, %swap3A_52, %swap3A_53], %swap3A_56 {strides = array<i32>} : memref<2x400x64xf32, #tpu.memory_space<vmem>>, vector<1x400x64xf32>,
    %slice3A_57 = vector.extract_strided_slice %add3A_50 {offsets = [0, 64], sizes = [400, 64], strides = [1, 1]} : vector<400x128xf32> to vector<400x64xf32>
    %swap3A_58 = arith.constant 1 : index
    %swap3A_59 = arith.constant 0 : index
    %swap3A_60 = arith.constant 0 : index
    %swap3A_61 = vector.load %arg10[%swap3A_58, %swap3A_59, %swap3A_60] : memref<2x400x64xf32, #tpu.memory_space<vmem>>, vector<1x400x64xf32>
    %swap3A_62 = vector.shape_cast %swap3A_61 : vector<1x400x64xf32> to vector<400x64xf32>
    %swap3A_63 = vector.shape_cast %slice3A_57 : vector<400x64xf32> to vector<1x400x64xf32>
    tpu.vector_store %arg10[%swap3A_58, %swap3A_59, %swap3A_60], %swap3A_63 {strides = array<i32>} : memref<2x400x64xf32, #tpu.memory_space<vmem>>, vector<1x400x64xf32>,
    %get3A_64 = arith.constant 0 : index
    %get3A_65 = arith.constant 0 : index
    %get3A_66 = vector.load %arg7[%get3A_64, %get3A_65] : memref<32x16xf32, #tpu.memory_space<vmem>>, vector<32x16xf32>
    %dot_general3A_67 = arith.constant dense<0.000000e+00> : vector<400x16xf32>
    %dot_general3A_68 = tpu.matmul %mul3A_30, %get3A_66, %dot_general3A_67 {dimension_numbers = #tpu.dot_dimension_numbers<[1], [0], [0], [1], [0, 0, 1, 1], [], []>, transpose_lhs_hint = false} : vector<400x32xf32>, vector<32x16xf32>, vector<400x16xf32> -> vector<400x16xf32>
    %swap3A_69 = arith.constant 0 : index
    %swap3A_70 = arith.constant 0 : index
    %swap3A_71 = vector.load %arg11[%swap3A_69, %swap3A_70] : memref<400x16xf32, #tpu.memory_space<vmem>>, vector<400x16xf32>
    tpu.vector_store %arg11[%swap3A_69, %swap3A_70], %dot_general3A_68 {strides = array<i32>} : memref<400x16xf32, #tpu.memory_space<vmem>>, vector<400x16xf32>,
    %get3A_72 = arith.constant 0 : index
    %get3A_73 = arith.constant 0 : index
    %get3A_74 = vector.load %arg8[%get3A_72, %get3A_73] : memref<32x16xf32, #tpu.memory_space<vmem>>, vector<32x16xf32>
    %dot_general3A_75 = arith.constant dense<0.000000e+00> : vector<400x16xf32>
    %dot_general3A_76 = tpu.matmul %mul3A_40, %get3A_74, %dot_general3A_75 {dimension_numbers = #tpu.dot_dimension_numbers<[1], [0], [0], [1], [0, 0, 1, 1], [], []>, transpose_lhs_hint = false} : vector<400x32xf32>, vector<32x16xf32>, vector<400x16xf32> -> vector<400x16xf32>
    %get3A_77 = arith.constant 0 : index
    %get3A_78 = arith.constant 0 : index
    %get3A_79 = vector.load %arg9[%get3A_77, %get3A_78] : memref<1x16xf32, #tpu.memory_space<vmem>>, vector<1x16xf32>
    %add3A_80 = vector.broadcast %get3A_79 : vector<1x16xf32> to vector<400x16xf32>
    %add3A_81 = arith.addf %dot_general3A_76, %add3A_80 : vector<400x16xf32>
    %swap3A_82 = arith.constant 0 : index
    %swap3A_83 = arith.constant 0 : index
    %swap3A_84 = vector.load %arg12[%swap3A_82, %swap3A_83] : memref<400x16xf32, #tpu.memory_space<vmem>>, vector<400x16xf32>
    tpu.vector_store %arg12[%swap3A_82, %swap3A_83], %add3A_81 {strides = array<i32>} : memref<400x16xf32, #tpu.memory_space<vmem>>, vector<400x16xf32>,
    return
  }
  func.func @transform_0(%arg0: i32) -> (i32, i32) {
    %c0_i32 = arith.constant 0 : i32
    %c0_i32_0 = arith.constant 0 : i32
    return %arg0, %c0_i32 : i32, i32
  }
  func.func @transform_1(%arg0: i32) -> (i32, i32) {
    %c0_i32 = arith.constant 0 : i32
    %c0_i32_0 = arith.constant 0 : i32
    return %arg0, %c0_i32 : i32, i32
  }
  func.func @transform_2(%arg0: i32) -> (i32, i32) {
    %c0_i32 = arith.constant 0 : i32
    %c0_i32_0 = arith.constant 0 : i32
    %c0_i32_1 = arith.constant 0 : i32
    return %c0_i32, %c0_i32_0 : i32, i32
  }
  func.func @transform_3(%arg0: i32) -> (i32, i32) {
    %c0_i32 = arith.constant 0 : i32
    %c0_i32_0 = arith.constant 0 : i32
    %c0_i32_1 = arith.constant 0 : i32
    return %c0_i32, %c0_i32_0 : i32, i32
  }
  func.func @transform_4(%arg0: i32) -> (i32, i32) {
    %c0_i32 = arith.constant 0 : i32
    %c0_i32_0 = arith.constant 0 : i32
    %c0_i32_1 = arith.constant 0 : i32
    return %c0_i32, %c0_i32_0 : i32, i32
  }
  func.func @transform_5(%arg0: i32) -> (i32, i32) {
    %c0_i32 = arith.constant 0 : i32
    %c0_i32_0 = arith.constant 0 : i32
    %c0_i32_1 = arith.constant 0 : i32
    return %c0_i32, %c0_i32_0 : i32, i32
  }
  func.func @transform_6(%arg0: i32) -> (i32, i32) {
    %c0_i32 = arith.constant 0 : i32
    %c0_i32_0 = arith.constant 0 : i32
    %c0_i32_1 = arith.constant 0 : i32
    return %c0_i32, %c0_i32_0 : i32, i32
  }
  func.func @transform_7(%arg0: i32) -> (i32, i32) {
    %c0_i32 = arith.constant 0 : i32
    %c0_i32_0 = arith.constant 0 : i32
    %c0_i32_1 = arith.constant 0 : i32
    return %c0_i32, %c0_i32_0 : i32, i32
  }
  func.func @transform_8(%arg0: i32) -> (i32, i32) {
    %c0_i32 = arith.constant 0 : i32
    %c0_i32_0 = arith.constant 0 : i32
    %c0_i32_1 = arith.constant 0 : i32
    return %c0_i32, %c0_i32_0 : i32, i32
  }
  func.func @transform_9(%arg0: i32) -> (i32, i32, i32) {
    %c0_i32 = arith.constant 0 : i32
    %c0_i32_0 = arith.constant 0 : i32
    %c0_i32_1 = arith.constant 0 : i32
    return %c0_i32, %arg0, %c0_i32_0 : i32, i32, i32
  }
  func.func @transform_10(%arg0: i32) -> (i32, i32) {
    %c0_i32 = arith.constant 0 : i32
    %c0_i32_0 = arith.constant 0 : i32
    return %arg0, %c0_i32 : i32, i32
  }
  func.func @transform_11(%arg0: i32) -> (i32, i32) {
    %c0_i32 = arith.constant 0 : i32
    %c0_i32_0 = arith.constant 0 : i32
    return %arg0, %c0_i32 : i32, i32
  }
}

module attributes {stable_mosaic.version = 14 : i64} {
  func.func @_mid_body(%arg0: i32, %arg1: memref<2x400x64xf32, #tpu.memory_space<vmem>>, %arg2: memref<1x128xf32, #tpu.memory_space<vmem>>, %arg3: memref<128x128xf32, #tpu.memory_space<vmem>>, %arg4: memref<1x128xf32, #tpu.memory_space<vmem>>, %arg5: memref<2x400x64xf32, #tpu.memory_space<vmem>>) attributes {dimension_semantics = [#tpu.dimension_semantics<arbitrary>], iteration_bounds = array<i64: 25>, scalar_prefetch = 0 : i64, scratch_operands = 0 : i64, tpu.core_type = #tpu.core_type<tc>, window_params = [{transform_indices = @transform_0, window_bounds = array<i64: 2, 400, 64>}, {pipeline_mode = #tpu.pipeline_mode<synchronous>, transform_indices = @transform_1, window_bounds = array<i64: 1, 128>}, {pipeline_mode = #tpu.pipeline_mode<synchronous>, transform_indices = @transform_2, window_bounds = array<i64: 128, 128>}, {pipeline_mode = #tpu.pipeline_mode<synchronous>, transform_indices = @transform_3, window_bounds = array<i64: 1, 128>}, {transform_indices = @transform_4, window_bounds = array<i64: 2, 400, 64>}]} {
    %get3A = arith.constant 0 : index
    %get3A_0 = arith.constant 0 : index
    %get3A_1 = arith.constant 0 : index
    %get3A_2 = vector.load %arg1[%get3A, %get3A_0, %get3A_1] : memref<2x400x64xf32, #tpu.memory_space<vmem>>, vector<1x400x64xf32>
    %get3A_3 = vector.shape_cast %get3A_2 : vector<1x400x64xf32> to vector<400x64xf32>
    %get3A_4 = arith.constant 1 : index
    %get3A_5 = arith.constant 0 : index
    %get3A_6 = arith.constant 0 : index
    %get3A_7 = vector.load %arg1[%get3A_4, %get3A_5, %get3A_6] : memref<2x400x64xf32, #tpu.memory_space<vmem>>, vector<1x400x64xf32>
    %get3A_8 = vector.shape_cast %get3A_7 : vector<1x400x64xf32> to vector<400x64xf32>
    %concatenate3A = tpu.concatenate %get3A_3, %get3A_8 in 1 : vector<400x64xf32>, vector<400x64xf32> -> vector<400x128xf32>
    %get3A_9 = arith.constant 0 : index
    %get3A_10 = arith.constant 0 : index
    %get3A_11 = vector.load %arg2[%get3A_9, %get3A_10] : memref<1x128xf32, #tpu.memory_space<vmem>>, vector<1x128xf32>
    %add3A = vector.broadcast %get3A_11 : vector<1x128xf32> to vector<400x128xf32>
    %add3A_12 = arith.addf %concatenate3A, %add3A : vector<400x128xf32>
    %gt3A = arith.constant 0.000000e+00 : f32
    %gt3A_13 = vector.broadcast %gt3A : f32 to vector<400x128xf32>
    %gt3A_14 = arith.cmpf ogt, %add3A_12, %gt3A_13 : vector<400x128xf32>
    %exp3A = math.exp %add3A_12 : vector<400x128xf32>
    %sub3A = arith.constant 1.000000e+00 : f32
    %sub3A_15 = vector.broadcast %sub3A : f32 to vector<400x128xf32>
    %sub3A_16 = arith.subf %exp3A, %sub3A_15 : vector<400x128xf32>
    %select_n3A = arith.select %gt3A_14, %add3A_12, %sub3A_16 : vector<400x128xi1>, vector<400x128xf32>
    %get3A_17 = arith.constant 0 : index
    %get3A_18 = arith.constant 0 : index
    %get3A_19 = vector.load %arg3[%get3A_17, %get3A_18] : memref<128x128xf32, #tpu.memory_space<vmem>>, vector<128x128xf32>
    %dot_general3A = arith.constant dense<0.000000e+00> : vector<400x128xf32>
    %dot_general3A_20 = tpu.matmul %select_n3A, %get3A_19, %dot_general3A {dimension_numbers = #tpu.dot_dimension_numbers<[1], [0], [0], [1], [0, 0, 1, 1], [], []>, transpose_lhs_hint = false} : vector<400x128xf32>, vector<128x128xf32>, vector<400x128xf32> -> vector<400x128xf32>
    %get3A_21 = arith.constant 0 : index
    %get3A_22 = arith.constant 0 : index
    %get3A_23 = vector.load %arg4[%get3A_21, %get3A_22] : memref<1x128xf32, #tpu.memory_space<vmem>>, vector<1x128xf32>
    %add3A_24 = vector.broadcast %get3A_23 : vector<1x128xf32> to vector<400x128xf32>
    %add3A_25 = arith.addf %dot_general3A_20, %add3A_24 : vector<400x128xf32>
    %slice3A = vector.extract_strided_slice %add3A_25 {offsets = [0, 0], sizes = [400, 64], strides = [1, 1]} : vector<400x128xf32> to vector<400x64xf32>
    %swap3A = arith.constant 0 : index
    %swap3A_26 = arith.constant 0 : index
    %swap3A_27 = arith.constant 0 : index
    %swap3A_28 = vector.load %arg5[%swap3A, %swap3A_26, %swap3A_27] : memref<2x400x64xf32, #tpu.memory_space<vmem>>, vector<1x400x64xf32>
    %swap3A_29 = vector.shape_cast %swap3A_28 : vector<1x400x64xf32> to vector<400x64xf32>
    %swap3A_30 = vector.shape_cast %slice3A : vector<400x64xf32> to vector<1x400x64xf32>
    tpu.vector_store %arg5[%swap3A, %swap3A_26, %swap3A_27], %swap3A_30 {strides = array<i32>} : memref<2x400x64xf32, #tpu.memory_space<vmem>>, vector<1x400x64xf32>,
    %slice3A_31 = vector.extract_strided_slice %add3A_25 {offsets = [0, 64], sizes = [400, 64], strides = [1, 1]} : vector<400x128xf32> to vector<400x64xf32>
    %swap3A_32 = arith.constant 1 : index
    %swap3A_33 = arith.constant 0 : index
    %swap3A_34 = arith.constant 0 : index
    %swap3A_35 = vector.load %arg5[%swap3A_32, %swap3A_33, %swap3A_34] : memref<2x400x64xf32, #tpu.memory_space<vmem>>, vector<1x400x64xf32>
    %swap3A_36 = vector.shape_cast %swap3A_35 : vector<1x400x64xf32> to vector<400x64xf32>
    %swap3A_37 = vector.shape_cast %slice3A_31 : vector<400x64xf32> to vector<1x400x64xf32>
    tpu.vector_store %arg5[%swap3A_32, %swap3A_33, %swap3A_34], %swap3A_37 {strides = array<i32>} : memref<2x400x64xf32, #tpu.memory_space<vmem>>, vector<1x400x64xf32>,
    return
  }
  func.func @transform_0(%arg0: i32) -> (i32, i32, i32) {
    %c0_i32 = arith.constant 0 : i32
    %c0_i32_0 = arith.constant 0 : i32
    %c0_i32_1 = arith.constant 0 : i32
    return %c0_i32, %arg0, %c0_i32_0 : i32, i32, i32
  }
  func.func @transform_1(%arg0: i32) -> (i32, i32) {
    %c0_i32 = arith.constant 0 : i32
    %c0_i32_0 = arith.constant 0 : i32
    %c0_i32_1 = arith.constant 0 : i32
    return %c0_i32, %c0_i32_0 : i32, i32
  }
  func.func @transform_2(%arg0: i32) -> (i32, i32) {
    %c0_i32 = arith.constant 0 : i32
    %c0_i32_0 = arith.constant 0 : i32
    %c0_i32_1 = arith.constant 0 : i32
    return %c0_i32, %c0_i32_0 : i32, i32
  }
  func.func @transform_3(%arg0: i32) -> (i32, i32) {
    %c0_i32 = arith.constant 0 : i32
    %c0_i32_0 = arith.constant 0 : i32
    %c0_i32_1 = arith.constant 0 : i32
    return %c0_i32, %c0_i32_0 : i32, i32
  }
  func.func @transform_4(%arg0: i32) -> (i32, i32, i32) {
    %c0_i32 = arith.constant 0 : i32
    %c0_i32_0 = arith.constant 0 : i32
    %c0_i32_1 = arith.constant 0 : i32
    return %c0_i32, %arg0, %c0_i32_0 : i32, i32, i32
  }
}

module attributes {stable_mosaic.version = 14 : i64} {
  func.func @_final_body(%arg0: i32, %arg1: memref<2x400x64xf32, #tpu.memory_space<vmem>>, %arg2: memref<1x128xf32, #tpu.memory_space<vmem>>, %arg3: memref<400x128xf32, #tpu.memory_space<vmem>>) attributes {dimension_semantics = [#tpu.dimension_semantics<arbitrary>], iteration_bounds = array<i64: 25>, scalar_prefetch = 0 : i64, scratch_operands = 0 : i64, tpu.core_type = #tpu.core_type<tc>, window_params = [{transform_indices = @transform_0, window_bounds = array<i64: 2, 400, 64>}, {pipeline_mode = #tpu.pipeline_mode<synchronous>, transform_indices = @transform_1, window_bounds = array<i64: 1, 128>}, {transform_indices = @transform_2, window_bounds = array<i64: 400, 128>}]} {
    %get3A = arith.constant 0 : index
    %get3A_0 = arith.constant 0 : index
    %get3A_1 = arith.constant 0 : index
    %get3A_2 = vector.load %arg1[%get3A, %get3A_0, %get3A_1] : memref<2x400x64xf32, #tpu.memory_space<vmem>>, vector<1x400x64xf32>
    %get3A_3 = vector.shape_cast %get3A_2 : vector<1x400x64xf32> to vector<400x64xf32>
    %get3A_4 = arith.constant 1 : index
    %get3A_5 = arith.constant 0 : index
    %get3A_6 = arith.constant 0 : index
    %get3A_7 = vector.load %arg1[%get3A_4, %get3A_5, %get3A_6] : memref<2x400x64xf32, #tpu.memory_space<vmem>>, vector<1x400x64xf32>
    %get3A_8 = vector.shape_cast %get3A_7 : vector<1x400x64xf32> to vector<400x64xf32>
    %concatenate3A = tpu.concatenate %get3A_3, %get3A_8 in 1 : vector<400x64xf32>, vector<400x64xf32> -> vector<400x128xf32>
    %get3A_9 = arith.constant 0 : index
    %get3A_10 = arith.constant 0 : index
    %get3A_11 = vector.load %arg2[%get3A_9, %get3A_10] : memref<1x128xf32, #tpu.memory_space<vmem>>, vector<1x128xf32>
    %add3A = vector.broadcast %get3A_11 : vector<1x128xf32> to vector<400x128xf32>
    %add3A_12 = arith.addf %concatenate3A, %add3A : vector<400x128xf32>
    %gt3A = arith.constant 0.000000e+00 : f32
    %gt3A_13 = vector.broadcast %gt3A : f32 to vector<400x128xf32>
    %gt3A_14 = arith.cmpf ogt, %add3A_12, %gt3A_13 : vector<400x128xf32>
    %exp3A = math.exp %add3A_12 : vector<400x128xf32>
    %sub3A = arith.constant 1.000000e+00 : f32
    %sub3A_15 = vector.broadcast %sub3A : f32 to vector<400x128xf32>
    %sub3A_16 = arith.subf %exp3A, %sub3A_15 : vector<400x128xf32>
    %select_n3A = arith.select %gt3A_14, %add3A_12, %sub3A_16 : vector<400x128xi1>, vector<400x128xf32>
    %swap3A = arith.constant 0 : index
    %swap3A_17 = arith.constant 0 : index
    %swap3A_18 = vector.load %arg3[%swap3A, %swap3A_17] : memref<400x128xf32, #tpu.memory_space<vmem>>, vector<400x128xf32>
    tpu.vector_store %arg3[%swap3A, %swap3A_17], %select_n3A {strides = array<i32>} : memref<400x128xf32, #tpu.memory_space<vmem>>, vector<400x128xf32>,
    return
  }
  func.func @transform_0(%arg0: i32) -> (i32, i32, i32) {
    %c0_i32 = arith.constant 0 : i32
    %c0_i32_0 = arith.constant 0 : i32
    %c0_i32_1 = arith.constant 0 : i32
    return %c0_i32, %arg0, %c0_i32_0 : i32, i32, i32
  }
  func.func @transform_1(%arg0: i32) -> (i32, i32) {
    %c0_i32 = arith.constant 0 : i32
    %c0_i32_0 = arith.constant 0 : i32
    %c0_i32_1 = arith.constant 0 : i32
    return %c0_i32, %c0_i32_0 : i32, i32
  }
  func.func @transform_2(%arg0: i32) -> (i32, i32) {
    %c0_i32 = arith.constant 0 : i32
    %c0_i32_0 = arith.constant 0 : i32
    return %arg0, %c0_i32 : i32, i32
  }
}

</mosaic_0001>

<sc_bundles>
// kernel: kernel.11.cloned.1.call-start
scs
__scs_entry_jumppad:
0x0: {  	(pc) =	sbr.rel $0x88, $3  }
0x1: {  	(tag) =	ssettag $0x0;
	lr =	simm.s32 $0x1  }
0x2: {  	[smem:$0x3F94] =	sst lr;
	_ =	strace $0xD0000000  }
0x3: {  	_ = 	snop  }
0x4: {  	_ = 	snop  }
0x5: {  	_ = 	snop  }
0x6: {  	_ = 	snop  }
0x7: {  	_ = 	snop  }
__scs_overlays_trampoline_lowered:
0x8: {  	[smem:$0x3FA3] =	sst s0  }
0x9: {  	[smem:$0x3FA4] =	sst s1  }
0xa: {  	[smem:$0x3FA5] =	sst s2  }
0xb: {  	[smem:$0x3FA6] =	sst s3  }
0xc: {  	[smem:$0x3FA7] =	sst s4  }
0xd: {  	[smem:$0x3FA8] =	sst s5  }
0xe: {  	[smem:$0x3FA9] =	sst s6  }
0xf: {  	[smem:$0x3FAA] =	sst s7  }
0x10: {  	[smem:$0x3FAB] =	sst s8  }
0x11: {  	[smem:$0x3FAC] =	sst s9;
	s0 =	simm.s32 @!p0 $0x0  }
0x12: {  	s1 =	sld [smem:$0x3F92];
	s0 =	simm.s32 @p0 $0x1  }
0x13: {  	[smem:$0x3FAD] =	sst s0;
	s0 =	simm.s32 @!p1 $0x0  }
0x14: {  	s2 =	sld [smem:$0x3F91];
	s0 =	simm.s32 @p1 $0x1  }
0x15: {  	[smem:$0x3FAE] =	sst s0;
	s0 =	simm.s32 @!p2 $0x0  }
0x16: {  	s3 =	sld [smem:$0x3FDB];
	s0 =	simm.s32 @p2 $0x1  }
0x17: {  	s4 =	simm.s32 $0x1BF5;
	[smem:$0x3FB0] =	sst s0  }
0x18: {  	s0 =	sld [smem:$0x3F93];
	_ =	swait.ge [sflag:s4], $0x0  }
0x19: {  	s7 =	sld [smem:$0x3F94]  }
0x1a: {  	s8 =	sadd.s32 $0xFFFFE003, lr  }
0x1b: {  	s9 =	sadd.s32 $0xFFFFFEF7, lr;
	s5 =	simm.s32 $0xFFFFFFFF;
	p2 =	slt.u32 s8, $0xFFFFF086  }
0x1c: {  	p1 =	slt.u32 s9, $0xF7A;
	s5 =	simm.s32 @!p2 $0x0  }
0x1d: {  	s5 =	simm.s32 @p1 $0x1;
	p0 =	seq.s32 s7, s2  }
0x1e: {  	s7 =	smul.u32 @!p0 $0xF7A, s2;
	p2 =	seq.s32 @!p0 s5, $0x0  }
0x1f: {  	s9 =	smul.u32 $0xF7A, s1;
	s8 =	simm.s32 @!p0 $0x1BF5;
	p2 =	por !p2, p0  }
0x20: {  	[sflag:s8] =	ssyncset.s32 @!p0 $0xFFFFF086;
	s6 =	sadd.s32 @!p0 s3, s7;
	s7 =	simm.s32 @!p0 $0x108  }
0x21: {  	s3 =	sadd.s32 s3, s9;
	s6 =	sadd.s32 @!p0 $0x88, s6;
	s7 =	simm.s32 @p2 $0x1082  }
0x22: {  	[simem:s7], [sflag:s8] =	dma.local @!p0 [hbm:s6], $0xF7A  }
0x23: {  	s9 =	sor.u32 $0xD0000000, s2;
	s6 =	simm.s32 $0x108;
	_ =	swait.ge @!p0 [sflag:s8], $0x0  }
0x24: {  	s3 =	sadd.s32 $0x88, s3;
	s6 =	simm.s32 @!p1 $0x1082;
	[sflag:s4] =	ssyncset.s32 $0xFFFFF086  }
0x25: {  	[simem:s6], [sflag:s4] =	dma.local [hbm:s3], $0xF7A  }
0x26: {  	[smem:$0x3F94] =	sst s1;
	(tag) =	ssettag s2;
	_ =	strace s9  }
0x27: {  	s1 =	sld [smem:$0x3FA4]  }
0x28: {  	s2 =	sld [smem:$0x3FA5]  }
0x29: {  	s4 =	sld [smem:$0x3FA7]  }
0x2a: {  	p0 =	seq.s32 s5, $0x0;
	s5 =	sld [smem:$0x3FA8]  }
0x2b: {  	s6 =	sld [smem:$0x3FA9]  }
0x2c: {  	s7 =	sld [smem:$0x3FAA]  }
0x2d: {  	s3 =	simm.s32 $0x108;
	s8 =	sld [smem:$0x3FAB]  }
0x2e: {  	s3 =	simm.s32 @!p0 $0x1082;
	s9 =	sld [smem:$0x3FAC]  }
0x2f: {  	lr =	sadd.s32 s0, s3;
	s0 =	sld [smem:$0x3FA3]  }
0x30: {  	s3 =	sld [smem:$0x3FA6]  }
0x31: {  	[smem:$0x3FAF] =	sst s10  }
0x32: {  	s10 =	sld [smem:$0x3FAD];
	_ =	sdelay $0x3  }
0x33: {  	p0 =	seq.s32 s10, $0x1;
	s10 =	sld [smem:$0x3FAF];
	_ =	sdelay $0x3  }
0x34: {  	[smem:$0x3FAF] =	sst s10  }
0x35: {  	s10 =	sld [smem:$0x3FAE];
	_ =	sdelay $0x3  }
0x36: {  	p1 =	seq.s32 s10, $0x1;
	s10 =	sld [smem:$0x3FAF];
	_ =	sdelay $0x3  }
0x37: {  	[smem:$0x3FAF] =	sst s10  }
0x38: {  	s10 =	sld [smem:$0x3FB0]  }
0x39: {  	_ = 	snop;
	(pc) =	sbr.ind lr, $3  }
0x3a: {  	_ = 	snop  }
0x3b: {  	_ = 	snop  }
0x3c: {  	p2 =	seq.s32 s10, $0x1;
	s10 =	sld [smem:$0x3FAF]  }
0x3d: {  	_ =	shalt  }
0x3e: {  	_ =	shalt  }
0x3f: {  	_ =	shalt  }
0x40: {  	_ =	shalt  }
0x41: {  	_ =	shalt  }
0x42: {  	_ =	shalt  }
0x43: {  	_ =	shalt  }
0x44: {  	_ =	shalt  }
0x45: {  	_ =	shalt  }
0x46: {  	_ =	shalt  }
0x47: {  	_ =	shalt  }
0x48: {  	_ =	shalt  }
0x49: {  	_ =	shalt  }
0x4a: {  	_ =	shalt  }
0x4b: {  	_ =	shalt  }
0x4c: {  	_ =	shalt  }
0x4d: {  	_ =	shalt  }
0x4e: {  	_ =	shalt  }
0x4f: {  	_ =	shalt  }
0x50: {  	_ =	shalt  }
0x51: {  	_ =	shalt  }
0x52: {  	_ =	shalt  }
0x53: {  	_ =	shalt  }
0x54: {  	_ =	shalt  }
0x55: {  	_ =	shalt  }
0x56: {  	_ =	shalt  }
0x57: {  	_ =	shalt  }
0x58: {  	_ =	shalt  }
0x59: {  	_ =	shalt  }
0x5a: {  	_ =	shalt  }
0x5b: {  	_ =	shalt  }
0x5c: {  	_ =	shalt  }
0x5d: {  	_ =	shalt  }
0x5e: {  	_ =	shalt  }
0x5f: {  	_ =	shalt  }
0x60: {  	_ =	shalt  }
0x61: {  	_ =	shalt  }
0x62: {  	_ =	shalt  }
0x63: {  	_ =	shalt  }
0x64: {  	_ =	shalt  }
0x65: {  	_ =	shalt  }
0x66: {  	_ =	shalt  }
0x67: {  	_ =	shalt  }
0x68: {  	_ =	shalt  }
0x69: {  	_ =	shalt  }
0x6a: {  	_ =	shalt  }
0x6b: {  	_ =	shalt  }
0x6c: {  	_ =	shalt  }
0x6d: {  	_ =	shalt  }
0x6e: {  	_ =	shalt  }
0x6f: {  	_ =	shalt  }
0x70: {  	_ =	shalt  }
0x71: {  	_ =	shalt  }
0x72: {  	_ =	shalt  }
0x73: {  	_ =	shalt  }
0x74: {  	_ =	shalt  }
0x75: {  	_ =	shalt  }
0x76: {  	_ =	shalt  }
0x77: {  	_ =	shalt  }
0x78: {  	_ =	shalt  }
0x79: {  	_ =	shalt  }
0x7a: {  	_ =	shalt  }
0x7b: {  	_ =	shalt  }
0x7c: {  	_ =	shalt  }
0x7d: {  	_ =	shalt  }
0x7e: {  	_ =	shalt  }
0x7f: {  	_ =	shalt  }
0x80: {  	_ =	shalt  }
0x81: {  	_ =	shalt  }
0x82: {  	_ =	shalt  }
0x83: {  	_ =	shalt  }
0x84: {  	_ =	shalt  }
0x85: {  	_ =	shalt  }
0x86: {  	_ =	shalt  }
0x87: {  	_ =	shalt  }
.Lfunc_end0:
.L_simem_size_0:
called_computation.1_lowered:
.L_overlay_start_0:
0x88: {  	s2 =	sld [smem:$0x3FD9]  }
0x89: {  	s3 =	sld [smem:$0x3FFE];
	_ =	sdelay $0x1  }
0x8a: {  	s1 =	srdreg.scid  }
0x8b: {  	s0 =	sand.u32 $0x1, s1  }
0x8c: {  	s17 =	sshll.u32 s0, $0xA;
	s2 =	sadd.s32 s3, s2  }
0x8d: {  	s2 =	sadd.s32 s2, s17  }
0x8e: {  	[smem:$0x3FBB] =	sst s2  }
0x8f: {  	_ = 	snop  }
0x90: {  	s2 =	sld [smem:$0x3FD0];
	(tm) =	ssettm $0x1  }
0x91: {  	s18 =	sld [smem:$0x3FFB];
	_ =	sdelay $0x3  }
0x92: {  	_ =	strace s18  }
0x93: {  	s3 =	sld [smem:$0x3FFC];
	_ =	sdelay $0x3  }
0x94: {  	_ =	strace s3  }
0x95: {  	s3 =	sld [smem:$0x3FFD];
	_ =	sdelay $0x3  }
0x96: {  	_ =	strace s3  }
0x97: {  	_ =	strace $0x8FFFFFFF  }
0x98: {  	s19 =	sld [smem:$0x3FDB];
	_ =	sdelay $0x1  }
0x99: {  	s4 =	simm.s32 $_scs_section_size  }
0x9a: {  	s5 =	simm.s32 $_size__tile_overlayer_lowered;
	s6 =	simm.s32 $_tile_overlayer_lowered  }
0x9b: {  	s22 =	simm.s32 $0x1BFF;
	s21 =	sshll.u32 s6, $0x1;
	s3 =	sadd.s32 s4, s19  }
0x9c: {  	s7 =	simm.s32 $0x0;
	s20 =	sshll.u32 s5, $0x1;
	s5 =	sadd.s32 s21, s3  }
0x9d: {  	[timem:s7], [sflag:s22] =	dma.local [hbm:s5], s20  }
0x9e: {  	_ =	swait.ge [sflag:s22], s20  }
0x9f: {  	s4 =	ssub.s32 $0x0, s20;
	[sflag:s22] =	ssyncset.done $0x0  }
0xa0: {  	[sflag:s22] =	ssyncadd.s32 s4;
	_ =	sdelay $0x1  }
0xa1: {  	s23 =	simm.s32 $0x1B8B  }
0xa2: {  	_ =	swait.ge [sflag:s23], $0x1  }
0xa3: {  	[sflag:s23] =	ssyncset.done $0x0  }
0xa4: {  	s25 =	simm.s32 $0x1B8E;
	s24 =	sld [smem:$0x3FFE];
	[sflag:s23] =	ssyncadd.s32 $0xFFFFFFFF  }
0xa5: {  	s26 =	simm.s32 $execute0_lowered;
	[smem:$0x3FD2] =	sst s25  }
0xa6: {  	s5 =	sshll.u32 s26, $0x1;
	_ =	strace $0x80000049;
	[dreg:$0x1] =	wrdreg $0xFFFFFFFF  }
0xa7: {  	s28 =	simm.s32 $_size_execute0_lowered;
	s3 =	sadd.s32 s3, s5;
	[dreg:$0x0] =	wrdreg $0x0  }
0xa8: {  	s5 =	sshll.u32 s28, $0x1;
	[dreg:$0x2] =	wrdreg s3  }
0xa9: {  	[dreg:$0x3] =	wrdreg s5  }
0xaa: {  	[dreg:$0x4] =	wrdreg $0xC0  }
0xab: {  	_ =	task [dreg:s7], $0x5FFFF  }
0xac: {  	[dreg:$0x1] =	wrdreg $0xFFFFFFFF  }
0xad: {  	[dreg:$0x0] =	wrdreg $0x60  }
0xae: {  	[dreg:$0x2] =	wrdreg s24  }
0xaf: {  	[dreg:$0x3] =	wrdreg s2  }
0xb0: {  	[dreg:$0x4] =	wrdreg $0xA2000  }
0xb1: {  	[dreg:$0x5] =	wrdreg $0x142000  }
0xb2: {  	[dreg:$0x6] =	wrdreg $0x9  }
0xb3: {  	_ =	task.clear_ibuf [dreg:s7], $0x7FFFF;
	_ =	strace $0x90000049  }
0xb4: {  	s29 =	simm.s32 $0x9;
	_ =	strace $0x8000004B  }
0xb5: {  	_ =	swait.ge [sflag:s29], $0x1  }
0xb6: {  	[sflag:s29] =	ssyncadd.s32 $0xFFFFFFFF  }
0xb7: {  	_ =	strace $0x9000004B  }
0xb8: {  	_ =	sfence  }
0xb9: {  	s30 =	sld [smem:$0x0];
	_ =	sdelay $0x2  }
0xba: {  	s31 =	sshll.u32 s1, $0xD;
	s1 =	sshrl.u32 s1, $0x2  }
0xbb: {  	s3 =	sand.u32 $0x4000, s31;
	s1 =	sadd.s32 s1, s30  }
0xbc: {  	s0 =	sor.u32 s3, s0;
	s1 =	sshll.u32 s1, $0x11  }
0xbd: {  	s0 =	sor.u32 s1, s0  }
0xbe: {  	s0 =	sadd.s32 $0x8F2B, s0  }
0xbf: {  	[sflag:s0] =	ssyncadd.remote.s32 $0x1  }
0xc0: {  	_ =	sfence.sel $0xFFFF  }
0xc1: {  	[dreg:$0x0] =	wrdreg $0xFFFFFFFF;
	(pc) =	sbr.abs _section_cstart, $3  }
0xc2: {  	[dreg:$0x1] =	wrdreg $0xFFFFFFFF  }
0xc3: {  	_ =	task.clear_ibuf [dreg:s7], $0x2FFFF;
	_ =	strace $0x9FFFFFFF  }
0xc4: {  	(tm) =	ssettm $0x7FFFFFFF  }
0xc5: {  	_ =	shalt  }
tec
execute0_lowered:
.L_overlay_start_1:
0x0: {  	(tag) =	ssettag $0x1  }
0x1: {  	s0 =	rddreg [dreg:$0x0]  }
0x2: {  	s6 =	rddreg [dreg:$0x1]  }
0x3: {  	s7 =	rddreg [dreg:$0x2]  }
0x4: {  	s8 =	rddreg [dreg:$0x3];
	s4 =	simm.s32 $0x0;
	s1 =	srdreg.scid  }
0x5: {  	s9 =	stileid.u32;
	[smem:$0x7FF] =	sst s4;
	s3 =	sadd.s32 $0x61A00, s0  }
0x6: {  	s25 =	sadd.s32 $0x5CA00, s0;
	_ =	strace $0x8000004A;
	[dreg:$0x5] =	wrdreg s3  }
0x7: {  	s1 =	sand.u32 $0x1, s1;
	s26 =	sadd.s32 $0x66A00, s0;
	[dreg:$0x6] =	wrdreg s25  }
0x8: {  	s5 =	sadd.s32 $0xB6A00, s0;
	s13 =	smul.u32 $0xA000, s9;
	[dreg:$0x7] =	wrdreg s26  }
0x9: {  	s11 =	sadd.s32 $0x2AA00, s0;
	[dreg:$0x8] =	wrdreg s5;
	s14 =	smul.u32 $0xA0000, s1  }
0xa: {  	s29 =	simm.s32 $0x1200;
	s30 =	simm.s32 $0x2;
	[dreg:$0x9] =	wrdreg s11  }
0xb: {  	s2 =	smul.u32 $0x14000, s1;
	s16 =	sadd.s32 s13, s7;
	[dreg:$0xc] =	wrdreg s14  }
0xc: {  	s17 =	sadd.s32 $0x2000, s13;
	s18 =	sadd.s32 s13, s8;
	[dreg:$0xe] =	wrdreg s16  }
0xd: {  	s2 =	sadd.s32 s2, s0;
	s0 =	sadd.s32 $0xBBA00, s0;
	[dreg:$0xf] =	wrdreg s18  }
0xe: {  	s20 =	sadd.s32 $0x4000, s13;
	s19 =	sadd.s32 s17, s7;
	[dreg:$0xb] =	wrdreg s0  }
0xf: {  	s22 =	sadd.s32 $0x6000, s13;
	s21 =	sadd.s32 s20, s7;
	[dreg:$0x10] =	wrdreg s19  }
0x10: {  	s24 =	sadd.s32 $0x8000, s13;
	s23 =	sadd.s32 s22, s7;
	[dreg:$0x12] =	wrdreg s21  }
0x11: {  	s28 =	ssub.s32 $0x2, s1;
	s25 =	sadd.s32 s24, s7;
	[dreg:$0x14] =	wrdreg s23  }
0x12: {  	s12 =	sshrl.u32 s28, $0x1;
	s26 =	sadd.s32 s24, s8;
	[dreg:$0x16] =	wrdreg s25  }
0x13: {  	s3 =	ssub.s32 s28, s12;
	s28 =	sadd.s32 $0x5000, s6;
	[dreg:$0x17] =	wrdreg s26  }
0x14: {  	s31 =	simm.s32 $0x100;
	s2 =	sadd.s32 $0x2A00, s2;
	[dreg:$0x18] =	wrdreg s28  }
0x15: {  	s10 =	smul.u32 $0x280, s9;
	s15 =	smax.u32 s3, $0x1;
	[dreg:$0xa] =	wrdreg s2  }
0x16: {  	p0 =	seq.s32 s1, $0x0;
	s0 =	sadd.s32 s17, s8;
	[dreg:$0xd] =	wrdreg s15  }
0x17: {  	s5 =	simm.s32 $0x1;
	[dreg:$0x11] =	wrdreg s0;
	s2 =	sadd.s32 s20, s8  }
0x18: {  	s1 =	simm.s32 $0x0;
	s0 =	sadd.s32 s22, s8;
	[dreg:$0x13] =	wrdreg s2  }
0x19: {  	v0 =	vimm.f32 $0.0e+00;
	s26 =	smul.u32 $0x2800, s9;
	s15 =	simm.s32 $0x5200;
	[dreg:$0x15] =	wrdreg s0  }
.LBB2_1:
0x1a: {  	[dreg:$0x19] =	wrdreg s1;
	s1 =	simm.s32 $0x100;
	s0 =	simm.s32 $0x0  }
.LBB2_2:
0x1b: {  	p1 =	sne.s32 s1, $0x7F00;
	[tilespmem:s0+$0x1230] =	vst v0;
	s2 =	smov.u32 s1;
	s1 =	sadd.s32 $0x100, s1  }
.Ltmp0:
0x1c: {  	[tilespmem:s0+$0x1220] =	vst v0;
	(pc) =	sbr.rel @p1 .LBB2_2-.Ltmp0, $3  }
0x1d: {  	[tilespmem:s0+$0x1200] =	vst v0  }
0x1e: {  	[tilespmem:s0+$0x1210] =	vst v0;
	_ =	sdelay $0x1  }
0x1f: {  	s0 =	sshra.s32 s2, $0x2  }
0x20: {  	[tilespmem:s0+$0x1230] =	vst v0  }
0x21: {  	[tilespmem:s0+$0x1220] =	vst v0  }
0x22: {  	[tilespmem:s0+$0x1200] =	vst v0  }
0x23: {  	[tilespmem:s0+$0x1210] =	vst v0;
	s17 =	rddreg [dreg:$0xe]  }
0x24: {  	[spmem:s17] =	stream.linear.scatter [tilespmem:s29], [sflag:$0x2], $0x2000, $0x38;
	[tilespmem:$0x1E200] =	vst v63  }
0x25: {  	_ =	swait.ge [sflag:s30], $0x2000  }
0x26: {  	[sflag:s30] =	ssyncset.done $0x0  }
0x27: {  	s18 =	rddreg [dreg:$0xf];
	[sflag:s30] =	ssyncadd.s32 $0xFFFFE000  }
0x28: {  	[spmem:s18] =	stream.linear.scatter [tilespmem:s29], [sflag:$0x2], $0x2000, $0x38;
	[tilespmem:$0x1E200] =	vst v63  }
0x29: {  	_ =	swait.ge [sflag:s30], $0x2000  }
0x2a: {  	[sflag:s30] =	ssyncset.done $0x0  }
0x2b: {  	s19 =	rddreg [dreg:$0x10];
	[sflag:s30] =	ssyncadd.s32 $0xFFFFE000  }
0x2c: {  	[spmem:s19] =	stream.linear.scatter [tilespmem:s29], [sflag:$0x2], $0x2000, $0x38;
	[tilespmem:$0x1E200] =	vst v63  }
0x2d: {  	_ =	swait.ge [sflag:s30], $0x2000  }
0x2e: {  	[sflag:s30] =	ssyncset.done $0x0  }
0x2f: {  	s20 =	rddreg [dreg:$0x11];
	[sflag:s30] =	ssyncadd.s32 $0xFFFFE000  }
0x30: {  	[spmem:s20] =	stream.linear.scatter [tilespmem:s29], [sflag:$0x2], $0x2000, $0x38;
	[tilespmem:$0x1E200] =	vst v63  }
0x31: {  	_ =	swait.ge [sflag:s30], $0x2000  }
0x32: {  	[sflag:s30] =	ssyncset.done $0x0  }
0x33: {  	s21 =	rddreg [dreg:$0x12];
	[sflag:s30] =	ssyncadd.s32 $0xFFFFE000  }
0x34: {  	[spmem:s21] =	stream.linear.scatter [tilespmem:s29], [sflag:$0x2], $0x2000, $0x38;
	[tilespmem:$0x1E200] =	vst v63  }
0x35: {  	_ =	swait.ge [sflag:s30], $0x2000  }
0x36: {  	[sflag:s30] =	ssyncset.done $0x0  }
0x37: {  	s22 =	rddreg [dreg:$0x13];
	[sflag:s30] =	ssyncadd.s32 $0xFFFFE000  }
0x38: {  	[spmem:s22] =	stream.linear.scatter [tilespmem:s29], [sflag:$0x2], $0x2000, $0x38;
	[tilespmem:$0x1E200] =	vst v63  }
0x39: {  	_ =	swait.ge [sflag:s30], $0x2000  }
0x3a: {  	[sflag:s30] =	ssyncset.done $0x0  }
0x3b: {  	s23 =	rddreg [dreg:$0x14];
	[sflag:s30] =	ssyncadd.s32 $0xFFFFE000  }
0x3c: {  	[spmem:s23] =	stream.linear.scatter [tilespmem:s29], [sflag:$0x2], $0x2000, $0x38;
	[tilespmem:$0x1E200] =	vst v63  }
0x3d: {  	_ =	swait.ge [sflag:s30], $0x2000  }
0x3e: {  	[sflag:s30] =	ssyncset.done $0x0  }
0x3f: {  	s24 =	rddreg [dreg:$0x15];
	[sflag:s30] =	ssyncadd.s32 $0xFFFFE000  }
0x40: {  	[spmem:s24] =	stream.linear.scatter [tilespmem:s29], [sflag:$0x2], $0x2000, $0x38;
	[tilespmem:$0x1E200] =	vst v63  }
0x41: {  	_ =	swait.ge [sflag:s30], $0x2000  }
0x42: {  	[sflag:s30] =	ssyncset.done $0x0  }
0x43: {  	s25 =	rddreg [dreg:$0x16];
	[sflag:s30] =	ssyncadd.s32 $0xFFFFE000  }
0x44: {  	[spmem:s25] =	stream.linear.scatter [tilespmem:s29], [sflag:$0x2], $0x2000, $0x38;
	[tilespmem:$0x1E200] =	vst v63  }
0x45: {  	_ =	swait.ge [sflag:s30], $0x2000  }
0x46: {  	[sflag:s30] =	ssyncset.done $0x0  }
0x47: {  	s28 =	rddreg [dreg:$0x17];
	[sflag:s30] =	ssyncadd.s32 $0xFFFFE000  }
0x48: {  	[spmem:s28] =	stream.linear.scatter [tilespmem:s29], [sflag:$0x2], $0x2000, $0x38;
	[tilespmem:$0x1E200] =	vst v63  }
0x49: {  	_ =	swait.ge [sflag:s30], $0x2000  }
0x4a: {  	[sflag:s30] =	ssyncset.done $0x0  }
0x4b: {  	[sflag:s30] =	ssyncadd.s32 $0xFFFFE000  }
0x4c: {  	[bflag:$0x0] =	sbarrier.arrive $0xFFFF  }
0x4d: {  	s19 =	simm.s32 $0x0;
	s7 =	rddreg [dreg:$0xa]  }
.LBB2_4:
0x4e: {  	s0 =	sshll.u32 s19, $0x8  }
0x4f: {  	s0 =	sadd.s32 s26, s0  }
0x50: {  	s2 =	rddreg [dreg:$0x5];
	s1 =	sshrl.u32 s0, $0x3  }
0x51: {  	s2 =	sadd.s32 s2, s1  }
0x52: {  	[tilespmem:s4], [sflag:$0x2] =	stream.linear.gather [hbm4b:s2+s4], $0x100, $0x38;
	[tilespmem:$0x1E200] =	vst v63  }
0x53: {  	_ =	swait.ge [sflag:s30], $0x100  }
0x54: {  	[sflag:s30] =	ssyncset.done $0x0;
	s21 =	rddreg [dreg:$0x6]  }
0x55: {  	[sflag:s30] =	ssyncadd.s32 $0xFFFFFF00;
	s1 =	sadd.s32 s21, s1  }
0x56: {  	[tilespmem:s31], [sflag:$0x2] =	stream.linear.gather [hbm4b:s1+s4], $0x100, $0x38;
	[tilespmem:$0x1E200] =	vst v63  }
0x57: {  	_ =	swait.ge [sflag:s30], $0x100  }
0x58: {  	s0 =	sshll.u32 s0, $0x1;
	[sflag:s30] =	ssyncset.done $0x0;
	s22 =	rddreg [dreg:$0x7]  }
0x59: {  	s23 =	simm.s32 $0x200;
	[sflag:s30] =	ssyncadd.s32 $0xFFFFFF00;
	s0 =	sadd.s32 s22, s0  }
0x5a: {  	[tilespmem:s23], [sflag:$0x2] =	stream.linear.gather [hbm4b:s0+s4], $0x1000, $0x38;
	[tilespmem:$0x1E200] =	vst v63  }
0x5b: {  	_ =	swait.ge [sflag:s30], $0x1000  }
0x5c: {  	[sflag:s30] =	ssyncset.done $0x0  }
0x5d: {  	[sflag:s30] =	ssyncadd.s32 $0xFFFFF000  }
0x5e: {  	[tilespmem:s29], [sflag:$0x1] =	stream.indirect.gather [hbm4b:s7+s31], $0x40, s4, s31, $0xb8;
	[tilespmem:$0x1E200] =	vst v63  }
0x5f: {  	_ =	swait.ge [sflag:s5], $0x4000  }
0x60: {  	[sflag:s5] =	ssyncset.done $0x0  }
0x61: {  	s24 =	simm.s32 $0x220;
	[sflag:s5] =	ssyncadd.s32 $0xFFFFC000  }
0x62: {  	v1 =	vld [tilespmem:s24+$0x10];
	_ =	sdelay $0x2  }
0x63: {  	v2 =	vld [tilespmem:s24+$0xFFFFFFF0];
	_ =	sdelay $0x1  }
0x64: {  	v3 =	vld [tilespmem:s24+$0xFFFFFFE0];
	(v2sf) =	vpush v1, $0x0;
	_ =	sdelay $0x1  }
0x65: {  	v4 =	vld [tilespmem:s24+$0x0];
	(v2sf) =	vpush v1, $0x2  }
0x66: {  	(v2sf) =	vpush v2, $0x0  }
0x67: {  	(v2sf) =	vpush v2, $0x2  }
0x68: {  	(v2sf) =	vpush v3, $0x0  }
0x69: {  	(v2sf) =	vpush v3, $0x2  }
0x6a: {  	(v2sf) =	vpush v4, $0x0  }
0x6b: {  	(v2sf) =	vpush v4, $0x2  }
0x6c: {  	(v2sf) =	vpush v3, $0x1  }
0x6d: {  	(v2sf) =	vpush v3, $0x3  }
0x6e: {  	s25 =	simm.s32 $0x260;
	(v2sf) =	vpush v2, $0x1  }
0x6f: {  	(v2sf) =	vpush v2, $0x3;
	v2 =	vld [tilespmem:s25+$0x10]  }
0x70: {  	(v2sf) =	vpush v4, $0x1  }
0x71: {  	(v2sf) =	vpush v4, $0x3  }
0x72: {  	s1 =	spop (v2sf);
	(v2sf) =	vpush v1, $0x1  }
0x73: {  	s21 =	simm.s32 $0x1280;
	v4 =	vld [tilespmem:s25+$0xFFFFFFF0];
	(v2sf) =	vpush v1, $0x3  }
0x74: {  	v3 =	vld [tilespmem:s21+$0x40];
	s6 =	spop (v2sf);
	(v2sf) =	vpush v2, $0x0  }
0x75: {  	v5 =	vld [tilespmem:s25+$0xFFFFFFE0];
	s6 =	smov.u32 @p0 s1;
	s1 =	spop (v2sf);
	(v2sf) =	vpush v2, $0x2  }
0x76: {  	s12 =	spop (v2sf)  }
0x77: {  	v6 =	vld [tilespmem:s25+$0x0];
	s0 =	spop (v2sf)  }
0x78: {  	v7 =	vld [tilespmem:s21+$0xFFFFFFC0];
	(v2sf) =	vpush v4, $0x0;
	s11 =	spop (v2sf)  }
0x79: {  	v3 =	vmul.f32 s6, v3;
	(v2sf) =	vpush v4, $0x2;
	s9 =	spop (v2sf)  }
0x7a: {  	s20 =	simm.s32 $0x5280;
	v1 =	vld [tilespmem:s21+$0xFFFFFF80];
	(v2sf) =	vpush v5, $0x0;
	s13 =	spop (v2sf)  }
0x7b: {  	v8 =	vld [tilespmem:s21+$0x0];
	[tilespmem:s20+$0x40] =	vst v3;
	(v2sf) =	vpush v5, $0x2;
	s2 =	spop (v2sf)  }
0x7c: {  	s12 =	smov.u32 @p0 s1;
	v3 =	vld [tilespmem:s21+$0x50];
	(v2sf) =	vpush v6, $0x0;
	s24 =	spop (v2sf)  }
0x7d: {  	s28 =	simm.s32 $0x2A0;
	v7 =	vmul.f32 s12, v7;
	(v2sf) =	vpush v6, $0x2;
	s3 =	spop (v2sf)  }
0x7e: {  	v9 =	vld [tilespmem:s28+$0xFFFFFFF0];
	s11 =	smov.u32 @p0 s0;
	(v2sf) =	vpush v5, $0x1;
	s18 =	spop (v2sf)  }
0x7f: {  	v10 =	vld [tilespmem:s28+$0x0];
	v1 =	vmul.f32 s11, v1;
	[tilespmem:s20+$0xFFFFFFC0] =	vst v7;
	s13 =	smov.u32 @p0 s9;
	(v2sf) =	vpush v5, $0x3;
	s0 =	spop (v2sf)  }
0x80: {  	s23 =	simm.s32 $0x1380;
	v7 =	vmul.f32 s13, v8;
	v8 =	vld [tilespmem:s21+$0xFFFFFFD0];
	(v2sf) =	vpush v4, $0x1;
	s22 =	spop (v2sf)  }
0x81: {  	[tilespmem:s20+$0xFFFFFF80] =	vst v1;
	v1 =	vmul.f32 s6, v3;
	(v2sf) =	vpush v4, $0x3;
	v4 =	vld [tilespmem:s23+$0x40];
	s6 =	spop (v2sf)  }
0x82: {  	v3 =	vld [tilespmem:s21+$0xFFFFFF90];
	[tilespmem:s20+$0x0] =	vst v7;
	(v2sf) =	vpush v6, $0x1;
	s9 =	spop (v2sf)  }
0x83: {  	[tilespmem:s20+$0x50] =	vst v1;
	v1 =	vld [tilespmem:s28+$0x10];
	(v2sf) =	vpush v6, $0x3;
	s14 =	spop (v2sf)  }
0x84: {  	v7 =	vld [tilespmem:s21+$0x10];
	(v2sf) =	vpush v2, $0x1;
	s16 =	spop (v2sf)  }
0x85: {  	v5 =	vld [tilespmem:s21+$0x60];
	(v2sf) =	vpush v2, $0x3;
	s16 =	smov.u32 @p0 s14  }
0x86: {  	v6 =	vld [tilespmem:s23+$0xFFFFFF80];
	v2 =	vmul.f32 s16, v4  }
0x87: {  	s1 =	simm.s32 $0x5380;
	s14 =	spop (v2sf);
	v4 =	vld [tilespmem:s28+$0xFFFFFFE0]  }
0x88: {  	v11 =	vld [tilespmem:s23+$0xFFFFFFC0];
	v3 =	vmul.f32 s11, v3;
	(v2sf) =	vpush v1, $0x0;
	s11 =	spop (v2sf);
	[tilespmem:s1+$0x40] =	vst v2  }
0x89: {  	s9 =	smov.u32 @p0 s6;
	(v2sf) =	vpush v1, $0x2;
	s6 =	spop (v2sf);
	v2 =	vmul.f32 s12, v8;
	v8 =	vld [tilespmem:s23+$0x50]  }
0x8a: {  	[tilespmem:s20+$0xFFFFFF90] =	vst v3;
	v3 =	vmul.f32 s9, v5;
	v5 =	vld [tilespmem:s23+$0x0];
	(v2sf) =	vpush v9, $0x0;
	s17 =	spop (v2sf)  }
0x8b: {  	(v2sf) =	vpush v9, $0x2;
	s17 =	smov.u32 @p0 s6;
	s6 =	spop (v2sf);
	[tilespmem:s20+$0xFFFFFFD0] =	vst v2;
	v2 =	vmul.f32 s13, v7;
	v7 =	vld [tilespmem:s21+$0xFFFFFFA0]  }
0x8c: {  	[tilespmem:s20+$0x60] =	vst v3;
	s11 =	smov.u32 @p0 s14;
	v3 =	vmul.f32 s17, v6;
	s14 =	spop (v2sf);
	v6 =	vld [tilespmem:s21+$0xFFFFFFE0];
	(v2sf) =	vpush v4, $0x0  }
0x8d: {  	v11 =	vmul.f32 s11, v11;
	s25 =	spop (v2sf);
	[tilespmem:s20+$0x10] =	vst v2;
	v2 =	vld [tilespmem:s21+$0x70];
	(v2sf) =	vpush v4, $0x2  }
0x8e: {  	s14 =	smov.u32 @p0 s6;
	s12 =	spop (v2sf);
	[tilespmem:s1+$0xFFFFFF80] =	vst v3;
	v12 =	vld [tilespmem:s21+$0x20];
	(v2sf) =	vpush v10, $0x0;
	v3 =	vmul.f32 s16, v8  }
0x8f: {  	s24 =	smov.u32 @p0 s2;
	[tilespmem:s1+$0xFFFFFFC0] =	vst v11;
	v5 =	vmul.f32 s14, v5;
	s2 =	spop (v2sf);
	v8 =	vld [tilespmem:s23+$0xFFFFFF90];
	(v2sf) =	vpush v10, $0x2  }
0x90: {  	s18 =	smov.u32 @p0 s3;
	v11 =	vld [tilespmem:s23+$0xFFFFFFD0];
	s13 =	spop (v2sf);
	v7 =	vmul.f32 s24, v7;
	(v2sf) =	vpush v4, $0x1;
	[tilespmem:s1+$0x50] =	vst v3  }
0x91: {  	[tilespmem:s1+$0x0] =	vst v5;
	s6 =	spop (v2sf);
	v5 =	vmul.f32 s18, v6;
	(v2sf) =	vpush v4, $0x3;
	v13 =	vld [tilespmem:s23+$0x60]  }
0x92: {  	s22 =	smov.u32 @p0 s0;
	v3 =	vld [tilespmem:s23+$0x10];
	v2 =	vmul.f32 s9, v2;
	s3 =	spop (v2sf);
	[tilespmem:s20+$0xFFFFFFA0] =	vst v7;
	(v2sf) =	vpush v9, $0x1  }
0x93: {  	v6 =	vmul.f32 s22, v12;
	s0 =	spop (v2sf);
	v4 =	vld [tilespmem:s21+$0xFFFFFFB0];
	[tilespmem:s20+$0xFFFFFFE0] =	vst v5;
	(v2sf) =	vpush v9, $0x3  }
0x94: {  	s12 =	smov.u32 @p0 s25;
	s9 =	simm.s32 $0x1480;
	[tilespmem:s20+$0x70] =	vst v2;
	v5 =	vmul.f32 s17, v8;
	s25 =	spop (v2sf);
	v2 =	vld [tilespmem:s21+$0xFFFFFFF0];
	(v2sf) =	vpush v10, $0x1  }
0x95: {  	s16 =	simm.s32 $0x2E0;
	s13 =	smov.u32 @p0 s2;
	v8 =	vmul.f32 s11, v11;
	s25 =	smov.u32 @p0 s0;
	[tilespmem:s20+$0x20] =	vst v6;
	v6 =	vld [tilespmem:s9+$0x40];
	(v2sf) =	vpush v10, $0x3  }
0x96: {  	s3 =	smov.u32 @p0 s6;
	s11 =	simm.s32 $0x5380;
	s0 =	simm.s32 $0x8;
	[tilespmem:s1+$0xFFFFFF90] =	vst v5;
	v5 =	vld [tilespmem:s9+$0xFFFFFF80];
	v7 =	vmul.f32 s25, v13  }
.LBB2_5:
0x97: {  	v9 =	vld [tilespmem:s16+$0x10];
	s2 =	spop (v2sf);
	[tilespmem:s1+$0xFFFFFFD0] =	vst v8;
	v3 =	vmul.f32 s14, v3  }
0x98: {  	s0 =	sadd.s32 $0x4, s0;
	v8 =	vld [tilespmem:s16+$0xFFFFFFF0];
	s6 =	spop (v2sf);
	(v2sf) =	vpush v1, $0x1;
	[tilespmem:s1+$0x60] =	vst v7;
	v4 =	vmul.f32 s24, v4;
	s24 =	smov.u32 s12  }
0x99: {  	p1 =	slt.u32 s0, $0xFC;
	s6 =	smov.u32 @p0 s2;
	s2 =	spop (v2sf);
	(v2sf) =	vpush v1, $0x3;
	[tilespmem:s1+$0x10] =	vst v3;
	v3 =	vld [tilespmem:s23+$0x70];
	v10 =	vmul.f32 s18, v2  }
0x9a: {  	s18 =	smov.u32 s13;
	v7 =	vld [tilespmem:s16+$0x0];
	v2 =	vmul.f32 s6, v6;
	s17 =	spop (v2sf);
	[tilespmem:s20+$0xFFFFFFB0] =	vst v4  }
0x9b: {  	s1 =	sadd.s32 $0x100, s1;
	v4 =	vld [tilespmem:s16+$0xFFFFFFE0];
	s17 =	smov.u32 @p0 s2;
	s12 =	spop (v2sf);
	[tilespmem:s20+$0xFFFFFFF0] =	vst v10  }
0x9c: {  	(v2sf) =	vpush v9, $0x0;
	v6 =	vld [tilespmem:s9+$0xFFFFFFC0];
	[tilespmem:s1+$0x40] =	vst v2;
	s2 =	spop (v2sf);
	v1 =	vmov v9  }
0x9d: {  	(v2sf) =	vpush v1, $0x2;
	s2 =	smov.u32 @p0 s12;
	v2 =	vld [tilespmem:s9+$0x50];
	s12 =	spop (v2sf)  }
0x9e: {  	(v2sf) =	vpush v8, $0x0;
	v5 =	vmul.f32 s2, v5;
	v9 =	vld [tilespmem:s9+$0x0];
	s14 =	spop (v2sf);
	v3 =	vmul.f32 s25, v3  }
0x9f: {  	(v2sf) =	vpush v8, $0x2;
	s14 =	smov.u32 @p0 s12;
	s13 =	spop (v2sf);
	v10 =	vld [tilespmem:s23+$0xFFFFFFA0]  }
0xa0: {  	(v2sf) =	vpush v4, $0x0;
	s12 =	spop (v2sf);
	v11 =	vld [tilespmem:s23+$0xFFFFFFE0];
	[tilespmem:s11+$0x70] =	vst v3  }
0xa1: {  	(v2sf) =	vpush v4, $0x2;
	s12 =	smov.u32 @p0 s13;
	[tilespmem:s1+$0xFFFFFF80] =	vst v5;
	v3 =	vmul.f32 s17, v6;
	s25 =	spop (v2sf);
	v5 =	vld [tilespmem:s23+$0x20]  }
0xa2: {  	(v2sf) =	vpush v7, $0x0;
	v6 =	vld [tilespmem:s9+$0xFFFFFF90];
	v2 =	vmul.f32 s6, v2;
	s13 =	spop (v2sf)  }
0xa3: {  	(v2sf) =	vpush v7, $0x2;
	s13 =	smov.u32 @p0 s25;
	[tilespmem:s1+$0xFFFFFFC0] =	vst v3;
	v3 =	vmul.f32 s14, v9;
	s6 =	spop (v2sf);
	v9 =	vld [tilespmem:s21+$0x30];
	s21 =	smov.u32 s23  }
0xa4: {  	s23 =	smov.u32 s9;
	(v2sf) =	vpush v4, $0x1;
	v12 =	vld [tilespmem:s9+$0xFFFFFFD0];
	[tilespmem:s1+$0x50] =	vst v2;
	s28 =	spop (v2sf);
	v2 =	vmul.f32 s24, v10  }
0xa5: {  	(v2sf) =	vpush v4, $0x3;
	s28 =	smov.u32 @p0 s6;
	[tilespmem:s1+$0x0] =	vst v3;
	v10 =	vld [tilespmem:s9+$0x60];
	v11 =	vmul.f32 s18, v11  }
.Ltmp1:
0xa6: {  	(v2sf) =	vpush v8, $0x1;
	v3 =	vld [tilespmem:s9+$0x10];
	[tilespmem:s11+$0xFFFFFFA0] =	vst v2;
	v5 =	vmul.f32 s3, v5;
	(pc) =	sbr.rel @p1 .LBB2_5-.Ltmp1, $4  }
0xa7: {  	(v2sf) =	vpush v8, $0x3;
	v8 =	vmul.f32 s2, v6;
	s2 =	spop (v2sf);
	v4 =	vld [tilespmem:s21+$0xFFFFFFB0];
	[tilespmem:s11+$0xFFFFFFE0] =	vst v11  }
0xa8: {  	s9 =	sadd.s32 $0x100, s9;
	(v2sf) =	vpush v7, $0x1;
	s25 =	spop (v2sf);
	v2 =	vld [tilespmem:s21+$0xFFFFFFF0];
	[tilespmem:s11+$0x20] =	vst v5;
	v9 =	vmul.f32 s22, v9;
	s22 =	smov.u32 s3  }
0xa9: {  	s3 =	smov.u32 s28;
	v6 =	vld [tilespmem:s9+$0x40];
	(v2sf) =	vpush v7, $0x3;
	[tilespmem:s1+$0xFFFFFF90] =	vst v8;
	v8 =	vmul.f32 s17, v12;
	s25 =	smov.u32 @p0 s2  }
0xaa: {  	s16 =	sadd.s32 $0x40, s16;
	v5 =	vld [tilespmem:s9+$0xFFFFFF80];
	v7 =	vmul.f32 s25, v10;
	[tilespmem:s20+$0x30] =	vst v9;
	s20 =	smov.u32 s11;
	s11 =	smov.u32 s1  }
0xab: {  	s0 =	spop (v2sf)  }
0xac: {  	s2 =	spop (v2sf)  }
0xad: {  	s6 =	spop (v2sf)  }
0xae: {  	(v2sf) =	vpush v1, $0x1;
	v9 =	vld [tilespmem:s9+$0xFFFFFFC0];
	s16 =	spop (v2sf)  }
0xaf: {  	(v2sf) =	vpush v1, $0x3;
	v1 =	vld [tilespmem:s9+$0x0];
	s2 =	smov.u32 @p0 s0;
	s17 =	spop (v2sf)  }
0xb0: {  	v6 =	vmul.f32 s2, v6;
	s28 =	spop (v2sf)  }
0xb1: {  	s8 =	sadd.s32 $0x100, s1;
	s28 =	smov.u32 @p0 s17;
	s17 =	spop (v2sf)  }
0xb2: {  	s16 =	smov.u32 @p0 s6;
	[tilespmem:s8+$0x40] =	vst v6;
	v5 =	vmul.f32 s28, v5;
	s6 =	spop (v2sf)  }
0xb3: {  	[tilespmem:s1+$0xFFFFFFD0] =	vst v8;
	v50 =	vmul.f32 s16, v9;
	v6 =	vld [tilespmem:s9+$0x50];
	s6 =	smov.u32 @p0 s17  }
0xb4: {  	[tilespmem:s8+$0xFFFFFF80] =	vst v5;
	v1 =	vmul.f32 s6, v1  }
0xb5: {  	[tilespmem:s8+$0xFFFFFFC0] =	vst v50;
	v5 =	vld [tilespmem:s9+$0xFFFFFF90]  }
0xb6: {  	v3 =	vmul.f32 s14, v3;
	v8 =	vld [tilespmem:s9+$0xFFFFFFD0];
	[tilespmem:s8+$0x0] =	vst v1  }
0xb7: {  	[tilespmem:s1+$0x60] =	vst v7;
	s14 =	spop (v2sf);
	v1 =	vmul.f32 s24, v4;
	v51 =	vld [tilespmem:s9+$0x10]  }
0xb8: {  	[tilespmem:s1+$0x10] =	vst v3;
	v3 =	vld [tilespmem:s23+$0x70];
	s1 =	spop (v2sf);
	v6 =	vmul.f32 s2, v6  }
0xb9: {  	v2 =	vmul.f32 s18, v2;
	s2 =	spop (v2sf);
	[tilespmem:s20+$0xFFFFFFB0] =	vst v1;
	v1 =	vld [tilespmem:s23+$0xFFFFFFA0]  }
0xba: {  	v52 =	vld [tilespmem:s23+$0xFFFFFFE0];
	s17 =	spop (v2sf);
	[tilespmem:s8+$0x50] =	vst v6;
	v5 =	vmul.f32 s28, v5  }
0xbb: {  	[tilespmem:s20+$0xFFFFFFF0] =	vst v2;
	s18 =	spop (v2sf);
	v53 =	vmul.f32 s16, v8;
	v2 =	vld [tilespmem:s9+$0x60]  }
0xbc: {  	v54 =	vld [tilespmem:s23+$0x20];
	s16 =	spop (v2sf);
	[tilespmem:s8+$0xFFFFFF90] =	vst v5;
	v4 =	vmul.f32 s6, v51  }
0xbd: {  	v3 =	vmul.f32 s25, v3;
	[tilespmem:s8+$0xFFFFFFD0] =	vst v53;
	s6 =	spop (v2sf);
	v5 =	vld [tilespmem:s9+$0xFFFFFFA0]  }
0xbe: {  	v55 =	vld [tilespmem:s9+$0xFFFFFFE0];
	v1 =	vmul.f32 s12, v1;
	s24 =	spop (v2sf);
	[tilespmem:s8+$0x10] =	vst v4  }
0xbf: {  	[tilespmem:s11+$0x70] =	vst v3;
	v3 =	vmul.f32 s13, v52;
	s24 =	smov.u32 @p0 s6;
	v56 =	vld [tilespmem:s9+$0x20]  }
0xc0: {  	v57 =	vld [tilespmem:s21+$0x30];
	[tilespmem:s11+$0xFFFFFFA0] =	vst v1;
	v1 =	vmul.f32 s24, v2  }
0xc1: {  	s1 =	smov.u32 @p0 s14;
	[tilespmem:s11+$0xFFFFFFE0] =	vst v3;
	v2 =	vmul.f32 s3, v54;
	v58 =	vld [tilespmem:s23+$0xFFFFFFB0]  }
0xc2: {  	v3 =	vld [tilespmem:s23+$0xFFFFFFF0];
	s17 =	smov.u32 @p0 s2;
	[tilespmem:s8+$0x60] =	vst v1;
	v1 =	vmul.f32 s1, v5  }
0xc3: {  	s16 =	smov.u32 @p0 s18;
	v4 =	vmul.f32 s17, v55;
	[tilespmem:s11+$0x20] =	vst v2;
	v2 =	vld [tilespmem:s9+$0x70]  }
0xc4: {  	v59 =	vld [tilespmem:s23+$0x30];
	[tilespmem:s8+$0xFFFFFFA0] =	vst v1;
	v1 =	vmul.f32 s16, v56  }
0xc5: {  	v60 =	vmul.f32 s22, v57;
	[tilespmem:s8+$0xFFFFFFE0] =	vst v4;
	v61 =	vld [tilespmem:s9+$0xFFFFFFB0]  }
0xc6: {  	v63 =	vld [tilespmem:s9+$0xFFFFFFF0];
	v62 =	vmul.f32 s12, v58;
	[tilespmem:s8+$0x20] =	vst v1  }
0xc7: {  	[tilespmem:s20+$0x30] =	vst v60;
	v1 =	vmul.f32 s13, v3;
	v3 =	vld [tilespmem:s9+$0x30]  }
0xc8: {  	[tilespmem:s11+$0xFFFFFFB0] =	vst v62;
	v2 =	vmul.f32 s24, v2  }
0xc9: {  	[tilespmem:s11+$0xFFFFFFF0] =	vst v1;
	v1 =	vmul.f32 s3, v59  }
0xca: {  	[tilespmem:s8+$0x70] =	vst v2;
	v2 =	vmul.f32 s1, v61  }
0xcb: {  	[tilespmem:s11+$0x30] =	vst v1;
	v1 =	vmul.f32 s17, v63  }
0xcc: {  	s19 =	sadd.s32 $0x1, s19;
	[tilespmem:s8+$0xFFFFFFB0] =	vst v2;
	v2 =	vmul.f32 s16, v3  }
0xcd: {  	p1 =	sne.s32 s19, $0x28;
	[tilespmem:s8+$0xFFFFFFF0] =	vst v1  }
.Ltmp2:
0xce: {  	s28 =	rddreg [dreg:$0x2];
	[tilespmem:s8+$0x30] =	vst v2;
	(pc) =	sbr.rel @p1 .LBB2_4-.Ltmp2, $4  }
0xcf: {  	[spmem:s28] =	stream.indirect.scatter.add.f32 [tilespmem:s15], [sflag:$0x2], $0x40, s31, s31, $0xb8;
	[tilespmem:$0x1E200] =	vst v63  }
0xd0: {  	_ =	swait.ge [sflag:s30], $0x4000  }
0xd1: {  	[sflag:s30] =	ssyncset.done $0x0  }
0xd2: {  	[sflag:s30] =	ssyncadd.s32 $0xFFFFC000  }
0xd3: {  	[bflag:$0x0] =	sbarrier.arrive $0xFFFF;
	s19 =	simm.s32 $0x0;
	s20 =	simm.s32 $0x0  }
.LBB2_8:
0xd4: {  	s0 =	sshll.u32 s20, $0x7  }
0xd5: {  	s0 =	sadd.s32 s10, s0  }
0xd6: {  	s1 =	sshll.u32 s0, $0x6  }
0xd7: {  	s2 =	rddreg [dreg:$0x2];
	s1 =	sand.u32 $0x3FFFFFC0, s1  }
0xd8: {  	s21 =	sadd.s32 s1, s2  }
0xd9: {  	[tilespmem:s29], [sflag:$0x2] =	stream.linear.gather [spmem:s21], $0x2000, $0x38;
	[tilespmem:$0x1E200] =	vst v63  }
0xda: {  	_ =	swait.ge [sflag:s30], $0x2000  }
0xdb: {  	s0 =	sshll.u32 s0, $0x1;
	[sflag:s30] =	ssyncset.done $0x0;
	s23 =	rddreg [dreg:$0x8]  }
0xdc: {  	s24 =	simm.s32 $0x9200;
	[sflag:s30] =	ssyncadd.s32 $0xFFFFE000;
	s1 =	sadd.s32 s23, s0  }
0xdd: {  	[tilespmem:s24], [sflag:$0x2] =	stream.linear.gather [hbm4b:s1+s19], $0x800, $0x38;
	[tilespmem:$0x1E200] =	vst v63  }
0xde: {  	_ =	swait.ge [sflag:s30], $0x800  }
0xdf: {  	[sflag:s30] =	ssyncset.done $0x0;
	s25 =	rddreg [dreg:$0xb]  }
0xe0: {  	s28 =	simm.s32 $0x9A00;
	[sflag:s30] =	ssyncadd.s32 $0xFFFFF800;
	s0 =	sadd.s32 s0, s25  }
0xe1: {  	[tilespmem:s28], [sflag:$0x2] =	stream.linear.gather [hbm4b:s0+s19], $0x800, $0x38;
	[tilespmem:$0x1E200] =	vst v63  }
0xe2: {  	_ =	swait.ge [sflag:s30], $0x800  }
0xe3: {  	[sflag:s30] =	ssyncset.done $0x0  }
0xe4: {  	s0 =	simm.s32 $0x0;
	[sflag:s30] =	ssyncadd.s32 $0xFFFFF800  }
0xe5: {  	s1 =	simm.s32 $0x40;
	v1 =	vld [tilespmem:s0+$0x9A00]  }
.LBB2_9:
0xe6: {  	p1 =	sne.s32 s1, $0x1FC0;
	v2 =	vld [tilespmem:s0+$0x9200];
	_ =	sdelay $0x4  }
0xe7: {  	v1 =	vadd.f32 v1, v2;
	_ =	sdelay $0x1  }
0xe8: {  	(erf) = vrcp.f32 v1;
	_ =	sdelay $0x6  }
.Ltmp3:
0xe9: {  	(pc) =	sbr.rel @p1 .LBB2_9-.Ltmp3, $4  }
0xea: {  	_ = 	snop  }
0xeb: {  	vm0 =	vgt.f32 v1, $0.0e+00;
	v1 =	vpop (erf)  }
0xec: {  	s2 =	sshra.s32 s1, $0x2;
	v2 =	vnsel vm0, $0x0, v1  }
0xed: {  	s1 =	sadd.s32 $0x40, s1;
	v1 =	vld [tilespmem:s2+$0x9A00];
	[tilespmem:s0+$0x9200] =	vst v2;
	s0 =	smov.u32 s2  }
0xee: {  	v2 =	vld [tilespmem:s0+$0x9200];
	_ =	sdelay $0x4  }
0xef: {  	v1 =	vadd.f32 v1, v2;
	_ =	sdelay $0x1  }
0xf0: {  	(erf) = vrcp.f32 v1;
	_ =	sdelay $0x8  }
0xf1: {  	vm0 =	vgt.f32 v1, $0.0e+00;
	v1 =	vpop (erf)  }
0xf2: {  	v1 =	vnsel vm0, $0x0, v1  }
0xf3: {  	s6 =	simm.s32 $0x9220;
	[tilespmem:s0+$0x9200] =	vst v1  }
0xf4: {  	v1 =	vld [tilespmem:s6+$0x10];
	_ =	sdelay $0x2  }
0xf5: {  	v2 =	vld [tilespmem:s6+$0xFFFFFFF0];
	_ =	sdelay $0x1  }
0xf6: {  	v3 =	vld [tilespmem:s6+$0xFFFFFFE0];
	(v2sf) =	vpush v1, $0x0;
	_ =	sdelay $0x1  }
0xf7: {  	v4 =	vld [tilespmem:s6+$0x0];
	(v2sf) =	vpush v1, $0x2  }
0xf8: {  	(v2sf) =	vpush v2, $0x0  }
0xf9: {  	(v2sf) =	vpush v2, $0x2  }
0xfa: {  	(v2sf) =	vpush v3, $0x0  }
0xfb: {  	(v2sf) =	vpush v3, $0x2  }
0xfc: {  	(v2sf) =	vpush v4, $0x0  }
0xfd: {  	(v2sf) =	vpush v4, $0x2  }
0xfe: {  	(v2sf) =	vpush v3, $0x1  }
0xff: {  	(v2sf) =	vpush v3, $0x3  }
0x100: {  	s7 =	simm.s32 $0x9260;
	(v2sf) =	vpush v2, $0x1  }
0x101: {  	(v2sf) =	vpush v2, $0x3;
	v2 =	vld [tilespmem:s7+$0x10]  }
0x102: {  	(v2sf) =	vpush v4, $0x1  }
0x103: {  	(v2sf) =	vpush v4, $0x3  }
0x104: {  	s1 =	spop (v2sf);
	(v2sf) =	vpush v1, $0x1  }
0x105: {  	s23 =	simm.s32 $0x1280;
	v4 =	vld [tilespmem:s7+$0xFFFFFFF0];
	(v2sf) =	vpush v1, $0x3  }
0x106: {  	v3 =	vld [tilespmem:s23+$0x40];
	s3 =	spop (v2sf);
	(v2sf) =	vpush v2, $0x0  }
0x107: {  	v5 =	vld [tilespmem:s7+$0xFFFFFFE0];
	s3 =	smov.u32 @p0 s1;
	s1 =	spop (v2sf);
	(v2sf) =	vpush v2, $0x2  }
0x108: {  	s13 =	spop (v2sf)  }
0x109: {  	v6 =	vld [tilespmem:s7+$0x0];
	s0 =	spop (v2sf)  }
0x10a: {  	v7 =	vld [tilespmem:s23+$0xFFFFFFC0];
	(v2sf) =	vpush v4, $0x0;
	s6 =	spop (v2sf)  }
0x10b: {  	v3 =	vmul.f32 s3, v3;
	(v2sf) =	vpush v4, $0x2;
	s11 =	spop (v2sf)  }
0x10c: {  	s22 =	simm.s32 $0x5280;
	v1 =	vld [tilespmem:s23+$0xFFFFFF80];
	(v2sf) =	vpush v5, $0x0;
	s14 =	spop (v2sf)  }
0x10d: {  	v8 =	vld [tilespmem:s23+$0x0];
	[tilespmem:s22+$0x40] =	vst v3;
	(v2sf) =	vpush v5, $0x2;
	s2 =	spop (v2sf)  }
0x10e: {  	s13 =	smov.u32 @p0 s1;
	v3 =	vld [tilespmem:s23+$0x50];
	(v2sf) =	vpush v6, $0x0;
	s18 =	spop (v2sf)  }
0x10f: {  	s8 =	simm.s32 $0x92A0;
	v7 =	vmul.f32 s13, v7;
	(v2sf) =	vpush v6, $0x2;
	s9 =	spop (v2sf)  }
0x110: {  	v9 =	vld [tilespmem:s8+$0xFFFFFFF0];
	s6 =	smov.u32 @p0 s0;
	(v2sf) =	vpush v5, $0x1;
	s1 =	spop (v2sf)  }
0x111: {  	v10 =	vld [tilespmem:s8+$0x0];
	v1 =	vmul.f32 s6, v1;
	[tilespmem:s22+$0xFFFFFFC0] =	vst v7;
	s14 =	smov.u32 @p0 s11;
	(v2sf) =	vpush v5, $0x3;
	s0 =	spop (v2sf)  }
0x112: {  	s25 =	simm.s32 $0x1380;
	v7 =	vmul.f32 s14, v8;
	v8 =	vld [tilespmem:s23+$0xFFFFFFD0];
	(v2sf) =	vpush v4, $0x1;
	s24 =	spop (v2sf)  }
0x113: {  	[tilespmem:s22+$0xFFFFFF80] =	vst v1;
	v1 =	vmul.f32 s3, v3;
	(v2sf) =	vpush v4, $0x3;
	v4 =	vld [tilespmem:s25+$0x40];
	s16 =	spop (v2sf)  }
0x114: {  	v3 =	vld [tilespmem:s23+$0xFFFFFF90];
	[tilespmem:s22+$0x0] =	vst v7;
	(v2sf) =	vpush v6, $0x1;
	s11 =	spop (v2sf)  }
0x115: {  	[tilespmem:s22+$0x50] =	vst v1;
	v1 =	vld [tilespmem:s8+$0x10];
	(v2sf) =	vpush v6, $0x3;
	s12 =	spop (v2sf)  }
0x116: {  	v7 =	vld [tilespmem:s23+$0x10];
	(v2sf) =	vpush v2, $0x1;
	s17 =	spop (v2sf)  }
0x117: {  	v5 =	vld [tilespmem:s23+$0x60];
	(v2sf) =	vpush v2, $0x3;
	s17 =	smov.u32 @p0 s12  }
0x118: {  	v6 =	vld [tilespmem:s25+$0xFFFFFF80];
	v2 =	vmul.f32 s17, v4  }
0x119: {  	s3 =	simm.s32 $0x5380;
	s28 =	spop (v2sf);
	v4 =	vld [tilespmem:s8+$0xFFFFFFE0]  }
0x11a: {  	v11 =	vld [tilespmem:s25+$0xFFFFFFC0];
	v3 =	vmul.f32 s6, v3;
	(v2sf) =	vpush v1, $0x0;
	s12 =	spop (v2sf);
	[tilespmem:s3+$0x40] =	vst v2  }
0x11b: {  	s11 =	smov.u32 @p0 s16;
	(v2sf) =	vpush v1, $0x2;
	s6 =	spop (v2sf);
	v2 =	vmul.f32 s13, v8;
	v8 =	vld [tilespmem:s25+$0x50]  }
0x11c: {  	[tilespmem:s22+$0xFFFFFF90] =	vst v3;
	v3 =	vmul.f32 s11, v5;
	v5 =	vld [tilespmem:s25+$0x0];
	(v2sf) =	vpush v9, $0x0;
	s16 =	spop (v2sf)  }
0x11d: {  	(v2sf) =	vpush v9, $0x2;
	s16 =	smov.u32 @p0 s6;
	s6 =	spop (v2sf);
	[tilespmem:s22+$0xFFFFFFD0] =	vst v2;
	v2 =	vmul.f32 s14, v7;
	v7 =	vld [tilespmem:s23+$0xFFFFFFA0]  }
0x11e: {  	[tilespmem:s22+$0x60] =	vst v3;
	s12 =	smov.u32 @p0 s28;
	v3 =	vmul.f32 s16, v6;
	s28 =	spop (v2sf);
	v6 =	vld [tilespmem:s23+$0xFFFFFFE0];
	(v2sf) =	vpush v4, $0x0  }
0x11f: {  	v11 =	vmul.f32 s12, v11;
	s7 =	spop (v2sf);
	[tilespmem:s22+$0x10] =	vst v2;
	v2 =	vld [tilespmem:s23+$0x70];
	(v2sf) =	vpush v4, $0x2  }
0x120: {  	s28 =	smov.u32 @p0 s6;
	s13 =	spop (v2sf);
	[tilespmem:s3+$0xFFFFFF80] =	vst v3;
	v12 =	vld [tilespmem:s23+$0x20];
	(v2sf) =	vpush v10, $0x0;
	v3 =	vmul.f32 s17, v8  }
0x121: {  	s18 =	smov.u32 @p0 s2;
	[tilespmem:s3+$0xFFFFFFC0] =	vst v11;
	v5 =	vmul.f32 s28, v5;
	s2 =	spop (v2sf);
	v8 =	vld [tilespmem:s25+$0xFFFFFF90];
	(v2sf) =	vpush v10, $0x2  }
0x122: {  	s1 =	smov.u32 @p0 s9;
	v11 =	vld [tilespmem:s25+$0xFFFFFFD0];
	s14 =	spop (v2sf);
	v7 =	vmul.f32 s18, v7;
	(v2sf) =	vpush v4, $0x1;
	[tilespmem:s3+$0x50] =	vst v3  }
0x123: {  	[tilespmem:s3+$0x0] =	vst v5;
	s6 =	spop (v2sf);
	v5 =	vmul.f32 s1, v6;
	(v2sf) =	vpush v4, $0x3;
	v13 =	vld [tilespmem:s25+$0x60]  }
0x124: {  	s24 =	smov.u32 @p0 s0;
	v3 =	vld [tilespmem:s25+$0x10];
	v2 =	vmul.f32 s11, v2;
	s9 =	spop (v2sf);
	[tilespmem:s22+$0xFFFFFFA0] =	vst v7;
	(v2sf) =	vpush v9, $0x1  }
0x125: {  	v6 =	vmul.f32 s24, v12;
	s17 =	spop (v2sf);
	v4 =	vld [tilespmem:s23+$0xFFFFFFB0];
	[tilespmem:s22+$0xFFFFFFE0] =	vst v5;
	(v2sf) =	vpush v9, $0x3  }
0x126: {  	s13 =	smov.u32 @p0 s7;
	s11 =	simm.s32 $0x1480;
	[tilespmem:s22+$0x70] =	vst v2;
	v5 =	vmul.f32 s16, v8;
	s0 =	spop (v2sf);
	v2 =	vld [tilespmem:s23+$0xFFFFFFF0];
	(v2sf) =	vpush v10, $0x1  }
0x127: {  	s14 =	smov.u32 @p0 s2;
	s9 =	smov.u32 @p0 s6;
	v8 =	vmul.f32 s12, v11;
	s0 =	smov.u32 @p0 s17;
	[tilespmem:s22+$0x20] =	vst v6;
	v6 =	vld [tilespmem:s11+$0x40];
	(v2sf) =	vpush v10, $0x3  }
0x128: {  	s16 =	simm.s32 $0x8;
	s12 =	simm.s32 $0x5380;
	s17 =	simm.s32 $0x92E0;
	[tilespmem:s3+$0xFFFFFF90] =	vst v5;
	v5 =	vld [tilespmem:s11+$0xFFFFFF80];
	v7 =	vmul.f32 s0, v13  }
.LBB2_11:
0x129: {  	v9 =	vld [tilespmem:s17+$0x10];
	s2 =	spop (v2sf);
	[tilespmem:s3+$0xFFFFFFD0] =	vst v8;
	v3 =	vmul.f32 s28, v3  }
0x12a: {  	s16 =	sadd.s32 $0x4, s16;
	v8 =	vld [tilespmem:s17+$0xFFFFFFF0];
	s7 =	spop (v2sf);
	(v2sf) =	vpush v1, $0x1;
	[tilespmem:s3+$0x60] =	vst v7;
	v4 =	vmul.f32 s18, v4;
	s18 =	smov.u32 s13  }
0x12b: {  	p1 =	slt.u32 s16, $0x7C;
	s7 =	smov.u32 @p0 s2;
	s6 =	spop (v2sf);
	(v2sf) =	vpush v1, $0x3;
	[tilespmem:s3+$0x10] =	vst v3;
	v3 =	vld [tilespmem:s25+$0x70];
	v10 =	vmul.f32 s1, v2  }
0x12c: {  	s1 =	smov.u32 s14;
	v7 =	vld [tilespmem:s17+$0x0];
	v2 =	vmul.f32 s7, v6;
	s2 =	spop (v2sf);
	[tilespmem:s22+$0xFFFFFFB0] =	vst v4  }
0x12d: {  	s3 =	sadd.s32 $0x100, s3;
	v4 =	vld [tilespmem:s17+$0xFFFFFFE0];
	s2 =	smov.u32 @p0 s6;
	s13 =	spop (v2sf);
	[tilespmem:s22+$0xFFFFFFF0] =	vst v10  }
0x12e: {  	(v2sf) =	vpush v9, $0x0;
	v6 =	vld [tilespmem:s11+$0xFFFFFFC0];
	[tilespmem:s3+$0x40] =	vst v2;
	s6 =	spop (v2sf);
	v1 =	vmov v9  }
0x12f: {  	(v2sf) =	vpush v1, $0x2;
	s6 =	smov.u32 @p0 s13;
	v2 =	vld [tilespmem:s11+$0x50];
	s13 =	spop (v2sf)  }
0x130: {  	(v2sf) =	vpush v8, $0x0;
	v5 =	vmul.f32 s6, v5;
	v9 =	vld [tilespmem:s11+$0x0];
	s28 =	spop (v2sf);
	v3 =	vmul.f32 s0, v3  }
0x131: {  	(v2sf) =	vpush v8, $0x2;
	s28 =	smov.u32 @p0 s13;
	s0 =	spop (v2sf);
	v10 =	vld [tilespmem:s25+$0xFFFFFFA0]  }
0x132: {  	(v2sf) =	vpush v4, $0x0;
	s13 =	spop (v2sf);
	v11 =	vld [tilespmem:s25+$0xFFFFFFE0];
	[tilespmem:s12+$0x70] =	vst v3  }
0x133: {  	(v2sf) =	vpush v4, $0x2;
	s13 =	smov.u32 @p0 s0;
	[tilespmem:s3+$0xFFFFFF80] =	vst v5;
	v3 =	vmul.f32 s2, v6;
	s0 =	spop (v2sf);
	v5 =	vld [tilespmem:s25+$0x20]  }
0x134: {  	(v2sf) =	vpush v7, $0x0;
	v6 =	vld [tilespmem:s11+$0xFFFFFF90];
	v2 =	vmul.f32 s7, v2;
	s14 =	spop (v2sf)  }
0x135: {  	(v2sf) =	vpush v7, $0x2;
	s14 =	smov.u32 @p0 s0;
	[tilespmem:s3+$0xFFFFFFC0] =	vst v3;
	v3 =	vmul.f32 s28, v9;
	s0 =	spop (v2sf);
	v9 =	vld [tilespmem:s23+$0x30];
	s23 =	smov.u32 s25  }
0x136: {  	s25 =	smov.u32 s11;
	(v2sf) =	vpush v4, $0x1;
	v12 =	vld [tilespmem:s11+$0xFFFFFFD0];
	[tilespmem:s3+$0x50] =	vst v2;
	s7 =	spop (v2sf);
	v2 =	vmul.f32 s18, v10  }
0x137: {  	(v2sf) =	vpush v4, $0x3;
	s7 =	smov.u32 @p0 s0;
	[tilespmem:s3+$0x0] =	vst v3;
	v10 =	vld [tilespmem:s11+$0x60];
	v11 =	vmul.f32 s1, v11  }
.Ltmp4:
0x138: {  	(v2sf) =	vpush v8, $0x1;
	v3 =	vld [tilespmem:s11+$0x10];
	[tilespmem:s12+$0xFFFFFFA0] =	vst v2;
	v5 =	vmul.f32 s9, v5;
	(pc) =	sbr.rel @p1 .LBB2_11-.Ltmp4, $4  }
0x139: {  	(v2sf) =	vpush v8, $0x3;
	v8 =	vmul.f32 s6, v6;
	s6 =	spop (v2sf);
	v4 =	vld [tilespmem:s23+$0xFFFFFFB0];
	[tilespmem:s12+$0xFFFFFFE0] =	vst v11  }
0x13a: {  	s11 =	sadd.s32 $0x100, s11;
	(v2sf) =	vpush v7, $0x1;
	s0 =	spop (v2sf);
	v2 =	vld [tilespmem:s23+$0xFFFFFFF0];
	[tilespmem:s12+$0x20] =	vst v5;
	v9 =	vmul.f32 s24, v9;
	s24 =	smov.u32 s9  }
0x13b: {  	s9 =	smov.u32 s7;
	v6 =	vld [tilespmem:s11+$0x40];
	(v2sf) =	vpush v7, $0x3;
	[tilespmem:s3+$0xFFFFFF90] =	vst v8;
	v8 =	vmul.f32 s2, v12;
	s0 =	smov.u32 @p0 s6  }
0x13c: {  	s17 =	sadd.s32 $0x40, s17;
	v5 =	vld [tilespmem:s11+$0xFFFFFF80];
	v7 =	vmul.f32 s0, v10;
	[tilespmem:s22+$0x30] =	vst v9;
	s22 =	smov.u32 s12;
	s12 =	smov.u32 s3  }
0x13d: {  	s2 =	spop (v2sf)  }
0x13e: {  	s6 =	spop (v2sf)  }
0x13f: {  	s7 =	spop (v2sf)  }
0x140: {  	(v2sf) =	vpush v1, $0x1;
	v9 =	vld [tilespmem:s11+$0xFFFFFFC0];
	s16 =	spop (v2sf)  }
0x141: {  	(v2sf) =	vpush v1, $0x3;
	v1 =	vld [tilespmem:s11+$0x0];
	s6 =	smov.u32 @p0 s2;
	s17 =	spop (v2sf)  }
0x142: {  	v6 =	vmul.f32 s6, v6;
	s8 =	spop (v2sf)  }
0x143: {  	s2 =	sadd.s32 $0x100, s3;
	s8 =	smov.u32 @p0 s17;
	s17 =	spop (v2sf)  }
0x144: {  	s16 =	smov.u32 @p0 s7;
	[tilespmem:s2+$0x40] =	vst v6;
	v5 =	vmul.f32 s8, v5;
	s7 =	spop (v2sf)  }
0x145: {  	[tilespmem:s3+$0xFFFFFFD0] =	vst v8;
	v50 =	vmul.f32 s16, v9;
	v6 =	vld [tilespmem:s11+$0x50];
	s7 =	smov.u32 @p0 s17  }
0x146: {  	[tilespmem:s2+$0xFFFFFF80] =	vst v5;
	v1 =	vmul.f32 s7, v1  }
0x147: {  	[tilespmem:s2+$0xFFFFFFC0] =	vst v50;
	v5 =	vld [tilespmem:s11+$0xFFFFFF90]  }
0x148: {  	v3 =	vmul.f32 s28, v3;
	v8 =	vld [tilespmem:s11+$0xFFFFFFD0];
	[tilespmem:s2+$0x0] =	vst v1  }
0x149: {  	[tilespmem:s3+$0x60] =	vst v7;
	s17 =	spop (v2sf);
	v1 =	vmul.f32 s18, v4;
	v51 =	vld [tilespmem:s11+$0x10]  }
0x14a: {  	[tilespmem:s3+$0x10] =	vst v3;
	v3 =	vld [tilespmem:s25+$0x70];
	s3 =	spop (v2sf);
	v6 =	vmul.f32 s6, v6  }
0x14b: {  	v2 =	vmul.f32 s1, v2;
	s1 =	spop (v2sf);
	[tilespmem:s22+$0xFFFFFFB0] =	vst v1;
	v1 =	vld [tilespmem:s25+$0xFFFFFFA0]  }
0x14c: {  	v52 =	vld [tilespmem:s25+$0xFFFFFFE0];
	s6 =	spop (v2sf);
	[tilespmem:s2+$0x50] =	vst v6;
	v5 =	vmul.f32 s8, v5  }
0x14d: {  	[tilespmem:s22+$0xFFFFFFF0] =	vst v2;
	v53 =	vmul.f32 s16, v8;
	v2 =	vld [tilespmem:s11+$0x60];
	s8 =	spop (v2sf)  }
0x14e: {  	v54 =	vld [tilespmem:s25+$0x20];
	s16 =	spop (v2sf);
	[tilespmem:s2+$0xFFFFFF90] =	vst v5;
	v4 =	vmul.f32 s7, v51  }
0x14f: {  	v3 =	vmul.f32 s0, v3;
	[tilespmem:s2+$0xFFFFFFD0] =	vst v53;
	s0 =	spop (v2sf);
	v5 =	vld [tilespmem:s11+$0xFFFFFFA0]  }
0x150: {  	v55 =	vld [tilespmem:s11+$0xFFFFFFE0];
	v1 =	vmul.f32 s13, v1;
	s7 =	spop (v2sf);
	[tilespmem:s2+$0x10] =	vst v4  }
0x151: {  	[tilespmem:s12+$0x70] =	vst v3;
	v3 =	vmul.f32 s14, v52;
	s7 =	smov.u32 @p0 s0;
	v56 =	vld [tilespmem:s11+$0x20]  }
0x152: {  	v57 =	vld [tilespmem:s23+$0x30];
	[tilespmem:s12+$0xFFFFFFA0] =	vst v1;
	v1 =	vmul.f32 s7, v2  }
0x153: {  	s3 =	smov.u32 @p0 s17;
	[tilespmem:s12+$0xFFFFFFE0] =	vst v3;
	v2 =	vmul.f32 s9, v54;
	v58 =	vld [tilespmem:s25+$0xFFFFFFB0]  }
0x154: {  	s6 =	smov.u32 @p0 s1;
	v3 =	vld [tilespmem:s25+$0xFFFFFFF0];
	[tilespmem:s2+$0x60] =	vst v1;
	v1 =	vmul.f32 s3, v5  }
0x155: {  	s16 =	smov.u32 @p0 s8;
	v4 =	vmul.f32 s6, v55;
	[tilespmem:s12+$0x20] =	vst v2;
	v2 =	vld [tilespmem:s11+$0x70]  }
0x156: {  	v59 =	vld [tilespmem:s25+$0x30];
	[tilespmem:s2+$0xFFFFFFA0] =	vst v1;
	v1 =	vmul.f32 s16, v56  }
0x157: {  	v60 =	vmul.f32 s24, v57;
	[tilespmem:s2+$0xFFFFFFE0] =	vst v4;
	v61 =	vld [tilespmem:s11+$0xFFFFFFB0]  }
0x158: {  	v63 =	vld [tilespmem:s11+$0xFFFFFFF0];
	v62 =	vmul.f32 s13, v58;
	[tilespmem:s2+$0x20] =	vst v1  }
0x159: {  	[tilespmem:s22+$0x30] =	vst v60;
	v1 =	vmul.f32 s14, v3;
	v3 =	vld [tilespmem:s11+$0x30]  }
0x15a: {  	[tilespmem:s12+$0xFFFFFFB0] =	vst v62;
	v2 =	vmul.f32 s7, v2  }
0x15b: {  	[tilespmem:s12+$0xFFFFFFF0] =	vst v1;
	v1 =	vmul.f32 s9, v59  }
0x15c: {  	[tilespmem:s2+$0x70] =	vst v2;
	v2 =	vmul.f32 s3, v61  }
0x15d: {  	[tilespmem:s12+$0x30] =	vst v1;
	v1 =	vmul.f32 s6, v63  }
0x15e: {  	s20 =	sadd.s32 $0x1, s20;
	[tilespmem:s2+$0xFFFFFFB0] =	vst v2;
	v2 =	vmul.f32 s16, v3  }
0x15f: {  	p1 =	sne.s32 s20, $0x5;
	[tilespmem:s2+$0xFFFFFFF0] =	vst v1  }
.Ltmp5:
0x160: {  	[tilespmem:s2+$0x30] =	vst v2;
	(pc) =	sbr.rel @p1 .LBB2_8-.Ltmp5, $4  }
0x161: {  	[spmem:s21] =	stream.linear.scatter [tilespmem:s15], [sflag:$0x2], $0x2000, $0x38;
	[tilespmem:$0x1E200] =	vst v63  }
0x162: {  	_ =	swait.ge [sflag:s30], $0x2000  }
0x163: {  	[sflag:s30] =	ssyncset.done $0x0  }
0x164: {  	[sflag:s30] =	ssyncadd.s32 $0xFFFFE000  }
0x165: {  	[bflag:$0x0] =	sbarrier.arrive $0xFFFF;
	s19 =	simm.s32 $0x0  }
.LBB2_14:
0x166: {  	s0 =	sshll.u32 s19, $0x8  }
0x167: {  	s0 =	sadd.s32 s26, s0  }
0x168: {  	s2 =	rddreg [dreg:$0x5];
	s1 =	sshrl.u32 s0, $0x3  }
0x169: {  	s2 =	sadd.s32 s2, s1  }
0x16a: {  	[tilespmem:s4], [sflag:$0x2] =	stream.linear.gather [hbm4b:s2+s4], $0x100, $0x38;
	[tilespmem:$0x1E200] =	vst v63  }
0x16b: {  	_ =	swait.ge [sflag:s30], $0x100  }
0x16c: {  	[sflag:s30] =	ssyncset.done $0x0;
	s20 =	rddreg [dreg:$0x6]  }
0x16d: {  	[sflag:s30] =	ssyncadd.s32 $0xFFFFFF00;
	s1 =	sadd.s32 s20, s1  }
0x16e: {  	[tilespmem:s31], [sflag:$0x2] =	stream.linear.gather [hbm4b:s1+s4], $0x100, $0x38;
	[tilespmem:$0x1E200] =	vst v63  }
0x16f: {  	_ =	swait.ge [sflag:s30], $0x100  }
0x170: {  	s0 =	sshll.u32 s0, $0x1;
	[sflag:s30] =	ssyncset.done $0x0;
	s21 =	rddreg [dreg:$0x7]  }
0x171: {  	s22 =	simm.s32 $0x200;
	[sflag:s30] =	ssyncadd.s32 $0xFFFFFF00;
	s0 =	sadd.s32 s21, s0  }
0x172: {  	[tilespmem:s22], [sflag:$0x2] =	stream.linear.gather [hbm4b:s0+s4], $0x1000, $0x38;
	[tilespmem:$0x1E200] =	vst v63  }
0x173: {  	_ =	swait.ge [sflag:s30], $0x1000  }
0x174: {  	[sflag:s30] =	ssyncset.done $0x0  }
0x175: {  	[sflag:s30] =	ssyncadd.s32 $0xFFFFF000  }
0x176: {  	s23 =	rddreg [dreg:$0x2]  }
0x177: {  	[tilespmem:s29], [sflag:$0x1] =	stream.indirect.gather [spmem:s23], $0x40, s31, s31, $0xb8;
	[tilespmem:$0x1E200] =	vst v63  }
0x178: {  	_ =	swait.ge [sflag:s5], $0x4000  }
0x179: {  	[sflag:s5] =	ssyncset.done $0x0  }
0x17a: {  	s24 =	simm.s32 $0x220;
	[sflag:s5] =	ssyncadd.s32 $0xFFFFC000  }
0x17b: {  	v1 =	vld [tilespmem:s24+$0x10];
	_ =	sdelay $0x2  }
0x17c: {  	v2 =	vld [tilespmem:s24+$0xFFFFFFF0];
	_ =	sdelay $0x1  }
0x17d: {  	v3 =	vld [tilespmem:s24+$0xFFFFFFE0];
	(v2sf) =	vpush v1, $0x0;
	_ =	sdelay $0x1  }
0x17e: {  	v4 =	vld [tilespmem:s24+$0x0];
	(v2sf) =	vpush v1, $0x2  }
0x17f: {  	(v2sf) =	vpush v2, $0x0  }
0x180: {  	(v2sf) =	vpush v2, $0x2  }
0x181: {  	(v2sf) =	vpush v3, $0x0  }
0x182: {  	(v2sf) =	vpush v3, $0x2  }
0x183: {  	(v2sf) =	vpush v4, $0x0  }
0x184: {  	(v2sf) =	vpush v4, $0x2  }
0x185: {  	(v2sf) =	vpush v3, $0x1  }
0x186: {  	(v2sf) =	vpush v3, $0x3  }
0x187: {  	s25 =	simm.s32 $0x260;
	(v2sf) =	vpush v2, $0x1  }
0x188: {  	(v2sf) =	vpush v2, $0x3;
	v2 =	vld [tilespmem:s25+$0x10]  }
0x189: {  	(v2sf) =	vpush v4, $0x1  }
0x18a: {  	(v2sf) =	vpush v4, $0x3  }
0x18b: {  	s1 =	spop (v2sf);
	(v2sf) =	vpush v1, $0x1  }
0x18c: {  	s21 =	simm.s32 $0x1280;
	v4 =	vld [tilespmem:s25+$0xFFFFFFF0];
	(v2sf) =	vpush v1, $0x3  }
0x18d: {  	v3 =	vld [tilespmem:s21+$0x40];
	s3 =	spop (v2sf);
	(v2sf) =	vpush v2, $0x0  }
0x18e: {  	v5 =	vld [tilespmem:s25+$0xFFFFFFE0];
	s3 =	smov.u32 @p0 s1;
	s1 =	spop (v2sf);
	(v2sf) =	vpush v2, $0x2  }
0x18f: {  	s13 =	spop (v2sf)  }
0x190: {  	v6 =	vld [tilespmem:s25+$0x0];
	s0 =	spop (v2sf)  }
0x191: {  	v7 =	vld [tilespmem:s21+$0xFFFFFFC0];
	(v2sf) =	vpush v4, $0x0;
	s6 =	spop (v2sf)  }
0x192: {  	v3 =	vmul.f32 s3, v3;
	(v2sf) =	vpush v4, $0x2;
	s7 =	spop (v2sf)  }
0x193: {  	s20 =	simm.s32 $0x5280;
	v1 =	vld [tilespmem:s21+$0xFFFFFF80];
	(v2sf) =	vpush v5, $0x0;
	s14 =	spop (v2sf)  }
0x194: {  	v8 =	vld [tilespmem:s21+$0x0];
	[tilespmem:s20+$0x40] =	vst v3;
	(v2sf) =	vpush v5, $0x2;
	s2 =	spop (v2sf)  }
0x195: {  	s13 =	smov.u32 @p0 s1;
	v3 =	vld [tilespmem:s21+$0x50];
	(v2sf) =	vpush v6, $0x0;
	s18 =	spop (v2sf)  }
0x196: {  	s28 =	simm.s32 $0x2A0;
	v7 =	vmul.f32 s13, v7;
	(v2sf) =	vpush v6, $0x2;
	s9 =	spop (v2sf)  }
0x197: {  	v9 =	vld [tilespmem:s28+$0xFFFFFFF0];
	s6 =	smov.u32 @p0 s0;
	(v2sf) =	vpush v5, $0x1;
	s1 =	spop (v2sf)  }
0x198: {  	v10 =	vld [tilespmem:s28+$0x0];
	v1 =	vmul.f32 s6, v1;
	[tilespmem:s20+$0xFFFFFFC0] =	vst v7;
	s14 =	smov.u32 @p0 s7;
	(v2sf) =	vpush v5, $0x3;
	s0 =	spop (v2sf)  }
0x199: {  	s23 =	simm.s32 $0x1380;
	v7 =	vmul.f32 s14, v8;
	v8 =	vld [tilespmem:s21+$0xFFFFFFD0];
	(v2sf) =	vpush v4, $0x1;
	s22 =	spop (v2sf)  }
0x19a: {  	[tilespmem:s20+$0xFFFFFF80] =	vst v1;
	v1 =	vmul.f32 s3, v3;
	(v2sf) =	vpush v4, $0x3;
	v4 =	vld [tilespmem:s23+$0x40];
	s7 =	spop (v2sf)  }
0x19b: {  	v3 =	vld [tilespmem:s21+$0xFFFFFF90];
	[tilespmem:s20+$0x0] =	vst v7;
	(v2sf) =	vpush v6, $0x1;
	s11 =	spop (v2sf)  }
0x19c: {  	[tilespmem:s20+$0x50] =	vst v1;
	v1 =	vld [tilespmem:s28+$0x10];
	(v2sf) =	vpush v6, $0x3;
	s8 =	spop (v2sf)  }
0x19d: {  	v7 =	vld [tilespmem:s21+$0x10];
	(v2sf) =	vpush v2, $0x1;
	s16 =	spop (v2sf)  }
0x19e: {  	v5 =	vld [tilespmem:s21+$0x60];
	(v2sf) =	vpush v2, $0x3;
	s16 =	smov.u32 @p0 s8  }
0x19f: {  	v6 =	vld [tilespmem:s23+$0xFFFFFF80];
	v2 =	vmul.f32 s16, v4  }
0x1a0: {  	s3 =	simm.s32 $0x5380;
	s8 =	spop (v2sf);
	v4 =	vld [tilespmem:s28+$0xFFFFFFE0]  }
0x1a1: {  	v11 =	vld [tilespmem:s23+$0xFFFFFFC0];
	v3 =	vmul.f32 s6, v3;
	(v2sf) =	vpush v1, $0x0;
	s12 =	spop (v2sf);
	[tilespmem:s3+$0x40] =	vst v2  }
0x1a2: {  	s11 =	smov.u32 @p0 s7;
	(v2sf) =	vpush v1, $0x2;
	s6 =	spop (v2sf);
	v2 =	vmul.f32 s13, v8;
	v8 =	vld [tilespmem:s23+$0x50]  }
0x1a3: {  	[tilespmem:s20+$0xFFFFFF90] =	vst v3;
	v3 =	vmul.f32 s11, v5;
	v5 =	vld [tilespmem:s23+$0x0];
	(v2sf) =	vpush v9, $0x0;
	s7 =	spop (v2sf)  }
0x1a4: {  	(v2sf) =	vpush v9, $0x2;
	s7 =	smov.u32 @p0 s6;
	s6 =	spop (v2sf);
	[tilespmem:s20+$0xFFFFFFD0] =	vst v2;
	v2 =	vmul.f32 s14, v7;
	v7 =	vld [tilespmem:s21+$0xFFFFFFA0]  }
0x1a5: {  	[tilespmem:s20+$0x60] =	vst v3;
	s12 =	smov.u32 @p0 s8;
	v3 =	vmul.f32 s7, v6;
	s24 =	spop (v2sf);
	v6 =	vld [tilespmem:s21+$0xFFFFFFE0];
	(v2sf) =	vpush v4, $0x0  }
0x1a6: {  	v11 =	vmul.f32 s12, v11;
	s8 =	spop (v2sf);
	[tilespmem:s20+$0x10] =	vst v2;
	v2 =	vld [tilespmem:s21+$0x70];
	(v2sf) =	vpush v4, $0x2  }
0x1a7: {  	s24 =	smov.u32 @p0 s6;
	s13 =	spop (v2sf);
	[tilespmem:s3+$0xFFFFFF80] =	vst v3;
	v12 =	vld [tilespmem:s21+$0x20];
	(v2sf) =	vpush v10, $0x0;
	v3 =	vmul.f32 s16, v8  }
0x1a8: {  	s18 =	smov.u32 @p0 s2;
	[tilespmem:s3+$0xFFFFFFC0] =	vst v11;
	v5 =	vmul.f32 s24, v5;
	s2 =	spop (v2sf);
	v8 =	vld [tilespmem:s23+$0xFFFFFF90];
	(v2sf) =	vpush v10, $0x2  }
0x1a9: {  	s1 =	smov.u32 @p0 s9;
	v11 =	vld [tilespmem:s23+$0xFFFFFFD0];
	s14 =	spop (v2sf);
	v7 =	vmul.f32 s18, v7;
	(v2sf) =	vpush v4, $0x1;
	[tilespmem:s3+$0x50] =	vst v3  }
0x1aa: {  	[tilespmem:s3+$0x0] =	vst v5;
	s6 =	spop (v2sf);
	v5 =	vmul.f32 s1, v6;
	(v2sf) =	vpush v4, $0x3;
	v13 =	vld [tilespmem:s23+$0x60]  }
0x1ab: {  	s22 =	smov.u32 @p0 s0;
	v3 =	vld [tilespmem:s23+$0x10];
	v2 =	vmul.f32 s11, v2;
	s9 =	spop (v2sf);
	[tilespmem:s20+$0xFFFFFFA0] =	vst v7;
	(v2sf) =	vpush v9, $0x1  }
0x1ac: {  	v6 =	vmul.f32 s22, v12;
	s16 =	spop (v2sf);
	v4 =	vld [tilespmem:s21+$0xFFFFFFB0];
	[tilespmem:s20+$0xFFFFFFE0] =	vst v5;
	(v2sf) =	vpush v9, $0x3  }
0x1ad: {  	s17 =	simm.s32 $0x2E0;
	s11 =	simm.s32 $0x1480;
	[tilespmem:s20+$0x70] =	vst v2;
	v5 =	vmul.f32 s7, v8;
	s0 =	spop (v2sf);
	v2 =	vld [tilespmem:s21+$0xFFFFFFF0];
	(v2sf) =	vpush v10, $0x1  }
0x1ae: {  	s13 =	smov.u32 @p0 s8;
	s14 =	smov.u32 @p0 s2;
	v8 =	vmul.f32 s12, v11;
	s0 =	smov.u32 @p0 s16;
	[tilespmem:s20+$0x20] =	vst v6;
	v6 =	vld [tilespmem:s11+$0x40];
	(v2sf) =	vpush v10, $0x3  }
0x1af: {  	s9 =	smov.u32 @p0 s6;
	s12 =	simm.s32 $0x5380;
	s16 =	simm.s32 $0x8;
	[tilespmem:s3+$0xFFFFFF90] =	vst v5;
	v5 =	vld [tilespmem:s11+$0xFFFFFF80];
	v7 =	vmul.f32 s0, v13  }
.LBB2_15:
0x1b0: {  	v9 =	vld [tilespmem:s17+$0x10];
	s2 =	spop (v2sf);
	[tilespmem:s3+$0xFFFFFFD0] =	vst v8;
	v3 =	vmul.f32 s24, v3  }
0x1b1: {  	s16 =	sadd.s32 $0x4, s16;
	v8 =	vld [tilespmem:s17+$0xFFFFFFF0];
	s7 =	spop (v2sf);
	(v2sf) =	vpush v1, $0x1;
	[tilespmem:s3+$0x60] =	vst v7;
	v4 =	vmul.f32 s18, v4;
	s18 =	smov.u32 s13  }
0x1b2: {  	p1 =	slt.u32 s16, $0xFC;
	s7 =	smov.u32 @p0 s2;
	s6 =	spop (v2sf);
	(v2sf) =	vpush v1, $0x3;
	[tilespmem:s3+$0x10] =	vst v3;
	v3 =	vld [tilespmem:s23+$0x70];
	v10 =	vmul.f32 s1, v2  }
0x1b3: {  	s1 =	smov.u32 s14;
	v7 =	vld [tilespmem:s17+$0x0];
	v2 =	vmul.f32 s7, v6;
	s2 =	spop (v2sf);
	[tilespmem:s20+$0xFFFFFFB0] =	vst v4  }
0x1b4: {  	s3 =	sadd.s32 $0x100, s3;
	v4 =	vld [tilespmem:s17+$0xFFFFFFE0];
	s2 =	smov.u32 @p0 s6;
	s8 =	spop (v2sf);
	[tilespmem:s20+$0xFFFFFFF0] =	vst v10  }
0x1b5: {  	(v2sf) =	vpush v9, $0x0;
	v6 =	vld [tilespmem:s11+$0xFFFFFFC0];
	[tilespmem:s3+$0x40] =	vst v2;
	s6 =	spop (v2sf);
	v1 =	vmov v9  }
0x1b6: {  	(v2sf) =	vpush v1, $0x2;
	s6 =	smov.u32 @p0 s8;
	v2 =	vld [tilespmem:s11+$0x50];
	s8 =	spop (v2sf)  }
0x1b7: {  	(v2sf) =	vpush v8, $0x0;
	v5 =	vmul.f32 s6, v5;
	v9 =	vld [tilespmem:s11+$0x0];
	s24 =	spop (v2sf);
	v3 =	vmul.f32 s0, v3  }
0x1b8: {  	(v2sf) =	vpush v8, $0x2;
	s24 =	smov.u32 @p0 s8;
	s0 =	spop (v2sf);
	v10 =	vld [tilespmem:s23+$0xFFFFFFA0]  }
0x1b9: {  	(v2sf) =	vpush v4, $0x0;
	s13 =	spop (v2sf);
	v11 =	vld [tilespmem:s23+$0xFFFFFFE0];
	[tilespmem:s12+$0x70] =	vst v3  }
0x1ba: {  	(v2sf) =	vpush v4, $0x2;
	s13 =	smov.u32 @p0 s0;
	[tilespmem:s3+$0xFFFFFF80] =	vst v5;
	v3 =	vmul.f32 s2, v6;
	s0 =	spop (v2sf);
	v5 =	vld [tilespmem:s23+$0x20]  }
0x1bb: {  	(v2sf) =	vpush v7, $0x0;
	v6 =	vld [tilespmem:s11+$0xFFFFFF90];
	v2 =	vmul.f32 s7, v2;
	s14 =	spop (v2sf)  }
0x1bc: {  	(v2sf) =	vpush v7, $0x2;
	s14 =	smov.u32 @p0 s0;
	[tilespmem:s3+$0xFFFFFFC0] =	vst v3;
	v3 =	vmul.f32 s24, v9;
	s0 =	spop (v2sf);
	v9 =	vld [tilespmem:s21+$0x30];
	s21 =	smov.u32 s23  }
0x1bd: {  	s23 =	smov.u32 s11;
	(v2sf) =	vpush v4, $0x1;
	v12 =	vld [tilespmem:s11+$0xFFFFFFD0];
	[tilespmem:s3+$0x50] =	vst v2;
	s7 =	spop (v2sf);
	v2 =	vmul.f32 s18, v10  }
0x1be: {  	(v2sf) =	vpush v4, $0x3;
	s7 =	smov.u32 @p0 s0;
	[tilespmem:s3+$0x0] =	vst v3;
	v10 =	vld [tilespmem:s11+$0x60];
	v11 =	vmul.f32 s1, v11  }
.Ltmp6:
0x1bf: {  	(v2sf) =	vpush v8, $0x1;
	v3 =	vld [tilespmem:s11+$0x10];
	[tilespmem:s12+$0xFFFFFFA0] =	vst v2;
	v5 =	vmul.f32 s9, v5;
	(pc) =	sbr.rel @p1 .LBB2_15-.Ltmp6, $4  }
0x1c0: {  	(v2sf) =	vpush v8, $0x3;
	v8 =	vmul.f32 s6, v6;
	s6 =	spop (v2sf);
	v4 =	vld [tilespmem:s21+$0xFFFFFFB0];
	[tilespmem:s12+$0xFFFFFFE0] =	vst v11  }
0x1c1: {  	s11 =	sadd.s32 $0x100, s11;
	(v2sf) =	vpush v7, $0x1;
	s0 =	spop (v2sf);
	v2 =	vld [tilespmem:s21+$0xFFFFFFF0];
	[tilespmem:s12+$0x20] =	vst v5;
	v9 =	vmul.f32 s22, v9;
	s22 =	smov.u32 s9  }
0x1c2: {  	s9 =	smov.u32 s7;
	v6 =	vld [tilespmem:s11+$0x40];
	(v2sf) =	vpush v7, $0x3;
	[tilespmem:s3+$0xFFFFFF90] =	vst v8;
	v8 =	vmul.f32 s2, v12;
	s0 =	smov.u32 @p0 s6  }
0x1c3: {  	s17 =	sadd.s32 $0x40, s17;
	v5 =	vld [tilespmem:s11+$0xFFFFFF80];
	v7 =	vmul.f32 s0, v10;
	[tilespmem:s20+$0x30] =	vst v9;
	s20 =	smov.u32 s12;
	s12 =	smov.u32 s3  }
0x1c4: {  	s2 =	spop (v2sf)  }
0x1c5: {  	s6 =	spop (v2sf)  }
0x1c6: {  	s7 =	spop (v2sf)  }
0x1c7: {  	(v2sf) =	vpush v1, $0x1;
	v9 =	vld [tilespmem:s11+$0xFFFFFFC0];
	s8 =	spop (v2sf)  }
0x1c8: {  	(v2sf) =	vpush v1, $0x3;
	v1 =	vld [tilespmem:s11+$0x0];
	s6 =	smov.u32 @p0 s2;
	s16 =	spop (v2sf)  }
0x1c9: {  	v6 =	vmul.f32 s6, v6;
	s17 =	spop (v2sf)  }
0x1ca: {  	s25 =	sadd.s32 $0x100, s3;
	s17 =	smov.u32 @p0 s16;
	s16 =	spop (v2sf)  }
0x1cb: {  	s8 =	smov.u32 @p0 s7;
	[tilespmem:s25+$0x40] =	vst v6;
	v5 =	vmul.f32 s17, v5;
	s7 =	spop (v2sf)  }
0x1cc: {  	[tilespmem:s3+$0xFFFFFFD0] =	vst v8;
	v50 =	vmul.f32 s8, v9;
	v6 =	vld [tilespmem:s11+$0x50];
	s7 =	smov.u32 @p0 s16  }
0x1cd: {  	[tilespmem:s25+$0xFFFFFF80] =	vst v5;
	v1 =	vmul.f32 s7, v1  }
0x1ce: {  	[tilespmem:s25+$0xFFFFFFC0] =	vst v50;
	v5 =	vld [tilespmem:s11+$0xFFFFFF90]  }
0x1cf: {  	v3 =	vmul.f32 s24, v3;
	v8 =	vld [tilespmem:s11+$0xFFFFFFD0];
	[tilespmem:s25+$0x0] =	vst v1  }
0x1d0: {  	[tilespmem:s3+$0x60] =	vst v7;
	s16 =	spop (v2sf);
	v1 =	vmul.f32 s18, v4;
	v51 =	vld [tilespmem:s11+$0x10]  }
0x1d1: {  	[tilespmem:s3+$0x10] =	vst v3;
	v3 =	vld [tilespmem:s23+$0x70];
	s3 =	spop (v2sf);
	v6 =	vmul.f32 s6, v6  }
0x1d2: {  	v2 =	vmul.f32 s1, v2;
	s1 =	spop (v2sf);
	[tilespmem:s20+$0xFFFFFFB0] =	vst v1;
	v1 =	vld [tilespmem:s23+$0xFFFFFFA0]  }
0x1d3: {  	v52 =	vld [tilespmem:s23+$0xFFFFFFE0];
	s6 =	spop (v2sf);
	[tilespmem:s25+$0x50] =	vst v6;
	v5 =	vmul.f32 s17, v5  }
0x1d4: {  	[tilespmem:s20+$0xFFFFFFF0] =	vst v2;
	v53 =	vmul.f32 s8, v8;
	v2 =	vld [tilespmem:s11+$0x60];
	s17 =	spop (v2sf)  }
0x1d5: {  	v54 =	vld [tilespmem:s23+$0x20];
	s8 =	spop (v2sf);
	[tilespmem:s25+$0xFFFFFF90] =	vst v5;
	v4 =	vmul.f32 s7, v51  }
0x1d6: {  	v3 =	vmul.f32 s0, v3;
	[tilespmem:s25+$0xFFFFFFD0] =	vst v53;
	s0 =	spop (v2sf);
	v5 =	vld [tilespmem:s11+$0xFFFFFFA0]  }
0x1d7: {  	v55 =	vld [tilespmem:s11+$0xFFFFFFE0];
	v1 =	vmul.f32 s13, v1;
	s7 =	spop (v2sf);
	[tilespmem:s25+$0x10] =	vst v4  }
0x1d8: {  	[tilespmem:s12+$0x70] =	vst v3;
	v3 =	vmul.f32 s14, v52;
	s7 =	smov.u32 @p0 s0;
	v56 =	vld [tilespmem:s11+$0x20]  }
0x1d9: {  	v57 =	vld [tilespmem:s21+$0x30];
	[tilespmem:s12+$0xFFFFFFA0] =	vst v1;
	v1 =	vmul.f32 s7, v2  }
0x1da: {  	s3 =	smov.u32 @p0 s16;
	[tilespmem:s12+$0xFFFFFFE0] =	vst v3;
	v2 =	vmul.f32 s9, v54;
	v58 =	vld [tilespmem:s23+$0xFFFFFFB0]  }
0x1db: {  	s6 =	smov.u32 @p0 s1;
	v3 =	vld [tilespmem:s23+$0xFFFFFFF0];
	[tilespmem:s25+$0x60] =	vst v1;
	v1 =	vmul.f32 s3, v5  }
0x1dc: {  	s8 =	smov.u32 @p0 s17;
	v4 =	vmul.f32 s6, v55;
	[tilespmem:s12+$0x20] =	vst v2;
	v2 =	vld [tilespmem:s11+$0x70]  }
0x1dd: {  	v59 =	vld [tilespmem:s23+$0x30];
	[tilespmem:s25+$0xFFFFFFA0] =	vst v1;
	v1 =	vmul.f32 s8, v56  }
0x1de: {  	v60 =	vmul.f32 s22, v57;
	[tilespmem:s25+$0xFFFFFFE0] =	vst v4;
	v61 =	vld [tilespmem:s11+$0xFFFFFFB0]  }
0x1df: {  	v63 =	vld [tilespmem:s11+$0xFFFFFFF0];
	v62 =	vmul.f32 s13, v58;
	[tilespmem:s25+$0x20] =	vst v1  }
0x1e0: {  	[tilespmem:s20+$0x30] =	vst v60;
	v1 =	vmul.f32 s14, v3;
	v3 =	vld [tilespmem:s11+$0x30]  }
0x1e1: {  	[tilespmem:s12+$0xFFFFFFB0] =	vst v62;
	v2 =	vmul.f32 s7, v2  }
0x1e2: {  	[tilespmem:s12+$0xFFFFFFF0] =	vst v1;
	v1 =	vmul.f32 s9, v59  }
0x1e3: {  	[tilespmem:s25+$0x70] =	vst v2;
	v2 =	vmul.f32 s3, v61  }
0x1e4: {  	[tilespmem:s12+$0x30] =	vst v1;
	v1 =	vmul.f32 s6, v63  }
0x1e5: {  	s19 =	sadd.s32 $0x1, s19;
	[tilespmem:s25+$0xFFFFFFB0] =	vst v2;
	v2 =	vmul.f32 s8, v3  }
0x1e6: {  	p1 =	sne.s32 s19, $0x28;
	[tilespmem:s25+$0xFFFFFFF0] =	vst v1  }
.Ltmp7:
0x1e7: {  	s28 =	rddreg [dreg:$0x3];
	[tilespmem:s25+$0x30] =	vst v2;
	(pc) =	sbr.rel @p1 .LBB2_14-.Ltmp7, $4  }
0x1e8: {  	[spmem:s28] =	stream.indirect.scatter.add.f32 [tilespmem:s15], [sflag:$0x2], $0x40, s4, s31, $0xb8;
	[tilespmem:$0x1E200] =	vst v63  }
0x1e9: {  	_ =	swait.ge [sflag:s30], $0x4000  }
0x1ea: {  	[sflag:s30] =	ssyncset.done $0x0  }
0x1eb: {  	[sflag:s30] =	ssyncadd.s32 $0xFFFFC000  }
0x1ec: {  	[bflag:$0x0] =	sbarrier.arrive $0xFFFF;
	s19 =	simm.s32 $0x0;
	s20 =	simm.s32 $0x0  }
.LBB2_18:
0x1ed: {  	s0 =	sshll.u32 s20, $0x7  }
0x1ee: {  	s0 =	sadd.s32 s10, s0  }
0x1ef: {  	s1 =	rddreg [dreg:$0x3];
	s21 =	sshll.u32 s0, $0x6  }
0x1f0: {  	s1 =	sadd.s32 s21, s1  }
0x1f1: {  	[tilespmem:s29], [sflag:$0x2] =	stream.linear.gather [spmem:s1], $0x2000, $0x38;
	[tilespmem:$0x1E200] =	vst v63  }
0x1f2: {  	_ =	swait.ge [sflag:s30], $0x2000  }
0x1f3: {  	[sflag:s30] =	ssyncset.done $0x0  }
0x1f4: {  	[sflag:s30] =	ssyncadd.s32 $0xFFFFE000  }
0x1f5: {  	s0 =	sshll.u32 s0, $0x1;
	s24 =	rddreg [dreg:$0x1]  }
0x1f6: {  	s2 =	simm.s32 $0x9200;
	s1 =	sadd.s32 s24, s0  }
0x1f7: {  	[tilespmem:s2], [sflag:$0x2] =	stream.linear.gather [hbm4b:s1+s19], $0x800, $0x38;
	[tilespmem:$0x1E200] =	vst v63  }
0x1f8: {  	_ =	swait.ge [sflag:s30], $0x800  }
0x1f9: {  	[sflag:s30] =	ssyncset.done $0x0;
	s25 =	rddreg [dreg:$0x18]  }
0x1fa: {  	s28 =	simm.s32 $0x9A00;
	[sflag:s30] =	ssyncadd.s32 $0xFFFFF800;
	s0 =	sadd.s32 s0, s25  }
0x1fb: {  	[tilespmem:s28], [sflag:$0x2] =	stream.linear.gather [hbm4b:s0+s19], $0x800, $0x38;
	[tilespmem:$0x1E200] =	vst v63  }
0x1fc: {  	_ =	swait.ge [sflag:s30], $0x800  }
0x1fd: {  	[sflag:s30] =	ssyncset.done $0x0  }
0x1fe: {  	s0 =	simm.s32 $0x0;
	[sflag:s30] =	ssyncadd.s32 $0xFFFFF800  }
0x1ff: {  	s1 =	simm.s32 $0x40;
	v1 =	vld [tilespmem:s0+$0x9A00]  }
.LBB2_19:
0x200: {  	p1 =	sne.s32 s1, $0x1FC0;
	v2 =	vld [tilespmem:s0+$0x9200];
	_ =	sdelay $0x4  }
0x201: {  	v1 =	vadd.f32 v1, v2;
	_ =	sdelay $0x1  }
0x202: {  	(erf) = vrcp.f32 v1;
	_ =	sdelay $0x6  }
.Ltmp8:
0x203: {  	(pc) =	sbr.rel @p1 .LBB2_19-.Ltmp8, $4  }
0x204: {  	_ = 	snop  }
0x205: {  	vm0 =	vgt.f32 v1, $0.0e+00;
	v1 =	vpop (erf)  }
0x206: {  	s2 =	sshra.s32 s1, $0x2;
	v2 =	vnsel vm0, $0x0, v1  }
0x207: {  	s1 =	sadd.s32 $0x40, s1;
	v1 =	vld [tilespmem:s2+$0x9A00];
	[tilespmem:s0+$0x9200] =	vst v2;
	s0 =	smov.u32 s2  }
0x208: {  	v2 =	vld [tilespmem:s0+$0x9200];
	_ =	sdelay $0x4  }
0x209: {  	v1 =	vadd.f32 v1, v2;
	_ =	sdelay $0x1  }
0x20a: {  	(erf) = vrcp.f32 v1;
	_ =	sdelay $0x8  }
0x20b: {  	vm0 =	vgt.f32 v1, $0.0e+00;
	v1 =	vpop (erf)  }
0x20c: {  	v1 =	vnsel vm0, $0x0, v1  }
0x20d: {  	s14 =	simm.s32 $0x9220;
	[tilespmem:s0+$0x9200] =	vst v1  }
0x20e: {  	v1 =	vld [tilespmem:s14+$0x10];
	_ =	sdelay $0x2  }
0x20f: {  	v2 =	vld [tilespmem:s14+$0xFFFFFFF0];
	_ =	sdelay $0x1  }
0x210: {  	v3 =	vld [tilespmem:s14+$0xFFFFFFE0];
	(v2sf) =	vpush v1, $0x0;
	_ =	sdelay $0x1  }
0x211: {  	v4 =	vld [tilespmem:s14+$0x0];
	(v2sf) =	vpush v1, $0x2  }
0x212: {  	(v2sf) =	vpush v2, $0x0  }
0x213: {  	(v2sf) =	vpush v2, $0x2  }
0x214: {  	(v2sf) =	vpush v3, $0x0  }
0x215: {  	(v2sf) =	vpush v3, $0x2  }
0x216: {  	(v2sf) =	vpush v4, $0x0  }
0x217: {  	(v2sf) =	vpush v4, $0x2  }
0x218: {  	(v2sf) =	vpush v3, $0x1  }
0x219: {  	(v2sf) =	vpush v3, $0x3  }
0x21a: {  	s16 =	simm.s32 $0x9260;
	(v2sf) =	vpush v2, $0x1  }
0x21b: {  	(v2sf) =	vpush v2, $0x3;
	v2 =	vld [tilespmem:s16+$0x10]  }
0x21c: {  	(v2sf) =	vpush v4, $0x1  }
0x21d: {  	(v2sf) =	vpush v4, $0x3  }
0x21e: {  	s1 =	spop (v2sf);
	(v2sf) =	vpush v1, $0x1  }
0x21f: {  	s23 =	simm.s32 $0x1280;
	v4 =	vld [tilespmem:s16+$0xFFFFFFF0];
	(v2sf) =	vpush v1, $0x3  }
0x220: {  	v3 =	vld [tilespmem:s23+$0x40];
	s3 =	spop (v2sf);
	(v2sf) =	vpush v2, $0x0  }
0x221: {  	v5 =	vld [tilespmem:s16+$0xFFFFFFE0];
	s3 =	smov.u32 @p0 s1;
	s1 =	spop (v2sf);
	(v2sf) =	vpush v2, $0x2  }
0x222: {  	s13 =	spop (v2sf)  }
0x223: {  	v6 =	vld [tilespmem:s16+$0x0];
	s0 =	spop (v2sf)  }
0x224: {  	v7 =	vld [tilespmem:s23+$0xFFFFFFC0];
	(v2sf) =	vpush v4, $0x0;
	s6 =	spop (v2sf)  }
0x225: {  	v3 =	vmul.f32 s3, v3;
	(v2sf) =	vpush v4, $0x2;
	s7 =	spop (v2sf)  }
0x226: {  	s22 =	simm.s32 $0x5280;
	v1 =	vld [tilespmem:s23+$0xFFFFFF80];
	(v2sf) =	vpush v5, $0x0;
	s14 =	spop (v2sf)  }
0x227: {  	v8 =	vld [tilespmem:s23+$0x0];
	[tilespmem:s22+$0x40] =	vst v3;
	(v2sf) =	vpush v5, $0x2;
	s2 =	spop (v2sf)  }
0x228: {  	s13 =	smov.u32 @p0 s1;
	v3 =	vld [tilespmem:s23+$0x50];
	(v2sf) =	vpush v6, $0x0;
	s18 =	spop (v2sf)  }
0x229: {  	s17 =	simm.s32 $0x92A0;
	v7 =	vmul.f32 s13, v7;
	(v2sf) =	vpush v6, $0x2;
	s9 =	spop (v2sf)  }
0x22a: {  	v9 =	vld [tilespmem:s17+$0xFFFFFFF0];
	s6 =	smov.u32 @p0 s0;
	(v2sf) =	vpush v5, $0x1;
	s1 =	spop (v2sf)  }
0x22b: {  	v10 =	vld [tilespmem:s17+$0x0];
	v1 =	vmul.f32 s6, v1;
	[tilespmem:s22+$0xFFFFFFC0] =	vst v7;
	s14 =	smov.u32 @p0 s7;
	(v2sf) =	vpush v5, $0x3;
	s0 =	spop (v2sf)  }
0x22c: {  	s25 =	simm.s32 $0x1380;
	v7 =	vmul.f32 s14, v8;
	v8 =	vld [tilespmem:s23+$0xFFFFFFD0];
	(v2sf) =	vpush v4, $0x1;
	s24 =	spop (v2sf)  }
0x22d: {  	[tilespmem:s22+$0xFFFFFF80] =	vst v1;
	v1 =	vmul.f32 s3, v3;
	(v2sf) =	vpush v4, $0x3;
	v4 =	vld [tilespmem:s25+$0x40];
	s7 =	spop (v2sf)  }
0x22e: {  	v3 =	vld [tilespmem:s23+$0xFFFFFF90];
	[tilespmem:s22+$0x0] =	vst v7;
	(v2sf) =	vpush v6, $0x1;
	s11 =	spop (v2sf)  }
0x22f: {  	[tilespmem:s22+$0x50] =	vst v1;
	v1 =	vld [tilespmem:s17+$0x10];
	(v2sf) =	vpush v6, $0x3;
	s8 =	spop (v2sf)  }
0x230: {  	v7 =	vld [tilespmem:s23+$0x10];
	(v2sf) =	vpush v2, $0x1;
	s16 =	spop (v2sf)  }
0x231: {  	v5 =	vld [tilespmem:s23+$0x60];
	(v2sf) =	vpush v2, $0x3;
	s16 =	smov.u32 @p0 s8  }
0x232: {  	v6 =	vld [tilespmem:s25+$0xFFFFFF80];
	v2 =	vmul.f32 s16, v4  }
0x233: {  	s3 =	simm.s32 $0x5380;
	s8 =	spop (v2sf);
	v4 =	vld [tilespmem:s17+$0xFFFFFFE0]  }
0x234: {  	v11 =	vld [tilespmem:s25+$0xFFFFFFC0];
	v3 =	vmul.f32 s6, v3;
	(v2sf) =	vpush v1, $0x0;
	s12 =	spop (v2sf);
	[tilespmem:s3+$0x40] =	vst v2  }
0x235: {  	s11 =	smov.u32 @p0 s7;
	(v2sf) =	vpush v1, $0x2;
	s6 =	spop (v2sf);
	v2 =	vmul.f32 s13, v8;
	v8 =	vld [tilespmem:s25+$0x50]  }
0x236: {  	[tilespmem:s22+$0xFFFFFF90] =	vst v3;
	v3 =	vmul.f32 s11, v5;
	v5 =	vld [tilespmem:s25+$0x0];
	(v2sf) =	vpush v9, $0x0;
	s7 =	spop (v2sf)  }
0x237: {  	(v2sf) =	vpush v9, $0x2;
	s7 =	smov.u32 @p0 s6;
	s6 =	spop (v2sf);
	[tilespmem:s22+$0xFFFFFFD0] =	vst v2;
	v2 =	vmul.f32 s14, v7;
	v7 =	vld [tilespmem:s23+$0xFFFFFFA0]  }
0x238: {  	[tilespmem:s22+$0x60] =	vst v3;
	s12 =	smov.u32 @p0 s8;
	v3 =	vmul.f32 s7, v6;
	s28 =	spop (v2sf);
	v6 =	vld [tilespmem:s23+$0xFFFFFFE0];
	(v2sf) =	vpush v4, $0x0  }
0x239: {  	v11 =	vmul.f32 s12, v11;
	s8 =	spop (v2sf);
	[tilespmem:s22+$0x10] =	vst v2;
	v2 =	vld [tilespmem:s23+$0x70];
	(v2sf) =	vpush v4, $0x2  }
0x23a: {  	s28 =	smov.u32 @p0 s6;
	s13 =	spop (v2sf);
	[tilespmem:s3+$0xFFFFFF80] =	vst v3;
	v12 =	vld [tilespmem:s23+$0x20];
	(v2sf) =	vpush v10, $0x0;
	v3 =	vmul.f32 s16, v8  }
0x23b: {  	s18 =	smov.u32 @p0 s2;
	[tilespmem:s3+$0xFFFFFFC0] =	vst v11;
	v5 =	vmul.f32 s28, v5;
	s2 =	spop (v2sf);
	v8 =	vld [tilespmem:s25+$0xFFFFFF90];
	(v2sf) =	vpush v10, $0x2  }
0x23c: {  	s1 =	smov.u32 @p0 s9;
	v11 =	vld [tilespmem:s25+$0xFFFFFFD0];
	s14 =	spop (v2sf);
	v7 =	vmul.f32 s18, v7;
	(v2sf) =	vpush v4, $0x1;
	[tilespmem:s3+$0x50] =	vst v3  }
0x23d: {  	[tilespmem:s3+$0x0] =	vst v5;
	s6 =	spop (v2sf);
	v5 =	vmul.f32 s1, v6;
	(v2sf) =	vpush v4, $0x3;
	v13 =	vld [tilespmem:s25+$0x60]  }
0x23e: {  	s24 =	smov.u32 @p0 s0;
	v3 =	vld [tilespmem:s25+$0x10];
	v2 =	vmul.f32 s11, v2;
	s9 =	spop (v2sf);
	[tilespmem:s22+$0xFFFFFFA0] =	vst v7;
	(v2sf) =	vpush v9, $0x1  }
0x23f: {  	v6 =	vmul.f32 s24, v12;
	s16 =	spop (v2sf);
	v4 =	vld [tilespmem:s23+$0xFFFFFFB0];
	[tilespmem:s22+$0xFFFFFFE0] =	vst v5;
	(v2sf) =	vpush v9, $0x3  }
0x240: {  	s17 =	simm.s32 $0x92E0;
	s11 =	simm.s32 $0x1480;
	[tilespmem:s22+$0x70] =	vst v2;
	v5 =	vmul.f32 s7, v8;
	s0 =	spop (v2sf);
	v2 =	vld [tilespmem:s23+$0xFFFFFFF0];
	(v2sf) =	vpush v10, $0x1  }
0x241: {  	s13 =	smov.u32 @p0 s8;
	s14 =	smov.u32 @p0 s2;
	v8 =	vmul.f32 s12, v11;
	s0 =	smov.u32 @p0 s16;
	[tilespmem:s22+$0x20] =	vst v6;
	v6 =	vld [tilespmem:s11+$0x40];
	(v2sf) =	vpush v10, $0x3  }
0x242: {  	s9 =	smov.u32 @p0 s6;
	s12 =	simm.s32 $0x5380;
	s16 =	simm.s32 $0x8;
	[tilespmem:s3+$0xFFFFFF90] =	vst v5;
	v5 =	vld [tilespmem:s11+$0xFFFFFF80];
	v7 =	vmul.f32 s0, v13  }
.LBB2_21:
0x243: {  	v9 =	vld [tilespmem:s17+$0x10];
	s2 =	spop (v2sf);
	[tilespmem:s3+$0xFFFFFFD0] =	vst v8;
	v3 =	vmul.f32 s28, v3  }
0x244: {  	s16 =	sadd.s32 $0x4, s16;
	v8 =	vld [tilespmem:s17+$0xFFFFFFF0];
	s7 =	spop (v2sf);
	(v2sf) =	vpush v1, $0x1;
	[tilespmem:s3+$0x60] =	vst v7;
	v4 =	vmul.f32 s18, v4;
	s18 =	smov.u32 s13  }
0x245: {  	p1 =	slt.u32 s16, $0x7C;
	s7 =	smov.u32 @p0 s2;
	s6 =	spop (v2sf);
	(v2sf) =	vpush v1, $0x3;
	[tilespmem:s3+$0x10] =	vst v3;
	v3 =	vld [tilespmem:s25+$0x70];
	v10 =	vmul.f32 s1, v2  }
0x246: {  	s1 =	smov.u32 s14;
	v7 =	vld [tilespmem:s17+$0x0];
	v2 =	vmul.f32 s7, v6;
	s2 =	spop (v2sf);
	[tilespmem:s22+$0xFFFFFFB0] =	vst v4  }
0x247: {  	s3 =	sadd.s32 $0x100, s3;
	v4 =	vld [tilespmem:s17+$0xFFFFFFE0];
	s2 =	smov.u32 @p0 s6;
	s8 =	spop (v2sf);
	[tilespmem:s22+$0xFFFFFFF0] =	vst v10  }
0x248: {  	(v2sf) =	vpush v9, $0x0;
	v6 =	vld [tilespmem:s11+$0xFFFFFFC0];
	[tilespmem:s3+$0x40] =	vst v2;
	s6 =	spop (v2sf);
	v1 =	vmov v9  }
0x249: {  	(v2sf) =	vpush v1, $0x2;
	s6 =	smov.u32 @p0 s8;
	v2 =	vld [tilespmem:s11+$0x50];
	s8 =	spop (v2sf)  }
0x24a: {  	(v2sf) =	vpush v8, $0x0;
	v5 =	vmul.f32 s6, v5;
	v9 =	vld [tilespmem:s11+$0x0];
	s28 =	spop (v2sf);
	v3 =	vmul.f32 s0, v3  }
0x24b: {  	(v2sf) =	vpush v8, $0x2;
	s28 =	smov.u32 @p0 s8;
	s0 =	spop (v2sf);
	v10 =	vld [tilespmem:s25+$0xFFFFFFA0]  }
0x24c: {  	(v2sf) =	vpush v4, $0x0;
	s13 =	spop (v2sf);
	v11 =	vld [tilespmem:s25+$0xFFFFFFE0];
	[tilespmem:s12+$0x70] =	vst v3  }
0x24d: {  	(v2sf) =	vpush v4, $0x2;
	s13 =	smov.u32 @p0 s0;
	[tilespmem:s3+$0xFFFFFF80] =	vst v5;
	v3 =	vmul.f32 s2, v6;
	s0 =	spop (v2sf);
	v5 =	vld [tilespmem:s25+$0x20]  }
0x24e: {  	(v2sf) =	vpush v7, $0x0;
	v6 =	vld [tilespmem:s11+$0xFFFFFF90];
	v2 =	vmul.f32 s7, v2;
	s14 =	spop (v2sf)  }
0x24f: {  	(v2sf) =	vpush v7, $0x2;
	s14 =	smov.u32 @p0 s0;
	[tilespmem:s3+$0xFFFFFFC0] =	vst v3;
	v3 =	vmul.f32 s28, v9;
	s0 =	spop (v2sf);
	v9 =	vld [tilespmem:s23+$0x30];
	s23 =	smov.u32 s25  }
0x250: {  	s25 =	smov.u32 s11;
	(v2sf) =	vpush v4, $0x1;
	v12 =	vld [tilespmem:s11+$0xFFFFFFD0];
	[tilespmem:s3+$0x50] =	vst v2;
	s7 =	spop (v2sf);
	v2 =	vmul.f32 s18, v10  }
0x251: {  	(v2sf) =	vpush v4, $0x3;
	s7 =	smov.u32 @p0 s0;
	[tilespmem:s3+$0x0] =	vst v3;
	v10 =	vld [tilespmem:s11+$0x60];
	v11 =	vmul.f32 s1, v11  }
.Ltmp9:
0x252: {  	(v2sf) =	vpush v8, $0x1;
	v3 =	vld [tilespmem:s11+$0x10];
	[tilespmem:s12+$0xFFFFFFA0] =	vst v2;
	v5 =	vmul.f32 s9, v5;
	(pc) =	sbr.rel @p1 .LBB2_21-.Ltmp9, $4  }
0x253: {  	(v2sf) =	vpush v8, $0x3;
	v8 =	vmul.f32 s6, v6;
	s6 =	spop (v2sf);
	v4 =	vld [tilespmem:s23+$0xFFFFFFB0];
	[tilespmem:s12+$0xFFFFFFE0] =	vst v11  }
0x254: {  	s11 =	sadd.s32 $0x100, s11;
	(v2sf) =	vpush v7, $0x1;
	s0 =	spop (v2sf);
	v2 =	vld [tilespmem:s23+$0xFFFFFFF0];
	[tilespmem:s12+$0x20] =	vst v5;
	v9 =	vmul.f32 s24, v9;
	s24 =	smov.u32 s9  }
0x255: {  	s9 =	smov.u32 s7;
	v6 =	vld [tilespmem:s11+$0x40];
	(v2sf) =	vpush v7, $0x3;
	[tilespmem:s3+$0xFFFFFF90] =	vst v8;
	v8 =	vmul.f32 s2, v12;
	s0 =	smov.u32 @p0 s6  }
0x256: {  	s17 =	sadd.s32 $0x40, s17;
	v5 =	vld [tilespmem:s11+$0xFFFFFF80];
	v7 =	vmul.f32 s0, v10;
	[tilespmem:s22+$0x30] =	vst v9;
	s22 =	smov.u32 s12;
	s12 =	smov.u32 s3  }
0x257: {  	s2 =	spop (v2sf)  }
0x258: {  	s6 =	spop (v2sf)  }
0x259: {  	s7 =	spop (v2sf)  }
0x25a: {  	(v2sf) =	vpush v1, $0x1;
	v9 =	vld [tilespmem:s11+$0xFFFFFFC0];
	s8 =	spop (v2sf)  }
0x25b: {  	(v2sf) =	vpush v1, $0x3;
	v1 =	vld [tilespmem:s11+$0x0];
	s6 =	smov.u32 @p0 s2;
	s2 =	spop (v2sf)  }
0x25c: {  	v6 =	vmul.f32 s6, v6;
	s17 =	spop (v2sf)  }
0x25d: {  	s16 =	sadd.s32 $0x100, s3;
	s17 =	smov.u32 @p0 s2;
	s2 =	spop (v2sf)  }
0x25e: {  	s8 =	smov.u32 @p0 s7;
	[tilespmem:s16+$0x40] =	vst v6;
	v5 =	vmul.f32 s17, v5;
	s7 =	spop (v2sf)  }
0x25f: {  	[tilespmem:s3+$0xFFFFFFD0] =	vst v8;
	v50 =	vmul.f32 s8, v9;
	v6 =	vld [tilespmem:s11+$0x50];
	s7 =	smov.u32 @p0 s2  }
0x260: {  	[tilespmem:s16+$0xFFFFFF80] =	vst v5;
	v1 =	vmul.f32 s7, v1  }
0x261: {  	[tilespmem:s16+$0xFFFFFFC0] =	vst v50;
	v5 =	vld [tilespmem:s11+$0xFFFFFF90]  }
0x262: {  	v3 =	vmul.f32 s28, v3;
	v8 =	vld [tilespmem:s11+$0xFFFFFFD0];
	[tilespmem:s16+$0x0] =	vst v1  }
0x263: {  	[tilespmem:s3+$0x60] =	vst v7;
	s2 =	spop (v2sf);
	v1 =	vmul.f32 s18, v4;
	v51 =	vld [tilespmem:s11+$0x10]  }
0x264: {  	[tilespmem:s3+$0x10] =	vst v3;
	v3 =	vld [tilespmem:s25+$0x70];
	s3 =	spop (v2sf);
	v6 =	vmul.f32 s6, v6  }
0x265: {  	v2 =	vmul.f32 s1, v2;
	s1 =	spop (v2sf);
	[tilespmem:s22+$0xFFFFFFB0] =	vst v1;
	v1 =	vld [tilespmem:s25+$0xFFFFFFA0]  }
0x266: {  	v52 =	vld [tilespmem:s25+$0xFFFFFFE0];
	s6 =	spop (v2sf);
	[tilespmem:s16+$0x50] =	vst v6;
	v5 =	vmul.f32 s17, v5  }
0x267: {  	[tilespmem:s22+$0xFFFFFFF0] =	vst v2;
	v53 =	vmul.f32 s8, v8;
	v2 =	vld [tilespmem:s11+$0x60];
	s17 =	spop (v2sf)  }
0x268: {  	v54 =	vld [tilespmem:s25+$0x20];
	s8 =	spop (v2sf);
	[tilespmem:s16+$0xFFFFFF90] =	vst v5;
	v4 =	vmul.f32 s7, v51  }
0x269: {  	v3 =	vmul.f32 s0, v3;
	[tilespmem:s16+$0xFFFFFFD0] =	vst v53;
	s0 =	spop (v2sf);
	v5 =	vld [tilespmem:s11+$0xFFFFFFA0]  }
0x26a: {  	v55 =	vld [tilespmem:s11+$0xFFFFFFE0];
	v1 =	vmul.f32 s13, v1;
	s7 =	spop (v2sf);
	[tilespmem:s16+$0x10] =	vst v4  }
0x26b: {  	[tilespmem:s12+$0x70] =	vst v3;
	v3 =	vmul.f32 s14, v52;
	s7 =	smov.u32 @p0 s0;
	v56 =	vld [tilespmem:s11+$0x20]  }
0x26c: {  	v57 =	vld [tilespmem:s23+$0x30];
	[tilespmem:s12+$0xFFFFFFA0] =	vst v1;
	v1 =	vmul.f32 s7, v2  }
0x26d: {  	s3 =	smov.u32 @p0 s2;
	[tilespmem:s12+$0xFFFFFFE0] =	vst v3;
	v2 =	vmul.f32 s9, v54;
	v58 =	vld [tilespmem:s25+$0xFFFFFFB0]  }
0x26e: {  	s6 =	smov.u32 @p0 s1;
	v3 =	vld [tilespmem:s25+$0xFFFFFFF0];
	[tilespmem:s16+$0x60] =	vst v1;
	v1 =	vmul.f32 s3, v5  }
0x26f: {  	s8 =	smov.u32 @p0 s17;
	v4 =	vmul.f32 s6, v55;
	[tilespmem:s12+$0x20] =	vst v2;
	v2 =	vld [tilespmem:s11+$0x70]  }
0x270: {  	v59 =	vld [tilespmem:s25+$0x30];
	[tilespmem:s16+$0xFFFFFFA0] =	vst v1;
	v1 =	vmul.f32 s8, v56  }
0x271: {  	v60 =	vmul.f32 s24, v57;
	[tilespmem:s16+$0xFFFFFFE0] =	vst v4;
	v61 =	vld [tilespmem:s11+$0xFFFFFFB0]  }
0x272: {  	v63 =	vld [tilespmem:s11+$0xFFFFFFF0];
	v62 =	vmul.f32 s13, v58;
	[tilespmem:s16+$0x20] =	vst v1  }
0x273: {  	[tilespmem:s22+$0x30] =	vst v60;
	v1 =	vmul.f32 s14, v3;
	v3 =	vld [tilespmem:s11+$0x30]  }
0x274: {  	[tilespmem:s12+$0xFFFFFFB0] =	vst v62;
	v2 =	vmul.f32 s7, v2  }
0x275: {  	[tilespmem:s12+$0xFFFFFFF0] =	vst v1;
	v1 =	vmul.f32 s9, v59  }
0x276: {  	[tilespmem:s16+$0x70] =	vst v2;
	v2 =	vmul.f32 s3, v61  }
0x277: {  	[tilespmem:s12+$0x30] =	vst v1;
	v1 =	vmul.f32 s6, v63  }
0x278: {  	[tilespmem:s16+$0xFFFFFFB0] =	vst v2;
	v2 =	vmul.f32 s8, v3  }
0x279: {  	s25 =	rddreg [dreg:$0xc];
	[tilespmem:s16+$0xFFFFFFF0] =	vst v1  }
0x27a: {  	s20 =	sadd.s32 $0x1, s20;
	s0 =	sadd.s32 s25, s21;
	[tilespmem:s16+$0x30] =	vst v2  }
0x27b: {  	p1 =	sne.s32 s20, $0x5;
	s0 =	sshrl.u32 s0, $0x3;
	s28 =	rddreg [dreg:$0x9]  }
.Ltmp10:
0x27c: {  	s0 =	sadd.s32 s28, s0;
	(pc) =	sbr.rel @p1 .LBB2_18-.Ltmp10, $4  }
0x27d: {  	[hbm4b:s0+s4] =	stream.linear.scatter [tilespmem:s15], [sflag:$0x2], $0x2000, $0x38;
	[tilespmem:$0x1E200] =	vst v63  }
0x27e: {  	_ =	swait.ge [sflag:s30], $0x2000  }
0x27f: {  	[sflag:s30] =	ssyncset.done $0x0  }
0x280: {  	[sflag:s30] =	ssyncadd.s32 $0xFFFFE000  }
0x281: {  	s1 =	rddreg [dreg:$0x19]  }
0x282: {  	s0 =	rddreg [dreg:$0xd];
	s1 =	sadd.s32 $0x1, s1  }
0x283: {  	p1 =	sne.s32 s1, s0  }
.Ltmp11:
0x284: {  	_ = 	snop;
	(pc) =	sbr.rel @p1 .LBB2_1-.Ltmp11, $1  }
0x285: {  	_ =	sdelay $0x3  }
0x286: {  	_ =	sfence.sel $0x180000  }
0x287: {  	[bflag:$0x0] =	sbarrier.arrive $0xFFFF  }
0x288: {  	_ =	strace $0x9000004A  }
0x289: {  	s0 =	stileid.u32;
	[bflag:$0x2] =	sbarrier.arrive $0xFFFF  }
0x28a: {  	p0 =	sne.s32 s0, $0x0;
	s0 =	rddreg [dreg:$0x4]  }
0x28b: {  	s0 =	sadd.s32 @!p0 $0x100000, s0  }
0x28c: {  	[sflag:s0] =	ssyncadd.tile.s32 @!p0 $0x1;
	_ =	shalt  }
.Lfunc_end2:
_tile_overlayer_lowered:
.L_overlay_start_2:
0x28d: {  	(tag) =	ssettag $0x2  }
0x28e: {  	s0 =	rddreg [dreg:$0x0];
	s2 =	stileid.u32  }
0x28f: {  	s1 =	rddreg [dreg:$0x1];
	p0 =	sne.s32 s2, $0x0  }
0x290: {  	s3 =	rddreg [dreg:$0x2];
	[bflag:$0x3] =	sbarrier.arrive $0xFFFF;
	s2 =	simm.s32 @!p0 $0x1C02  }
0x291: {  	[timem:s3], [sflag:s2] =	dma.local @!p0 [hbm:s0], s1  }
0x292: {  	s0 =	simm.s32 @!p0 $0x2  }
0x293: {  	_ =	swait.ge @!p0 [sflag:s0], s1  }
0x294: {  	s1 =	ssub.s32 @!p0 $0x0, s1;
	[sflag:s0] =	ssyncset.done @!p0 $0x0  }
0x295: {  	[sflag:s0] =	ssyncadd.s32 @!p0 s1  }
0x296: {  	[bflag:$0x3] =	sbarrier.arrive $0xFFFF  }
0x297: {  	_ =	shalt  }

// kernel: kernel.14.cloned.1.call-start
scs
__scs_entry_jumppad:
0x0: {  	(pc) =	sbr.rel $0x88, $3  }
0x1: {  	(tag) =	ssettag $0x0;
	lr =	simm.s32 $0x1  }
0x2: {  	[smem:$0x3F94] =	sst lr;
	_ =	strace $0xD0000000  }
0x3: {  	_ = 	snop  }
0x4: {  	_ = 	snop  }
0x5: {  	_ = 	snop  }
0x6: {  	_ = 	snop  }
0x7: {  	_ = 	snop  }
__scs_overlays_trampoline_lowered:
0x8: {  	[smem:$0x3FA3] =	sst s0  }
0x9: {  	[smem:$0x3FA4] =	sst s1  }
0xa: {  	[smem:$0x3FA5] =	sst s2  }
0xb: {  	[smem:$0x3FA6] =	sst s3  }
0xc: {  	[smem:$0x3FA7] =	sst s4  }
0xd: {  	[smem:$0x3FA8] =	sst s5  }
0xe: {  	[smem:$0x3FA9] =	sst s6  }
0xf: {  	[smem:$0x3FAA] =	sst s7  }
0x10: {  	[smem:$0x3FAB] =	sst s8  }
0x11: {  	[smem:$0x3FAC] =	sst s9;
	s0 =	simm.s32 @!p0 $0x0  }
0x12: {  	s1 =	sld [smem:$0x3F92];
	s0 =	simm.s32 @p0 $0x1  }
0x13: {  	[smem:$0x3FAD] =	sst s0;
	s0 =	simm.s32 @!p1 $0x0  }
0x14: {  	s2 =	sld [smem:$0x3F91];
	s0 =	simm.s32 @p1 $0x1  }
0x15: {  	[smem:$0x3FAE] =	sst s0;
	s0 =	simm.s32 @!p2 $0x0  }
0x16: {  	s3 =	sld [smem:$0x3FDB];
	s0 =	simm.s32 @p2 $0x1  }
0x17: {  	s4 =	simm.s32 $0x1BF5;
	[smem:$0x3FB0] =	sst s0  }
0x18: {  	s0 =	sld [smem:$0x3F93];
	_ =	swait.ge [sflag:s4], $0x0  }
0x19: {  	s7 =	sld [smem:$0x3F94]  }
0x1a: {  	s8 =	sadd.s32 $0xFFFFE003, lr  }
0x1b: {  	s9 =	sadd.s32 $0xFFFFFEF7, lr;
	s5 =	simm.s32 $0xFFFFFFFF;
	p2 =	slt.u32 s8, $0xFFFFF086  }
0x1c: {  	p1 =	slt.u32 s9, $0xF7A;
	s5 =	simm.s32 @!p2 $0x0  }
0x1d: {  	s5 =	simm.s32 @p1 $0x1;
	p0 =	seq.s32 s7, s2  }
0x1e: {  	s7 =	smul.u32 @!p0 $0xF7A, s2;
	p2 =	seq.s32 @!p0 s5, $0x0  }
0x1f: {  	s9 =	smul.u32 $0xF7A, s1;
	s8 =	simm.s32 @!p0 $0x1BF5;
	p2 =	por !p2, p0  }
0x20: {  	[sflag:s8] =	ssyncset.s32 @!p0 $0xFFFFF086;
	s6 =	sadd.s32 @!p0 s3, s7;
	s7 =	simm.s32 @!p0 $0x108  }
0x21: {  	s3 =	sadd.s32 s3, s9;
	s6 =	sadd.s32 @!p0 $0x88, s6;
	s7 =	simm.s32 @p2 $0x1082  }
0x22: {  	[simem:s7], [sflag:s8] =	dma.local @!p0 [hbm:s6], $0xF7A  }
0x23: {  	s9 =	sor.u32 $0xD0000000, s2;
	s6 =	simm.s32 $0x108;
	_ =	swait.ge @!p0 [sflag:s8], $0x0  }
0x24: {  	s3 =	sadd.s32 $0x88, s3;
	s6 =	simm.s32 @!p1 $0x1082;
	[sflag:s4] =	ssyncset.s32 $0xFFFFF086  }
0x25: {  	[simem:s6], [sflag:s4] =	dma.local [hbm:s3], $0xF7A  }
0x26: {  	[smem:$0x3F94] =	sst s1;
	(tag) =	ssettag s2;
	_ =	strace s9  }
0x27: {  	s1 =	sld [smem:$0x3FA4]  }
0x28: {  	s2 =	sld [smem:$0x3FA5]  }
0x29: {  	s4 =	sld [smem:$0x3FA7]  }
0x2a: {  	p0 =	seq.s32 s5, $0x0;
	s5 =	sld [smem:$0x3FA8]  }
0x2b: {  	s6 =	sld [smem:$0x3FA9]  }
0x2c: {  	s7 =	sld [smem:$0x3FAA]  }
0x2d: {  	s3 =	simm.s32 $0x108;
	s8 =	sld [smem:$0x3FAB]  }
0x2e: {  	s3 =	simm.s32 @!p0 $0x1082;
	s9 =	sld [smem:$0x3FAC]  }
0x2f: {  	lr =	sadd.s32 s0, s3;
	s0 =	sld [smem:$0x3FA3]  }
0x30: {  	s3 =	sld [smem:$0x3FA6]  }
0x31: {  	[smem:$0x3FAF] =	sst s10  }
0x32: {  	s10 =	sld [smem:$0x3FAD];
	_ =	sdelay $0x3  }
0x33: {  	p0 =	seq.s32 s10, $0x1;
	s10 =	sld [smem:$0x3FAF];
	_ =	sdelay $0x3  }
0x34: {  	[smem:$0x3FAF] =	sst s10  }
0x35: {  	s10 =	sld [smem:$0x3FAE];
	_ =	sdelay $0x3  }
0x36: {  	p1 =	seq.s32 s10, $0x1;
	s10 =	sld [smem:$0x3FAF];
	_ =	sdelay $0x3  }
0x37: {  	[smem:$0x3FAF] =	sst s10  }
0x38: {  	s10 =	sld [smem:$0x3FB0]  }
0x39: {  	_ = 	snop;
	(pc) =	sbr.ind lr, $3  }
0x3a: {  	_ = 	snop  }
0x3b: {  	_ = 	snop  }
0x3c: {  	p2 =	seq.s32 s10, $0x1;
	s10 =	sld [smem:$0x3FAF]  }
0x3d: {  	_ =	shalt  }
0x3e: {  	_ =	shalt  }
0x3f: {  	_ =	shalt  }
0x40: {  	_ =	shalt  }
0x41: {  	_ =	shalt  }
0x42: {  	_ =	shalt  }
0x43: {  	_ =	shalt  }
0x44: {  	_ =	shalt  }
0x45: {  	_ =	shalt  }
0x46: {  	_ =	shalt  }
0x47: {  	_ =	shalt  }
0x48: {  	_ =	shalt  }
0x49: {  	_ =	shalt  }
0x4a: {  	_ =	shalt  }
0x4b: {  	_ =	shalt  }
0x4c: {  	_ =	shalt  }
0x4d: {  	_ =	shalt  }
0x4e: {  	_ =	shalt  }
0x4f: {  	_ =	shalt  }
0x50: {  	_ =	shalt  }
0x51: {  	_ =	shalt  }
0x52: {  	_ =	shalt  }
0x53: {  	_ =	shalt  }
0x54: {  	_ =	shalt  }
0x55: {  	_ =	shalt  }
0x56: {  	_ =	shalt  }
0x57: {  	_ =	shalt  }
0x58: {  	_ =	shalt  }
0x59: {  	_ =	shalt  }
0x5a: {  	_ =	shalt  }
0x5b: {  	_ =	shalt  }
0x5c: {  	_ =	shalt  }
0x5d: {  	_ =	shalt  }
0x5e: {  	_ =	shalt  }
0x5f: {  	_ =	shalt  }
0x60: {  	_ =	shalt  }
0x61: {  	_ =	shalt  }
0x62: {  	_ =	shalt  }
0x63: {  	_ =	shalt  }
0x64: {  	_ =	shalt  }
0x65: {  	_ =	shalt  }
0x66: {  	_ =	shalt  }
0x67: {  	_ =	shalt  }
0x68: {  	_ =	shalt  }
0x69: {  	_ =	shalt  }
0x6a: {  	_ =	shalt  }
0x6b: {  	_ =	shalt  }
0x6c: {  	_ =	shalt  }
0x6d: {  	_ =	shalt  }
0x6e: {  	_ =	shalt  }
0x6f: {  	_ =	shalt  }
0x70: {  	_ =	shalt  }
0x71: {  	_ =	shalt  }
0x72: {  	_ =	shalt  }
0x73: {  	_ =	shalt  }
0x74: {  	_ =	shalt  }
0x75: {  	_ =	shalt  }
0x76: {  	_ =	shalt  }
0x77: {  	_ =	shalt  }
0x78: {  	_ =	shalt  }
0x79: {  	_ =	shalt  }
0x7a: {  	_ =	shalt  }
0x7b: {  	_ =	shalt  }
0x7c: {  	_ =	shalt  }
0x7d: {  	_ =	shalt  }
0x7e: {  	_ =	shalt  }
0x7f: {  	_ =	shalt  }
0x80: {  	_ =	shalt  }
0x81: {  	_ =	shalt  }
0x82: {  	_ =	shalt  }
0x83: {  	_ =	shalt  }
0x84: {  	_ =	shalt  }
0x85: {  	_ =	shalt  }
0x86: {  	_ =	shalt  }
0x87: {  	_ =	shalt  }
.Lfunc_end0:
.L_simem_size_0:
called_computation.2_lowered:
.L_overlay_start_0:
0x88: {  	s2 =	sld [smem:$0x3FD9]  }
0x89: {  	s3 =	sld [smem:$0x3FFE];
	_ =	sdelay $0x1  }
0x8a: {  	s1 =	srdreg.scid  }
0x8b: {  	s0 =	sand.u32 $0x1, s1  }
0x8c: {  	s17 =	sshll.u32 s0, $0xA;
	s2 =	sadd.s32 s3, s2  }
0x8d: {  	s2 =	sadd.s32 s2, s17  }
0x8e: {  	[smem:$0x3FBB] =	sst s2  }
0x8f: {  	_ = 	snop  }
0x90: {  	s2 =	sld [smem:$0x3FD0];
	(tm) =	ssettm $0x1  }
0x91: {  	s18 =	sld [smem:$0x3FFB];
	_ =	sdelay $0x3  }
0x92: {  	_ =	strace s18  }
0x93: {  	s3 =	sld [smem:$0x3FFC];
	_ =	sdelay $0x3  }
0x94: {  	_ =	strace s3  }
0x95: {  	s3 =	sld [smem:$0x3FFD];
	_ =	sdelay $0x3  }
0x96: {  	_ =	strace s3  }
0x97: {  	_ =	strace $0x8FFFFFFF  }
0x98: {  	s19 =	sld [smem:$0x3FDB];
	_ =	sdelay $0x1  }
0x99: {  	s4 =	simm.s32 $_scs_section_size  }
0x9a: {  	s5 =	simm.s32 $_size__tile_overlayer_lowered;
	s6 =	simm.s32 $_tile_overlayer_lowered  }
0x9b: {  	s22 =	simm.s32 $0x1BFF;
	s21 =	sshll.u32 s6, $0x1;
	s3 =	sadd.s32 s4, s19  }
0x9c: {  	s7 =	simm.s32 $0x0;
	s20 =	sshll.u32 s5, $0x1;
	s5 =	sadd.s32 s21, s3  }
0x9d: {  	[timem:s7], [sflag:s22] =	dma.local [hbm:s5], s20  }
0x9e: {  	_ =	swait.ge [sflag:s22], s20  }
0x9f: {  	s4 =	ssub.s32 $0x0, s20;
	[sflag:s22] =	ssyncset.done $0x0  }
0xa0: {  	[sflag:s22] =	ssyncadd.s32 s4;
	_ =	sdelay $0x1  }
0xa1: {  	s23 =	simm.s32 $0x1B8B  }
0xa2: {  	_ =	swait.ge [sflag:s23], $0x1  }
0xa3: {  	[sflag:s23] =	ssyncset.done $0x0  }
0xa4: {  	s25 =	simm.s32 $0x1B8E;
	s24 =	sld [smem:$0x3FFE];
	[sflag:s23] =	ssyncadd.s32 $0xFFFFFFFF  }
0xa5: {  	s26 =	simm.s32 $execute0_lowered;
	[smem:$0x3FD2] =	sst s25  }
0xa6: {  	s5 =	sshll.u32 s26, $0x1;
	_ =	strace $0x8000004C;
	[dreg:$0x1] =	wrdreg $0xFFFFFFFF  }
0xa7: {  	s28 =	simm.s32 $_size_execute0_lowered;
	s3 =	sadd.s32 s3, s5;
	[dreg:$0x0] =	wrdreg $0x0  }
0xa8: {  	s5 =	sshll.u32 s28, $0x1;
	[dreg:$0x2] =	wrdreg s3  }
0xa9: {  	[dreg:$0x3] =	wrdreg s5  }
0xaa: {  	[dreg:$0x4] =	wrdreg $0xC0  }
0xab: {  	_ =	task [dreg:s7], $0x5FFFF  }
0xac: {  	[dreg:$0x1] =	wrdreg $0xFFFFFFFF  }
0xad: {  	[dreg:$0x0] =	wrdreg $0x60  }
0xae: {  	[dreg:$0x2] =	wrdreg s24  }
0xaf: {  	[dreg:$0x3] =	wrdreg s2  }
0xb0: {  	[dreg:$0x4] =	wrdreg $0xA2000  }
0xb1: {  	[dreg:$0x5] =	wrdreg $0x142000  }
0xb2: {  	[dreg:$0x6] =	wrdreg $0x9  }
0xb3: {  	_ =	task.clear_ibuf [dreg:s7], $0x7FFFF;
	_ =	strace $0x9000004C  }
0xb4: {  	s29 =	simm.s32 $0x9;
	_ =	strace $0x8000004E  }
0xb5: {  	_ =	swait.ge [sflag:s29], $0x1  }
0xb6: {  	[sflag:s29] =	ssyncadd.s32 $0xFFFFFFFF  }
0xb7: {  	_ =	strace $0x9000004E  }
0xb8: {  	_ =	sfence  }
0xb9: {  	s30 =	sld [smem:$0x0];
	_ =	sdelay $0x2  }
0xba: {  	s31 =	sshll.u32 s1, $0xD;
	s1 =	sshrl.u32 s1, $0x2  }
0xbb: {  	s3 =	sand.u32 $0x4000, s31;
	s1 =	sadd.s32 s1, s30  }
0xbc: {  	s0 =	sor.u32 s3, s0;
	s1 =	sshll.u32 s1, $0x11  }
0xbd: {  	s0 =	sor.u32 s1, s0  }
0xbe: {  	s0 =	sadd.s32 $0x8F2B, s0  }
0xbf: {  	[sflag:s0] =	ssyncadd.remote.s32 $0x1  }
0xc0: {  	_ =	sfence.sel $0xFFFF  }
0xc1: {  	[dreg:$0x0] =	wrdreg $0xFFFFFFFF;
	(pc) =	sbr.abs _section_cstart, $3  }
0xc2: {  	[dreg:$0x1] =	wrdreg $0xFFFFFFFF  }
0xc3: {  	_ =	task.clear_ibuf [dreg:s7], $0x2FFFF;
	_ =	strace $0x9FFFFFFF  }
0xc4: {  	(tm) =	ssettm $0x7FFFFFFF  }
0xc5: {  	_ =	shalt  }
tec
execute0_lowered:
.L_overlay_start_1:
0x0: {  	(tag) =	ssettag $0x1  }
0x1: {  	s0 =	rddreg [dreg:$0x0]  }
0x2: {  	s6 =	rddreg [dreg:$0x1]  }
0x3: {  	s7 =	rddreg [dreg:$0x2]  }
0x4: {  	s8 =	rddreg [dreg:$0x3];
	s4 =	simm.s32 $0x0;
	s1 =	srdreg.scid  }
0x5: {  	s9 =	stileid.u32;
	[smem:$0x7FF] =	sst s4;
	s3 =	sadd.s32 $0x61A00, s0  }
0x6: {  	s25 =	sadd.s32 $0x5CA00, s0;
	_ =	strace $0x8000004D;
	[dreg:$0x5] =	wrdreg s3  }
0x7: {  	s1 =	sand.u32 $0x1, s1;
	s26 =	sadd.s32 $0x66A00, s0;
	[dreg:$0x6] =	wrdreg s25  }
0x8: {  	s5 =	sadd.s32 $0xB6A00, s0;
	s13 =	smul.u32 $0xA000, s9;
	[dreg:$0x7] =	wrdreg s26  }
0x9: {  	s11 =	sadd.s32 $0x2AA00, s0;
	[dreg:$0x8] =	wrdreg s5;
	s14 =	smul.u32 $0xA0000, s1  }
0xa: {  	s29 =	simm.s32 $0x1200;
	s30 =	simm.s32 $0x2;
	[dreg:$0x9] =	wrdreg s11  }
0xb: {  	s2 =	smul.u32 $0x14000, s1;
	s16 =	sadd.s32 s13, s7;
	[dreg:$0xc] =	wrdreg s14  }
0xc: {  	s17 =	sadd.s32 $0x2000, s13;
	s18 =	sadd.s32 s13, s8;
	[dreg:$0xe] =	wrdreg s16  }
0xd: {  	s2 =	sadd.s32 s2, s0;
	s0 =	sadd.s32 $0xBBA00, s0;
	[dreg:$0xf] =	wrdreg s18  }
0xe: {  	s20 =	sadd.s32 $0x4000, s13;
	s19 =	sadd.s32 s17, s7;
	[dreg:$0xb] =	wrdreg s0  }
0xf: {  	s22 =	sadd.s32 $0x6000, s13;
	s21 =	sadd.s32 s20, s7;
	[dreg:$0x10] =	wrdreg s19  }
0x10: {  	s24 =	sadd.s32 $0x8000, s13;
	s23 =	sadd.s32 s22, s7;
	[dreg:$0x12] =	wrdreg s21  }
0x11: {  	s28 =	ssub.s32 $0x2, s1;
	s25 =	sadd.s32 s24, s7;
	[dreg:$0x14] =	wrdreg s23  }
0x12: {  	s12 =	sshrl.u32 s28, $0x1;
	s26 =	sadd.s32 s24, s8;
	[dreg:$0x16] =	wrdreg s25  }
0x13: {  	s3 =	ssub.s32 s28, s12;
	s28 =	sadd.s32 $0x5000, s6;
	[dreg:$0x17] =	wrdreg s26  }
0x14: {  	s31 =	simm.s32 $0x100;
	s2 =	sadd.s32 $0x2A00, s2;
	[dreg:$0x18] =	wrdreg s28  }
0x15: {  	s10 =	smul.u32 $0x280, s9;
	s15 =	smax.u32 s3, $0x1;
	[dreg:$0xa] =	wrdreg s2  }
0x16: {  	p0 =	seq.s32 s1, $0x0;
	s0 =	sadd.s32 s17, s8;
	[dreg:$0xd] =	wrdreg s15  }
0x17: {  	s5 =	simm.s32 $0x1;
	[dreg:$0x11] =	wrdreg s0;
	s2 =	sadd.s32 s20, s8  }
0x18: {  	s1 =	simm.s32 $0x0;
	s0 =	sadd.s32 s22, s8;
	[dreg:$0x13] =	wrdreg s2  }
0x19: {  	v0 =	vimm.f32 $0.0e+00;
	s26 =	smul.u32 $0x2800, s9;
	s15 =	simm.s32 $0x5200;
	[dreg:$0x15] =	wrdreg s0  }
.LBB2_1:
0x1a: {  	[dreg:$0x19] =	wrdreg s1;
	s1 =	simm.s32 $0x100;
	s0 =	simm.s32 $0x0  }
.LBB2_2:
0x1b: {  	p1 =	sne.s32 s1, $0x7F00;
	[tilespmem:s0+$0x1230] =	vst v0;
	s2 =	smov.u32 s1;
	s1 =	sadd.s32 $0x100, s1  }
.Ltmp0:
0x1c: {  	[tilespmem:s0+$0x1220] =	vst v0;
	(pc) =	sbr.rel @p1 .LBB2_2-.Ltmp0, $3  }
0x1d: {  	[tilespmem:s0+$0x1200] =	vst v0  }
0x1e: {  	[tilespmem:s0+$0x1210] =	vst v0;
	_ =	sdelay $0x1  }
0x1f: {  	s0 =	sshra.s32 s2, $0x2  }
0x20: {  	[tilespmem:s0+$0x1230] =	vst v0  }
0x21: {  	[tilespmem:s0+$0x1220] =	vst v0  }
0x22: {  	[tilespmem:s0+$0x1200] =	vst v0  }
0x23: {  	[tilespmem:s0+$0x1210] =	vst v0;
	s17 =	rddreg [dreg:$0xe]  }
0x24: {  	[spmem:s17] =	stream.linear.scatter [tilespmem:s29], [sflag:$0x2], $0x2000, $0x38;
	[tilespmem:$0x1E200] =	vst v63  }
0x25: {  	_ =	swait.ge [sflag:s30], $0x2000  }
0x26: {  	[sflag:s30] =	ssyncset.done $0x0  }
0x27: {  	s18 =	rddreg [dreg:$0xf];
	[sflag:s30] =	ssyncadd.s32 $0xFFFFE000  }
0x28: {  	[spmem:s18] =	stream.linear.scatter [tilespmem:s29], [sflag:$0x2], $0x2000, $0x38;
	[tilespmem:$0x1E200] =	vst v63  }
0x29: {  	_ =	swait.ge [sflag:s30], $0x2000  }
0x2a: {  	[sflag:s30] =	ssyncset.done $0x0  }
0x2b: {  	s19 =	rddreg [dreg:$0x10];
	[sflag:s30] =	ssyncadd.s32 $0xFFFFE000  }
0x2c: {  	[spmem:s19] =	stream.linear.scatter [tilespmem:s29], [sflag:$0x2], $0x2000, $0x38;
	[tilespmem:$0x1E200] =	vst v63  }
0x2d: {  	_ =	swait.ge [sflag:s30], $0x2000  }
0x2e: {  	[sflag:s30] =	ssyncset.done $0x0  }
0x2f: {  	s20 =	rddreg [dreg:$0x11];
	[sflag:s30] =	ssyncadd.s32 $0xFFFFE000  }
0x30: {  	[spmem:s20] =	stream.linear.scatter [tilespmem:s29], [sflag:$0x2], $0x2000, $0x38;
	[tilespmem:$0x1E200] =	vst v63  }
0x31: {  	_ =	swait.ge [sflag:s30], $0x2000  }
0x32: {  	[sflag:s30] =	ssyncset.done $0x0  }
0x33: {  	s21 =	rddreg [dreg:$0x12];
	[sflag:s30] =	ssyncadd.s32 $0xFFFFE000  }
0x34: {  	[spmem:s21] =	stream.linear.scatter [tilespmem:s29], [sflag:$0x2], $0x2000, $0x38;
	[tilespmem:$0x1E200] =	vst v63  }
0x35: {  	_ =	swait.ge [sflag:s30], $0x2000  }
0x36: {  	[sflag:s30] =	ssyncset.done $0x0  }
0x37: {  	s22 =	rddreg [dreg:$0x13];
	[sflag:s30] =	ssyncadd.s32 $0xFFFFE000  }
0x38: {  	[spmem:s22] =	stream.linear.scatter [tilespmem:s29], [sflag:$0x2], $0x2000, $0x38;
	[tilespmem:$0x1E200] =	vst v63  }
0x39: {  	_ =	swait.ge [sflag:s30], $0x2000  }
0x3a: {  	[sflag:s30] =	ssyncset.done $0x0  }
0x3b: {  	s23 =	rddreg [dreg:$0x14];
	[sflag:s30] =	ssyncadd.s32 $0xFFFFE000  }
0x3c: {  	[spmem:s23] =	stream.linear.scatter [tilespmem:s29], [sflag:$0x2], $0x2000, $0x38;
	[tilespmem:$0x1E200] =	vst v63  }
0x3d: {  	_ =	swait.ge [sflag:s30], $0x2000  }
0x3e: {  	[sflag:s30] =	ssyncset.done $0x0  }
0x3f: {  	s24 =	rddreg [dreg:$0x15];
	[sflag:s30] =	ssyncadd.s32 $0xFFFFE000  }
0x40: {  	[spmem:s24] =	stream.linear.scatter [tilespmem:s29], [sflag:$0x2], $0x2000, $0x38;
	[tilespmem:$0x1E200] =	vst v63  }
0x41: {  	_ =	swait.ge [sflag:s30], $0x2000  }
0x42: {  	[sflag:s30] =	ssyncset.done $0x0  }
0x43: {  	s25 =	rddreg [dreg:$0x16];
	[sflag:s30] =	ssyncadd.s32 $0xFFFFE000  }
0x44: {  	[spmem:s25] =	stream.linear.scatter [tilespmem:s29], [sflag:$0x2], $0x2000, $0x38;
	[tilespmem:$0x1E200] =	vst v63  }
0x45: {  	_ =	swait.ge [sflag:s30], $0x2000  }
0x46: {  	[sflag:s30] =	ssyncset.done $0x0  }
0x47: {  	s28 =	rddreg [dreg:$0x17];
	[sflag:s30] =	ssyncadd.s32 $0xFFFFE000  }
0x48: {  	[spmem:s28] =	stream.linear.scatter [tilespmem:s29], [sflag:$0x2], $0x2000, $0x38;
	[tilespmem:$0x1E200] =	vst v63  }
0x49: {  	_ =	swait.ge [sflag:s30], $0x2000  }
0x4a: {  	[sflag:s30] =	ssyncset.done $0x0  }
0x4b: {  	[sflag:s30] =	ssyncadd.s32 $0xFFFFE000  }
0x4c: {  	[bflag:$0x0] =	sbarrier.arrive $0xFFFF  }
0x4d: {  	s19 =	simm.s32 $0x0;
	s7 =	rddreg [dreg:$0xa]  }
.LBB2_4:
0x4e: {  	s0 =	sshll.u32 s19, $0x8  }
0x4f: {  	s0 =	sadd.s32 s26, s0  }
0x50: {  	s2 =	rddreg [dreg:$0x5];
	s1 =	sshrl.u32 s0, $0x3  }
0x51: {  	s2 =	sadd.s32 s2, s1  }
0x52: {  	[tilespmem:s4], [sflag:$0x2] =	stream.linear.gather [hbm4b:s2+s4], $0x100, $0x38;
	[tilespmem:$0x1E200] =	vst v63  }
0x53: {  	_ =	swait.ge [sflag:s30], $0x100  }
0x54: {  	[sflag:s30] =	ssyncset.done $0x0;
	s21 =	rddreg [dreg:$0x6]  }
0x55: {  	[sflag:s30] =	ssyncadd.s32 $0xFFFFFF00;
	s1 =	sadd.s32 s21, s1  }
0x56: {  	[tilespmem:s31], [sflag:$0x2] =	stream.linear.gather [hbm4b:s1+s4], $0x100, $0x38;
	[tilespmem:$0x1E200] =	vst v63  }
0x57: {  	_ =	swait.ge [sflag:s30], $0x100  }
0x58: {  	s0 =	sshll.u32 s0, $0x1;
	[sflag:s30] =	ssyncset.done $0x0;
	s22 =	rddreg [dreg:$0x7]  }
0x59: {  	s23 =	simm.s32 $0x200;
	[sflag:s30] =	ssyncadd.s32 $0xFFFFFF00;
	s0 =	sadd.s32 s22, s0  }
0x5a: {  	[tilespmem:s23], [sflag:$0x2] =	stream.linear.gather [hbm4b:s0+s4], $0x1000, $0x38;
	[tilespmem:$0x1E200] =	vst v63  }
0x5b: {  	_ =	swait.ge [sflag:s30], $0x1000  }
0x5c: {  	[sflag:s30] =	ssyncset.done $0x0  }
0x5d: {  	[sflag:s30] =	ssyncadd.s32 $0xFFFFF000  }
0x5e: {  	[tilespmem:s29], [sflag:$0x1] =	stream.indirect.gather [hbm4b:s7+s31], $0x40, s4, s31, $0xb8;
	[tilespmem:$0x1E200] =	vst v63  }
0x5f: {  	_ =	swait.ge [sflag:s5], $0x4000  }
0x60: {  	[sflag:s5] =	ssyncset.done $0x0  }
0x61: {  	s24 =	simm.s32 $0x220;
	[sflag:s5] =	ssyncadd.s32 $0xFFFFC000  }
0x62: {  	v1 =	vld [tilespmem:s24+$0x10];
	_ =	sdelay $0x2  }
0x63: {  	v2 =	vld [tilespmem:s24+$0xFFFFFFF0];
	_ =	sdelay $0x1  }
0x64: {  	v3 =	vld [tilespmem:s24+$0xFFFFFFE0];
	(v2sf) =	vpush v1, $0x0;
	_ =	sdelay $0x1  }
0x65: {  	v4 =	vld [tilespmem:s24+$0x0];
	(v2sf) =	vpush v1, $0x2  }
0x66: {  	(v2sf) =	vpush v2, $0x0  }
0x67: {  	(v2sf) =	vpush v2, $0x2  }
0x68: {  	(v2sf) =	vpush v3, $0x0  }
0x69: {  	(v2sf) =	vpush v3, $0x2  }
0x6a: {  	(v2sf) =	vpush v4, $0x0  }
0x6b: {  	(v2sf) =	vpush v4, $0x2  }
0x6c: {  	(v2sf) =	vpush v3, $0x1  }
0x6d: {  	(v2sf) =	vpush v3, $0x3  }
0x6e: {  	s25 =	simm.s32 $0x260;
	(v2sf) =	vpush v2, $0x1  }
0x6f: {  	(v2sf) =	vpush v2, $0x3;
	v2 =	vld [tilespmem:s25+$0x10]  }
0x70: {  	(v2sf) =	vpush v4, $0x1  }
0x71: {  	(v2sf) =	vpush v4, $0x3  }
0x72: {  	s1 =	spop (v2sf);
	(v2sf) =	vpush v1, $0x1  }
0x73: {  	s21 =	simm.s32 $0x1280;
	v4 =	vld [tilespmem:s25+$0xFFFFFFF0];
	(v2sf) =	vpush v1, $0x3  }
0x74: {  	v3 =	vld [tilespmem:s21+$0x40];
	s6 =	spop (v2sf);
	(v2sf) =	vpush v2, $0x0  }
0x75: {  	v5 =	vld [tilespmem:s25+$0xFFFFFFE0];
	s6 =	smov.u32 @p0 s1;
	s1 =	spop (v2sf);
	(v2sf) =	vpush v2, $0x2  }
0x76: {  	s12 =	spop (v2sf)  }
0x77: {  	v6 =	vld [tilespmem:s25+$0x0];
	s0 =	spop (v2sf)  }
0x78: {  	v7 =	vld [tilespmem:s21+$0xFFFFFFC0];
	(v2sf) =	vpush v4, $0x0;
	s11 =	spop (v2sf)  }
0x79: {  	v3 =	vmul.f32 s6, v3;
	(v2sf) =	vpush v4, $0x2;
	s9 =	spop (v2sf)  }
0x7a: {  	s20 =	simm.s32 $0x5280;
	v1 =	vld [tilespmem:s21+$0xFFFFFF80];
	(v2sf) =	vpush v5, $0x0;
	s13 =	spop (v2sf)  }
0x7b: {  	v8 =	vld [tilespmem:s21+$0x0];
	[tilespmem:s20+$0x40] =	vst v3;
	(v2sf) =	vpush v5, $0x2;
	s2 =	spop (v2sf)  }
0x7c: {  	s12 =	smov.u32 @p0 s1;
	v3 =	vld [tilespmem:s21+$0x50];
	(v2sf) =	vpush v6, $0x0;
	s24 =	spop (v2sf)  }
0x7d: {  	s28 =	simm.s32 $0x2A0;
	v7 =	vmul.f32 s12, v7;
	(v2sf) =	vpush v6, $0x2;
	s3 =	spop (v2sf)  }
0x7e: {  	v9 =	vld [tilespmem:s28+$0xFFFFFFF0];
	s11 =	smov.u32 @p0 s0;
	(v2sf) =	vpush v5, $0x1;
	s18 =	spop (v2sf)  }
0x7f: {  	v10 =	vld [tilespmem:s28+$0x0];
	v1 =	vmul.f32 s11, v1;
	[tilespmem:s20+$0xFFFFFFC0] =	vst v7;
	s13 =	smov.u32 @p0 s9;
	(v2sf) =	vpush v5, $0x3;
	s0 =	spop (v2sf)  }
0x80: {  	s23 =	simm.s32 $0x1380;
	v7 =	vmul.f32 s13, v8;
	v8 =	vld [tilespmem:s21+$0xFFFFFFD0];
	(v2sf) =	vpush v4, $0x1;
	s22 =	spop (v2sf)  }
0x81: {  	[tilespmem:s20+$0xFFFFFF80] =	vst v1;
	v1 =	vmul.f32 s6, v3;
	(v2sf) =	vpush v4, $0x3;
	v4 =	vld [tilespmem:s23+$0x40];
	s6 =	spop (v2sf)  }
0x82: {  	v3 =	vld [tilespmem:s21+$0xFFFFFF90];
	[tilespmem:s20+$0x0] =	vst v7;
	(v2sf) =	vpush v6, $0x1;
	s9 =	spop (v2sf)  }
0x83: {  	[tilespmem:s20+$0x50] =	vst v1;
	v1 =	vld [tilespmem:s28+$0x10];
	(v2sf) =	vpush v6, $0x3;
	s14 =	spop (v2sf)  }
0x84: {  	v7 =	vld [tilespmem:s21+$0x10];
	(v2sf) =	vpush v2, $0x1;
	s16 =	spop (v2sf)  }
0x85: {  	v5 =	vld [tilespmem:s21+$0x60];
	(v2sf) =	vpush v2, $0x3;
	s16 =	smov.u32 @p0 s14  }
0x86: {  	v6 =	vld [tilespmem:s23+$0xFFFFFF80];
	v2 =	vmul.f32 s16, v4  }
0x87: {  	s1 =	simm.s32 $0x5380;
	s14 =	spop (v2sf);
	v4 =	vld [tilespmem:s28+$0xFFFFFFE0]  }
0x88: {  	v11 =	vld [tilespmem:s23+$0xFFFFFFC0];
	v3 =	vmul.f32 s11, v3;
	(v2sf) =	vpush v1, $0x0;
	s11 =	spop (v2sf);
	[tilespmem:s1+$0x40] =	vst v2  }
0x89: {  	s9 =	smov.u32 @p0 s6;
	(v2sf) =	vpush v1, $0x2;
	s6 =	spop (v2sf);
	v2 =	vmul.f32 s12, v8;
	v8 =	vld [tilespmem:s23+$0x50]  }
0x8a: {  	[tilespmem:s20+$0xFFFFFF90] =	vst v3;
	v3 =	vmul.f32 s9, v5;
	v5 =	vld [tilespmem:s23+$0x0];
	(v2sf) =	vpush v9, $0x0;
	s17 =	spop (v2sf)  }
0x8b: {  	(v2sf) =	vpush v9, $0x2;
	s17 =	smov.u32 @p0 s6;
	s6 =	spop (v2sf);
	[tilespmem:s20+$0xFFFFFFD0] =	vst v2;
	v2 =	vmul.f32 s13, v7;
	v7 =	vld [tilespmem:s21+$0xFFFFFFA0]  }
0x8c: {  	[tilespmem:s20+$0x60] =	vst v3;
	s11 =	smov.u32 @p0 s14;
	v3 =	vmul.f32 s17, v6;
	s14 =	spop (v2sf);
	v6 =	vld [tilespmem:s21+$0xFFFFFFE0];
	(v2sf) =	vpush v4, $0x0  }
0x8d: {  	v11 =	vmul.f32 s11, v11;
	s25 =	spop (v2sf);
	[tilespmem:s20+$0x10] =	vst v2;
	v2 =	vld [tilespmem:s21+$0x70];
	(v2sf) =	vpush v4, $0x2  }
0x8e: {  	s14 =	smov.u32 @p0 s6;
	s12 =	spop (v2sf);
	[tilespmem:s1+$0xFFFFFF80] =	vst v3;
	v12 =	vld [tilespmem:s21+$0x20];
	(v2sf) =	vpush v10, $0x0;
	v3 =	vmul.f32 s16, v8  }
0x8f: {  	s24 =	smov.u32 @p0 s2;
	[tilespmem:s1+$0xFFFFFFC0] =	vst v11;
	v5 =	vmul.f32 s14, v5;
	s2 =	spop (v2sf);
	v8 =	vld [tilespmem:s23+$0xFFFFFF90];
	(v2sf) =	vpush v10, $0x2  }
0x90: {  	s18 =	smov.u32 @p0 s3;
	v11 =	vld [tilespmem:s23+$0xFFFFFFD0];
	s13 =	spop (v2sf);
	v7 =	vmul.f32 s24, v7;
	(v2sf) =	vpush v4, $0x1;
	[tilespmem:s1+$0x50] =	vst v3  }
0x91: {  	[tilespmem:s1+$0x0] =	vst v5;
	s6 =	spop (v2sf);
	v5 =	vmul.f32 s18, v6;
	(v2sf) =	vpush v4, $0x3;
	v13 =	vld [tilespmem:s23+$0x60]  }
0x92: {  	s22 =	smov.u32 @p0 s0;
	v3 =	vld [tilespmem:s23+$0x10];
	v2 =	vmul.f32 s9, v2;
	s3 =	spop (v2sf);
	[tilespmem:s20+$0xFFFFFFA0] =	vst v7;
	(v2sf) =	vpush v9, $0x1  }
0x93: {  	v6 =	vmul.f32 s22, v12;
	s0 =	spop (v2sf);
	v4 =	vld [tilespmem:s21+$0xFFFFFFB0];
	[tilespmem:s20+$0xFFFFFFE0] =	vst v5;
	(v2sf) =	vpush v9, $0x3  }
0x94: {  	s12 =	smov.u32 @p0 s25;
	s9 =	simm.s32 $0x1480;
	[tilespmem:s20+$0x70] =	vst v2;
	v5 =	vmul.f32 s17, v8;
	s25 =	spop (v2sf);
	v2 =	vld [tilespmem:s21+$0xFFFFFFF0];
	(v2sf) =	vpush v10, $0x1  }
0x95: {  	s16 =	simm.s32 $0x2E0;
	s13 =	smov.u32 @p0 s2;
	v8 =	vmul.f32 s11, v11;
	s25 =	smov.u32 @p0 s0;
	[tilespmem:s20+$0x20] =	vst v6;
	v6 =	vld [tilespmem:s9+$0x40];
	(v2sf) =	vpush v10, $0x3  }
0x96: {  	s3 =	smov.u32 @p0 s6;
	s11 =	simm.s32 $0x5380;
	s0 =	simm.s32 $0x8;
	[tilespmem:s1+$0xFFFFFF90] =	vst v5;
	v5 =	vld [tilespmem:s9+$0xFFFFFF80];
	v7 =	vmul.f32 s25, v13  }
.LBB2_5:
0x97: {  	v9 =	vld [tilespmem:s16+$0x10];
	s2 =	spop (v2sf);
	[tilespmem:s1+$0xFFFFFFD0] =	vst v8;
	v3 =	vmul.f32 s14, v3  }
0x98: {  	s0 =	sadd.s32 $0x4, s0;
	v8 =	vld [tilespmem:s16+$0xFFFFFFF0];
	s6 =	spop (v2sf);
	(v2sf) =	vpush v1, $0x1;
	[tilespmem:s1+$0x60] =	vst v7;
	v4 =	vmul.f32 s24, v4;
	s24 =	smov.u32 s12  }
0x99: {  	p1 =	slt.u32 s0, $0xFC;
	s6 =	smov.u32 @p0 s2;
	s2 =	spop (v2sf);
	(v2sf) =	vpush v1, $0x3;
	[tilespmem:s1+$0x10] =	vst v3;
	v3 =	vld [tilespmem:s23+$0x70];
	v10 =	vmul.f32 s18, v2  }
0x9a: {  	s18 =	smov.u32 s13;
	v7 =	vld [tilespmem:s16+$0x0];
	v2 =	vmul.f32 s6, v6;
	s17 =	spop (v2sf);
	[tilespmem:s20+$0xFFFFFFB0] =	vst v4  }
0x9b: {  	s1 =	sadd.s32 $0x100, s1;
	v4 =	vld [tilespmem:s16+$0xFFFFFFE0];
	s17 =	smov.u32 @p0 s2;
	s12 =	spop (v2sf);
	[tilespmem:s20+$0xFFFFFFF0] =	vst v10  }
0x9c: {  	(v2sf) =	vpush v9, $0x0;
	v6 =	vld [tilespmem:s9+$0xFFFFFFC0];
	[tilespmem:s1+$0x40] =	vst v2;
	s2 =	spop (v2sf);
	v1 =	vmov v9  }
0x9d: {  	(v2sf) =	vpush v1, $0x2;
	s2 =	smov.u32 @p0 s12;
	v2 =	vld [tilespmem:s9+$0x50];
	s12 =	spop (v2sf)  }
0x9e: {  	(v2sf) =	vpush v8, $0x0;
	v5 =	vmul.f32 s2, v5;
	v9 =	vld [tilespmem:s9+$0x0];
	s14 =	spop (v2sf);
	v3 =	vmul.f32 s25, v3  }
0x9f: {  	(v2sf) =	vpush v8, $0x2;
	s14 =	smov.u32 @p0 s12;
	s13 =	spop (v2sf);
	v10 =	vld [tilespmem:s23+$0xFFFFFFA0]  }
0xa0: {  	(v2sf) =	vpush v4, $0x0;
	s12 =	spop (v2sf);
	v11 =	vld [tilespmem:s23+$0xFFFFFFE0];
	[tilespmem:s11+$0x70] =	vst v3  }
0xa1: {  	(v2sf) =	vpush v4, $0x2;
	s12 =	smov.u32 @p0 s13;
	[tilespmem:s1+$0xFFFFFF80] =	vst v5;
	v3 =	vmul.f32 s17, v6;
	s25 =	spop (v2sf);
	v5 =	vld [tilespmem:s23+$0x20]  }
0xa2: {  	(v2sf) =	vpush v7, $0x0;
	v6 =	vld [tilespmem:s9+$0xFFFFFF90];
	v2 =	vmul.f32 s6, v2;
	s13 =	spop (v2sf)  }
0xa3: {  	(v2sf) =	vpush v7, $0x2;
	s13 =	smov.u32 @p0 s25;
	[tilespmem:s1+$0xFFFFFFC0] =	vst v3;
	v3 =	vmul.f32 s14, v9;
	s6 =	spop (v2sf);
	v9 =	vld [tilespmem:s21+$0x30];
	s21 =	smov.u32 s23  }
0xa4: {  	s23 =	smov.u32 s9;
	(v2sf) =	vpush v4, $0x1;
	v12 =	vld [tilespmem:s9+$0xFFFFFFD0];
	[tilespmem:s1+$0x50] =	vst v2;
	s28 =	spop (v2sf);
	v2 =	vmul.f32 s24, v10  }
0xa5: {  	(v2sf) =	vpush v4, $0x3;
	s28 =	smov.u32 @p0 s6;
	[tilespmem:s1+$0x0] =	vst v3;
	v10 =	vld [tilespmem:s9+$0x60];
	v11 =	vmul.f32 s18, v11  }
.Ltmp1:
0xa6: {  	(v2sf) =	vpush v8, $0x1;
	v3 =	vld [tilespmem:s9+$0x10];
	[tilespmem:s11+$0xFFFFFFA0] =	vst v2;
	v5 =	vmul.f32 s3, v5;
	(pc) =	sbr.rel @p1 .LBB2_5-.Ltmp1, $4  }
0xa7: {  	(v2sf) =	vpush v8, $0x3;
	v8 =	vmul.f32 s2, v6;
	s2 =	spop (v2sf);
	v4 =	vld [tilespmem:s21+$0xFFFFFFB0];
	[tilespmem:s11+$0xFFFFFFE0] =	vst v11  }
0xa8: {  	s9 =	sadd.s32 $0x100, s9;
	(v2sf) =	vpush v7, $0x1;
	s25 =	spop (v2sf);
	v2 =	vld [tilespmem:s21+$0xFFFFFFF0];
	[tilespmem:s11+$0x20] =	vst v5;
	v9 =	vmul.f32 s22, v9;
	s22 =	smov.u32 s3  }
0xa9: {  	s3 =	smov.u32 s28;
	v6 =	vld [tilespmem:s9+$0x40];
	(v2sf) =	vpush v7, $0x3;
	[tilespmem:s1+$0xFFFFFF90] =	vst v8;
	v8 =	vmul.f32 s17, v12;
	s25 =	smov.u32 @p0 s2  }
0xaa: {  	s16 =	sadd.s32 $0x40, s16;
	v5 =	vld [tilespmem:s9+$0xFFFFFF80];
	v7 =	vmul.f32 s25, v10;
	[tilespmem:s20+$0x30] =	vst v9;
	s20 =	smov.u32 s11;
	s11 =	smov.u32 s1  }
0xab: {  	s0 =	spop (v2sf)  }
0xac: {  	s2 =	spop (v2sf)  }
0xad: {  	s6 =	spop (v2sf)  }
0xae: {  	(v2sf) =	vpush v1, $0x1;
	v9 =	vld [tilespmem:s9+$0xFFFFFFC0];
	s16 =	spop (v2sf)  }
0xaf: {  	(v2sf) =	vpush v1, $0x3;
	v1 =	vld [tilespmem:s9+$0x0];
	s2 =	smov.u32 @p0 s0;
	s17 =	spop (v2sf)  }
0xb0: {  	v6 =	vmul.f32 s2, v6;
	s28 =	spop (v2sf)  }
0xb1: {  	s8 =	sadd.s32 $0x100, s1;
	s28 =	smov.u32 @p0 s17;
	s17 =	spop (v2sf)  }
0xb2: {  	s16 =	smov.u32 @p0 s6;
	[tilespmem:s8+$0x40] =	vst v6;
	v5 =	vmul.f32 s28, v5;
	s6 =	spop (v2sf)  }
0xb3: {  	[tilespmem:s1+$0xFFFFFFD0] =	vst v8;
	v50 =	vmul.f32 s16, v9;
	v6 =	vld [tilespmem:s9+$0x50];
	s6 =	smov.u32 @p0 s17  }
0xb4: {  	[tilespmem:s8+$0xFFFFFF80] =	vst v5;
	v1 =	vmul.f32 s6, v1  }
0xb5: {  	[tilespmem:s8+$0xFFFFFFC0] =	vst v50;
	v5 =	vld [tilespmem:s9+$0xFFFFFF90]  }
0xb6: {  	v3 =	vmul.f32 s14, v3;
	v8 =	vld [tilespmem:s9+$0xFFFFFFD0];
	[tilespmem:s8+$0x0] =	vst v1  }
0xb7: {  	[tilespmem:s1+$0x60] =	vst v7;
	s14 =	spop (v2sf);
	v1 =	vmul.f32 s24, v4;
	v51 =	vld [tilespmem:s9+$0x10]  }
0xb8: {  	[tilespmem:s1+$0x10] =	vst v3;
	v3 =	vld [tilespmem:s23+$0x70];
	s1 =	spop (v2sf);
	v6 =	vmul.f32 s2, v6  }
0xb9: {  	v2 =	vmul.f32 s18, v2;
	s2 =	spop (v2sf);
	[tilespmem:s20+$0xFFFFFFB0] =	vst v1;
	v1 =	vld [tilespmem:s23+$0xFFFFFFA0]  }
0xba: {  	v52 =	vld [tilespmem:s23+$0xFFFFFFE0];
	s17 =	spop (v2sf);
	[tilespmem:s8+$0x50] =	vst v6;
	v5 =	vmul.f32 s28, v5  }
0xbb: {  	[tilespmem:s20+$0xFFFFFFF0] =	vst v2;
	s18 =	spop (v2sf);
	v53 =	vmul.f32 s16, v8;
	v2 =	vld [tilespmem:s9+$0x60]  }
0xbc: {  	v54 =	vld [tilespmem:s23+$0x20];
	s16 =	spop (v2sf);
	[tilespmem:s8+$0xFFFFFF90] =	vst v5;
	v4 =	vmul.f32 s6, v51  }
0xbd: {  	v3 =	vmul.f32 s25, v3;
	[tilespmem:s8+$0xFFFFFFD0] =	vst v53;
	s6 =	spop (v2sf);
	v5 =	vld [tilespmem:s9+$0xFFFFFFA0]  }
0xbe: {  	v55 =	vld [tilespmem:s9+$0xFFFFFFE0];
	v1 =	vmul.f32 s12, v1;
	s24 =	spop (v2sf);
	[tilespmem:s8+$0x10] =	vst v4  }
0xbf: {  	[tilespmem:s11+$0x70] =	vst v3;
	v3 =	vmul.f32 s13, v52;
	s24 =	smov.u32 @p0 s6;
	v56 =	vld [tilespmem:s9+$0x20]  }
0xc0: {  	v57 =	vld [tilespmem:s21+$0x30];
	[tilespmem:s11+$0xFFFFFFA0] =	vst v1;
	v1 =	vmul.f32 s24, v2  }
0xc1: {  	s1 =	smov.u32 @p0 s14;
	[tilespmem:s11+$0xFFFFFFE0] =	vst v3;
	v2 =	vmul.f32 s3, v54;
	v58 =	vld [tilespmem:s23+$0xFFFFFFB0]  }
0xc2: {  	v3 =	vld [tilespmem:s23+$0xFFFFFFF0];
	s17 =	smov.u32 @p0 s2;
	[tilespmem:s8+$0x60] =	vst v1;
	v1 =	vmul.f32 s1, v5  }
0xc3: {  	s16 =	smov.u32 @p0 s18;
	v4 =	vmul.f32 s17, v55;
	[tilespmem:s11+$0x20] =	vst v2;
	v2 =	vld [tilespmem:s9+$0x70]  }
0xc4: {  	v59 =	vld [tilespmem:s23+$0x30];
	[tilespmem:s8+$0xFFFFFFA0] =	vst v1;
	v1 =	vmul.f32 s16, v56  }
0xc5: {  	v60 =	vmul.f32 s22, v57;
	[tilespmem:s8+$0xFFFFFFE0] =	vst v4;
	v61 =	vld [tilespmem:s9+$0xFFFFFFB0]  }
0xc6: {  	v63 =	vld [tilespmem:s9+$0xFFFFFFF0];
	v62 =	vmul.f32 s12, v58;
	[tilespmem:s8+$0x20] =	vst v1  }
0xc7: {  	[tilespmem:s20+$0x30] =	vst v60;
	v1 =	vmul.f32 s13, v3;
	v3 =	vld [tilespmem:s9+$0x30]  }
0xc8: {  	[tilespmem:s11+$0xFFFFFFB0] =	vst v62;
	v2 =	vmul.f32 s24, v2  }
0xc9: {  	[tilespmem:s11+$0xFFFFFFF0] =	vst v1;
	v1 =	vmul.f32 s3, v59  }
0xca: {  	[tilespmem:s8+$0x70] =	vst v2;
	v2 =	vmul.f32 s1, v61  }
0xcb: {  	[tilespmem:s11+$0x30] =	vst v1;
	v1 =	vmul.f32 s17, v63  }
0xcc: {  	s19 =	sadd.s32 $0x1, s19;
	[tilespmem:s8+$0xFFFFFFB0] =	vst v2;
	v2 =	vmul.f32 s16, v3  }
0xcd: {  	p1 =	sne.s32 s19, $0x28;
	[tilespmem:s8+$0xFFFFFFF0] =	vst v1  }
.Ltmp2:
0xce: {  	s28 =	rddreg [dreg:$0x2];
	[tilespmem:s8+$0x30] =	vst v2;
	(pc) =	sbr.rel @p1 .LBB2_4-.Ltmp2, $4  }
0xcf: {  	[spmem:s28] =	stream.indirect.scatter.add.f32 [tilespmem:s15], [sflag:$0x2], $0x40, s31, s31, $0xb8;
	[tilespmem:$0x1E200] =	vst v63  }
0xd0: {  	_ =	swait.ge [sflag:s30], $0x4000  }
0xd1: {  	[sflag:s30] =	ssyncset.done $0x0  }
0xd2: {  	[sflag:s30] =	ssyncadd.s32 $0xFFFFC000  }
0xd3: {  	[bflag:$0x0] =	sbarrier.arrive $0xFFFF;
	s19 =	simm.s32 $0x0;
	s20 =	simm.s32 $0x0  }
.LBB2_8:
0xd4: {  	s0 =	sshll.u32 s20, $0x7  }
0xd5: {  	s0 =	sadd.s32 s10, s0  }
0xd6: {  	s1 =	sshll.u32 s0, $0x6  }
0xd7: {  	s2 =	rddreg [dreg:$0x2];
	s1 =	sand.u32 $0x3FFFFFC0, s1  }
0xd8: {  	s21 =	sadd.s32 s1, s2  }
0xd9: {  	[tilespmem:s29], [sflag:$0x2] =	stream.linear.gather [spmem:s21], $0x2000, $0x38;
	[tilespmem:$0x1E200] =	vst v63  }
0xda: {  	_ =	swait.ge [sflag:s30], $0x2000  }
0xdb: {  	s0 =	sshll.u32 s0, $0x1;
	[sflag:s30] =	ssyncset.done $0x0;
	s23 =	rddreg [dreg:$0x8]  }
0xdc: {  	s24 =	simm.s32 $0x9200;
	[sflag:s30] =	ssyncadd.s32 $0xFFFFE000;
	s1 =	sadd.s32 s23, s0  }
0xdd: {  	[tilespmem:s24], [sflag:$0x2] =	stream.linear.gather [hbm4b:s1+s19], $0x800, $0x38;
	[tilespmem:$0x1E200] =	vst v63  }
0xde: {  	_ =	swait.ge [sflag:s30], $0x800  }
0xdf: {  	[sflag:s30] =	ssyncset.done $0x0;
	s25 =	rddreg [dreg:$0xb]  }
0xe0: {  	s28 =	simm.s32 $0x9A00;
	[sflag:s30] =	ssyncadd.s32 $0xFFFFF800;
	s0 =	sadd.s32 s0, s25  }
0xe1: {  	[tilespmem:s28], [sflag:$0x2] =	stream.linear.gather [hbm4b:s0+s19], $0x800, $0x38;
	[tilespmem:$0x1E200] =	vst v63  }
0xe2: {  	_ =	swait.ge [sflag:s30], $0x800  }
0xe3: {  	[sflag:s30] =	ssyncset.done $0x0  }
0xe4: {  	s0 =	simm.s32 $0x0;
	[sflag:s30] =	ssyncadd.s32 $0xFFFFF800  }
0xe5: {  	s1 =	simm.s32 $0x40;
	v1 =	vld [tilespmem:s0+$0x9A00]  }
.LBB2_9:
0xe6: {  	p1 =	sne.s32 s1, $0x1FC0;
	v2 =	vld [tilespmem:s0+$0x9200];
	_ =	sdelay $0x4  }
0xe7: {  	v1 =	vadd.f32 v1, v2;
	_ =	sdelay $0x1  }
0xe8: {  	(erf) = vrcp.f32 v1;
	_ =	sdelay $0x6  }
.Ltmp3:
0xe9: {  	(pc) =	sbr.rel @p1 .LBB2_9-.Ltmp3, $4  }
0xea: {  	_ = 	snop  }
0xeb: {  	vm0 =	vgt.f32 v1, $0.0e+00;
	v1 =	vpop (erf)  }
0xec: {  	s2 =	sshra.s32 s1, $0x2;
	v2 =	vnsel vm0, $0x0, v1  }
0xed: {  	s1 =	sadd.s32 $0x40, s1;
	v1 =	vld [tilespmem:s2+$0x9A00];
	[tilespmem:s0+$0x9200] =	vst v2;
	s0 =	smov.u32 s2  }
0xee: {  	v2 =	vld [tilespmem:s0+$0x9200];
	_ =	sdelay $0x4  }
0xef: {  	v1 =	vadd.f32 v1, v2;
	_ =	sdelay $0x1  }
0xf0: {  	(erf) = vrcp.f32 v1;
	_ =	sdelay $0x8  }
0xf1: {  	vm0 =	vgt.f32 v1, $0.0e+00;
	v1 =	vpop (erf)  }
0xf2: {  	v1 =	vnsel vm0, $0x0, v1  }
0xf3: {  	s6 =	simm.s32 $0x9220;
	[tilespmem:s0+$0x9200] =	vst v1  }
0xf4: {  	v1 =	vld [tilespmem:s6+$0x10];
	_ =	sdelay $0x2  }
0xf5: {  	v2 =	vld [tilespmem:s6+$0xFFFFFFF0];
	_ =	sdelay $0x1  }
0xf6: {  	v3 =	vld [tilespmem:s6+$0xFFFFFFE0];
	(v2sf) =	vpush v1, $0x0;
	_ =	sdelay $0x1  }
0xf7: {  	v4 =	vld [tilespmem:s6+$0x0];
	(v2sf) =	vpush v1, $0x2  }
0xf8: {  	(v2sf) =	vpush v2, $0x0  }
0xf9: {  	(v2sf) =	vpush v2, $0x2  }
0xfa: {  	(v2sf) =	vpush v3, $0x0  }
0xfb: {  	(v2sf) =	vpush v3, $0x2  }
0xfc: {  	(v2sf) =	vpush v4, $0x0  }
0xfd: {  	(v2sf) =	vpush v4, $0x2  }
0xfe: {  	(v2sf) =	vpush v3, $0x1  }
0xff: {  	(v2sf) =	vpush v3, $0x3  }
0x100: {  	s7 =	simm.s32 $0x9260;
	(v2sf) =	vpush v2, $0x1  }
0x101: {  	(v2sf) =	vpush v2, $0x3;
	v2 =	vld [tilespmem:s7+$0x10]  }
0x102: {  	(v2sf) =	vpush v4, $0x1  }
0x103: {  	(v2sf) =	vpush v4, $0x3  }
0x104: {  	s1 =	spop (v2sf);
	(v2sf) =	vpush v1, $0x1  }
0x105: {  	s23 =	simm.s32 $0x1280;
	v4 =	vld [tilespmem:s7+$0xFFFFFFF0];
	(v2sf) =	vpush v1, $0x3  }
0x106: {  	v3 =	vld [tilespmem:s23+$0x40];
	s3 =	spop (v2sf);
	(v2sf) =	vpush v2, $0x0  }
0x107: {  	v5 =	vld [tilespmem:s7+$0xFFFFFFE0];
	s3 =	smov.u32 @p0 s1;
	s1 =	spop (v2sf);
	(v2sf) =	vpush v2, $0x2  }
0x108: {  	s13 =	spop (v2sf)  }
0x109: {  	v6 =	vld [tilespmem:s7+$0x0];
	s0 =	spop (v2sf)  }
0x10a: {  	v7 =	vld [tilespmem:s23+$0xFFFFFFC0];
	(v2sf) =	vpush v4, $0x0;
	s6 =	spop (v2sf)  }
0x10b: {  	v3 =	vmul.f32 s3, v3;
	(v2sf) =	vpush v4, $0x2;
	s11 =	spop (v2sf)  }
0x10c: {  	s22 =	simm.s32 $0x5280;
	v1 =	vld [tilespmem:s23+$0xFFFFFF80];
	(v2sf) =	vpush v5, $0x0;
	s14 =	spop (v2sf)  }
0x10d: {  	v8 =	vld [tilespmem:s23+$0x0];
	[tilespmem:s22+$0x40] =	vst v3;
	(v2sf) =	vpush v5, $0x2;
	s2 =	spop (v2sf)  }
0x10e: {  	s13 =	smov.u32 @p0 s1;
	v3 =	vld [tilespmem:s23+$0x50];
	(v2sf) =	vpush v6, $0x0;
	s18 =	spop (v2sf)  }
0x10f: {  	s8 =	simm.s32 $0x92A0;
	v7 =	vmul.f32 s13, v7;
	(v2sf) =	vpush v6, $0x2;
	s9 =	spop (v2sf)  }
0x110: {  	v9 =	vld [tilespmem:s8+$0xFFFFFFF0];
	s6 =	smov.u32 @p0 s0;
	(v2sf) =	vpush v5, $0x1;
	s1 =	spop (v2sf)  }
0x111: {  	v10 =	vld [tilespmem:s8+$0x0];
	v1 =	vmul.f32 s6, v1;
	[tilespmem:s22+$0xFFFFFFC0] =	vst v7;
	s14 =	smov.u32 @p0 s11;
	(v2sf) =	vpush v5, $0x3;
	s0 =	spop (v2sf)  }
0x112: {  	s25 =	simm.s32 $0x1380;
	v7 =	vmul.f32 s14, v8;
	v8 =	vld [tilespmem:s23+$0xFFFFFFD0];
	(v2sf) =	vpush v4, $0x1;
	s24 =	spop (v2sf)  }
0x113: {  	[tilespmem:s22+$0xFFFFFF80] =	vst v1;
	v1 =	vmul.f32 s3, v3;
	(v2sf) =	vpush v4, $0x3;
	v4 =	vld [tilespmem:s25+$0x40];
	s16 =	spop (v2sf)  }
0x114: {  	v3 =	vld [tilespmem:s23+$0xFFFFFF90];
	[tilespmem:s22+$0x0] =	vst v7;
	(v2sf) =	vpush v6, $0x1;
	s11 =	spop (v2sf)  }
0x115: {  	[tilespmem:s22+$0x50] =	vst v1;
	v1 =	vld [tilespmem:s8+$0x10];
	(v2sf) =	vpush v6, $0x3;
	s12 =	spop (v2sf)  }
0x116: {  	v7 =	vld [tilespmem:s23+$0x10];
	(v2sf) =	vpush v2, $0x1;
	s17 =	spop (v2sf)  }
0x117: {  	v5 =	vld [tilespmem:s23+$0x60];
	(v2sf) =	vpush v2, $0x3;
	s17 =	smov.u32 @p0 s12  }
0x118: {  	v6 =	vld [tilespmem:s25+$0xFFFFFF80];
	v2 =	vmul.f32 s17, v4  }
0x119: {  	s3 =	simm.s32 $0x5380;
	s28 =	spop (v2sf);
	v4 =	vld [tilespmem:s8+$0xFFFFFFE0]  }
0x11a: {  	v11 =	vld [tilespmem:s25+$0xFFFFFFC0];
	v3 =	vmul.f32 s6, v3;
	(v2sf) =	vpush v1, $0x0;
	s12 =	spop (v2sf);
	[tilespmem:s3+$0x40] =	vst v2  }
0x11b: {  	s11 =	smov.u32 @p0 s16;
	(v2sf) =	vpush v1, $0x2;
	s6 =	spop (v2sf);
	v2 =	vmul.f32 s13, v8;
	v8 =	vld [tilespmem:s25+$0x50]  }
0x11c: {  	[tilespmem:s22+$0xFFFFFF90] =	vst v3;
	v3 =	vmul.f32 s11, v5;
	v5 =	vld [tilespmem:s25+$0x0];
	(v2sf) =	vpush v9, $0x0;
	s16 =	spop (v2sf)  }
0x11d: {  	(v2sf) =	vpush v9, $0x2;
	s16 =	smov.u32 @p0 s6;
	s6 =	spop (v2sf);
	[tilespmem:s22+$0xFFFFFFD0] =	vst v2;
	v2 =	vmul.f32 s14, v7;
	v7 =	vld [tilespmem:s23+$0xFFFFFFA0]  }
0x11e: {  	[tilespmem:s22+$0x60] =	vst v3;
	s12 =	smov.u32 @p0 s28;
	v3 =	vmul.f32 s16, v6;
	s28 =	spop (v2sf);
	v6 =	vld [tilespmem:s23+$0xFFFFFFE0];
	(v2sf) =	vpush v4, $0x0  }
0x11f: {  	v11 =	vmul.f32 s12, v11;
	s7 =	spop (v2sf);
	[tilespmem:s22+$0x10] =	vst v2;
	v2 =	vld [tilespmem:s23+$0x70];
	(v2sf) =	vpush v4, $0x2  }
0x120: {  	s28 =	smov.u32 @p0 s6;
	s13 =	spop (v2sf);
	[tilespmem:s3+$0xFFFFFF80] =	vst v3;
	v12 =	vld [tilespmem:s23+$0x20];
	(v2sf) =	vpush v10, $0x0;
	v3 =	vmul.f32 s17, v8  }
0x121: {  	s18 =	smov.u32 @p0 s2;
	[tilespmem:s3+$0xFFFFFFC0] =	vst v11;
	v5 =	vmul.f32 s28, v5;
	s2 =	spop (v2sf);
	v8 =	vld [tilespmem:s25+$0xFFFFFF90];
	(v2sf) =	vpush v10, $0x2  }
0x122: {  	s1 =	smov.u32 @p0 s9;
	v11 =	vld [tilespmem:s25+$0xFFFFFFD0];
	s14 =	spop (v2sf);
	v7 =	vmul.f32 s18, v7;
	(v2sf) =	vpush v4, $0x1;
	[tilespmem:s3+$0x50] =	vst v3  }
0x123: {  	[tilespmem:s3+$0x0] =	vst v5;
	s6 =	spop (v2sf);
	v5 =	vmul.f32 s1, v6;
	(v2sf) =	vpush v4, $0x3;
	v13 =	vld [tilespmem:s25+$0x60]  }
0x124: {  	s24 =	smov.u32 @p0 s0;
	v3 =	vld [tilespmem:s25+$0x10];
	v2 =	vmul.f32 s11, v2;
	s9 =	spop (v2sf);
	[tilespmem:s22+$0xFFFFFFA0] =	vst v7;
	(v2sf) =	vpush v9, $0x1  }
0x125: {  	v6 =	vmul.f32 s24, v12;
	s17 =	spop (v2sf);
	v4 =	vld [tilespmem:s23+$0xFFFFFFB0];
	[tilespmem:s22+$0xFFFFFFE0] =	vst v5;
	(v2sf) =	vpush v9, $0x3  }
0x126: {  	s13 =	smov.u32 @p0 s7;
	s11 =	simm.s32 $0x1480;
	[tilespmem:s22+$0x70] =	vst v2;
	v5 =	vmul.f32 s16, v8;
	s0 =	spop (v2sf);
	v2 =	vld [tilespmem:s23+$0xFFFFFFF0];
	(v2sf) =	vpush v10, $0x1  }
0x127: {  	s14 =	smov.u32 @p0 s2;
	s9 =	smov.u32 @p0 s6;
	v8 =	vmul.f32 s12, v11;
	s0 =	smov.u32 @p0 s17;
	[tilespmem:s22+$0x20] =	vst v6;
	v6 =	vld [tilespmem:s11+$0x40];
	(v2sf) =	vpush v10, $0x3  }
0x128: {  	s16 =	simm.s32 $0x8;
	s12 =	simm.s32 $0x5380;
	s17 =	simm.s32 $0x92E0;
	[tilespmem:s3+$0xFFFFFF90] =	vst v5;
	v5 =	vld [tilespmem:s11+$0xFFFFFF80];
	v7 =	vmul.f32 s0, v13  }
.LBB2_11:
0x129: {  	v9 =	vld [tilespmem:s17+$0x10];
	s2 =	spop (v2sf);
	[tilespmem:s3+$0xFFFFFFD0] =	vst v8;
	v3 =	vmul.f32 s28, v3  }
0x12a: {  	s16 =	sadd.s32 $0x4, s16;
	v8 =	vld [tilespmem:s17+$0xFFFFFFF0];
	s7 =	spop (v2sf);
	(v2sf) =	vpush v1, $0x1;
	[tilespmem:s3+$0x60] =	vst v7;
	v4 =	vmul.f32 s18, v4;
	s18 =	smov.u32 s13  }
0x12b: {  	p1 =	slt.u32 s16, $0x7C;
	s7 =	smov.u32 @p0 s2;
	s6 =	spop (v2sf);
	(v2sf) =	vpush v1, $0x3;
	[tilespmem:s3+$0x10] =	vst v3;
	v3 =	vld [tilespmem:s25+$0x70];
	v10 =	vmul.f32 s1, v2  }
0x12c: {  	s1 =	smov.u32 s14;
	v7 =	vld [tilespmem:s17+$0x0];
	v2 =	vmul.f32 s7, v6;
	s2 =	spop (v2sf);
	[tilespmem:s22+$0xFFFFFFB0] =	vst v4  }
0x12d: {  	s3 =	sadd.s32 $0x100, s3;
	v4 =	vld [tilespmem:s17+$0xFFFFFFE0];
	s2 =	smov.u32 @p0 s6;
	s13 =	spop (v2sf);
	[tilespmem:s22+$0xFFFFFFF0] =	vst v10  }
0x12e: {  	(v2sf) =	vpush v9, $0x0;
	v6 =	vld [tilespmem:s11+$0xFFFFFFC0];
	[tilespmem:s3+$0x40] =	vst v2;
	s6 =	spop (v2sf);
	v1 =	vmov v9  }
0x12f: {  	(v2sf) =	vpush v1, $0x2;
	s6 =	smov.u32 @p0 s13;
	v2 =	vld [tilespmem:s11+$0x50];
	s13 =	spop (v2sf)  }
0x130: {  	(v2sf) =	vpush v8, $0x0;
	v5 =	vmul.f32 s6, v5;
	v9 =	vld [tilespmem:s11+$0x0];
	s28 =	spop (v2sf);
	v3 =	vmul.f32 s0, v3  }
0x131: {  	(v2sf) =	vpush v8, $0x2;
	s28 =	smov.u32 @p0 s13;
	s0 =	spop (v2sf);
	v10 =	vld [tilespmem:s25+$0xFFFFFFA0]  }
0x132: {  	(v2sf) =	vpush v4, $0x0;
	s13 =	spop (v2sf);
	v11 =	vld [tilespmem:s25+$0xFFFFFFE0];
	[tilespmem:s12+$0x70] =	vst v3  }
0x133: {  	(v2sf) =	vpush v4, $0x2;
	s13 =	smov.u32 @p0 s0;
	[tilespmem:s3+$0xFFFFFF80] =	vst v5;
	v3 =	vmul.f32 s2, v6;
	s0 =	spop (v2sf);
	v5 =	vld [tilespmem:s25+$0x20]  }
0x134: {  	(v2sf) =	vpush v7, $0x0;
	v6 =	vld [tilespmem:s11+$0xFFFFFF90];
	v2 =	vmul.f32 s7, v2;
	s14 =	spop (v2sf)  }
0x135: {  	(v2sf) =	vpush v7, $0x2;
	s14 =	smov.u32 @p0 s0;
	[tilespmem:s3+$0xFFFFFFC0] =	vst v3;
	v3 =	vmul.f32 s28, v9;
	s0 =	spop (v2sf);
	v9 =	vld [tilespmem:s23+$0x30];
	s23 =	smov.u32 s25  }
0x136: {  	s25 =	smov.u32 s11;
	(v2sf) =	vpush v4, $0x1;
	v12 =	vld [tilespmem:s11+$0xFFFFFFD0];
	[tilespmem:s3+$0x50] =	vst v2;
	s7 =	spop (v2sf);
	v2 =	vmul.f32 s18, v10  }
0x137: {  	(v2sf) =	vpush v4, $0x3;
	s7 =	smov.u32 @p0 s0;
	[tilespmem:s3+$0x0] =	vst v3;
	v10 =	vld [tilespmem:s11+$0x60];
	v11 =	vmul.f32 s1, v11  }
.Ltmp4:
0x138: {  	(v2sf) =	vpush v8, $0x1;
	v3 =	vld [tilespmem:s11+$0x10];
	[tilespmem:s12+$0xFFFFFFA0] =	vst v2;
	v5 =	vmul.f32 s9, v5;
	(pc) =	sbr.rel @p1 .LBB2_11-.Ltmp4, $4  }
0x139: {  	(v2sf) =	vpush v8, $0x3;
	v8 =	vmul.f32 s6, v6;
	s6 =	spop (v2sf);
	v4 =	vld [tilespmem:s23+$0xFFFFFFB0];
	[tilespmem:s12+$0xFFFFFFE0] =	vst v11  }
0x13a: {  	s11 =	sadd.s32 $0x100, s11;
	(v2sf) =	vpush v7, $0x1;
	s0 =	spop (v2sf);
	v2 =	vld [tilespmem:s23+$0xFFFFFFF0];
	[tilespmem:s12+$0x20] =	vst v5;
	v9 =	vmul.f32 s24, v9;
	s24 =	smov.u32 s9  }
0x13b: {  	s9 =	smov.u32 s7;
	v6 =	vld [tilespmem:s11+$0x40];
	(v2sf) =	vpush v7, $0x3;
	[tilespmem:s3+$0xFFFFFF90] =	vst v8;
	v8 =	vmul.f32 s2, v12;
	s0 =	smov.u32 @p0 s6  }
0x13c: {  	s17 =	sadd.s32 $0x40, s17;
	v5 =	vld [tilespmem:s11+$0xFFFFFF80];
	v7 =	vmul.f32 s0, v10;
	[tilespmem:s22+$0x30] =	vst v9;
	s22 =	smov.u32 s12;
	s12 =	smov.u32 s3  }
0x13d: {  	s2 =	spop (v2sf)  }
0x13e: {  	s6 =	spop (v2sf)  }
0x13f: {  	s7 =	spop (v2sf)  }
0x140: {  	(v2sf) =	vpush v1, $0x1;
	v9 =	vld [tilespmem:s11+$0xFFFFFFC0];
	s16 =	spop (v2sf)  }
0x141: {  	(v2sf) =	vpush v1, $0x3;
	v1 =	vld [tilespmem:s11+$0x0];
	s6 =	smov.u32 @p0 s2;
	s17 =	spop (v2sf)  }
0x142: {  	v6 =	vmul.f32 s6, v6;
	s8 =	spop (v2sf)  }
0x143: {  	s2 =	sadd.s32 $0x100, s3;
	s8 =	smov.u32 @p0 s17;
	s17 =	spop (v2sf)  }
0x144: {  	s16 =	smov.u32 @p0 s7;
	[tilespmem:s2+$0x40] =	vst v6;
	v5 =	vmul.f32 s8, v5;
	s7 =	spop (v2sf)  }
0x145: {  	[tilespmem:s3+$0xFFFFFFD0] =	vst v8;
	v50 =	vmul.f32 s16, v9;
	v6 =	vld [tilespmem:s11+$0x50];
	s7 =	smov.u32 @p0 s17  }
0x146: {  	[tilespmem:s2+$0xFFFFFF80] =	vst v5;
	v1 =	vmul.f32 s7, v1  }
0x147: {  	[tilespmem:s2+$0xFFFFFFC0] =	vst v50;
	v5 =	vld [tilespmem:s11+$0xFFFFFF90]  }
0x148: {  	v3 =	vmul.f32 s28, v3;
	v8 =	vld [tilespmem:s11+$0xFFFFFFD0];
	[tilespmem:s2+$0x0] =	vst v1  }
0x149: {  	[tilespmem:s3+$0x60] =	vst v7;
	s17 =	spop (v2sf);
	v1 =	vmul.f32 s18, v4;
	v51 =	vld [tilespmem:s11+$0x10]  }
0x14a: {  	[tilespmem:s3+$0x10] =	vst v3;
	v3 =	vld [tilespmem:s25+$0x70];
	s3 =	spop (v2sf);
	v6 =	vmul.f32 s6, v6  }
0x14b: {  	v2 =	vmul.f32 s1, v2;
	s1 =	spop (v2sf);
	[tilespmem:s22+$0xFFFFFFB0] =	vst v1;
	v1 =	vld [tilespmem:s25+$0xFFFFFFA0]  }
0x14c: {  	v52 =	vld [tilespmem:s25+$0xFFFFFFE0];
	s6 =	spop (v2sf);
	[tilespmem:s2+$0x50] =	vst v6;
	v5 =	vmul.f32 s8, v5  }
0x14d: {  	[tilespmem:s22+$0xFFFFFFF0] =	vst v2;
	v53 =	vmul.f32 s16, v8;
	v2 =	vld [tilespmem:s11+$0x60];
	s8 =	spop (v2sf)  }
0x14e: {  	v54 =	vld [tilespmem:s25+$0x20];
	s16 =	spop (v2sf);
	[tilespmem:s2+$0xFFFFFF90] =	vst v5;
	v4 =	vmul.f32 s7, v51  }
0x14f: {  	v3 =	vmul.f32 s0, v3;
	[tilespmem:s2+$0xFFFFFFD0] =	vst v53;
	s0 =	spop (v2sf);
	v5 =	vld [tilespmem:s11+$0xFFFFFFA0]  }
0x150: {  	v55 =	vld [tilespmem:s11+$0xFFFFFFE0];
	v1 =	vmul.f32 s13, v1;
	s7 =	spop (v2sf);
	[tilespmem:s2+$0x10] =	vst v4  }
0x151: {  	[tilespmem:s12+$0x70] =	vst v3;
	v3 =	vmul.f32 s14, v52;
	s7 =	smov.u32 @p0 s0;
	v56 =	vld [tilespmem:s11+$0x20]  }
0x152: {  	v57 =	vld [tilespmem:s23+$0x30];
	[tilespmem:s12+$0xFFFFFFA0] =	vst v1;
	v1 =	vmul.f32 s7, v2  }
0x153: {  	s3 =	smov.u32 @p0 s17;
	[tilespmem:s12+$0xFFFFFFE0] =	vst v3;
	v2 =	vmul.f32 s9, v54;
	v58 =	vld [tilespmem:s25+$0xFFFFFFB0]  }
0x154: {  	s6 =	smov.u32 @p0 s1;
	v3 =	vld [tilespmem:s25+$0xFFFFFFF0];
	[tilespmem:s2+$0x60] =	vst v1;
	v1 =	vmul.f32 s3, v5  }
0x155: {  	s16 =	smov.u32 @p0 s8;
	v4 =	vmul.f32 s6, v55;
	[tilespmem:s12+$0x20] =	vst v2;
	v2 =	vld [tilespmem:s11+$0x70]  }
0x156: {  	v59 =	vld [tilespmem:s25+$0x30];
	[tilespmem:s2+$0xFFFFFFA0] =	vst v1;
	v1 =	vmul.f32 s16, v56  }
0x157: {  	v60 =	vmul.f32 s24, v57;
	[tilespmem:s2+$0xFFFFFFE0] =	vst v4;
	v61 =	vld [tilespmem:s11+$0xFFFFFFB0]  }
0x158: {  	v63 =	vld [tilespmem:s11+$0xFFFFFFF0];
	v62 =	vmul.f32 s13, v58;
	[tilespmem:s2+$0x20] =	vst v1  }
0x159: {  	[tilespmem:s22+$0x30] =	vst v60;
	v1 =	vmul.f32 s14, v3;
	v3 =	vld [tilespmem:s11+$0x30]  }
0x15a: {  	[tilespmem:s12+$0xFFFFFFB0] =	vst v62;
	v2 =	vmul.f32 s7, v2  }
0x15b: {  	[tilespmem:s12+$0xFFFFFFF0] =	vst v1;
	v1 =	vmul.f32 s9, v59  }
0x15c: {  	[tilespmem:s2+$0x70] =	vst v2;
	v2 =	vmul.f32 s3, v61  }
0x15d: {  	[tilespmem:s12+$0x30] =	vst v1;
	v1 =	vmul.f32 s6, v63  }
0x15e: {  	s20 =	sadd.s32 $0x1, s20;
	[tilespmem:s2+$0xFFFFFFB0] =	vst v2;
	v2 =	vmul.f32 s16, v3  }
0x15f: {  	p1 =	sne.s32 s20, $0x5;
	[tilespmem:s2+$0xFFFFFFF0] =	vst v1  }
.Ltmp5:
0x160: {  	[tilespmem:s2+$0x30] =	vst v2;
	(pc) =	sbr.rel @p1 .LBB2_8-.Ltmp5, $4  }
0x161: {  	[spmem:s21] =	stream.linear.scatter [tilespmem:s15], [sflag:$0x2], $0x2000, $0x38;
	[tilespmem:$0x1E200] =	vst v63  }
0x162: {  	_ =	swait.ge [sflag:s30], $0x2000  }
0x163: {  	[sflag:s30] =	ssyncset.done $0x0  }
0x164: {  	[sflag:s30] =	ssyncadd.s32 $0xFFFFE000  }
0x165: {  	[bflag:$0x0] =	sbarrier.arrive $0xFFFF;
	s19 =	simm.s32 $0x0  }
.LBB2_14:
0x166: {  	s0 =	sshll.u32 s19, $0x8  }
0x167: {  	s0 =	sadd.s32 s26, s0  }
0x168: {  	s2 =	rddreg [dreg:$0x5];
	s1 =	sshrl.u32 s0, $0x3  }
0x169: {  	s2 =	sadd.s32 s2, s1  }
0x16a: {  	[tilespmem:s4], [sflag:$0x2] =	stream.linear.gather [hbm4b:s2+s4], $0x100, $0x38;
	[tilespmem:$0x1E200] =	vst v63  }
0x16b: {  	_ =	swait.ge [sflag:s30], $0x100  }
0x16c: {  	[sflag:s30] =	ssyncset.done $0x0;
	s20 =	rddreg [dreg:$0x6]  }
0x16d: {  	[sflag:s30] =	ssyncadd.s32 $0xFFFFFF00;
	s1 =	sadd.s32 s20, s1  }
0x16e: {  	[tilespmem:s31], [sflag:$0x2] =	stream.linear.gather [hbm4b:s1+s4], $0x100, $0x38;
	[tilespmem:$0x1E200] =	vst v63  }
0x16f: {  	_ =	swait.ge [sflag:s30], $0x100  }
0x170: {  	s0 =	sshll.u32 s0, $0x1;
	[sflag:s30] =	ssyncset.done $0x0;
	s21 =	rddreg [dreg:$0x7]  }
0x171: {  	s22 =	simm.s32 $0x200;
	[sflag:s30] =	ssyncadd.s32 $0xFFFFFF00;
	s0 =	sadd.s32 s21, s0  }
0x172: {  	[tilespmem:s22], [sflag:$0x2] =	stream.linear.gather [hbm4b:s0+s4], $0x1000, $0x38;
	[tilespmem:$0x1E200] =	vst v63  }
0x173: {  	_ =	swait.ge [sflag:s30], $0x1000  }
0x174: {  	[sflag:s30] =	ssyncset.done $0x0  }
0x175: {  	[sflag:s30] =	ssyncadd.s32 $0xFFFFF000  }
0x176: {  	s23 =	rddreg [dreg:$0x2]  }
0x177: {  	[tilespmem:s29], [sflag:$0x1] =	stream.indirect.gather [spmem:s23], $0x40, s31, s31, $0xb8;
	[tilespmem:$0x1E200] =	vst v63  }
0x178: {  	_ =	swait.ge [sflag:s5], $0x4000  }
0x179: {  	[sflag:s5] =	ssyncset.done $0x0  }
0x17a: {  	s24 =	simm.s32 $0x220;
	[sflag:s5] =	ssyncadd.s32 $0xFFFFC000  }
0x17b: {  	v1 =	vld [tilespmem:s24+$0x10];
	_ =	sdelay $0x2  }
0x17c: {  	v2 =	vld [tilespmem:s24+$0xFFFFFFF0];
	_ =	sdelay $0x1  }
0x17d: {  	v3 =	vld [tilespmem:s24+$0xFFFFFFE0];
	(v2sf) =	vpush v1, $0x0;
	_ =	sdelay $0x1  }
0x17e: {  	v4 =	vld [tilespmem:s24+$0x0];
	(v2sf) =	vpush v1, $0x2  }
0x17f: {  	(v2sf) =	vpush v2, $0x0  }
0x180: {  	(v2sf) =	vpush v2, $0x2  }
0x181: {  	(v2sf) =	vpush v3, $0x0  }
0x182: {  	(v2sf) =	vpush v3, $0x2  }
0x183: {  	(v2sf) =	vpush v4, $0x0  }
0x184: {  	(v2sf) =	vpush v4, $0x2  }
0x185: {  	(v2sf) =	vpush v3, $0x1  }
0x186: {  	(v2sf) =	vpush v3, $0x3  }
0x187: {  	s25 =	simm.s32 $0x260;
	(v2sf) =	vpush v2, $0x1  }
0x188: {  	(v2sf) =	vpush v2, $0x3;
	v2 =	vld [tilespmem:s25+$0x10]  }
0x189: {  	(v2sf) =	vpush v4, $0x1  }
0x18a: {  	(v2sf) =	vpush v4, $0x3  }
0x18b: {  	s1 =	spop (v2sf);
	(v2sf) =	vpush v1, $0x1  }
0x18c: {  	s21 =	simm.s32 $0x1280;
	v4 =	vld [tilespmem:s25+$0xFFFFFFF0];
	(v2sf) =	vpush v1, $0x3  }
0x18d: {  	v3 =	vld [tilespmem:s21+$0x40];
	s3 =	spop (v2sf);
	(v2sf) =	vpush v2, $0x0  }
0x18e: {  	v5 =	vld [tilespmem:s25+$0xFFFFFFE0];
	s3 =	smov.u32 @p0 s1;
	s1 =	spop (v2sf);
	(v2sf) =	vpush v2, $0x2  }
0x18f: {  	s13 =	spop (v2sf)  }
0x190: {  	v6 =	vld [tilespmem:s25+$0x0];
	s0 =	spop (v2sf)  }
0x191: {  	v7 =	vld [tilespmem:s21+$0xFFFFFFC0];
	(v2sf) =	vpush v4, $0x0;
	s6 =	spop (v2sf)  }
0x192: {  	v3 =	vmul.f32 s3, v3;
	(v2sf) =	vpush v4, $0x2;
	s7 =	spop (v2sf)  }
0x193: {  	s20 =	simm.s32 $0x5280;
	v1 =	vld [tilespmem:s21+$0xFFFFFF80];
	(v2sf) =	vpush v5, $0x0;
	s14 =	spop (v2sf)  }
0x194: {  	v8 =	vld [tilespmem:s21+$0x0];
	[tilespmem:s20+$0x40] =	vst v3;
	(v2sf) =	vpush v5, $0x2;
	s2 =	spop (v2sf)  }
0x195: {  	s13 =	smov.u32 @p0 s1;
	v3 =	vld [tilespmem:s21+$0x50];
	(v2sf) =	vpush v6, $0x0;
	s18 =	spop (v2sf)  }
0x196: {  	s28 =	simm.s32 $0x2A0;
	v7 =	vmul.f32 s13, v7;
	(v2sf) =	vpush v6, $0x2;
	s9 =	spop (v2sf)  }
0x197: {  	v9 =	vld [tilespmem:s28+$0xFFFFFFF0];
	s6 =	smov.u32 @p0 s0;
	(v2sf) =	vpush v5, $0x1;
	s1 =	spop (v2sf)  }
0x198: {  	v10 =	vld [tilespmem:s28+$0x0];
	v1 =	vmul.f32 s6, v1;
	[tilespmem:s20+$0xFFFFFFC0] =	vst v7;
	s14 =	smov.u32 @p0 s7;
	(v2sf) =	vpush v5, $0x3;
	s0 =	spop (v2sf)  }
0x199: {  	s23 =	simm.s32 $0x1380;
	v7 =	vmul.f32 s14, v8;
	v8 =	vld [tilespmem:s21+$0xFFFFFFD0];
	(v2sf) =	vpush v4, $0x1;
	s22 =	spop (v2sf)  }
0x19a: {  	[tilespmem:s20+$0xFFFFFF80] =	vst v1;
	v1 =	vmul.f32 s3, v3;
	(v2sf) =	vpush v4, $0x3;
	v4 =	vld [tilespmem:s23+$0x40];
	s7 =	spop (v2sf)  }
0x19b: {  	v3 =	vld [tilespmem:s21+$0xFFFFFF90];
	[tilespmem:s20+$0x0] =	vst v7;
	(v2sf) =	vpush v6, $0x1;
	s11 =	spop (v2sf)  }
0x19c: {  	[tilespmem:s20+$0x50] =	vst v1;
	v1 =	vld [tilespmem:s28+$0x10];
	(v2sf) =	vpush v6, $0x3;
	s8 =	spop (v2sf)  }
0x19d: {  	v7 =	vld [tilespmem:s21+$0x10];
	(v2sf) =	vpush v2, $0x1;
	s16 =	spop (v2sf)  }
0x19e: {  	v5 =	vld [tilespmem:s21+$0x60];
	(v2sf) =	vpush v2, $0x3;
	s16 =	smov.u32 @p0 s8  }
0x19f: {  	v6 =	vld [tilespmem:s23+$0xFFFFFF80];
	v2 =	vmul.f32 s16, v4  }
0x1a0: {  	s3 =	simm.s32 $0x5380;
	s8 =	spop (v2sf);
	v4 =	vld [tilespmem:s28+$0xFFFFFFE0]  }
0x1a1: {  	v11 =	vld [tilespmem:s23+$0xFFFFFFC0];
	v3 =	vmul.f32 s6, v3;
	(v2sf) =	vpush v1, $0x0;
	s12 =	spop (v2sf);
	[tilespmem:s3+$0x40] =	vst v2  }
0x1a2: {  	s11 =	smov.u32 @p0 s7;
	(v2sf) =	vpush v1, $0x2;
	s6 =	spop (v2sf);
	v2 =	vmul.f32 s13, v8;
	v8 =	vld [tilespmem:s23+$0x50]  }
0x1a3: {  	[tilespmem:s20+$0xFFFFFF90] =	vst v3;
	v3 =	vmul.f32 s11, v5;
	v5 =	vld [tilespmem:s23+$0x0];
	(v2sf) =	vpush v9, $0x0;
	s7 =	spop (v2sf)  }
0x1a4: {  	(v2sf) =	vpush v9, $0x2;
	s7 =	smov.u32 @p0 s6;
	s6 =	spop (v2sf);
	[tilespmem:s20+$0xFFFFFFD0] =	vst v2;
	v2 =	vmul.f32 s14, v7;
	v7 =	vld [tilespmem:s21+$0xFFFFFFA0]  }
0x1a5: {  	[tilespmem:s20+$0x60] =	vst v3;
	s12 =	smov.u32 @p0 s8;
	v3 =	vmul.f32 s7, v6;
	s24 =	spop (v2sf);
	v6 =	vld [tilespmem:s21+$0xFFFFFFE0];
	(v2sf) =	vpush v4, $0x0  }
0x1a6: {  	v11 =	vmul.f32 s12, v11;
	s8 =	spop (v2sf);
	[tilespmem:s20+$0x10] =	vst v2;
	v2 =	vld [tilespmem:s21+$0x70];
	(v2sf) =	vpush v4, $0x2  }
0x1a7: {  	s24 =	smov.u32 @p0 s6;
	s13 =	spop (v2sf);
	[tilespmem:s3+$0xFFFFFF80] =	vst v3;
	v12 =	vld [tilespmem:s21+$0x20];
	(v2sf) =	vpush v10, $0x0;
	v3 =	vmul.f32 s16, v8  }
0x1a8: {  	s18 =	smov.u32 @p0 s2;
	[tilespmem:s3+$0xFFFFFFC0] =	vst v11;
	v5 =	vmul.f32 s24, v5;
	s2 =	spop (v2sf);
	v8 =	vld [tilespmem:s23+$0xFFFFFF90];
	(v2sf) =	vpush v10, $0x2  }
0x1a9: {  	s1 =	smov.u32 @p0 s9;
	v11 =	vld [tilespmem:s23+$0xFFFFFFD0];
	s14 =	spop (v2sf);
	v7 =	vmul.f32 s18, v7;
	(v2sf) =	vpush v4, $0x1;
	[tilespmem:s3+$0x50] =	vst v3  }
0x1aa: {  	[tilespmem:s3+$0x0] =	vst v5;
	s6 =	spop (v2sf);
	v5 =	vmul.f32 s1, v6;
	(v2sf) =	vpush v4, $0x3;
	v13 =	vld [tilespmem:s23+$0x60]  }
0x1ab: {  	s22 =	smov.u32 @p0 s0;
	v3 =	vld [tilespmem:s23+$0x10];
	v2 =	vmul.f32 s11, v2;
	s9 =	spop (v2sf);
	[tilespmem:s20+$0xFFFFFFA0] =	vst v7;
	(v2sf) =	vpush v9, $0x1  }
0x1ac: {  	v6 =	vmul.f32 s22, v12;
	s16 =	spop (v2sf);
	v4 =	vld [tilespmem:s21+$0xFFFFFFB0];
	[tilespmem:s20+$0xFFFFFFE0] =	vst v5;
	(v2sf) =	vpush v9, $0x3  }
0x1ad: {  	s17 =	simm.s32 $0x2E0;
	s11 =	simm.s32 $0x1480;
	[tilespmem:s20+$0x70] =	vst v2;
	v5 =	vmul.f32 s7, v8;
	s0 =	spop (v2sf);
	v2 =	vld [tilespmem:s21+$0xFFFFFFF0];
	(v2sf) =	vpush v10, $0x1  }
0x1ae: {  	s13 =	smov.u32 @p0 s8;
	s14 =	smov.u32 @p0 s2;
	v8 =	vmul.f32 s12, v11;
	s0 =	smov.u32 @p0 s16;
	[tilespmem:s20+$0x20] =	vst v6;
	v6 =	vld [tilespmem:s11+$0x40];
	(v2sf) =	vpush v10, $0x3  }
0x1af: {  	s9 =	smov.u32 @p0 s6;
	s12 =	simm.s32 $0x5380;
	s16 =	simm.s32 $0x8;
	[tilespmem:s3+$0xFFFFFF90] =	vst v5;
	v5 =	vld [tilespmem:s11+$0xFFFFFF80];
	v7 =	vmul.f32 s0, v13  }
.LBB2_15:
0x1b0: {  	v9 =	vld [tilespmem:s17+$0x10];
	s2 =	spop (v2sf);
	[tilespmem:s3+$0xFFFFFFD0] =	vst v8;
	v3 =	vmul.f32 s24, v3  }
0x1b1: {  	s16 =	sadd.s32 $0x4, s16;
	v8 =	vld [tilespmem:s17+$0xFFFFFFF0];
	s7 =	spop (v2sf);
	(v2sf) =	vpush v1, $0x1;
	[tilespmem:s3+$0x60] =	vst v7;
	v4 =	vmul.f32 s18, v4;
	s18 =	smov.u32 s13  }
0x1b2: {  	p1 =	slt.u32 s16, $0xFC;
	s7 =	smov.u32 @p0 s2;
	s6 =	spop (v2sf);
	(v2sf) =	vpush v1, $0x3;
	[tilespmem:s3+$0x10] =	vst v3;
	v3 =	vld [tilespmem:s23+$0x70];
	v10 =	vmul.f32 s1, v2  }
0x1b3: {  	s1 =	smov.u32 s14;
	v7 =	vld [tilespmem:s17+$0x0];
	v2 =	vmul.f32 s7, v6;
	s2 =	spop (v2sf);
	[tilespmem:s20+$0xFFFFFFB0] =	vst v4  }
0x1b4: {  	s3 =	sadd.s32 $0x100, s3;
	v4 =	vld [tilespmem:s17+$0xFFFFFFE0];
	s2 =	smov.u32 @p0 s6;
	s8 =	spop (v2sf);
	[tilespmem:s20+$0xFFFFFFF0] =	vst v10  }
0x1b5: {  	(v2sf) =	vpush v9, $0x0;
	v6 =	vld [tilespmem:s11+$0xFFFFFFC0];
	[tilespmem:s3+$0x40] =	vst v2;
	s6 =	spop (v2sf);
	v1 =	vmov v9  }
0x1b6: {  	(v2sf) =	vpush v1, $0x2;
	s6 =	smov.u32 @p0 s8;
	v2 =	vld [tilespmem:s11+$0x50];
	s8 =	spop (v2sf)  }
0x1b7: {  	(v2sf) =	vpush v8, $0x0;
	v5 =	vmul.f32 s6, v5;
	v9 =	vld [tilespmem:s11+$0x0];
	s24 =	spop (v2sf);
	v3 =	vmul.f32 s0, v3  }
0x1b8: {  	(v2sf) =	vpush v8, $0x2;
	s24 =	smov.u32 @p0 s8;
	s0 =	spop (v2sf);
	v10 =	vld [tilespmem:s23+$0xFFFFFFA0]  }
0x1b9: {  	(v2sf) =	vpush v4, $0x0;
	s13 =	spop (v2sf);
	v11 =	vld [tilespmem:s23+$0xFFFFFFE0];
	[tilespmem:s12+$0x70] =	vst v3  }
0x1ba: {  	(v2sf) =	vpush v4, $0x2;
	s13 =	smov.u32 @p0 s0;
	[tilespmem:s3+$0xFFFFFF80] =	vst v5;
	v3 =	vmul.f32 s2, v6;
	s0 =	spop (v2sf);
	v5 =	vld [tilespmem:s23+$0x20]  }
0x1bb: {  	(v2sf) =	vpush v7, $0x0;
	v6 =	vld [tilespmem:s11+$0xFFFFFF90];
	v2 =	vmul.f32 s7, v2;
	s14 =	spop (v2sf)  }
0x1bc: {  	(v2sf) =	vpush v7, $0x2;
	s14 =	smov.u32 @p0 s0;
	[tilespmem:s3+$0xFFFFFFC0] =	vst v3;
	v3 =	vmul.f32 s24, v9;
	s0 =	spop (v2sf);
	v9 =	vld [tilespmem:s21+$0x30];
	s21 =	smov.u32 s23  }
0x1bd: {  	s23 =	smov.u32 s11;
	(v2sf) =	vpush v4, $0x1;
	v12 =	vld [tilespmem:s11+$0xFFFFFFD0];
	[tilespmem:s3+$0x50] =	vst v2;
	s7 =	spop (v2sf);
	v2 =	vmul.f32 s18, v10  }
0x1be: {  	(v2sf) =	vpush v4, $0x3;
	s7 =	smov.u32 @p0 s0;
	[tilespmem:s3+$0x0] =	vst v3;
	v10 =	vld [tilespmem:s11+$0x60];
	v11 =	vmul.f32 s1, v11  }
.Ltmp6:
0x1bf: {  	(v2sf) =	vpush v8, $0x1;
	v3 =	vld [tilespmem:s11+$0x10];
	[tilespmem:s12+$0xFFFFFFA0] =	vst v2;
	v5 =	vmul.f32 s9, v5;
	(pc) =	sbr.rel @p1 .LBB2_15-.Ltmp6, $4  }
0x1c0: {  	(v2sf) =	vpush v8, $0x3;
	v8 =	vmul.f32 s6, v6;
	s6 =	spop (v2sf);
	v4 =	vld [tilespmem:s21+$0xFFFFFFB0];
	[tilespmem:s12+$0xFFFFFFE0] =	vst v11  }
0x1c1: {  	s11 =	sadd.s32 $0x100, s11;
	(v2sf) =	vpush v7, $0x1;
	s0 =	spop (v2sf);
	v2 =	vld [tilespmem:s21+$0xFFFFFFF0];
	[tilespmem:s12+$0x20] =	vst v5;
	v9 =	vmul.f32 s22, v9;
	s22 =	smov.u32 s9  }
0x1c2: {  	s9 =	smov.u32 s7;
	v6 =	vld [tilespmem:s11+$0x40];
	(v2sf) =	vpush v7, $0x3;
	[tilespmem:s3+$0xFFFFFF90] =	vst v8;
	v8 =	vmul.f32 s2, v12;
	s0 =	smov.u32 @p0 s6  }
0x1c3: {  	s17 =	sadd.s32 $0x40, s17;
	v5 =	vld [tilespmem:s11+$0xFFFFFF80];
	v7 =	vmul.f32 s0, v10;
	[tilespmem:s20+$0x30] =	vst v9;
	s20 =	smov.u32 s12;
	s12 =	smov.u32 s3  }
0x1c4: {  	s2 =	spop (v2sf)  }
0x1c5: {  	s6 =	spop (v2sf)  }
0x1c6: {  	s7 =	spop (v2sf)  }
0x1c7: {  	(v2sf) =	vpush v1, $0x1;
	v9 =	vld [tilespmem:s11+$0xFFFFFFC0];
	s8 =	spop (v2sf)  }
0x1c8: {  	(v2sf) =	vpush v1, $0x3;
	v1 =	vld [tilespmem:s11+$0x0];
	s6 =	smov.u32 @p0 s2;
	s16 =	spop (v2sf)  }
0x1c9: {  	v6 =	vmul.f32 s6, v6;
	s17 =	spop (v2sf)  }
0x1ca: {  	s25 =	sadd.s32 $0x100, s3;
	s17 =	smov.u32 @p0 s16;
	s16 =	spop (v2sf)  }
0x1cb: {  	s8 =	smov.u32 @p0 s7;
	[tilespmem:s25+$0x40] =	vst v6;
	v5 =	vmul.f32 s17, v5;
	s7 =	spop (v2sf)  }
0x1cc: {  	[tilespmem:s3+$0xFFFFFFD0] =	vst v8;
	v50 =	vmul.f32 s8, v9;
	v6 =	vld [tilespmem:s11+$0x50];
	s7 =	smov.u32 @p0 s16  }
0x1cd: {  	[tilespmem:s25+$0xFFFFFF80] =	vst v5;
	v1 =	vmul.f32 s7, v1  }
0x1ce: {  	[tilespmem:s25+$0xFFFFFFC0] =	vst v50;
	v5 =	vld [tilespmem:s11+$0xFFFFFF90]  }
0x1cf: {  	v3 =	vmul.f32 s24, v3;
	v8 =	vld [tilespmem:s11+$0xFFFFFFD0];
	[tilespmem:s25+$0x0] =	vst v1  }
0x1d0: {  	[tilespmem:s3+$0x60] =	vst v7;
	s16 =	spop (v2sf);
	v1 =	vmul.f32 s18, v4;
	v51 =	vld [tilespmem:s11+$0x10]  }
0x1d1: {  	[tilespmem:s3+$0x10] =	vst v3;
	v3 =	vld [tilespmem:s23+$0x70];
	s3 =	spop (v2sf);
	v6 =	vmul.f32 s6, v6  }
0x1d2: {  	v2 =	vmul.f32 s1, v2;
	s1 =	spop (v2sf);
	[tilespmem:s20+$0xFFFFFFB0] =	vst v1;
	v1 =	vld [tilespmem:s23+$0xFFFFFFA0]  }
0x1d3: {  	v52 =	vld [tilespmem:s23+$0xFFFFFFE0];
	s6 =	spop (v2sf);
	[tilespmem:s25+$0x50] =	vst v6;
	v5 =	vmul.f32 s17, v5  }
0x1d4: {  	[tilespmem:s20+$0xFFFFFFF0] =	vst v2;
	v53 =	vmul.f32 s8, v8;
	v2 =	vld [tilespmem:s11+$0x60];
	s17 =	spop (v2sf)  }
0x1d5: {  	v54 =	vld [tilespmem:s23+$0x20];
	s8 =	spop (v2sf);
	[tilespmem:s25+$0xFFFFFF90] =	vst v5;
	v4 =	vmul.f32 s7, v51  }
0x1d6: {  	v3 =	vmul.f32 s0, v3;
	[tilespmem:s25+$0xFFFFFFD0] =	vst v53;
	s0 =	spop (v2sf);
	v5 =	vld [tilespmem:s11+$0xFFFFFFA0]  }
0x1d7: {  	v55 =	vld [tilespmem:s11+$0xFFFFFFE0];
	v1 =	vmul.f32 s13, v1;
	s7 =	spop (v2sf);
	[tilespmem:s25+$0x10] =	vst v4  }
0x1d8: {  	[tilespmem:s12+$0x70] =	vst v3;
	v3 =	vmul.f32 s14, v52;
	s7 =	smov.u32 @p0 s0;
	v56 =	vld [tilespmem:s11+$0x20]  }
0x1d9: {  	v57 =	vld [tilespmem:s21+$0x30];
	[tilespmem:s12+$0xFFFFFFA0] =	vst v1;
	v1 =	vmul.f32 s7, v2  }
0x1da: {  	s3 =	smov.u32 @p0 s16;
	[tilespmem:s12+$0xFFFFFFE0] =	vst v3;
	v2 =	vmul.f32 s9, v54;
	v58 =	vld [tilespmem:s23+$0xFFFFFFB0]  }
0x1db: {  	s6 =	smov.u32 @p0 s1;
	v3 =	vld [tilespmem:s23+$0xFFFFFFF0];
	[tilespmem:s25+$0x60] =	vst v1;
	v1 =	vmul.f32 s3, v5  }
0x1dc: {  	s8 =	smov.u32 @p0 s17;
	v4 =	vmul.f32 s6, v55;
	[tilespmem:s12+$0x20] =	vst v2;
	v2 =	vld [tilespmem:s11+$0x70]  }
0x1dd: {  	v59 =	vld [tilespmem:s23+$0x30];
	[tilespmem:s25+$0xFFFFFFA0] =	vst v1;
	v1 =	vmul.f32 s8, v56  }
0x1de: {  	v60 =	vmul.f32 s22, v57;
	[tilespmem:s25+$0xFFFFFFE0] =	vst v4;
	v61 =	vld [tilespmem:s11+$0xFFFFFFB0]  }
0x1df: {  	v63 =	vld [tilespmem:s11+$0xFFFFFFF0];
	v62 =	vmul.f32 s13, v58;
	[tilespmem:s25+$0x20] =	vst v1  }
0x1e0: {  	[tilespmem:s20+$0x30] =	vst v60;
	v1 =	vmul.f32 s14, v3;
	v3 =	vld [tilespmem:s11+$0x30]  }
0x1e1: {  	[tilespmem:s12+$0xFFFFFFB0] =	vst v62;
	v2 =	vmul.f32 s7, v2  }
0x1e2: {  	[tilespmem:s12+$0xFFFFFFF0] =	vst v1;
	v1 =	vmul.f32 s9, v59  }
0x1e3: {  	[tilespmem:s25+$0x70] =	vst v2;
	v2 =	vmul.f32 s3, v61  }
0x1e4: {  	[tilespmem:s12+$0x30] =	vst v1;
	v1 =	vmul.f32 s6, v63  }
0x1e5: {  	s19 =	sadd.s32 $0x1, s19;
	[tilespmem:s25+$0xFFFFFFB0] =	vst v2;
	v2 =	vmul.f32 s8, v3  }
0x1e6: {  	p1 =	sne.s32 s19, $0x28;
	[tilespmem:s25+$0xFFFFFFF0] =	vst v1  }
.Ltmp7:
0x1e7: {  	s28 =	rddreg [dreg:$0x3];
	[tilespmem:s25+$0x30] =	vst v2;
	(pc) =	sbr.rel @p1 .LBB2_14-.Ltmp7, $4  }
0x1e8: {  	[spmem:s28] =	stream.indirect.scatter.add.f32 [tilespmem:s15], [sflag:$0x2], $0x40, s4, s31, $0xb8;
	[tilespmem:$0x1E200] =	vst v63  }
0x1e9: {  	_ =	swait.ge [sflag:s30], $0x4000  }
0x1ea: {  	[sflag:s30] =	ssyncset.done $0x0  }
0x1eb: {  	[sflag:s30] =	ssyncadd.s32 $0xFFFFC000  }
0x1ec: {  	[bflag:$0x0] =	sbarrier.arrive $0xFFFF;
	s19 =	simm.s32 $0x0;
	s20 =	simm.s32 $0x0  }
.LBB2_18:
0x1ed: {  	s0 =	sshll.u32 s20, $0x7  }
0x1ee: {  	s0 =	sadd.s32 s10, s0  }
0x1ef: {  	s1 =	rddreg [dreg:$0x3];
	s21 =	sshll.u32 s0, $0x6  }
0x1f0: {  	s1 =	sadd.s32 s21, s1  }
0x1f1: {  	[tilespmem:s29], [sflag:$0x2] =	stream.linear.gather [spmem:s1], $0x2000, $0x38;
	[tilespmem:$0x1E200] =	vst v63  }
0x1f2: {  	_ =	swait.ge [sflag:s30], $0x2000  }
0x1f3: {  	[sflag:s30] =	ssyncset.done $0x0  }
0x1f4: {  	[sflag:s30] =	ssyncadd.s32 $0xFFFFE000  }
0x1f5: {  	s0 =	sshll.u32 s0, $0x1;
	s24 =	rddreg [dreg:$0x1]  }
0x1f6: {  	s2 =	simm.s32 $0x9200;
	s1 =	sadd.s32 s24, s0  }
0x1f7: {  	[tilespmem:s2], [sflag:$0x2] =	stream.linear.gather [hbm4b:s1+s19], $0x800, $0x38;
	[tilespmem:$0x1E200] =	vst v63  }
0x1f8: {  	_ =	swait.ge [sflag:s30], $0x800  }
0x1f9: {  	[sflag:s30] =	ssyncset.done $0x0;
	s25 =	rddreg [dreg:$0x18]  }
0x1fa: {  	s28 =	simm.s32 $0x9A00;
	[sflag:s30] =	ssyncadd.s32 $0xFFFFF800;
	s0 =	sadd.s32 s0, s25  }
0x1fb: {  	[tilespmem:s28], [sflag:$0x2] =	stream.linear.gather [hbm4b:s0+s19], $0x800, $0x38;
	[tilespmem:$0x1E200] =	vst v63  }
0x1fc: {  	_ =	swait.ge [sflag:s30], $0x800  }
0x1fd: {  	[sflag:s30] =	ssyncset.done $0x0  }
0x1fe: {  	s0 =	simm.s32 $0x0;
	[sflag:s30] =	ssyncadd.s32 $0xFFFFF800  }
0x1ff: {  	s1 =	simm.s32 $0x40;
	v1 =	vld [tilespmem:s0+$0x9A00]  }
.LBB2_19:
0x200: {  	p1 =	sne.s32 s1, $0x1FC0;
	v2 =	vld [tilespmem:s0+$0x9200];
	_ =	sdelay $0x4  }
0x201: {  	v1 =	vadd.f32 v1, v2;
	_ =	sdelay $0x1  }
0x202: {  	(erf) = vrcp.f32 v1;
	_ =	sdelay $0x6  }
.Ltmp8:
0x203: {  	(pc) =	sbr.rel @p1 .LBB2_19-.Ltmp8, $4  }
0x204: {  	_ = 	snop  }
0x205: {  	vm0 =	vgt.f32 v1, $0.0e+00;
	v1 =	vpop (erf)  }
0x206: {  	s2 =	sshra.s32 s1, $0x2;
	v2 =	vnsel vm0, $0x0, v1  }
0x207: {  	s1 =	sadd.s32 $0x40, s1;
	v1 =	vld [tilespmem:s2+$0x9A00];
	[tilespmem:s0+$0x9200] =	vst v2;
	s0 =	smov.u32 s2  }
0x208: {  	v2 =	vld [tilespmem:s0+$0x9200];
	_ =	sdelay $0x4  }
0x209: {  	v1 =	vadd.f32 v1, v2;
	_ =	sdelay $0x1  }
0x20a: {  	(erf) = vrcp.f32 v1;
	_ =	sdelay $0x8  }
0x20b: {  	vm0 =	vgt.f32 v1, $0.0e+00;
	v1 =	vpop (erf)  }
0x20c: {  	v1 =	vnsel vm0, $0x0, v1  }
0x20d: {  	s14 =	simm.s32 $0x9220;
	[tilespmem:s0+$0x9200] =	vst v1  }
0x20e: {  	v1 =	vld [tilespmem:s14+$0x10];
	_ =	sdelay $0x2  }
0x20f: {  	v2 =	vld [tilespmem:s14+$0xFFFFFFF0];
	_ =	sdelay $0x1  }
0x210: {  	v3 =	vld [tilespmem:s14+$0xFFFFFFE0];
	(v2sf) =	vpush v1, $0x0;
	_ =	sdelay $0x1  }
0x211: {  	v4 =	vld [tilespmem:s14+$0x0];
	(v2sf) =	vpush v1, $0x2  }
0x212: {  	(v2sf) =	vpush v2, $0x0  }
0x213: {  	(v2sf) =	vpush v2, $0x2  }
0x214: {  	(v2sf) =	vpush v3, $0x0  }
0x215: {  	(v2sf) =	vpush v3, $0x2  }
0x216: {  	(v2sf) =	vpush v4, $0x0  }
0x217: {  	(v2sf) =	vpush v4, $0x2  }
0x218: {  	(v2sf) =	vpush v3, $0x1  }
0x219: {  	(v2sf) =	vpush v3, $0x3  }
0x21a: {  	s16 =	simm.s32 $0x9260;
	(v2sf) =	vpush v2, $0x1  }
0x21b: {  	(v2sf) =	vpush v2, $0x3;
	v2 =	vld [tilespmem:s16+$0x10]  }
0x21c: {  	(v2sf) =	vpush v4, $0x1  }
0x21d: {  	(v2sf) =	vpush v4, $0x3  }
0x21e: {  	s1 =	spop (v2sf);
	(v2sf) =	vpush v1, $0x1  }
0x21f: {  	s23 =	simm.s32 $0x1280;
	v4 =	vld [tilespmem:s16+$0xFFFFFFF0];
	(v2sf) =	vpush v1, $0x3  }
0x220: {  	v3 =	vld [tilespmem:s23+$0x40];
	s3 =	spop (v2sf);
	(v2sf) =	vpush v2, $0x0  }
0x221: {  	v5 =	vld [tilespmem:s16+$0xFFFFFFE0];
	s3 =	smov.u32 @p0 s1;
	s1 =	spop (v2sf);
	(v2sf) =	vpush v2, $0x2  }
0x222: {  	s13 =	spop (v2sf)  }
0x223: {  	v6 =	vld [tilespmem:s16+$0x0];
	s0 =	spop (v2sf)  }
0x224: {  	v7 =	vld [tilespmem:s23+$0xFFFFFFC0];
	(v2sf) =	vpush v4, $0x0;
	s6 =	spop (v2sf)  }
0x225: {  	v3 =	vmul.f32 s3, v3;
	(v2sf) =	vpush v4, $0x2;
	s7 =	spop (v2sf)  }
0x226: {  	s22 =	simm.s32 $0x5280;
	v1 =	vld [tilespmem:s23+$0xFFFFFF80];
	(v2sf) =	vpush v5, $0x0;
	s14 =	spop (v2sf)  }
0x227: {  	v8 =	vld [tilespmem:s23+$0x0];
	[tilespmem:s22+$0x40] =	vst v3;
	(v2sf) =	vpush v5, $0x2;
	s2 =	spop (v2sf)  }
0x228: {  	s13 =	smov.u32 @p0 s1;
	v3 =	vld [tilespmem:s23+$0x50];
	(v2sf) =	vpush v6, $0x0;
	s18 =	spop (v2sf)  }
0x229: {  	s17 =	simm.s32 $0x92A0;
	v7 =	vmul.f32 s13, v7;
	(v2sf) =	vpush v6, $0x2;
	s9 =	spop (v2sf)  }
0x22a: {  	v9 =	vld [tilespmem:s17+$0xFFFFFFF0];
	s6 =	smov.u32 @p0 s0;
	(v2sf) =	vpush v5, $0x1;
	s1 =	spop (v2sf)  }
0x22b: {  	v10 =	vld [tilespmem:s17+$0x0];
	v1 =	vmul.f32 s6, v1;
	[tilespmem:s22+$0xFFFFFFC0] =	vst v7;
	s14 =	smov.u32 @p0 s7;
	(v2sf) =	vpush v5, $0x3;
	s0 =	spop (v2sf)  }
0x22c: {  	s25 =	simm.s32 $0x1380;
	v7 =	vmul.f32 s14, v8;
	v8 =	vld [tilespmem:s23+$0xFFFFFFD0];
	(v2sf) =	vpush v4, $0x1;
	s24 =	spop (v2sf)  }
0x22d: {  	[tilespmem:s22+$0xFFFFFF80] =	vst v1;
	v1 =	vmul.f32 s3, v3;
	(v2sf) =	vpush v4, $0x3;
	v4 =	vld [tilespmem:s25+$0x40];
	s7 =	spop (v2sf)  }
0x22e: {  	v3 =	vld [tilespmem:s23+$0xFFFFFF90];
	[tilespmem:s22+$0x0] =	vst v7;
	(v2sf) =	vpush v6, $0x1;
	s11 =	spop (v2sf)  }
0x22f: {  	[tilespmem:s22+$0x50] =	vst v1;
	v1 =	vld [tilespmem:s17+$0x10];
	(v2sf) =	vpush v6, $0x3;
	s8 =	spop (v2sf)  }
0x230: {  	v7 =	vld [tilespmem:s23+$0x10];
	(v2sf) =	vpush v2, $0x1;
	s16 =	spop (v2sf)  }
0x231: {  	v5 =	vld [tilespmem:s23+$0x60];
	(v2sf) =	vpush v2, $0x3;
	s16 =	smov.u32 @p0 s8  }
0x232: {  	v6 =	vld [tilespmem:s25+$0xFFFFFF80];
	v2 =	vmul.f32 s16, v4  }
0x233: {  	s3 =	simm.s32 $0x5380;
	s8 =	spop (v2sf);
	v4 =	vld [tilespmem:s17+$0xFFFFFFE0]  }
0x234: {  	v11 =	vld [tilespmem:s25+$0xFFFFFFC0];
	v3 =	vmul.f32 s6, v3;
	(v2sf) =	vpush v1, $0x0;
	s12 =	spop (v2sf);
	[tilespmem:s3+$0x40] =	vst v2  }
0x235: {  	s11 =	smov.u32 @p0 s7;
	(v2sf) =	vpush v1, $0x2;
	s6 =	spop (v2sf);
	v2 =	vmul.f32 s13, v8;
	v8 =	vld [tilespmem:s25+$0x50]  }
0x236: {  	[tilespmem:s22+$0xFFFFFF90] =	vst v3;
	v3 =	vmul.f32 s11, v5;
	v5 =	vld [tilespmem:s25+$0x0];
	(v2sf) =	vpush v9, $0x0;
	s7 =	spop (v2sf)  }
0x237: {  	(v2sf) =	vpush v9, $0x2;
	s7 =	smov.u32 @p0 s6;
	s6 =	spop (v2sf);
	[tilespmem:s22+$0xFFFFFFD0] =	vst v2;
	v2 =	vmul.f32 s14, v7;
	v7 =	vld [tilespmem:s23+$0xFFFFFFA0]  }
0x238: {  	[tilespmem:s22+$0x60] =	vst v3;
	s12 =	smov.u32 @p0 s8;
	v3 =	vmul.f32 s7, v6;
	s28 =	spop (v2sf);
	v6 =	vld [tilespmem:s23+$0xFFFFFFE0];
	(v2sf) =	vpush v4, $0x0  }
0x239: {  	v11 =	vmul.f32 s12, v11;
	s8 =	spop (v2sf);
	[tilespmem:s22+$0x10] =	vst v2;
	v2 =	vld [tilespmem:s23+$0x70];
	(v2sf) =	vpush v4, $0x2  }
0x23a: {  	s28 =	smov.u32 @p0 s6;
	s13 =	spop (v2sf);
	[tilespmem:s3+$0xFFFFFF80] =	vst v3;
	v12 =	vld [tilespmem:s23+$0x20];
	(v2sf) =	vpush v10, $0x0;
	v3 =	vmul.f32 s16, v8  }
0x23b: {  	s18 =	smov.u32 @p0 s2;
	[tilespmem:s3+$0xFFFFFFC0] =	vst v11;
	v5 =	vmul.f32 s28, v5;
	s2 =	spop (v2sf);
	v8 =	vld [tilespmem:s25+$0xFFFFFF90];
	(v2sf) =	vpush v10, $0x2  }
0x23c: {  	s1 =	smov.u32 @p0 s9;
	v11 =	vld [tilespmem:s25+$0xFFFFFFD0];
	s14 =	spop (v2sf);
	v7 =	vmul.f32 s18, v7;
	(v2sf) =	vpush v4, $0x1;
	[tilespmem:s3+$0x50] =	vst v3  }
0x23d: {  	[tilespmem:s3+$0x0] =	vst v5;
	s6 =	spop (v2sf);
	v5 =	vmul.f32 s1, v6;
	(v2sf) =	vpush v4, $0x3;
	v13 =	vld [tilespmem:s25+$0x60]  }
0x23e: {  	s24 =	smov.u32 @p0 s0;
	v3 =	vld [tilespmem:s25+$0x10];
	v2 =	vmul.f32 s11, v2;
	s9 =	spop (v2sf);
	[tilespmem:s22+$0xFFFFFFA0] =	vst v7;
	(v2sf) =	vpush v9, $0x1  }
0x23f: {  	v6 =	vmul.f32 s24, v12;
	s16 =	spop (v2sf);
	v4 =	vld [tilespmem:s23+$0xFFFFFFB0];
	[tilespmem:s22+$0xFFFFFFE0] =	vst v5;
	(v2sf) =	vpush v9, $0x3  }
0x240: {  	s17 =	simm.s32 $0x92E0;
	s11 =	simm.s32 $0x1480;
	[tilespmem:s22+$0x70] =	vst v2;
	v5 =	vmul.f32 s7, v8;
	s0 =	spop (v2sf);
	v2 =	vld [tilespmem:s23+$0xFFFFFFF0];
	(v2sf) =	vpush v10, $0x1  }
0x241: {  	s13 =	smov.u32 @p0 s8;
	s14 =	smov.u32 @p0 s2;
	v8 =	vmul.f32 s12, v11;
	s0 =	smov.u32 @p0 s16;
	[tilespmem:s22+$0x20] =	vst v6;
	v6 =	vld [tilespmem:s11+$0x40];
	(v2sf) =	vpush v10, $0x3  }
0x242: {  	s9 =	smov.u32 @p0 s6;
	s12 =	simm.s32 $0x5380;
	s16 =	simm.s32 $0x8;
	[tilespmem:s3+$0xFFFFFF90] =	vst v5;
	v5 =	vld [tilespmem:s11+$0xFFFFFF80];
	v7 =	vmul.f32 s0, v13  }
.LBB2_21:
0x243: {  	v9 =	vld [tilespmem:s17+$0x10];
	s2 =	spop (v2sf);
	[tilespmem:s3+$0xFFFFFFD0] =	vst v8;
	v3 =	vmul.f32 s28, v3  }
0x244: {  	s16 =	sadd.s32 $0x4, s16;
	v8 =	vld [tilespmem:s17+$0xFFFFFFF0];
	s7 =	spop (v2sf);
	(v2sf) =	vpush v1, $0x1;
	[tilespmem:s3+$0x60] =	vst v7;
	v4 =	vmul.f32 s18, v4;
	s18 =	smov.u32 s13  }
0x245: {  	p1 =	slt.u32 s16, $0x7C;
	s7 =	smov.u32 @p0 s2;
	s6 =	spop (v2sf);
	(v2sf) =	vpush v1, $0x3;
	[tilespmem:s3+$0x10] =	vst v3;
	v3 =	vld [tilespmem:s25+$0x70];
	v10 =	vmul.f32 s1, v2  }
0x246: {  	s1 =	smov.u32 s14;
	v7 =	vld [tilespmem:s17+$0x0];
	v2 =	vmul.f32 s7, v6;
	s2 =	spop (v2sf);
	[tilespmem:s22+$0xFFFFFFB0] =	vst v4  }
0x247: {  	s3 =	sadd.s32 $0x100, s3;
	v4 =	vld [tilespmem:s17+$0xFFFFFFE0];
	s2 =	smov.u32 @p0 s6;
	s8 =	spop (v2sf);
	[tilespmem:s22+$0xFFFFFFF0] =	vst v10  }
0x248: {  	(v2sf) =	vpush v9, $0x0;
	v6 =	vld [tilespmem:s11+$0xFFFFFFC0];
	[tilespmem:s3+$0x40] =	vst v2;
	s6 =	spop (v2sf);
	v1 =	vmov v9  }
0x249: {  	(v2sf) =	vpush v1, $0x2;
	s6 =	smov.u32 @p0 s8;
	v2 =	vld [tilespmem:s11+$0x50];
	s8 =	spop (v2sf)  }
0x24a: {  	(v2sf) =	vpush v8, $0x0;
	v5 =	vmul.f32 s6, v5;
	v9 =	vld [tilespmem:s11+$0x0];
	s28 =	spop (v2sf);
	v3 =	vmul.f32 s0, v3  }
0x24b: {  	(v2sf) =	vpush v8, $0x2;
	s28 =	smov.u32 @p0 s8;
	s0 =	spop (v2sf);
	v10 =	vld [tilespmem:s25+$0xFFFFFFA0]  }
0x24c: {  	(v2sf) =	vpush v4, $0x0;
	s13 =	spop (v2sf);
	v11 =	vld [tilespmem:s25+$0xFFFFFFE0];
	[tilespmem:s12+$0x70] =	vst v3  }
0x24d: {  	(v2sf) =	vpush v4, $0x2;
	s13 =	smov.u32 @p0 s0;
	[tilespmem:s3+$0xFFFFFF80] =	vst v5;
	v3 =	vmul.f32 s2, v6;
	s0 =	spop (v2sf);
	v5 =	vld [tilespmem:s25+$0x20]  }
0x24e: {  	(v2sf) =	vpush v7, $0x0;
	v6 =	vld [tilespmem:s11+$0xFFFFFF90];
	v2 =	vmul.f32 s7, v2;
	s14 =	spop (v2sf)  }
0x24f: {  	(v2sf) =	vpush v7, $0x2;
	s14 =	smov.u32 @p0 s0;
	[tilespmem:s3+$0xFFFFFFC0] =	vst v3;
	v3 =	vmul.f32 s28, v9;
	s0 =	spop (v2sf);
	v9 =	vld [tilespmem:s23+$0x30];
	s23 =	smov.u32 s25  }
0x250: {  	s25 =	smov.u32 s11;
	(v2sf) =	vpush v4, $0x1;
	v12 =	vld [tilespmem:s11+$0xFFFFFFD0];
	[tilespmem:s3+$0x50] =	vst v2;
	s7 =	spop (v2sf);
	v2 =	vmul.f32 s18, v10  }
0x251: {  	(v2sf) =	vpush v4, $0x3;
	s7 =	smov.u32 @p0 s0;
	[tilespmem:s3+$0x0] =	vst v3;
	v10 =	vld [tilespmem:s11+$0x60];
	v11 =	vmul.f32 s1, v11  }
.Ltmp9:
0x252: {  	(v2sf) =	vpush v8, $0x1;
	v3 =	vld [tilespmem:s11+$0x10];
	[tilespmem:s12+$0xFFFFFFA0] =	vst v2;
	v5 =	vmul.f32 s9, v5;
	(pc) =	sbr.rel @p1 .LBB2_21-.Ltmp9, $4  }
0x253: {  	(v2sf) =	vpush v8, $0x3;
	v8 =	vmul.f32 s6, v6;
	s6 =	spop (v2sf);
	v4 =	vld [tilespmem:s23+$0xFFFFFFB0];
	[tilespmem:s12+$0xFFFFFFE0] =	vst v11  }
0x254: {  	s11 =	sadd.s32 $0x100, s11;
	(v2sf) =	vpush v7, $0x1;
	s0 =	spop (v2sf);
	v2 =	vld [tilespmem:s23+$0xFFFFFFF0];
	[tilespmem:s12+$0x20] =	vst v5;
	v9 =	vmul.f32 s24, v9;
	s24 =	smov.u32 s9  }
0x255: {  	s9 =	smov.u32 s7;
	v6 =	vld [tilespmem:s11+$0x40];
	(v2sf) =	vpush v7, $0x3;
	[tilespmem:s3+$0xFFFFFF90] =	vst v8;
	v8 =	vmul.f32 s2, v12;
	s0 =	smov.u32 @p0 s6  }
0x256: {  	s17 =	sadd.s32 $0x40, s17;
	v5 =	vld [tilespmem:s11+$0xFFFFFF80];
	v7 =	vmul.f32 s0, v10;
	[tilespmem:s22+$0x30] =	vst v9;
	s22 =	smov.u32 s12;
	s12 =	smov.u32 s3  }
0x257: {  	s2 =	spop (v2sf)  }
0x258: {  	s6 =	spop (v2sf)  }
0x259: {  	s7 =	spop (v2sf)  }
0x25a: {  	(v2sf) =	vpush v1, $0x1;
	v9 =	vld [tilespmem:s11+$0xFFFFFFC0];
	s8 =	spop (v2sf)  }
0x25b: {  	(v2sf) =	vpush v1, $0x3;
	v1 =	vld [tilespmem:s11+$0x0];
	s6 =	smov.u32 @p0 s2;
	s2 =	spop (v2sf)  }
0x25c: {  	v6 =	vmul.f32 s6, v6;
	s17 =	spop (v2sf)  }
0x25d: {  	s16 =	sadd.s32 $0x100, s3;
	s17 =	smov.u32 @p0 s2;
	s2 =	spop (v2sf)  }
0x25e: {  	s8 =	smov.u32 @p0 s7;
	[tilespmem:s16+$0x40] =	vst v6;
	v5 =	vmul.f32 s17, v5;
	s7 =	spop (v2sf)  }
0x25f: {  	[tilespmem:s3+$0xFFFFFFD0] =	vst v8;
	v50 =	vmul.f32 s8, v9;
	v6 =	vld [tilespmem:s11+$0x50];
	s7 =	smov.u32 @p0 s2  }
0x260: {  	[tilespmem:s16+$0xFFFFFF80] =	vst v5;
	v1 =	vmul.f32 s7, v1  }
0x261: {  	[tilespmem:s16+$0xFFFFFFC0] =	vst v50;
	v5 =	vld [tilespmem:s11+$0xFFFFFF90]  }
0x262: {  	v3 =	vmul.f32 s28, v3;
	v8 =	vld [tilespmem:s11+$0xFFFFFFD0];
	[tilespmem:s16+$0x0] =	vst v1  }
0x263: {  	[tilespmem:s3+$0x60] =	vst v7;
	s2 =	spop (v2sf);
	v1 =	vmul.f32 s18, v4;
	v51 =	vld [tilespmem:s11+$0x10]  }
0x264: {  	[tilespmem:s3+$0x10] =	vst v3;
	v3 =	vld [tilespmem:s25+$0x70];
	s3 =	spop (v2sf);
	v6 =	vmul.f32 s6, v6  }
0x265: {  	v2 =	vmul.f32 s1, v2;
	s1 =	spop (v2sf);
	[tilespmem:s22+$0xFFFFFFB0] =	vst v1;
	v1 =	vld [tilespmem:s25+$0xFFFFFFA0]  }
0x266: {  	v52 =	vld [tilespmem:s25+$0xFFFFFFE0];
	s6 =	spop (v2sf);
	[tilespmem:s16+$0x50] =	vst v6;
	v5 =	vmul.f32 s17, v5  }
0x267: {  	[tilespmem:s22+$0xFFFFFFF0] =	vst v2;
	v53 =	vmul.f32 s8, v8;
	v2 =	vld [tilespmem:s11+$0x60];
	s17 =	spop (v2sf)  }
0x268: {  	v54 =	vld [tilespmem:s25+$0x20];
	s8 =	spop (v2sf);
	[tilespmem:s16+$0xFFFFFF90] =	vst v5;
	v4 =	vmul.f32 s7, v51  }
0x269: {  	v3 =	vmul.f32 s0, v3;
	[tilespmem:s16+$0xFFFFFFD0] =	vst v53;
	s0 =	spop (v2sf);
	v5 =	vld [tilespmem:s11+$0xFFFFFFA0]  }
0x26a: {  	v55 =	vld [tilespmem:s11+$0xFFFFFFE0];
	v1 =	vmul.f32 s13, v1;
	s7 =	spop (v2sf);
	[tilespmem:s16+$0x10] =	vst v4  }
0x26b: {  	[tilespmem:s12+$0x70] =	vst v3;
	v3 =	vmul.f32 s14, v52;
	s7 =	smov.u32 @p0 s0;
	v56 =	vld [tilespmem:s11+$0x20]  }
0x26c: {  	v57 =	vld [tilespmem:s23+$0x30];
	[tilespmem:s12+$0xFFFFFFA0] =	vst v1;
	v1 =	vmul.f32 s7, v2  }
0x26d: {  	s3 =	smov.u32 @p0 s2;
	[tilespmem:s12+$0xFFFFFFE0] =	vst v3;
	v2 =	vmul.f32 s9, v54;
	v58 =	vld [tilespmem:s25+$0xFFFFFFB0]  }
0x26e: {  	s6 =	smov.u32 @p0 s1;
	v3 =	vld [tilespmem:s25+$0xFFFFFFF0];
	[tilespmem:s16+$0x60] =	vst v1;
	v1 =	vmul.f32 s3, v5  }
0x26f: {  	s8 =	smov.u32 @p0 s17;
	v4 =	vmul.f32 s6, v55;
	[tilespmem:s12+$0x20] =	vst v2;
	v2 =	vld [tilespmem:s11+$0x70]  }
0x270: {  	v59 =	vld [tilespmem:s25+$0x30];
	[tilespmem:s16+$0xFFFFFFA0] =	vst v1;
	v1 =	vmul.f32 s8, v56  }
0x271: {  	v60 =	vmul.f32 s24, v57;
	[tilespmem:s16+$0xFFFFFFE0] =	vst v4;
	v61 =	vld [tilespmem:s11+$0xFFFFFFB0]  }
0x272: {  	v63 =	vld [tilespmem:s11+$0xFFFFFFF0];
	v62 =	vmul.f32 s13, v58;
	[tilespmem:s16+$0x20] =	vst v1  }
0x273: {  	[tilespmem:s22+$0x30] =	vst v60;
	v1 =	vmul.f32 s14, v3;
	v3 =	vld [tilespmem:s11+$0x30]  }
0x274: {  	[tilespmem:s12+$0xFFFFFFB0] =	vst v62;
	v2 =	vmul.f32 s7, v2  }
0x275: {  	[tilespmem:s12+$0xFFFFFFF0] =	vst v1;
	v1 =	vmul.f32 s9, v59  }
0x276: {  	[tilespmem:s16+$0x70] =	vst v2;
	v2 =	vmul.f32 s3, v61  }
0x277: {  	[tilespmem:s12+$0x30] =	vst v1;
	v1 =	vmul.f32 s6, v63  }
0x278: {  	[tilespmem:s16+$0xFFFFFFB0] =	vst v2;
	v2 =	vmul.f32 s8, v3  }
0x279: {  	s25 =	rddreg [dreg:$0xc];
	[tilespmem:s16+$0xFFFFFFF0] =	vst v1  }
0x27a: {  	s20 =	sadd.s32 $0x1, s20;
	s0 =	sadd.s32 s25, s21;
	[tilespmem:s16+$0x30] =	vst v2  }
0x27b: {  	p1 =	sne.s32 s20, $0x5;
	s0 =	sshrl.u32 s0, $0x3;
	s28 =	rddreg [dreg:$0x9]  }
.Ltmp10:
0x27c: {  	s0 =	sadd.s32 s28, s0;
	(pc) =	sbr.rel @p1 .LBB2_18-.Ltmp10, $4  }
0x27d: {  	[hbm4b:s0+s4] =	stream.linear.scatter [tilespmem:s15], [sflag:$0x2], $0x2000, $0x38;
	[tilespmem:$0x1E200] =	vst v63  }
0x27e: {  	_ =	swait.ge [sflag:s30], $0x2000  }
0x27f: {  	[sflag:s30] =	ssyncset.done $0x0  }
0x280: {  	[sflag:s30] =	ssyncadd.s32 $0xFFFFE000  }
0x281: {  	s1 =	rddreg [dreg:$0x19]  }
0x282: {  	s0 =	rddreg [dreg:$0xd];
	s1 =	sadd.s32 $0x1, s1  }
0x283: {  	p1 =	sne.s32 s1, s0  }
.Ltmp11:
0x284: {  	_ = 	snop;
	(pc) =	sbr.rel @p1 .LBB2_1-.Ltmp11, $1  }
0x285: {  	_ =	sdelay $0x3  }
0x286: {  	_ =	sfence.sel $0x180000  }
0x287: {  	[bflag:$0x0] =	sbarrier.arrive $0xFFFF  }
0x288: {  	_ =	strace $0x9000004D  }
0x289: {  	s0 =	stileid.u32;
	[bflag:$0x2] =	sbarrier.arrive $0xFFFF  }
0x28a: {  	p0 =	sne.s32 s0, $0x0;
	s0 =	rddreg [dreg:$0x4]  }
0x28b: {  	s0 =	sadd.s32 @!p0 $0x100000, s0  }
0x28c: {  	[sflag:s0] =	ssyncadd.tile.s32 @!p0 $0x1;
	_ =	shalt  }
.Lfunc_end2:
_tile_overlayer_lowered:
.L_overlay_start_2:
0x28d: {  	(tag) =	ssettag $0x2  }
0x28e: {  	s0 =	rddreg [dreg:$0x0];
	s2 =	stileid.u32  }
0x28f: {  	s1 =	rddreg [dreg:$0x1];
	p0 =	sne.s32 s2, $0x0  }
0x290: {  	s3 =	rddreg [dreg:$0x2];
	[bflag:$0x3] =	sbarrier.arrive $0xFFFF;
	s2 =	simm.s32 @!p0 $0x1C02  }
0x291: {  	[timem:s3], [sflag:s2] =	dma.local @!p0 [hbm:s0], s1  }
0x292: {  	s0 =	simm.s32 @!p0 $0x2  }
0x293: {  	_ =	swait.ge @!p0 [sflag:s0], s1  }
0x294: {  	s1 =	ssub.s32 @!p0 $0x0, s1;
	[sflag:s0] =	ssyncset.done @!p0 $0x0  }
0x295: {  	[sflag:s0] =	ssyncadd.s32 @!p0 s1  }
0x296: {  	[bflag:$0x3] =	sbarrier.arrive $0xFFFF  }
0x297: {  	_ =	shalt  }

// kernel: kernel.8.cloned.1.call-start
scs
__scs_entry_jumppad:
0x0: {  	(pc) =	sbr.rel $0x88, $3  }
0x1: {  	(tag) =	ssettag $0x0;
	lr =	simm.s32 $0x1  }
0x2: {  	[smem:$0x3F94] =	sst lr;
	_ =	strace $0xD0000000  }
0x3: {  	_ = 	snop  }
0x4: {  	_ = 	snop  }
0x5: {  	_ = 	snop  }
0x6: {  	_ = 	snop  }
0x7: {  	_ = 	snop  }
__scs_overlays_trampoline_lowered:
0x8: {  	[smem:$0x3FA3] =	sst s0  }
0x9: {  	[smem:$0x3FA4] =	sst s1  }
0xa: {  	[smem:$0x3FA5] =	sst s2  }
0xb: {  	[smem:$0x3FA6] =	sst s3  }
0xc: {  	[smem:$0x3FA7] =	sst s4  }
0xd: {  	[smem:$0x3FA8] =	sst s5  }
0xe: {  	[smem:$0x3FA9] =	sst s6  }
0xf: {  	[smem:$0x3FAA] =	sst s7  }
0x10: {  	[smem:$0x3FAB] =	sst s8  }
0x11: {  	[smem:$0x3FAC] =	sst s9;
	s0 =	simm.s32 @!p0 $0x0  }
0x12: {  	s1 =	sld [smem:$0x3F92];
	s0 =	simm.s32 @p0 $0x1  }
0x13: {  	[smem:$0x3FAD] =	sst s0;
	s0 =	simm.s32 @!p1 $0x0  }
0x14: {  	s2 =	sld [smem:$0x3F91];
	s0 =	simm.s32 @p1 $0x1  }
0x15: {  	[smem:$0x3FAE] =	sst s0;
	s0 =	simm.s32 @!p2 $0x0  }
0x16: {  	s3 =	sld [smem:$0x3FDB];
	s0 =	simm.s32 @p2 $0x1  }
0x17: {  	s4 =	simm.s32 $0x1BF5;
	[smem:$0x3FB0] =	sst s0  }
0x18: {  	s0 =	sld [smem:$0x3F93];
	_ =	swait.ge [sflag:s4], $0x0  }
0x19: {  	s7 =	sld [smem:$0x3F94]  }
0x1a: {  	s8 =	sadd.s32 $0xFFFFE003, lr  }
0x1b: {  	s9 =	sadd.s32 $0xFFFFFEF7, lr;
	s5 =	simm.s32 $0xFFFFFFFF;
	p2 =	slt.u32 s8, $0xFFFFF086  }
0x1c: {  	p1 =	slt.u32 s9, $0xF7A;
	s5 =	simm.s32 @!p2 $0x0  }
0x1d: {  	s5 =	simm.s32 @p1 $0x1;
	p0 =	seq.s32 s7, s2  }
0x1e: {  	s7 =	smul.u32 @!p0 $0xF7A, s2;
	p2 =	seq.s32 @!p0 s5, $0x0  }
0x1f: {  	s9 =	smul.u32 $0xF7A, s1;
	s8 =	simm.s32 @!p0 $0x1BF5;
	p2 =	por !p2, p0  }
0x20: {  	[sflag:s8] =	ssyncset.s32 @!p0 $0xFFFFF086;
	s6 =	sadd.s32 @!p0 s3, s7;
	s7 =	simm.s32 @!p0 $0x108  }
0x21: {  	s3 =	sadd.s32 s3, s9;
	s6 =	sadd.s32 @!p0 $0x88, s6;
	s7 =	simm.s32 @p2 $0x1082  }
0x22: {  	[simem:s7], [sflag:s8] =	dma.local @!p0 [hbm:s6], $0xF7A  }
0x23: {  	s9 =	sor.u32 $0xD0000000, s2;
	s6 =	simm.s32 $0x108;
	_ =	swait.ge @!p0 [sflag:s8], $0x0  }
0x24: {  	s3 =	sadd.s32 $0x88, s3;
	s6 =	simm.s32 @!p1 $0x1082;
	[sflag:s4] =	ssyncset.s32 $0xFFFFF086  }
0x25: {  	[simem:s6], [sflag:s4] =	dma.local [hbm:s3], $0xF7A  }
0x26: {  	[smem:$0x3F94] =	sst s1;
	(tag) =	ssettag s2;
	_ =	strace s9  }
0x27: {  	s1 =	sld [smem:$0x3FA4]  }
0x28: {  	s2 =	sld [smem:$0x3FA5]  }
0x29: {  	s4 =	sld [smem:$0x3FA7]  }
0x2a: {  	p0 =	seq.s32 s5, $0x0;
	s5 =	sld [smem:$0x3FA8]  }
0x2b: {  	s6 =	sld [smem:$0x3FA9]  }
0x2c: {  	s7 =	sld [smem:$0x3FAA]  }
0x2d: {  	s3 =	simm.s32 $0x108;
	s8 =	sld [smem:$0x3FAB]  }
0x2e: {  	s3 =	simm.s32 @!p0 $0x1082;
	s9 =	sld [smem:$0x3FAC]  }
0x2f: {  	lr =	sadd.s32 s0, s3;
	s0 =	sld [smem:$0x3FA3]  }
0x30: {  	s3 =	sld [smem:$0x3FA6]  }
0x31: {  	[smem:$0x3FAF] =	sst s10  }
0x32: {  	s10 =	sld [smem:$0x3FAD];
	_ =	sdelay $0x3  }
0x33: {  	p0 =	seq.s32 s10, $0x1;
	s10 =	sld [smem:$0x3FAF];
	_ =	sdelay $0x3  }
0x34: {  	[smem:$0x3FAF] =	sst s10  }
0x35: {  	s10 =	sld [smem:$0x3FAE];
	_ =	sdelay $0x3  }
0x36: {  	p1 =	seq.s32 s10, $0x1;
	s10 =	sld [smem:$0x3FAF];
	_ =	sdelay $0x3  }
0x37: {  	[smem:$0x3FAF] =	sst s10  }
0x38: {  	s10 =	sld [smem:$0x3FB0]  }
0x39: {  	_ = 	snop;
	(pc) =	sbr.ind lr, $3  }
0x3a: {  	_ = 	snop  }
0x3b: {  	_ = 	snop  }
0x3c: {  	p2 =	seq.s32 s10, $0x1;
	s10 =	sld [smem:$0x3FAF]  }
0x3d: {  	_ =	shalt  }
0x3e: {  	_ =	shalt  }
0x3f: {  	_ =	shalt  }
0x40: {  	_ =	shalt  }
0x41: {  	_ =	shalt  }
0x42: {  	_ =	shalt  }
0x43: {  	_ =	shalt  }
0x44: {  	_ =	shalt  }
0x45: {  	_ =	shalt  }
0x46: {  	_ =	shalt  }
0x47: {  	_ =	shalt  }
0x48: {  	_ =	shalt  }
0x49: {  	_ =	shalt  }
0x4a: {  	_ =	shalt  }
0x4b: {  	_ =	shalt  }
0x4c: {  	_ =	shalt  }
0x4d: {  	_ =	shalt  }
0x4e: {  	_ =	shalt  }
0x4f: {  	_ =	shalt  }
0x50: {  	_ =	shalt  }
0x51: {  	_ =	shalt  }
0x52: {  	_ =	shalt  }
0x53: {  	_ =	shalt  }
0x54: {  	_ =	shalt  }
0x55: {  	_ =	shalt  }
0x56: {  	_ =	shalt  }
0x57: {  	_ =	shalt  }
0x58: {  	_ =	shalt  }
0x59: {  	_ =	shalt  }
0x5a: {  	_ =	shalt  }
0x5b: {  	_ =	shalt  }
0x5c: {  	_ =	shalt  }
0x5d: {  	_ =	shalt  }
0x5e: {  	_ =	shalt  }
0x5f: {  	_ =	shalt  }
0x60: {  	_ =	shalt  }
0x61: {  	_ =	shalt  }
0x62: {  	_ =	shalt  }
0x63: {  	_ =	shalt  }
0x64: {  	_ =	shalt  }
0x65: {  	_ =	shalt  }
0x66: {  	_ =	shalt  }
0x67: {  	_ =	shalt  }
0x68: {  	_ =	shalt  }
0x69: {  	_ =	shalt  }
0x6a: {  	_ =	shalt  }
0x6b: {  	_ =	shalt  }
0x6c: {  	_ =	shalt  }
0x6d: {  	_ =	shalt  }
0x6e: {  	_ =	shalt  }
0x6f: {  	_ =	shalt  }
0x70: {  	_ =	shalt  }
0x71: {  	_ =	shalt  }
0x72: {  	_ =	shalt  }
0x73: {  	_ =	shalt  }
0x74: {  	_ =	shalt  }
0x75: {  	_ =	shalt  }
0x76: {  	_ =	shalt  }
0x77: {  	_ =	shalt  }
0x78: {  	_ =	shalt  }
0x79: {  	_ =	shalt  }
0x7a: {  	_ =	shalt  }
0x7b: {  	_ =	shalt  }
0x7c: {  	_ =	shalt  }
0x7d: {  	_ =	shalt  }
0x7e: {  	_ =	shalt  }
0x7f: {  	_ =	shalt  }
0x80: {  	_ =	shalt  }
0x81: {  	_ =	shalt  }
0x82: {  	_ =	shalt  }
0x83: {  	_ =	shalt  }
0x84: {  	_ =	shalt  }
0x85: {  	_ =	shalt  }
0x86: {  	_ =	shalt  }
0x87: {  	_ =	shalt  }
.Lfunc_end0:
.L_simem_size_0:
called_computation_lowered:
.L_overlay_start_0:
0x88: {  	s2 =	sld [smem:$0x3FD9]  }
0x89: {  	s3 =	sld [smem:$0x3FFE];
	_ =	sdelay $0x1  }
0x8a: {  	s1 =	srdreg.scid  }
0x8b: {  	s0 =	sand.u32 $0x1, s1  }
0x8c: {  	s17 =	sshll.u32 s0, $0xA;
	s2 =	sadd.s32 s3, s2  }
0x8d: {  	s2 =	sadd.s32 s2, s17  }
0x8e: {  	[smem:$0x3FBB] =	sst s2  }
0x8f: {  	_ = 	snop  }
0x90: {  	s2 =	sld [smem:$0x3FD0];
	(tm) =	ssettm $0x1  }
0x91: {  	s18 =	sld [smem:$0x3FFB];
	_ =	sdelay $0x3  }
0x92: {  	_ =	strace s18  }
0x93: {  	s3 =	sld [smem:$0x3FFC];
	_ =	sdelay $0x3  }
0x94: {  	_ =	strace s3  }
0x95: {  	s3 =	sld [smem:$0x3FFD];
	_ =	sdelay $0x3  }
0x96: {  	_ =	strace s3  }
0x97: {  	_ =	strace $0x8FFFFFFF  }
0x98: {  	s19 =	sld [smem:$0x3FDB];
	_ =	sdelay $0x1  }
0x99: {  	s4 =	simm.s32 $_scs_section_size  }
0x9a: {  	s5 =	simm.s32 $_size__tile_overlayer_lowered;
	s6 =	simm.s32 $_tile_overlayer_lowered  }
0x9b: {  	s22 =	simm.s32 $0x1BFF;
	s21 =	sshll.u32 s6, $0x1;
	s3 =	sadd.s32 s4, s19  }
0x9c: {  	s7 =	simm.s32 $0x0;
	s20 =	sshll.u32 s5, $0x1;
	s5 =	sadd.s32 s21, s3  }
0x9d: {  	[timem:s7], [sflag:s22] =	dma.local [hbm:s5], s20  }
0x9e: {  	_ =	swait.ge [sflag:s22], s20  }
0x9f: {  	s4 =	ssub.s32 $0x0, s20;
	[sflag:s22] =	ssyncset.done $0x0  }
0xa0: {  	[sflag:s22] =	ssyncadd.s32 s4;
	_ =	sdelay $0x1  }
0xa1: {  	s23 =	simm.s32 $0x1B8B  }
0xa2: {  	_ =	swait.ge [sflag:s23], $0x1  }
0xa3: {  	[sflag:s23] =	ssyncset.done $0x0  }
0xa4: {  	s25 =	simm.s32 $0x1B8E;
	s24 =	sld [smem:$0x3FFE];
	[sflag:s23] =	ssyncadd.s32 $0xFFFFFFFF  }
0xa5: {  	s26 =	simm.s32 $execute0_lowered;
	[smem:$0x3FD2] =	sst s25  }
0xa6: {  	s5 =	sshll.u32 s26, $0x1;
	_ =	strace $0x80000046;
	[dreg:$0x1] =	wrdreg $0xFFFFFFFF  }
0xa7: {  	s28 =	simm.s32 $_size_execute0_lowered;
	s3 =	sadd.s32 s3, s5;
	[dreg:$0x0] =	wrdreg $0x0  }
0xa8: {  	s5 =	sshll.u32 s28, $0x1;
	[dreg:$0x2] =	wrdreg s3  }
0xa9: {  	[dreg:$0x3] =	wrdreg s5  }
0xaa: {  	[dreg:$0x4] =	wrdreg $0xC0  }
0xab: {  	_ =	task [dreg:s7], $0x5FFFF  }
0xac: {  	[dreg:$0x1] =	wrdreg $0xFFFFFFFF  }
0xad: {  	[dreg:$0x0] =	wrdreg $0x60  }
0xae: {  	[dreg:$0x2] =	wrdreg s24  }
0xaf: {  	[dreg:$0x3] =	wrdreg s2  }
0xb0: {  	[dreg:$0x4] =	wrdreg $0x8C000  }
0xb1: {  	[dreg:$0x5] =	wrdreg $0xB4000  }
0xb2: {  	[dreg:$0x6] =	wrdreg $0x9  }
0xb3: {  	_ =	task.clear_ibuf [dreg:s7], $0x7FFFF;
	_ =	strace $0x90000046  }
0xb4: {  	s29 =	simm.s32 $0x9;
	_ =	strace $0x80000048  }
0xb5: {  	_ =	swait.ge [sflag:s29], $0x1  }
0xb6: {  	[sflag:s29] =	ssyncadd.s32 $0xFFFFFFFF  }
0xb7: {  	_ =	strace $0x90000048  }
0xb8: {  	_ =	sfence  }
0xb9: {  	s30 =	sld [smem:$0x0];
	_ =	sdelay $0x2  }
0xba: {  	s31 =	sshll.u32 s1, $0xD;
	s1 =	sshrl.u32 s1, $0x2  }
0xbb: {  	s3 =	sand.u32 $0x4000, s31;
	s1 =	sadd.s32 s1, s30  }
0xbc: {  	s0 =	sor.u32 s3, s0;
	s1 =	sshll.u32 s1, $0x11  }
0xbd: {  	s0 =	sor.u32 s1, s0  }
0xbe: {  	s0 =	sadd.s32 $0x8F2B, s0  }
0xbf: {  	[sflag:s0] =	ssyncadd.remote.s32 $0x1  }
0xc0: {  	_ =	sfence.sel $0xFFFF  }
0xc1: {  	[dreg:$0x0] =	wrdreg $0xFFFFFFFF;
	(pc) =	sbr.abs _section_cstart, $3  }
0xc2: {  	[dreg:$0x1] =	wrdreg $0xFFFFFFFF  }
0xc3: {  	_ =	task.clear_ibuf [dreg:s7], $0x2FFFF;
	_ =	strace $0x9FFFFFFF  }
0xc4: {  	(tm) =	ssettm $0x7FFFFFFF  }
0xc5: {  	_ =	shalt  }
tec
execute0_lowered:
.L_overlay_start_1:
0x0: {  	(tag) =	ssettag $0x1  }
0x1: {  	s0 =	rddreg [dreg:$0x0]  }
0x2: {  	s2 =	rddreg [dreg:$0x1]  }
0x3: {  	s1 =	rddreg [dreg:$0x2]  }
0x4: {  	s3 =	rddreg [dreg:$0x3];
	s4 =	simm.s32 $0x0;
	s5 =	srdreg.scid  }
0x5: {  	s14 =	stileid.u32;
	s16 =	simm.s32 $0x6400;
	s17 =	simm.s32 $0x2  }
0x6: {  	s18 =	simm.s32 $0x200;
	s19 =	simm.s32 $0x400;
	s20 =	simm.s32 $0x1  }
0x7: {  	s21 =	simm.s32 $0x2400;
	s22 =	simm.s32 $0x4400;
	s23 =	simm.s32 $0x0  }
0x8: {  	s24 =	simm.s32 $0x0;
	[smem:$0x7FF] =	sst s4;
	s10 =	sand.u32 $0x1, s5  }
0x9: {  	s12 =	smul.u32 $0x2800, s14;
	s5 =	sadd.s32 $0x61A00, s0;
	s6 =	sadd.s32 $0x5CA00, s0  }
0xa: {  	s7 =	sadd.s32 $0x52A00, s0;
	s8 =	sadd.s32 $0x57A00, s0;
	s11 =	smul.u32 $0x28000, s10  }
0xb: {  	s9 =	sadd.s32 $0x66A00, s0;
	s14 =	sshll.u32 s14, $0x1;
	_ =	strace $0x80000047  }
0xc: {  	s31 =	ssub.s32 $0x2, s10;
	s10 =	sor.u32 s10, s14;
	s11 =	sadd.s32 s12, s11  }
0xd: {  	s15 =	sshrl.u32 s31, $0x1;
	s10 =	smul.u32 $0x1400, s10;
	s13 =	sshrl.u32 s11, $0x3  }
0xe: {  	s15 =	ssub.s32 s31, s15;
	s0 =	sadd.s32 s13, s0;
	s2 =	sadd.s32 s2, s13  }
0xf: {  	s11 =	sadd.s32 s12, s1;
	[dreg:$0x5] =	wrdreg s2;
	s0 =	sadd.s32 $0xB6A00, s0  }
0x10: {  	v0 =	vimm.f32 $0.0e+00;
	s12 =	sadd.s32 s12, s3;
	s15 =	smax.u32 s15, $0x1;
	[dreg:$0x6] =	wrdreg s0  }
.LBB2_1:
0x11: {  	s0 =	simm.s32 $0x40;
	s2 =	simm.s32 $0x0  }
.LBB2_2:
0x12: {  	p0 =	sne.s32 s0, $0x9FC0;
	[tilespmem:s2+$0x6400] =	vst v0;
	s2 =	smov.u32 s0;
	s0 =	sadd.s32 $0x40, s0  }
.Ltmp0:
0x13: {  	(pc) =	sbr.rel @p0 .LBB2_2-.Ltmp0, $2  }
0x14: {  	_ =	sdelay $0x2  }
0x15: {  	s2 =	sshra.s32 s2, $0x2  }
0x16: {  	[tilespmem:s2+$0x6400] =	vst v0  }
0x17: {  	[spmem:s11] =	stream.linear.scatter [tilespmem:s16], [sflag:$0x2], $0x2800, $0x38;
	[tilespmem:$0xDC00] =	vst v63  }
0x18: {  	_ =	swait.ge [sflag:s17], $0x2800  }
0x19: {  	[sflag:s17] =	ssyncset.done $0x0  }
0x1a: {  	[sflag:s17] =	ssyncadd.s32 $0xFFFFD800  }
0x1b: {  	[spmem:s12] =	stream.linear.scatter [tilespmem:s16], [sflag:$0x2], $0x2800, $0x38;
	[tilespmem:$0xDC00] =	vst v63  }
0x1c: {  	_ =	swait.ge [sflag:s17], $0x2800  }
0x1d: {  	[sflag:s17] =	ssyncset.done $0x0  }
0x1e: {  	[sflag:s17] =	ssyncadd.s32 $0xFFFFD800  }
0x1f: {  	s25 =	simm.s32 $0x0;
	[bflag:$0x0] =	sbarrier.arrive $0xFFFF  }
.LBB2_4:
0x20: {  	s0 =	sshll.u32 s25, $0x9  }
0x21: {  	s26 =	sadd.s32 s10, s0  }
0x22: {  	s0 =	sshrl.u32 s26, $0x3  }
0x23: {  	s2 =	sadd.s32 s5, s0  }
0x24: {  	[tilespmem:s24], [sflag:$0x2] =	stream.linear.gather [hbm4b:s2+s24], $0x200, $0x38;
	[tilespmem:$0xDC00] =	vst v63  }
0x25: {  	_ =	swait.ge [sflag:s17], $0x200  }
0x26: {  	[sflag:s17] =	ssyncset.done $0x0  }
0x27: {  	s0 =	sadd.s32 s6, s0;
	[sflag:s17] =	ssyncadd.s32 $0xFFFFFE00  }
0x28: {  	[tilespmem:s18], [sflag:$0x2] =	stream.linear.gather [hbm4b:s0+s24], $0x200, $0x38;
	[tilespmem:$0xDC00] =	vst v63  }
0x29: {  	_ =	swait.ge [sflag:s17], $0x200  }
0x2a: {  	[sflag:s17] =	ssyncset.done $0x0  }
0x2b: {  	[sflag:s17] =	ssyncadd.s32 $0xFFFFFE00  }
0x2c: {  	[tilespmem:s19], [sflag:$0x1] =	stream.indirect.gather [hbm4b:s7+s18], $0x10, s24, s18, $0xb8;
	[tilespmem:$0xDC00] =	vst v63  }
0x2d: {  	_ =	swait.ge [sflag:s20], $0x2000  }
0x2e: {  	[sflag:s20] =	ssyncset.done $0x0  }
0x2f: {  	[sflag:s20] =	ssyncadd.s32 $0xFFFFE000  }
0x30: {  	[tilespmem:s21], [sflag:$0x1] =	stream.indirect.gather [hbm4b:s8+s18], $0x10, s18, s18, $0xb8;
	[tilespmem:$0xDC00] =	vst v63  }
0x31: {  	_ =	swait.ge [sflag:s20], $0x2000  }
0x32: {  	[sflag:s20] =	ssyncset.done $0x0  }
0x33: {  	s28 =	simm.s32 $0x0;
	[sflag:s20] =	ssyncadd.s32 $0xFFFFE000  }
0x34: {  	v1 =	vld [tilespmem:s28+$0x400]  }
0x35: {  	v2 =	vld [tilespmem:s28+$0x2400];
	_ =	sdelay $0x4  }
0x36: {  	s29 =	simm.s32 $0x10;
	v1 =	vadd.f32 v2, v1  }
0x37: {  	v3 =	vld [tilespmem:s29+$0x2400]  }
0x38: {  	v2 =	vld [tilespmem:s29+$0x400];
	v1 =	vsub.f32 $0.0e+00, v1;
	_ =	sdelay $0x1  }
0x39: {  	s30 =	simm.s32 $0x20;
	v1 =	vmul.f32 $1.442695020e+00, v1  }
0x3a: {  	v4 =	vld [tilespmem:s30+$0x400]  }
0x3b: {  	(erf) = vpow2.f32 v1;
	v1 =	vld [tilespmem:s30+$0x2400]  }
0x3c: {  	v2 =	vadd.f32 v3, v2;
	_ =	sdelay $0x1  }
0x3d: {  	v2 =	vsub.f32 $0.0e+00, v2;
	_ =	sdelay $0x1  }
0x3e: {  	s31 =	simm.s32 $0x30;
	v2 =	vmul.f32 $1.442695020e+00, v2;
	v1 =	vadd.f32 v1, v4  }
0x3f: {  	v3 =	vld [tilespmem:s31+$0x400]  }
0x40: {  	(erf) = vpow2.f32 v2;
	v2 =	vld [tilespmem:s31+$0x2400];
	v1 =	vsub.f32 $0.0e+00, v1;
	_ =	sdelay $0x1  }
0x41: {  	v4 =	vpop (erf);
	v1 =	vmul.f32 $1.442695020e+00, v1  }
0x42: {  	s0 =	simm.s32 $0x40;
	v4 =	vadd.f32 $1.000000000e+00, v4  }
0x43: {  	v5 =	vld [tilespmem:s0+$0x400];
	(erf) = vpow2.f32 v1  }
0x44: {  	v2 =	vadd.f32 v2, v3;
	v1 =	vld [tilespmem:s0+$0x2400];
	(erf) = vrcp.f32 v4;
	_ =	sdelay $0x1  }
0x45: {  	v2 =	vsub.f32 $0.0e+00, v2;
	_ =	sdelay $0x1  }
0x46: {  	v3 =	vpop (erf);
	v2 =	vmul.f32 $1.442695020e+00, v2  }
0x47: {  	s2 =	simm.s32 $0x50;
	v3 =	vadd.f32 $1.000000000e+00, v3;
	v1 =	vadd.f32 v1, v5  }
0x48: {  	(erf) = vpow2.f32 v2;
	v2 =	vld [tilespmem:s2+$0x2400]  }
0x49: {  	(erf) = vrcp.f32 v3;
	v4 =	vsub.f32 $0.0e+00, v1;
	v1 =	vld [tilespmem:s2+$0x400]  }
0x4a: {  	v5 =	vpop (erf)  }
0x4b: {  	s13 =	simm.s32 $0x180;
	v4 =	vmul.f32 $1.442695020e+00, v4;
	v3 =	vpop (erf)  }
.LBB2_5:
0x4c: {  	s14 =	sshra.s32 s13, $0x2  }
0x4d: {  	v5 =	vadd.f32 $1.000000000e+00, v5;
	[tilespmem:s28+$0x4400] =	vst v3;
	s28 =	smov.u32 s29;
	s29 =	smov.u32 s30;
	p0 =	sne.s32 s13, $0x7FC0  }
.Ltmp1:
0x4e: {  	s30 =	smov.u32 s31;
	s31 =	smov.u32 s0;
	v3 =	vadd.f32 v2, v1;
	v1 =	vld [tilespmem:s14+$0x400];
	(erf) = vpow2.f32 v4;
	(pc) =	sbr.rel @p0 .LBB2_5-.Ltmp1, $4  }
0x4f: {  	s13 =	sadd.s32 $0x40, s13;
	s0 =	smov.u32 s2;
	v2 =	vld [tilespmem:s14+$0x2400];
	(erf) = vrcp.f32 v5  }
0x50: {  	s2 =	smov.u32 s14;
	v6 =	vsub.f32 $0.0e+00, v3  }
0x51: {  	v5 =	vpop (erf)  }
0x52: {  	v4 =	vmul.f32 $1.442695020e+00, v6;
	v3 =	vpop (erf)  }
0x53: {  	_ = 	snop  }
0x54: {  	v1 =	vadd.f32 v2, v1;
	_ =	sdelay $0x1  }
0x55: {  	v1 =	vsub.f32 $0.0e+00, v1  }
0x56: {  	v2 =	vadd.f32 $1.000000000e+00, v5  }
0x57: {  	(erf) = vpow2.f32 v4;
	v1 =	vmul.f32 $1.442695020e+00, v1  }
0x58: {  	(erf) = vrcp.f32 v2  }
0x59: {  	(erf) = vpow2.f32 v1;
	_ =	sdelay $0x4  }
0x5a: {  	v1 =	vpop (erf)  }
0x5b: {  	v2 =	vpop (erf)  }
0x5c: {  	v4 =	vpop (erf)  }
0x5d: {  	v1 =	vadd.f32 $1.000000000e+00, v1;
	v63 =	vpop (erf)  }
0x5e: {  	v4 =	vadd.f32 $1.000000000e+00, v4;
	v6 =	vpop (erf)  }
0x5f: {  	(erf) = vrcp.f32 v1;
	v1 =	vadd.f32 $1.000000000e+00, v6  }
0x60: {  	(erf) = vrcp.f32 v4  }
0x61: {  	(erf) = vrcp.f32 v1;
	_ =	sdelay $0x4  }
0x62: {  	[tilespmem:s28+$0x4400] =	vst v3  }
0x63: {  	[tilespmem:s29+$0x4400] =	vst v2  }
0x64: {  	[tilespmem:s30+$0x4400] =	vst v63;
	v1 =	vpop (erf)  }
0x65: {  	[tilespmem:s31+$0x4400] =	vst v1;
	v1 =	vpop (erf)  }
0x66: {  	s31 =	sshll.u32 s26, $0x1;
	[tilespmem:s0+$0x4400] =	vst v1;
	v1 =	vpop (erf)  }
0x67: {  	s0 =	sadd.s32 s9, s31;
	[tilespmem:s2+$0x4400] =	vst v1  }
0x68: {  	[hbm4b:s0+s4] =	stream.linear.scatter [tilespmem:s22], [sflag:$0x2], $0x2000, $0x38;
	[tilespmem:$0xDC00] =	vst v63  }
0x69: {  	_ =	swait.ge [sflag:s17], $0x2000  }
0x6a: {  	[sflag:s17] =	ssyncset.done $0x0  }
0x6b: {  	[sflag:s17] =	ssyncadd.s32 $0xFFFFE000  }
0x6c: {  	[spmem:s1] =	stream.indirect.scatter.add.f32 [tilespmem:s22], [sflag:$0x2], $0x10, s4, s18, $0xb8;
	[tilespmem:$0xDC00] =	vst v63  }
0x6d: {  	s25 =	sadd.s32 $0x1, s25;
	_ =	swait.ge [sflag:s17], $0x2000  }
0x6e: {  	p0 =	sne.s32 s25, $0xA;
	[sflag:s17] =	ssyncset.done $0x0  }
.Ltmp2:
0x6f: {  	[sflag:s17] =	ssyncadd.s32 $0xFFFFE000;
	(pc) =	sbr.rel @p0 .LBB2_4-.Ltmp2, $4  }
0x70: {  	[spmem:s3] =	stream.indirect.scatter.add.f32 [tilespmem:s22], [sflag:$0x2], $0x10, s18, s18, $0xb8;
	[tilespmem:$0xDC00] =	vst v63  }
0x71: {  	_ =	swait.ge [sflag:s17], $0x2000  }
0x72: {  	[sflag:s17] =	ssyncset.done $0x0  }
0x73: {  	[sflag:s17] =	ssyncadd.s32 $0xFFFFE000  }
0x74: {  	[bflag:$0x0] =	sbarrier.arrive $0xFFFF  }
0x75: {  	[tilespmem:s16], [sflag:$0x2] =	stream.linear.gather [spmem:s11], $0x2800, $0x38;
	[tilespmem:$0xDC00] =	vst v63  }
0x76: {  	_ =	swait.ge [sflag:s17], $0x2800  }
0x77: {  	[sflag:s17] =	ssyncset.done $0x0  }
0x78: {  	s0 =	rddreg [dreg:$0x5];
	[sflag:s17] =	ssyncadd.s32 $0xFFFFD800  }
0x79: {  	[hbm4b:s0+s4] =	stream.linear.scatter [tilespmem:s16], [sflag:$0x2], $0x2800, $0x38;
	[tilespmem:$0xDC00] =	vst v63  }
0x7a: {  	_ =	swait.ge [sflag:s17], $0x2800  }
0x7b: {  	[sflag:s17] =	ssyncset.done $0x0  }
0x7c: {  	[sflag:s17] =	ssyncadd.s32 $0xFFFFD800  }
0x7d: {  	[tilespmem:s16], [sflag:$0x2] =	stream.linear.gather [spmem:s12], $0x2800, $0x38;
	[tilespmem:$0xDC00] =	vst v63  }
0x7e: {  	s23 =	sadd.s32 $0x1, s23;
	_ =	swait.ge [sflag:s17], $0x2800  }
0x7f: {  	p0 =	sne.s32 s23, s15;
	[sflag:s17] =	ssyncset.done $0x0  }
.Ltmp3:
0x80: {  	s31 =	rddreg [dreg:$0x6];
	[sflag:s17] =	ssyncadd.s32 $0xFFFFD800;
	(pc) =	sbr.rel @p0 .LBB2_1-.Ltmp3, $4  }
0x81: {  	[hbm4b:s31+s4] =	stream.linear.scatter [tilespmem:s16], [sflag:$0x2], $0x2800, $0x38;
	[tilespmem:$0xDC00] =	vst v63  }
0x82: {  	_ =	swait.ge [sflag:s17], $0x2800  }
0x83: {  	[sflag:s17] =	ssyncset.done $0x0  }
0x84: {  	[sflag:s17] =	ssyncadd.s32 $0xFFFFD800  }
0x85: {  	_ =	sfence.sel $0x180000  }
0x86: {  	[bflag:$0x0] =	sbarrier.arrive $0xFFFF  }
0x87: {  	_ =	strace $0x90000047  }
0x88: {  	s0 =	stileid.u32;
	[bflag:$0x2] =	sbarrier.arrive $0xFFFF  }
0x89: {  	p0 =	sne.s32 s0, $0x0;
	s0 =	rddreg [dreg:$0x4]  }
0x8a: {  	s0 =	sadd.s32 @!p0 $0x100000, s0  }
0x8b: {  	[sflag:s0] =	ssyncadd.tile.s32 @!p0 $0x1;
	_ =	shalt  }
.Lfunc_end2:
_tile_overlayer_lowered:
.L_overlay_start_2:
0x8c: {  	(tag) =	ssettag $0x2  }
0x8d: {  	s0 =	rddreg [dreg:$0x0];
	s2 =	stileid.u32  }
0x8e: {  	s1 =	rddreg [dreg:$0x1];
	p0 =	sne.s32 s2, $0x0  }
0x8f: {  	s3 =	rddreg [dreg:$0x2];
	[bflag:$0x3] =	sbarrier.arrive $0xFFFF;
	s2 =	simm.s32 @!p0 $0x1C02  }
0x90: {  	[timem:s3], [sflag:s2] =	dma.local @!p0 [hbm:s0], s1  }
0x91: {  	s0 =	simm.s32 @!p0 $0x2  }
0x92: {  	_ =	swait.ge @!p0 [sflag:s0], s1  }
0x93: {  	s1 =	ssub.s32 @!p0 $0x0, s1;
	[sflag:s0] =	ssyncset.done @!p0 $0x0  }
0x94: {  	[sflag:s0] =	ssyncadd.s32 @!p0 s1  }
0x95: {  	[bflag:$0x3] =	sbarrier.arrive $0xFFFF  }
0x96: {  	_ =	shalt  }

</sc_bundles>
